<compile_context>
chip_gen: v7x
topology: tpu7x:2x2x1
jax: 0.10.2.dev20260603
libtpu: 0.0.44.dev20260713+nightly
codegen_flags: <defaults>
</compile_context>

<pallas_src>
import functools

import jax
import jax.numpy as jnp
from jax import lax
from jax.experimental import pallas as pl
from jax.experimental.pallas import tpu as pltpu
from jax.experimental.pallas import tpu_sc as plsc

N = 10000
DIM = 64
TOPK = 32
BATCH = 4
NPAD = 10240
NSLOT = 8
RA = 1000
RB = 1000
RD = 1000
RN = 400
NSC = 10240
NW = 32
PER_W = NSC // NW
G = 4
NGRP = PER_W // G


def _topk_kernel(embT_ref, er_ref, idx_ref):
    R = er_ref.shape[0]
    er = er_ref[...]
    vz = jnp.full((R, 128), -3.0, jnp.float32)
    iz = jnp.zeros((R, 128), jnp.int32)

    def superchunk(c, carry):
        vs = list(carry[:NSLOT])
        js = list(carry[NSLOT:])
        cs = c * 1024
        et = embT_ref[:, pl.ds(cs, 1024)]
        s = lax.dot_general(er, et, (((1,), (0,)), ((), ())),
                            preferred_element_type=jnp.float32)
        nsq = jnp.sum(et * et, axis=0, keepdims=True)
        rn = lax.rsqrt(nsq + 1e-30)
        col = cs + lax.broadcasted_iota(jnp.int32, (R, 1024), 1)
        sv = jnp.where(col < N, s * rn, -2.0)

        for k in range(8):
            cv = sv[:, k * 128:(k + 1) * 128]
            ci = cs + k * 128 + lax.broadcasted_iota(jnp.int32, (R, 128), 1)
            for t in range(NSLOT):
                cond = cv > vs[t]
                nv = jnp.where(cond, cv, vs[t])
                ni = jnp.where(cond, ci, js[t])
                cv = jnp.where(cond, vs[t], cv)
                ci = jnp.where(cond, js[t], ci)
                vs[t] = nv
                js[t] = ni
        return tuple(vs) + tuple(js)

    carry = lax.fori_loop(0, NPAD // 1024, superchunk,
                          (vz,) * NSLOT + (iz,) * NSLOT)
    v = jnp.concatenate(carry[:NSLOT], axis=1)
    ia = jnp.concatenate(carry[NSLOT:], axis=1)

    lk = lax.broadcasted_iota(jnp.int32, (R, TOPK), 1)

    def ext(k, carry2):
        v2, res = carry2
        m = jnp.max(v2, axis=1, keepdims=True)
        eq = v2 == m
        isel = jnp.where(eq, ia, jnp.int32(2**30))
        imin = jnp.min(isel, axis=1, keepdims=True)
        v2 = jnp.where(ia == imin, -3.0, v2)
        return (v2, jnp.where(lk == k, imin, res))

    _, res = lax.fori_loop(0, TOPK, ext,
                           (v, jnp.zeros((R, TOPK), jnp.int32)))
    idx_ref[...] = res


def _topk_idx(emb):
    embT = jnp.zeros((DIM, NPAD), jnp.float32).at[:, :N].set(emb.T)
    return pl.pallas_call(
        _topk_kernel,
        grid=(N // RA,),
        in_specs=[
            pl.BlockSpec((DIM, NPAD), lambda i: (0, 0)),
            pl.BlockSpec((RA, DIM), lambda i: (i, 0)),
        ],
        out_specs=pl.BlockSpec((RA, TOPK), lambda i: (i, 0)),
        out_shape=jax.ShapeDtypeStruct((N, TOPK), jnp.int32),
    )(embT, emb)


def _tables_kernel(data_ref, ef_ref, eb_ref, wu_ref, evf_ref, evb_ref,
                   xtf_ref, xtb_ref, aif_ref, aib_ref):
    R = ef_ref.shape[0]
    ef2 = jnp.dot(ef_ref[...], evf_ref[...],
                  preferred_element_type=jnp.float32)
    eb2 = jnp.dot(eb_ref[...], evb_ref[...],
                  preferred_element_type=jnp.float32)
    jf, if_, jb, ib = [], [], [], []
    for b in range(BATCH):
        t = jnp.dot(data_ref[b], wu_ref[...],
                    preferred_element_type=jnp.float32)
        xtf_ref[:, b * 64:(b + 1) * 64] = t[:, :64]
        xtb_ref[:, b * 64:(b + 1) * 64] = t[:, 64:128]
        jf.append(t[:, 128:129] + ef2[:, 0:1])
        if_.append(t[:, 129:130] + ef2[:, 1:2])
        jb.append(t[:, 130:131] + eb2[:, 0:1])
        ib.append(t[:, 131:132] + eb2[:, 1:2])
    z12 = jnp.zeros((R, 12), jnp.float32)
    xtf_ref[:, 256:272] = jnp.concatenate(jf + [z12], axis=1)
    xtb_ref[:, 256:272] = jnp.concatenate(jb + [z12], axis=1)
    aif_ref[...] = jnp.concatenate(if_ + [z12], axis=1)
    aib_ref[...] = jnp.concatenate(ib + [z12], axis=1)


def _build_tables(data, emb_f, emb_b, W_f, att_i_f, att_j_f,
                  W_b, att_i_b, att_j_b):
    Wbf = jnp.flip(W_b, axis=0)
    wu = jnp.zeros((10, 256), jnp.float32)
    wu = wu.at[:, :64].set(W_f).at[:, 64:128].set(Wbf)
    wu = wu.at[:, 128].set(W_f @ att_j_f[:DIM])
    wu = wu.at[:, 129].set(W_f @ att_i_f[:DIM])
    wu = wu.at[:, 130].set(Wbf @ att_j_b[:DIM])
    wu = wu.at[:, 131].set(Wbf @ att_i_b[:DIM])
    evf = jnp.stack([att_j_f[DIM:], att_i_f[DIM:]], axis=1)
    evb = jnp.stack([att_j_b[DIM:], att_i_b[DIM:]], axis=1)
    return pl.pallas_call(
        _tables_kernel,
        grid=(N // RB,),
        in_specs=[
            pl.BlockSpec((BATCH, RB, 10), lambda i: (0, i, 0)),
            pl.BlockSpec((RB, DIM), lambda i: (i, 0)),
            pl.BlockSpec((RB, DIM), lambda i: (i, 0)),
            pl.BlockSpec((10, 256), lambda i: (0, 0)),
            pl.BlockSpec((DIM, 2), lambda i: (0, 0)),
            pl.BlockSpec((DIM, 2), lambda i: (0, 0)),
        ],
        out_specs=[
            pl.BlockSpec((RB, 384), lambda i: (i, 0)),
            pl.BlockSpec((RB, 384), lambda i: (i, 0)),
            pl.BlockSpec((RB, 16), lambda i: (i, 0)),
            pl.BlockSpec((RB, 16), lambda i: (i, 0)),
        ],
        out_shape=[
            jax.ShapeDtypeStruct((NSC, 384), jnp.float32),
            jax.ShapeDtypeStruct((NSC, 384), jnp.float32),
            jax.ShapeDtypeStruct((NSC, 16), jnp.float32),
            jax.ShapeDtypeStruct((NSC, 16), jnp.float32),
        ],
    )(data, emb_f, emb_b, wu, evf, evb)


def _lane_bcast(v, lane):
    dn = lax.GatherDimensionNumbers(offset_dims=(), collapsed_slice_dims=(0,),
                                    start_index_map=(0,))
    idx = jnp.full((16, 1), lane, jnp.int32)
    return lax.gather(v, idx, dn, (1,),
                      mode=lax.GatherScatterMode.PROMISE_IN_BOUNDS)


def _sc_agg_body(xt, ai, idx, out_hbm,
                 idx_v, ai_v, rows_v, al_v, ostg_v, sem1):
    w = lax.axis_index("c") * 16 + lax.axis_index("s")
    pltpu.sync_copy(idx.at[pl.ds(w * PER_W * TOPK, PER_W * TOPK)], idx_v)
    pltpu.sync_copy(ai.at[pl.ds(w * PER_W * 16, PER_W * 16)], ai_v)

    def group(g, _):
        ixs = idx_v.at[pl.ds(g * (G * TOPK), G * TOPK)]
        pltpu.async_copy(xt.at[ixs], rows_v, sem1).wait()

        for ii in range(G):
            r0 = ii * TOPK
            nl = g * G + ii
            ai_vec = ai_v[pl.ds(nl * 16, 16)]

            def p1(k, m):
                alk = ai_vec + rows_v[r0 + k, pl.ds(256, 16)]
                alk = jnp.where(alk > 0, alk, 0.2 * alk)
                al_v[pl.ds(k * 16, 16)] = alk
                return jnp.maximum(m, alk)

            m = lax.fori_loop(0, TOPK, p1,
                              jnp.full((16,), -3.0e38, jnp.float32))

            def p2(k, den):
                e = jnp.exp(al_v[pl.ds(k * 16, 16)] - m)
                al_v[pl.ds(k * 16, 16)] = e
                return den + e

            den = lax.fori_loop(0, TOPK, p2, jnp.zeros((16,), jnp.float32))
            rden = 1.0 / (den + 1e-16)

            def p3(k, accs):
                wt = al_v[pl.ds(k * 16, 16)] * rden
                accs = list(accs)
                for b in range(BATCH):
                    wb = _lane_bcast(wt, b)
                    boff = b * 64
                    for cc in range(4):
                        accs[b * 4 + cc] = accs[b * 4 + cc] + wb * rows_v[
                            r0 + k, pl.ds(boff + cc * 16, 16)]
                return tuple(accs)

            z = jnp.zeros((16,), jnp.float32)
            accs = lax.fori_loop(0, TOPK, p3, (z,) * 16)
            for b in range(BATCH):
                for cc in range(4):
                    ostg_v[pl.ds(ii * 256 + b * 64 + cc * 16, 16)] = (
                        accs[b * 4 + cc])

        base = (w * PER_W + g * G) * 256
        pltpu.sync_copy(ostg_v, out_hbm.at[pl.ds(base, G * 256)])
        return 0
    lax.fori_loop(0, NGRP, group, 0)


def _sc_aggregate_dir(xtab, ai, idx):
    mesh = plsc.VectorSubcoreMesh(core_axis_name="c", subcore_axis_name="s")
    kern = functools.partial(
        pl.kernel,
        out_type=jax.ShapeDtypeStruct((NSC * 256,), jnp.float32),
        mesh=mesh,
        scratch_types=[
            pltpu.VMEM((PER_W * TOPK,), jnp.int32),
            pltpu.VMEM((PER_W * 16,), jnp.float32),
            pltpu.VMEM((G * TOPK, 384), jnp.float32),
            pltpu.VMEM((TOPK * 16,), jnp.float32),
            pltpu.VMEM((G * 256,), jnp.float32),
            pltpu.SemaphoreType.DMA,
        ],
    )(_sc_agg_body)
    idx_p = jnp.zeros((NSC, TOPK), jnp.int32).at[:N].set(idx)
    return kern(xtab, ai.reshape(NSC * 16), idx_p.reshape(NSC * TOPK))


def _stats_kernel(x_ref, sum_ref, sq_ref):
    i = pl.program_id(0)
    x = x_ref[...]
    pad = jnp.zeros((7, 256), jnp.float32)
    cs = jnp.concatenate([jnp.sum(x, axis=0, keepdims=True), pad], axis=0)
    cq = jnp.concatenate([jnp.sum(x * x, axis=0, keepdims=True), pad], axis=0)
    first = (i % (N // RD)) == 0

    @pl.when(first)
    def _():
        sum_ref[...] = cs
        sq_ref[...] = cq

    @pl.when(jnp.logical_not(first))
    def _():
        sum_ref[...] = sum_ref[...] + cs
        sq_ref[...] = sq_ref[...] + cq


def _finish_kernel(xf_ref, xb_ref, sc_ref, sh_ref, o_ref):
    scale_f = sc_ref[0:1, :]
    scale_b = sc_ref[1:2, :]
    shift_f = sh_ref[0:1, :]
    shift_b = sh_ref[1:2, :]
    for b in range(BATCH):
        f = xf_ref[:, b * 64:(b + 1) * 64] * scale_f + shift_f
        bb = xb_ref[:, b * 64:(b + 1) * 64] * scale_b + shift_b
        f = jnp.maximum(f, 0.0)
        bb = jnp.maximum(bb, 0.0)
        y = jnp.concatenate([f, bb], axis=-1)
        o_ref[b] = jnp.where(y > 0, y, 0.01 * y)


def _finish(outagg, gamma_f, beta_f, gamma_b, beta_b, b_f, b_b):
    sums, sqs = pl.pallas_call(
        _stats_kernel,
        grid=(2 * N // RD,),
        in_specs=[pl.BlockSpec((RD, 256), lambda i: (i, 0))],
        out_specs=[
            pl.BlockSpec((8, 256), lambda i: ((i * RD) // N, 0)),
            pl.BlockSpec((8, 256), lambda i: ((i * RD) // N, 0)),
        ],
        out_shape=[
            jax.ShapeDtypeStruct((16, 256), jnp.float32),
            jax.ShapeDtypeStruct((16, 256), jnp.float32),
        ],
    )(outagg)
    sums = sums.reshape(2, 8, 256)[:, 0, :]
    sqs = sqs.reshape(2, 8, 256)[:, 0, :]
    cnt = BATCH * N
    del b_f, b_b
    mean = sums.reshape(2, 4, 64).sum(axis=1) / cnt
    ex2 = sqs.reshape(2, 4, 64).sum(axis=1) / cnt
    var = ex2 - mean * mean
    rstd = lax.rsqrt(var + 1e-5)
    gam = jnp.stack([gamma_f, gamma_b], axis=0)
    bet = jnp.stack([beta_f, beta_b], axis=0)
    scale = rstd * gam
    shift2 = bet - mean * scale
    return pl.pallas_call(
        _finish_kernel,
        grid=(N // RN,),
        in_specs=[
            pl.BlockSpec((RN, 256), lambda i: (i, 0)),
            pl.BlockSpec((RN, 256), lambda i: (i + N // RN, 0)),
            pl.BlockSpec((2, 64), lambda i: (0, 0)),
            pl.BlockSpec((2, 64), lambda i: (0, 0)),
        ],
        out_specs=pl.BlockSpec((BATCH, RN, 128), lambda i: (0, i, 0)),
        out_shape=jax.ShapeDtypeStruct((BATCH, N, 128), jnp.float32),
    )(outagg, outagg, scale, shift2)


def kernel(data, org_edge_index, emb_f, emb_b, W_f, b_f, att_i_f, att_j_f,
           gamma_f, beta_f, W_b, b_b, att_i_b, att_j_b, gamma_b, beta_b):
    xtabf, xtabb, aif, aib = _build_tables(
        data, emb_f, emb_b, W_f, att_i_f, att_j_f, W_b, att_i_b, att_j_b)
    idx_f = _topk_idx(emb_f)
    of = _sc_aggregate_dir(xtabf, aif, idx_f)
    idx_b = _topk_idx(emb_b)
    ob = _sc_aggregate_dir(xtabb, aib, idx_b)
    outagg = jnp.concatenate(
        [of.reshape(NSC, 256)[:N], ob.reshape(NSC, 256)[:N]], axis=0)
    return _finish(outagg, gamma_f, beta_f, gamma_b, beta_b, b_f, b_b)

# --- scband reference (transcript-rebuilt; emitter-appended) ---
"""Pipeline reference for scband-gdn-86595130622167 (READ-ONLY COPY).

The authoritative reference and input builder live on the scoring server;
editing this copy changes nothing except your own understanding.
"""

import jax, jax.numpy as jnp
import numpy as np

NODE_NUM = 10000
DIM = 64
INPUT_DIM = 10
TOPK = 32
BATCH = 4


def setup_inputs(seed: int = 0):
    key = jax.random.key(seed)
    ks = jax.random.split(key, 20)
    s_emb = 1.0 / np.sqrt(DIM)
    s_w = 1.0 / np.sqrt(INPUT_DIM)
    s_att = 1.0 / np.sqrt(2 * DIM)
    inp = {}
    inp["data"] = jax.random.normal(ks[0], (BATCH, NODE_NUM, INPUT_DIM), dtype=jnp.float32)
    inp["org_edge_index"] = jax.random.randint(ks[1], (2, 1000), 0, NODE_NUM)
    inp["emb_f"] = jax.random.normal(ks[2], (NODE_NUM, DIM), dtype=jnp.float32) * s_emb
    inp["emb_b"] = jax.random.normal(ks[3], (NODE_NUM, DIM), dtype=jnp.float32) * s_emb
    inp["W_f"] = jax.random.normal(ks[4], (INPUT_DIM, DIM), dtype=jnp.float32) * s_w
    inp["b_f"] = jnp.zeros((DIM,), dtype=jnp.float32)
    inp["att_i_f"] = jax.random.normal(ks[5], (2 * DIM,), dtype=jnp.float32) * s_att
    inp["att_j_f"] = jax.random.normal(ks[6], (2 * DIM,), dtype=jnp.float32) * s_att
    inp["gamma_f"] = jnp.ones((DIM,), dtype=jnp.float32)
    inp["beta_f"] = jnp.zeros((DIM,), dtype=jnp.float32)
    inp["W_b"] = jax.random.normal(ks[7], (INPUT_DIM, DIM), dtype=jnp.float32) * s_w
    inp["b_b"] = jnp.zeros((DIM,), dtype=jnp.float32)
    inp["att_i_b"] = jax.random.normal(ks[8], (2 * DIM,), dtype=jnp.float32) * s_att
    inp["att_j_b"] = jax.random.normal(ks[9], (2 * DIM,), dtype=jnp.float32) * s_att
    inp["gamma_b"] = jnp.ones((DIM,), dtype=jnp.float32)
    inp["beta_b"] = jnp.zeros((DIM,), dtype=jnp.float32)
    return inp


def _compute_edge_index(weight, topk):
    # cosine-similarity top-k graph construction (GDN compute_edge_index)
    nrm = jnp.linalg.norm(weight, axis=-1, keepdims=True)
    cos = (weight @ weight.T) / (nrm @ nrm.T + 1e-12)
    idx = jax.lax.top_k(cos, topk)[1]
    n = weight.shape[0]
    dst = jnp.repeat(jnp.arange(n), topk)
    src = idx.reshape(-1)
    return jnp.stack([src, dst], axis=0)


def _batch_edge_index(ei, batch_num, node_num):
    offs = jnp.arange(batch_num) * node_num
    return (ei[:, None, :] + offs[None, :, None]).reshape(2, -1)


def _gnn_layer(x, edge_index, emb, W, b, att_i, att_j, gamma, beta):
    # GraphLayer (GAT-style attention with node-embedding keys) + BatchNorm1d + ReLU
    n_total = x.shape[0]
    xt = x @ W
    src = edge_index[0]
    dst = edge_index[1]
    key_i = jnp.concatenate([xt[dst], emb[dst]], axis=-1)
    key_j = jnp.concatenate([xt[src], emb[src]], axis=-1)
    alpha = (key_i * att_i).sum(-1) + (key_j * att_j).sum(-1)
    alpha = jnp.where(alpha > 0, alpha, 0.2 * alpha)
    amax = jax.ops.segment_max(alpha, dst, num_segments=n_total)
    amax = jnp.where(jnp.isfinite(amax), amax, 0.0)
    ex = jnp.exp(alpha - amax[dst])
    denom = jax.ops.segment_sum(ex, dst, num_segments=n_total)
    w = ex / (denom[dst] + 1e-16)
    out = jax.ops.segment_sum(xt[src] * w[:, None], dst, num_segments=n_total) + b
    mean = out.mean(axis=0)
    var = out.var(axis=0)
    out = (out - mean) / jnp.sqrt(var + 1e-5) * gamma + beta
    return jnp.maximum(out, 0.0)


def reference(data, org_edge_index, emb_f, emb_b, W_f, b_f, att_i_f, att_j_f, gamma_f, beta_f, W_b, b_b, att_i_b, att_j_b, gamma_b, beta_b):
    batch_num, node_num, all_feature = data.shape
    x_f = data.reshape(-1, all_feature)
    x_b = jnp.flip(data, axis=-1).reshape(-1, all_feature)
    ei_a = _compute_edge_index(emb_f, TOPK)
    ei_b = _compute_edge_index(emb_b, TOPK)
    bei_a = _batch_edge_index(ei_a, batch_num, node_num)
    bei_b = _batch_edge_index(ei_b, batch_num, node_num)
    bemb_f = jnp.tile(emb_f, (batch_num, 1))
    bemb_b = jnp.tile(emb_b, (batch_num, 1))
    gcn_f = _gnn_layer(x_f, bei_a, bemb_f, W_f, b_f, att_i_f, att_j_f, gamma_f, beta_f)
    gcn_b = _gnn_layer(x_b, bei_b, bemb_b, W_b, b_b, att_i_b, att_j_b, gamma_b, beta_b)
    f_out = gcn_f.reshape(batch_num, node_num, -1)
    b_out = gcn_b.reshape(batch_num, node_num, -1)
    fused = jnp.concatenate([f_out, b_out], axis=-1)
    gdn_fusion = jnp.where(fused > 0, fused, 0.01 * fused)
    return gdn_fusion

if __name__ == "__main__":
    import jax
    _d = setup_inputs()
    print(jax.jit(kernel)(*tuple(_d.values())))

</pallas_src>

<mosaic_0001>
#map = affine_map<(d0, d1) -> (0, 0)>
#map1 = affine_map<(d0, d1) -> (0)>
module attributes {stable_mosaic.version = 14 : i64} {
  func.func @_sc_agg_body(%arg0: i32, %arg1: i32, %arg2: memref<10240x384xf32, #tpu.memory_space<hbm>>, %arg3: memref<163840xf32, #tpu.memory_space<hbm>>, %arg4: memref<327680xi32, #tpu.memory_space<hbm>>, %arg5: memref<2621440xf32, #tpu.memory_space<hbm>>, %arg6: memref<10240xi32, #tpu.memory_space<vmem>>, %arg7: memref<5120xf32, #tpu.memory_space<vmem>>, %arg8: memref<128x384xf32, #tpu.memory_space<vmem>>, %arg9: memref<512xf32, #tpu.memory_space<vmem>>, %arg10: memref<1024xf32, #tpu.memory_space<vmem>>, %arg11: memref<!tpu.dma_semaphore, #tpu.memory_space<semaphore_mem>>) attributes {dimension_semantics = [#tpu.dimension_semantics<core_parallel>, #tpu.dimension_semantics<subcore_parallel>], iteration_bounds = array<i64: 2, 16>, scalar_prefetch = 0 : i64, scratch_operands = 6 : i64, tpu.core_type = #tpu.core_type<sc_vector_subcore>, window_params = [{transform_indices = #map}, {transform_indices = #map1}, {transform_indices = #map1}, {transform_indices = #map1}]} {
    %mul3A = arith.constant 16 : i32
    %mul3A_0 = arith.muli %arg0, %mul3A : i32
    %add3A = arith.addi %mul3A_0, %arg1 : i32
    %mul3A_1 = arith.constant 320 : i32
    %mul3A_2 = arith.muli %add3A, %mul3A_1 : i32
    %mul3A_3 = arith.constant 32 : i32
    %mul3A_4 = arith.muli %mul3A_2, %mul3A_3 : i32
    "tpu.region"() ({
      %run_scoped3A = tpu.sem_alloc : memref<!tpu.dma_semaphore, #tpu.memory_space<semaphore_mem>>
      %dma_start3A = tpu.memref_slice %arg4[%mul3A_4] : memref<327680xi32, #tpu.memory_space<hbm>> -> memref<10240xi32, #tpu.memory_space<hbm>>
      %dma_start3A_15 = tpu.memref_slice %arg4[%mul3A_4] : memref<327680xi32, #tpu.memory_space<hbm>> -> memref<10240xi32, #tpu.memory_space<hbm>>
      tpu.enqueue_dma source(%dma_start3A_15 : memref<10240xi32, #tpu.memory_space<hbm>>) target(%arg6 : memref<10240xi32, #tpu.memory_space<vmem>>) target_semaphore(%run_scoped3A : memref<!tpu.dma_semaphore, #tpu.memory_space<semaphore_mem>>)
      %dma_wait3A = tpu.memref_slice %arg4[%mul3A_4] : memref<327680xi32, #tpu.memory_space<hbm>> -> memref<10240xi32, #tpu.memory_space<hbm>>
      %dma_wait3A_16 = tpu.memref_slice %arg4[%mul3A_4] : memref<327680xi32, #tpu.memory_space<hbm>> -> memref<10240xi32, #tpu.memory_space<hbm>>
      tpu.wait_dma2 semaphore(%run_scoped3A : memref<!tpu.dma_semaphore, #tpu.memory_space<semaphore_mem>>) src(%dma_wait3A_16 : memref<10240xi32, #tpu.memory_space<hbm>>) dst(%arg6 : memref<10240xi32, #tpu.memory_space<vmem>>)
      tpu.yield
    }) : () -> ()
    %mul3A_5 = arith.constant 320 : i32
    %mul3A_6 = arith.muli %add3A, %mul3A_5 : i32
    %mul3A_7 = arith.constant 16 : i32
    %mul3A_8 = arith.muli %mul3A_6, %mul3A_7 : i32
    "tpu.region"() ({
      %run_scoped3A = tpu.sem_alloc : memref<!tpu.dma_semaphore, #tpu.memory_space<semaphore_mem>>
      %dma_start3A = tpu.memref_slice %arg3[%mul3A_8] : memref<163840xf32, #tpu.memory_space<hbm>> -> memref<5120xf32, #tpu.memory_space<hbm>>
      %dma_start3A_15 = tpu.memref_slice %arg3[%mul3A_8] : memref<163840xf32, #tpu.memory_space<hbm>> -> memref<5120xf32, #tpu.memory_space<hbm>>
      tpu.enqueue_dma source(%dma_start3A_15 : memref<5120xf32, #tpu.memory_space<hbm>>) target(%arg7 : memref<5120xf32, #tpu.memory_space<vmem>>) target_semaphore(%run_scoped3A : memref<!tpu.dma_semaphore, #tpu.memory_space<semaphore_mem>>)
      %dma_wait3A = tpu.memref_slice %arg3[%mul3A_8] : memref<163840xf32, #tpu.memory_space<hbm>> -> memref<5120xf32, #tpu.memory_space<hbm>>
      %dma_wait3A_16 = tpu.memref_slice %arg3[%mul3A_8] : memref<163840xf32, #tpu.memory_space<hbm>> -> memref<5120xf32, #tpu.memory_space<hbm>>
      tpu.wait_dma2 semaphore(%run_scoped3A : memref<!tpu.dma_semaphore, #tpu.memory_space<semaphore_mem>>) src(%dma_wait3A_16 : memref<5120xf32, #tpu.memory_space<hbm>>) dst(%arg7 : memref<5120xf32, #tpu.memory_space<vmem>>)
      tpu.yield
    }) : () -> ()
    %scan3A = arith.constant 0 : i32
    %scan3A_9 = arith.constant 0 : i32
    %scan3A_10 = arith.constant 80 : i32
    %scan3A_11 = arith.addi %scan3A_9, %scan3A_10 : i32
    %scan3A_12 = arith.constant 1 : i32
    %scan3A_13 = scf.for %scan3A_15 = %scan3A_9 to %scan3A_11 step %scan3A_12 iter_args(%scan3A_16 = %scan3A) -> (i32)  : i32 {
      %mul3A_17 = arith.constant 128 : i32
      %mul3A_18 = arith.muli %scan3A_15, %mul3A_17 : i32
      %dma_start3A = tpu.memref_slice %arg6[%mul3A_18] : memref<10240xi32, #tpu.memory_space<vmem>> -> memref<128xi32, #tpu.memory_space<vmem>>
      %dma_start3A_19 = arith.constant 0 : i32
      %dma_start3A_20 = arith.constant 0 : i32
      %dma_start3A_21 = tpu.memref_slice %arg2[%dma_start3A_19, %dma_start3A_20] : memref<10240x384xf32, #tpu.memory_space<hbm>> -> memref<10240x384xf32, #tpu.memory_space<hbm>>
      tpu.enqueue_indirect_dma source(%dma_start3A_21 : memref<10240x384xf32, #tpu.memory_space<hbm>>) target(%arg8 : memref<128x384xf32, #tpu.memory_space<vmem>>) offsets(%dma_start3A : memref<128xi32, #tpu.memory_space<vmem>>) semaphore(%arg11 : memref<!tpu.dma_semaphore, #tpu.memory_space<semaphore_mem>>)
      %dma_wait3A = tpu.memref_slice %arg6[%mul3A_18] : memref<10240xi32, #tpu.memory_space<vmem>> -> memref<128xi32, #tpu.memory_space<vmem>>
      %dma_wait3A_22 = arith.constant 0 : i32
      %dma_wait3A_23 = arith.constant 0 : i32
      %dma_wait3A_24 = tpu.memref_slice %arg2[%dma_wait3A_22, %dma_wait3A_23] : memref<10240x384xf32, #tpu.memory_space<hbm>> -> memref<10240x384xf32, #tpu.memory_space<hbm>>
      tpu.wait_indirect_dma semaphore(%arg11 : memref<!tpu.dma_semaphore, #tpu.memory_space<semaphore_mem>>) src(%dma_wait3A_24 : memref<10240x384xf32, #tpu.memory_space<hbm>>) dst(%arg8 : memref<128x384xf32, #tpu.memory_space<vmem>>)
      %mul3A_25 = arith.constant 4 : i32
      %mul3A_26 = arith.muli %scan3A_15, %mul3A_25 : i32
      %add3A_27 = arith.constant 0 : i32
      %add3A_28 = arith.addi %mul3A_26, %add3A_27 : i32
      %mul3A_29 = arith.constant 16 : i32
      %mul3A_30 = arith.muli %add3A_28, %mul3A_29 : i32
      %get3A = arith.index_cast %mul3A_30 : i32 to index
      %get3A_31 = tpu.vector_load %arg7[%get3A] {strides = array<i32>} : memref<5120xf32, #tpu.memory_space<vmem>>, vector<16xf32>,
      %get3A_32 = vector.shape_cast %get3A_31 : vector<16xf32> to vector<16xf32>
      %broadcast_in_dim3A = arith.constant -3.000000e+38 : f32
      %broadcast_in_dim3A_33 = vector.broadcast %broadcast_in_dim3A : f32 to vector<16xf32>
      %scan3A_34 = arith.constant 0 : i32
      %scan3A_35 = arith.constant 32 : i32
      %scan3A_36 = arith.addi %scan3A_34, %scan3A_35 : i32
      %scan3A_37 = arith.constant 1 : i32
      %scan3A_38 = scf.for %scan3A_441 = %scan3A_34 to %scan3A_36 step %scan3A_37 iter_args(%scan3A_442 = %broadcast_in_dim3A_33) -> (vector<16xf32>)  : i32 {
        %add3A_443 = arith.constant 0 : i32
        %add3A_444 = arith.addi %add3A_443, %scan3A_441 : i32
        %get3A_445 = arith.index_cast %add3A_444 : i32 to index
        %get3A_446 = arith.constant 256 : index
        %get3A_447 = tpu.vector_load %arg8[%get3A_445, %get3A_446] {strides = array<i32>} : memref<128x384xf32, #tpu.memory_space<vmem>>, vector<1x16xf32>,
        %get3A_448 = vector.shape_cast %get3A_447 : vector<1x16xf32> to vector<16xf32>
        %add3A_449 = arith.addf %get3A_32, %get3A_448 : vector<16xf32>
        %gt3A = arith.constant 0.000000e+00 : f32
        %gt3A_450 = vector.broadcast %gt3A : f32 to vector<16xf32>
        %gt3A_451 = arith.cmpf ogt, %add3A_449, %gt3A_450 : vector<16xf32>
        %mul3A_452 = arith.constant 2.000000e-01 : f32
        %mul3A_453 = vector.broadcast %mul3A_452 : f32 to vector<16xf32>
        %mul3A_454 = arith.mulf %mul3A_453, %add3A_449 : vector<16xf32>
        %select_n3A = arith.select %gt3A_451, %add3A_449, %mul3A_454 : vector<16xi1>, vector<16xf32>
        %mul3A_455 = arith.constant 16 : i32
        %mul3A_456 = arith.muli %scan3A_441, %mul3A_455 : i32
        %swap3A_457 = arith.index_cast %mul3A_456 : i32 to index
        %swap3A_458 = tpu.vector_load %arg9[%swap3A_457] {strides = array<i32>} : memref<512xf32, #tpu.memory_space<vmem>>, vector<16xf32>,
        %swap3A_459 = vector.shape_cast %swap3A_458 : vector<16xf32> to vector<16xf32>
        %swap3A_460 = vector.shape_cast %select_n3A : vector<16xf32> to vector<16xf32>
        tpu.vector_store %arg9[%swap3A_457], %swap3A_460 {strides = array<i32>} : memref<512xf32, #tpu.memory_space<vmem>>, vector<16xf32>,
        %max3A = arith.maximumf %scan3A_442, %select_n3A : vector<16xf32>
        scf.yield %max3A : vector<16xf32>
      }
      %scan3A_39 = arith.constant 32 : i32
      %broadcast_in_dim3A_40 = arith.constant 0.000000e+00 : f32
      %broadcast_in_dim3A_41 = vector.broadcast %broadcast_in_dim3A_40 : f32 to vector<16xf32>
      %scan3A_42 = arith.constant 0 : i32
      %scan3A_43 = arith.constant 32 : i32
      %scan3A_44 = arith.addi %scan3A_42, %scan3A_43 : i32
      %scan3A_45 = arith.constant 1 : i32
      %scan3A_46 = scf.for %scan3A_441 = %scan3A_42 to %scan3A_44 step %scan3A_45 iter_args(%scan3A_442 = %broadcast_in_dim3A_41) -> (vector<16xf32>)  : i32 {
        %mul3A_443 = arith.constant 16 : i32
        %mul3A_444 = arith.muli %scan3A_441, %mul3A_443 : i32
        %get3A_445 = arith.index_cast %mul3A_444 : i32 to index
        %get3A_446 = tpu.vector_load %arg9[%get3A_445] {strides = array<i32>} : memref<512xf32, #tpu.memory_space<vmem>>, vector<16xf32>,
        %get3A_447 = vector.shape_cast %get3A_446 : vector<16xf32> to vector<16xf32>
        %sub3A = arith.subf %get3A_447, %scan3A_38 : vector<16xf32>
        %exp3A = math.exp %sub3A : vector<16xf32>
        %mul3A_448 = arith.constant 16 : i32
        %mul3A_449 = arith.muli %scan3A_441, %mul3A_448 : i32
        %swap3A_450 = arith.index_cast %mul3A_449 : i32 to index
        %swap3A_451 = tpu.vector_load %arg9[%swap3A_450] {strides = array<i32>} : memref<512xf32, #tpu.memory_space<vmem>>, vector<16xf32>,
        %swap3A_452 = vector.shape_cast %swap3A_451 : vector<16xf32> to vector<16xf32>
        %swap3A_453 = vector.shape_cast %exp3A : vector<16xf32> to vector<16xf32>
        tpu.vector_store %arg9[%swap3A_450], %swap3A_453 {strides = array<i32>} : memref<512xf32, #tpu.memory_space<vmem>>, vector<16xf32>,
        %add3A_454 = arith.addf %scan3A_442, %exp3A : vector<16xf32>
        scf.yield %add3A_454 : vector<16xf32>
      }
      %scan3A_47 = arith.constant 32 : i32
      %add3A_48 = arith.constant 1.000000e-16 : f32
      %add3A_49 = vector.broadcast %add3A_48 : f32 to vector<16xf32>
      %add3A_50 = arith.addf %scan3A_46, %add3A_49 : vector<16xf32>
      %div3A = arith.constant 1.000000e+00 : f32
      %div3A_51 = vector.broadcast %div3A : f32 to vector<16xf32>
      %div3A_52 = arith.divf %div3A_51, %add3A_50 : vector<16xf32>
      %broadcast_in_dim3A_53 = arith.constant 0.000000e+00 : f32
      %broadcast_in_dim3A_54 = vector.broadcast %broadcast_in_dim3A_53 : f32 to vector<16xf32>
      %scan3A_55 = arith.constant 0 : i32
      %scan3A_56 = arith.constant 32 : i32
      %scan3A_57 = arith.addi %scan3A_55, %scan3A_56 : i32
      %scan3A_58 = arith.constant 1 : i32
      %scan3A_59:16 = scf.for %scan3A_441 = %scan3A_55 to %scan3A_57 step %scan3A_58 iter_args(%scan3A_442 = %broadcast_in_dim3A_54, %scan3A_443 = %broadcast_in_dim3A_54, %scan3A_444 = %broadcast_in_dim3A_54, %scan3A_445 = %broadcast_in_dim3A_54, %scan3A_446 = %broadcast_in_dim3A_54, %scan3A_447 = %broadcast_in_dim3A_54, %scan3A_448 = %broadcast_in_dim3A_54, %scan3A_449 = %broadcast_in_dim3A_54, %scan3A_450 = %broadcast_in_dim3A_54, %scan3A_451 = %broadcast_in_dim3A_54, %scan3A_452 = %broadcast_in_dim3A_54, %scan3A_453 = %broadcast_in_dim3A_54, %scan3A_454 = %broadcast_in_dim3A_54, %scan3A_455 = %broadcast_in_dim3A_54, %scan3A_456 = %broadcast_in_dim3A_54, %scan3A_457 = %broadcast_in_dim3A_54) -> (vector<16xf32>, vector<16xf32>, vector<16xf32>, vector<16xf32>, vector<16xf32>, vector<16xf32>, vector<16xf32>, vector<16xf32>, vector<16xf32>, vector<16xf32>, vector<16xf32>, vector<16xf32>, vector<16xf32>, vector<16xf32>, vector<16xf32>, vector<16xf32>)  : i32 {
        %mul3A_458 = arith.constant 16 : i32
        %mul3A_459 = arith.muli %scan3A_441, %mul3A_458 : i32
        %get3A_460 = arith.index_cast %mul3A_459 : i32 to index
        %get3A_461 = tpu.vector_load %arg9[%get3A_460] {strides = array<i32>} : memref<512xf32, #tpu.memory_space<vmem>>, vector<16xf32>,
        %get3A_462 = vector.shape_cast %get3A_461 : vector<16xf32> to vector<16xf32>
        %mul3A_463 = arith.mulf %get3A_462, %div3A_52 : vector<16xf32>
        %broadcast_in_dim3A_464 = arith.constant 0 : i32
        %broadcast_in_dim3A_465 = vector.broadcast %broadcast_in_dim3A_464 : i32 to vector<16x1xi32>
        %gather3A = vector.shape_cast %broadcast_in_dim3A_465 : vector<16x1xi32> to vector<16xi32>
        %gather3A_466 = tpu.dynamic_gather %mul3A_463[%gather3A] in [0] : vector<16xf32>, vector<16xi32> -> vector<16xf32>
        %add3A_467 = arith.constant 0 : i32
        %add3A_468 = arith.addi %add3A_467, %scan3A_441 : i32
        %get3A_469 = arith.index_cast %add3A_468 : i32 to index
        %get3A_470 = arith.constant 0 : index
        %get3A_471 = tpu.vector_load %arg8[%get3A_469, %get3A_470] {strides = array<i32>} : memref<128x384xf32, #tpu.memory_space<vmem>>, vector<1x16xf32>,
        %get3A_472 = vector.shape_cast %get3A_471 : vector<1x16xf32> to vector<16xf32>
        %mul3A_473 = arith.mulf %gather3A_466, %get3A_472 : vector<16xf32>
        %add3A_474 = arith.addf %scan3A_442, %mul3A_473 : vector<16xf32>
        %add3A_475 = arith.constant 0 : i32
        %add3A_476 = arith.addi %add3A_475, %scan3A_441 : i32
        %get3A_477 = arith.index_cast %add3A_476 : i32 to index
        %get3A_478 = arith.constant 16 : index
        %get3A_479 = tpu.vector_load %arg8[%get3A_477, %get3A_478] {strides = array<i32>} : memref<128x384xf32, #tpu.memory_space<vmem>>, vector<1x16xf32>,
        %get3A_480 = vector.shape_cast %get3A_479 : vector<1x16xf32> to vector<16xf32>
        %mul3A_481 = arith.mulf %gather3A_466, %get3A_480 : vector<16xf32>
        %add3A_482 = arith.addf %scan3A_443, %mul3A_481 : vector<16xf32>
        %add3A_483 = arith.constant 0 : i32
        %add3A_484 = arith.addi %add3A_483, %scan3A_441 : i32
        %get3A_485 = arith.index_cast %add3A_484 : i32 to index
        %get3A_486 = arith.constant 32 : index
        %get3A_487 = tpu.vector_load %arg8[%get3A_485, %get3A_486] {strides = array<i32>} : memref<128x384xf32, #tpu.memory_space<vmem>>, vector<1x16xf32>,
        %get3A_488 = vector.shape_cast %get3A_487 : vector<1x16xf32> to vector<16xf32>
        %mul3A_489 = arith.mulf %gather3A_466, %get3A_488 : vector<16xf32>
        %add3A_490 = arith.addf %scan3A_444, %mul3A_489 : vector<16xf32>
        %add3A_491 = arith.constant 0 : i32
        %add3A_492 = arith.addi %add3A_491, %scan3A_441 : i32
        %get3A_493 = arith.index_cast %add3A_492 : i32 to index
        %get3A_494 = arith.constant 48 : index
        %get3A_495 = tpu.vector_load %arg8[%get3A_493, %get3A_494] {strides = array<i32>} : memref<128x384xf32, #tpu.memory_space<vmem>>, vector<1x16xf32>,
        %get3A_496 = vector.shape_cast %get3A_495 : vector<1x16xf32> to vector<16xf32>
        %mul3A_497 = arith.mulf %gather3A_466, %get3A_496 : vector<16xf32>
        %add3A_498 = arith.addf %scan3A_445, %mul3A_497 : vector<16xf32>
        %broadcast_in_dim3A_499 = arith.constant 1 : i32
        %broadcast_in_dim3A_500 = vector.broadcast %broadcast_in_dim3A_499 : i32 to vector<16x1xi32>
        %gather3A_501 = vector.shape_cast %broadcast_in_dim3A_500 : vector<16x1xi32> to vector<16xi32>
        %gather3A_502 = tpu.dynamic_gather %mul3A_463[%gather3A_501] in [0] : vector<16xf32>, vector<16xi32> -> vector<16xf32>
        %add3A_503 = arith.constant 0 : i32
        %add3A_504 = arith.addi %add3A_503, %scan3A_441 : i32
        %get3A_505 = arith.index_cast %add3A_504 : i32 to index
        %get3A_506 = arith.constant 64 : index
        %get3A_507 = tpu.vector_load %arg8[%get3A_505, %get3A_506] {strides = array<i32>} : memref<128x384xf32, #tpu.memory_space<vmem>>, vector<1x16xf32>,
        %get3A_508 = vector.shape_cast %get3A_507 : vector<1x16xf32> to vector<16xf32>
        %mul3A_509 = arith.mulf %gather3A_502, %get3A_508 : vector<16xf32>
        %add3A_510 = arith.addf %scan3A_446, %mul3A_509 : vector<16xf32>
        %add3A_511 = arith.constant 0 : i32
        %add3A_512 = arith.addi %add3A_511, %scan3A_441 : i32
        %get3A_513 = arith.index_cast %add3A_512 : i32 to index
        %get3A_514 = arith.constant 80 : index
        %get3A_515 = tpu.vector_load %arg8[%get3A_513, %get3A_514] {strides = array<i32>} : memref<128x384xf32, #tpu.memory_space<vmem>>, vector<1x16xf32>,
        %get3A_516 = vector.shape_cast %get3A_515 : vector<1x16xf32> to vector<16xf32>
        %mul3A_517 = arith.mulf %gather3A_502, %get3A_516 : vector<16xf32>
        %add3A_518 = arith.addf %scan3A_447, %mul3A_517 : vector<16xf32>
        %add3A_519 = arith.constant 0 : i32
        %add3A_520 = arith.addi %add3A_519, %scan3A_441 : i32
        %get3A_521 = arith.index_cast %add3A_520 : i32 to index
        %get3A_522 = arith.constant 96 : index
        %get3A_523 = tpu.vector_load %arg8[%get3A_521, %get3A_522] {strides = array<i32>} : memref<128x384xf32, #tpu.memory_space<vmem>>, vector<1x16xf32>,
        %get3A_524 = vector.shape_cast %get3A_523 : vector<1x16xf32> to vector<16xf32>
        %mul3A_525 = arith.mulf %gather3A_502, %get3A_524 : vector<16xf32>
        %add3A_526 = arith.addf %scan3A_448, %mul3A_525 : vector<16xf32>
        %add3A_527 = arith.constant 0 : i32
        %add3A_528 = arith.addi %add3A_527, %scan3A_441 : i32
        %get3A_529 = arith.index_cast %add3A_528 : i32 to index
        %get3A_530 = arith.constant 112 : index
        %get3A_531 = tpu.vector_load %arg8[%get3A_529, %get3A_530] {strides = array<i32>} : memref<128x384xf32, #tpu.memory_space<vmem>>, vector<1x16xf32>,
        %get3A_532 = vector.shape_cast %get3A_531 : vector<1x16xf32> to vector<16xf32>
        %mul3A_533 = arith.mulf %gather3A_502, %get3A_532 : vector<16xf32>
        %add3A_534 = arith.addf %scan3A_449, %mul3A_533 : vector<16xf32>
        %broadcast_in_dim3A_535 = arith.constant 2 : i32
        %broadcast_in_dim3A_536 = vector.broadcast %broadcast_in_dim3A_535 : i32 to vector<16x1xi32>
        %gather3A_537 = vector.shape_cast %broadcast_in_dim3A_536 : vector<16x1xi32> to vector<16xi32>
        %gather3A_538 = tpu.dynamic_gather %mul3A_463[%gather3A_537] in [0] : vector<16xf32>, vector<16xi32> -> vector<16xf32>
        %add3A_539 = arith.constant 0 : i32
        %add3A_540 = arith.addi %add3A_539, %scan3A_441 : i32
        %get3A_541 = arith.index_cast %add3A_540 : i32 to index
        %get3A_542 = arith.constant 128 : index
        %get3A_543 = tpu.vector_load %arg8[%get3A_541, %get3A_542] {strides = array<i32>} : memref<128x384xf32, #tpu.memory_space<vmem>>, vector<1x16xf32>,
        %get3A_544 = vector.shape_cast %get3A_543 : vector<1x16xf32> to vector<16xf32>
        %mul3A_545 = arith.mulf %gather3A_538, %get3A_544 : vector<16xf32>
        %add3A_546 = arith.addf %scan3A_450, %mul3A_545 : vector<16xf32>
        %add3A_547 = arith.constant 0 : i32
        %add3A_548 = arith.addi %add3A_547, %scan3A_441 : i32
        %get3A_549 = arith.index_cast %add3A_548 : i32 to index
        %get3A_550 = arith.constant 144 : index
        %get3A_551 = tpu.vector_load %arg8[%get3A_549, %get3A_550] {strides = array<i32>} : memref<128x384xf32, #tpu.memory_space<vmem>>, vector<1x16xf32>,
        %get3A_552 = vector.shape_cast %get3A_551 : vector<1x16xf32> to vector<16xf32>
        %mul3A_553 = arith.mulf %gather3A_538, %get3A_552 : vector<16xf32>
        %add3A_554 = arith.addf %scan3A_451, %mul3A_553 : vector<16xf32>
        %add3A_555 = arith.constant 0 : i32
        %add3A_556 = arith.addi %add3A_555, %scan3A_441 : i32
        %get3A_557 = arith.index_cast %add3A_556 : i32 to index
        %get3A_558 = arith.constant 160 : index
        %get3A_559 = tpu.vector_load %arg8[%get3A_557, %get3A_558] {strides = array<i32>} : memref<128x384xf32, #tpu.memory_space<vmem>>, vector<1x16xf32>,
        %get3A_560 = vector.shape_cast %get3A_559 : vector<1x16xf32> to vector<16xf32>
        %mul3A_561 = arith.mulf %gather3A_538, %get3A_560 : vector<16xf32>
        %add3A_562 = arith.addf %scan3A_452, %mul3A_561 : vector<16xf32>
        %add3A_563 = arith.constant 0 : i32
        %add3A_564 = arith.addi %add3A_563, %scan3A_441 : i32
        %get3A_565 = arith.index_cast %add3A_564 : i32 to index
        %get3A_566 = arith.constant 176 : index
        %get3A_567 = tpu.vector_load %arg8[%get3A_565, %get3A_566] {strides = array<i32>} : memref<128x384xf32, #tpu.memory_space<vmem>>, vector<1x16xf32>,
        %get3A_568 = vector.shape_cast %get3A_567 : vector<1x16xf32> to vector<16xf32>
        %mul3A_569 = arith.mulf %gather3A_538, %get3A_568 : vector<16xf32>
        %add3A_570 = arith.addf %scan3A_453, %mul3A_569 : vector<16xf32>
        %broadcast_in_dim3A_571 = arith.constant 3 : i32
        %broadcast_in_dim3A_572 = vector.broadcast %broadcast_in_dim3A_571 : i32 to vector<16x1xi32>
        %gather3A_573 = vector.shape_cast %broadcast_in_dim3A_572 : vector<16x1xi32> to vector<16xi32>
        %gather3A_574 = tpu.dynamic_gather %mul3A_463[%gather3A_573] in [0] : vector<16xf32>, vector<16xi32> -> vector<16xf32>
        %add3A_575 = arith.constant 0 : i32
        %add3A_576 = arith.addi %add3A_575, %scan3A_441 : i32
        %get3A_577 = arith.index_cast %add3A_576 : i32 to index
        %get3A_578 = arith.constant 192 : index
        %get3A_579 = tpu.vector_load %arg8[%get3A_577, %get3A_578] {strides = array<i32>} : memref<128x384xf32, #tpu.memory_space<vmem>>, vector<1x16xf32>,
        %get3A_580 = vector.shape_cast %get3A_579 : vector<1x16xf32> to vector<16xf32>
        %mul3A_581 = arith.mulf %gather3A_574, %get3A_580 : vector<16xf32>
        %add3A_582 = arith.addf %scan3A_454, %mul3A_581 : vector<16xf32>
        %add3A_583 = arith.constant 0 : i32
        %add3A_584 = arith.addi %add3A_583, %scan3A_441 : i32
        %get3A_585 = arith.index_cast %add3A_584 : i32 to index
        %get3A_586 = arith.constant 208 : index
        %get3A_587 = tpu.vector_load %arg8[%get3A_585, %get3A_586] {strides = array<i32>} : memref<128x384xf32, #tpu.memory_space<vmem>>, vector<1x16xf32>,
        %get3A_588 = vector.shape_cast %get3A_587 : vector<1x16xf32> to vector<16xf32>
        %mul3A_589 = arith.mulf %gather3A_574, %get3A_588 : vector<16xf32>
        %add3A_590 = arith.addf %scan3A_455, %mul3A_589 : vector<16xf32>
        %add3A_591 = arith.constant 0 : i32
        %add3A_592 = arith.addi %add3A_591, %scan3A_441 : i32
        %get3A_593 = arith.index_cast %add3A_592 : i32 to index
        %get3A_594 = arith.constant 224 : index
        %get3A_595 = tpu.vector_load %arg8[%get3A_593, %get3A_594] {strides = array<i32>} : memref<128x384xf32, #tpu.memory_space<vmem>>, vector<1x16xf32>,
        %get3A_596 = vector.shape_cast %get3A_595 : vector<1x16xf32> to vector<16xf32>
        %mul3A_597 = arith.mulf %gather3A_574, %get3A_596 : vector<16xf32>
        %add3A_598 = arith.addf %scan3A_456, %mul3A_597 : vector<16xf32>
        %add3A_599 = arith.constant 0 : i32
        %add3A_600 = arith.addi %add3A_599, %scan3A_441 : i32
        %get3A_601 = arith.index_cast %add3A_600 : i32 to index
        %get3A_602 = arith.constant 240 : index
        %get3A_603 = tpu.vector_load %arg8[%get3A_601, %get3A_602] {strides = array<i32>} : memref<128x384xf32, #tpu.memory_space<vmem>>, vector<1x16xf32>,
        %get3A_604 = vector.shape_cast %get3A_603 : vector<1x16xf32> to vector<16xf32>
        %mul3A_605 = arith.mulf %gather3A_574, %get3A_604 : vector<16xf32>
        %add3A_606 = arith.addf %scan3A_457, %mul3A_605 : vector<16xf32>
        scf.yield %add3A_474, %add3A_482, %add3A_490, %add3A_498, %add3A_510, %add3A_518, %add3A_526, %add3A_534, %add3A_546, %add3A_554, %add3A_562, %add3A_570, %add3A_582, %add3A_590, %add3A_598, %add3A_606 : vector<16xf32>, vector<16xf32>, vector<16xf32>, vector<16xf32>, vector<16xf32>, vector<16xf32>, vector<16xf32>, vector<16xf32>, vector<16xf32>, vector<16xf32>, vector<16xf32>, vector<16xf32>, vector<16xf32>, vector<16xf32>, vector<16xf32>, vector<16xf32>
      }
      %scan3A_60 = arith.constant 32 : i32
      %swap3A = arith.constant 0 : index
      %swap3A_61 = tpu.vector_load %arg10[%swap3A] {strides = array<i32>} : memref<1024xf32, #tpu.memory_space<vmem>>, vector<16xf32>,
      %swap3A_62 = vector.shape_cast %swap3A_61 : vector<16xf32> to vector<16xf32>
      %swap3A_63 = vector.shape_cast %scan3A_59#0 : vector<16xf32> to vector<16xf32>
      tpu.vector_store %arg10[%swap3A], %swap3A_63 {strides = array<i32>} : memref<1024xf32, #tpu.memory_space<vmem>>, vector<16xf32>,
      %swap3A_64 = arith.constant 16 : index
      %swap3A_65 = tpu.vector_load %arg10[%swap3A_64] {strides = array<i32>} : memref<1024xf32, #tpu.memory_space<vmem>>, vector<16xf32>,
      %swap3A_66 = vector.shape_cast %swap3A_65 : vector<16xf32> to vector<16xf32>
      %swap3A_67 = vector.shape_cast %scan3A_59#1 : vector<16xf32> to vector<16xf32>
      tpu.vector_store %arg10[%swap3A_64], %swap3A_67 {strides = array<i32>} : memref<1024xf32, #tpu.memory_space<vmem>>, vector<16xf32>,
      %swap3A_68 = arith.constant 32 : index
      %swap3A_69 = tpu.vector_load %arg10[%swap3A_68] {strides = array<i32>} : memref<1024xf32, #tpu.memory_space<vmem>>, vector<16xf32>,
      %swap3A_70 = vector.shape_cast %swap3A_69 : vector<16xf32> to vector<16xf32>
      %swap3A_71 = vector.shape_cast %scan3A_59#2 : vector<16xf32> to vector<16xf32>
      tpu.vector_store %arg10[%swap3A_68], %swap3A_71 {strides = array<i32>} : memref<1024xf32, #tpu.memory_space<vmem>>, vector<16xf32>,
      %swap3A_72 = arith.constant 48 : index
      %swap3A_73 = tpu.vector_load %arg10[%swap3A_72] {strides = array<i32>} : memref<1024xf32, #tpu.memory_space<vmem>>, vector<16xf32>,
      %swap3A_74 = vector.shape_cast %swap3A_73 : vector<16xf32> to vector<16xf32>
      %swap3A_75 = vector.shape_cast %scan3A_59#3 : vector<16xf32> to vector<16xf32>
      tpu.vector_store %arg10[%swap3A_72], %swap3A_75 {strides = array<i32>} : memref<1024xf32, #tpu.memory_space<vmem>>, vector<16xf32>,
      %swap3A_76 = arith.constant 64 : index
      %swap3A_77 = tpu.vector_load %arg10[%swap3A_76] {strides = array<i32>} : memref<1024xf32, #tpu.memory_space<vmem>>, vector<16xf32>,
      %swap3A_78 = vector.shape_cast %swap3A_77 : vector<16xf32> to vector<16xf32>
      %swap3A_79 = vector.shape_cast %scan3A_59#4 : vector<16xf32> to vector<16xf32>
      tpu.vector_store %arg10[%swap3A_76], %swap3A_79 {strides = array<i32>} : memref<1024xf32, #tpu.memory_space<vmem>>, vector<16xf32>,
      %swap3A_80 = arith.constant 80 : index
      %swap3A_81 = tpu.vector_load %arg10[%swap3A_80] {strides = array<i32>} : memref<1024xf32, #tpu.memory_space<vmem>>, vector<16xf32>,
      %swap3A_82 = vector.shape_cast %swap3A_81 : vector<16xf32> to vector<16xf32>
      %swap3A_83 = vector.shape_cast %scan3A_59#5 : vector<16xf32> to vector<16xf32>
      tpu.vector_store %arg10[%swap3A_80], %swap3A_83 {strides = array<i32>} : memref<1024xf32, #tpu.memory_space<vmem>>, vector<16xf32>,
      %swap3A_84 = arith.constant 96 : index
      %swap3A_85 = tpu.vector_load %arg10[%swap3A_84] {strides = array<i32>} : memref<1024xf32, #tpu.memory_space<vmem>>, vector<16xf32>,
      %swap3A_86 = vector.shape_cast %swap3A_85 : vector<16xf32> to vector<16xf32>
      %swap3A_87 = vector.shape_cast %scan3A_59#6 : vector<16xf32> to vector<16xf32>
      tpu.vector_store %arg10[%swap3A_84], %swap3A_87 {strides = array<i32>} : memref<1024xf32, #tpu.memory_space<vmem>>, vector<16xf32>,
      %swap3A_88 = arith.constant 112 : index
      %swap3A_89 = tpu.vector_load %arg10[%swap3A_88] {strides = array<i32>} : memref<1024xf32, #tpu.memory_space<vmem>>, vector<16xf32>,
      %swap3A_90 = vector.shape_cast %swap3A_89 : vector<16xf32> to vector<16xf32>
      %swap3A_91 = vector.shape_cast %scan3A_59#7 : vector<16xf32> to vector<16xf32>
      tpu.vector_store %arg10[%swap3A_88], %swap3A_91 {strides = array<i32>} : memref<1024xf32, #tpu.memory_space<vmem>>, vector<16xf32>,
      %swap3A_92 = arith.constant 128 : index
      %swap3A_93 = tpu.vector_load %arg10[%swap3A_92] {strides = array<i32>} : memref<1024xf32, #tpu.memory_space<vmem>>, vector<16xf32>,
      %swap3A_94 = vector.shape_cast %swap3A_93 : vector<16xf32> to vector<16xf32>
      %swap3A_95 = vector.shape_cast %scan3A_59#8 : vector<16xf32> to vector<16xf32>
      tpu.vector_store %arg10[%swap3A_92], %swap3A_95 {strides = array<i32>} : memref<1024xf32, #tpu.memory_space<vmem>>, vector<16xf32>,
      %swap3A_96 = arith.constant 144 : index
      %swap3A_97 = tpu.vector_load %arg10[%swap3A_96] {strides = array<i32>} : memref<1024xf32, #tpu.memory_space<vmem>>, vector<16xf32>,
      %swap3A_98 = vector.shape_cast %swap3A_97 : vector<16xf32> to vector<16xf32>
      %swap3A_99 = vector.shape_cast %scan3A_59#9 : vector<16xf32> to vector<16xf32>
      tpu.vector_store %arg10[%swap3A_96], %swap3A_99 {strides = array<i32>} : memref<1024xf32, #tpu.memory_space<vmem>>, vector<16xf32>,
      %swap3A_100 = arith.constant 160 : index
      %swap3A_101 = tpu.vector_load %arg10[%swap3A_100] {strides = array<i32>} : memref<1024xf32, #tpu.memory_space<vmem>>, vector<16xf32>,
      %swap3A_102 = vector.shape_cast %swap3A_101 : vector<16xf32> to vector<16xf32>
      %swap3A_103 = vector.shape_cast %scan3A_59#10 : vector<16xf32> to vector<16xf32>
      tpu.vector_store %arg10[%swap3A_100], %swap3A_103 {strides = array<i32>} : memref<1024xf32, #tpu.memory_space<vmem>>, vector<16xf32>,
      %swap3A_104 = arith.constant 176 : index
      %swap3A_105 = tpu.vector_load %arg10[%swap3A_104] {strides = array<i32>} : memref<1024xf32, #tpu.memory_space<vmem>>, vector<16xf32>,
      %swap3A_106 = vector.shape_cast %swap3A_105 : vector<16xf32> to vector<16xf32>
      %swap3A_107 = vector.shape_cast %scan3A_59#11 : vector<16xf32> to vector<16xf32>
      tpu.vector_store %arg10[%swap3A_104], %swap3A_107 {strides = array<i32>} : memref<1024xf32, #tpu.memory_space<vmem>>, vector<16xf32>,
      %swap3A_108 = arith.constant 192 : index
      %swap3A_109 = tpu.vector_load %arg10[%swap3A_108] {strides = array<i32>} : memref<1024xf32, #tpu.memory_space<vmem>>, vector<16xf32>,
      %swap3A_110 = vector.shape_cast %swap3A_109 : vector<16xf32> to vector<16xf32>
      %swap3A_111 = vector.shape_cast %scan3A_59#12 : vector<16xf32> to vector<16xf32>
      tpu.vector_store %arg10[%swap3A_108], %swap3A_111 {strides = array<i32>} : memref<1024xf32, #tpu.memory_space<vmem>>, vector<16xf32>,
      %swap3A_112 = arith.constant 208 : index
      %swap3A_113 = tpu.vector_load %arg10[%swap3A_112] {strides = array<i32>} : memref<1024xf32, #tpu.memory_space<vmem>>, vector<16xf32>,
      %swap3A_114 = vector.shape_cast %swap3A_113 : vector<16xf32> to vector<16xf32>
      %swap3A_115 = vector.shape_cast %scan3A_59#13 : vector<16xf32> to vector<16xf32>
      tpu.vector_store %arg10[%swap3A_112], %swap3A_115 {strides = array<i32>} : memref<1024xf32, #tpu.memory_space<vmem>>, vector<16xf32>,
      %swap3A_116 = arith.constant 224 : index
      %swap3A_117 = tpu.vector_load %arg10[%swap3A_116] {strides = array<i32>} : memref<1024xf32, #tpu.memory_space<vmem>>, vector<16xf32>,
      %swap3A_118 = vector.shape_cast %swap3A_117 : vector<16xf32> to vector<16xf32>
      %swap3A_119 = vector.shape_cast %scan3A_59#14 : vector<16xf32> to vector<16xf32>
      tpu.vector_store %arg10[%swap3A_116], %swap3A_119 {strides = array<i32>} : memref<1024xf32, #tpu.memory_space<vmem>>, vector<16xf32>,
      %swap3A_120 = arith.constant 240 : index
      %swap3A_121 = tpu.vector_load %arg10[%swap3A_120] {strides = array<i32>} : memref<1024xf32, #tpu.memory_space<vmem>>, vector<16xf32>,
      %swap3A_122 = vector.shape_cast %swap3A_121 : vector<16xf32> to vector<16xf32>
      %swap3A_123 = vector.shape_cast %scan3A_59#15 : vector<16xf32> to vector<16xf32>
      tpu.vector_store %arg10[%swap3A_120], %swap3A_123 {strides = array<i32>} : memref<1024xf32, #tpu.memory_space<vmem>>, vector<16xf32>,
      %mul3A_124 = arith.constant 4 : i32
      %mul3A_125 = arith.muli %scan3A_15, %mul3A_124 : i32
      %add3A_126 = arith.constant 1 : i32
      %add3A_127 = arith.addi %mul3A_125, %add3A_126 : i32
      %mul3A_128 = arith.constant 16 : i32
      %mul3A_129 = arith.muli %add3A_127, %mul3A_128 : i32
      %get3A_130 = arith.index_cast %mul3A_129 : i32 to index
      %get3A_131 = tpu.vector_load %arg7[%get3A_130] {strides = array<i32>} : memref<5120xf32, #tpu.memory_space<vmem>>, vector<16xf32>,
      %get3A_132 = vector.shape_cast %get3A_131 : vector<16xf32> to vector<16xf32>
      %broadcast_in_dim3A_133 = arith.constant -3.000000e+38 : f32
      %broadcast_in_dim3A_134 = vector.broadcast %broadcast_in_dim3A_133 : f32 to vector<16xf32>
      %scan3A_135 = arith.constant 0 : i32
      %scan3A_136 = arith.constant 32 : i32
      %scan3A_137 = arith.addi %scan3A_135, %scan3A_136 : i32
      %scan3A_138 = arith.constant 1 : i32
      %scan3A_139 = scf.for %scan3A_441 = %scan3A_135 to %scan3A_137 step %scan3A_138 iter_args(%scan3A_442 = %broadcast_in_dim3A_134) -> (vector<16xf32>)  : i32 {
        %add3A_443 = arith.constant 32 : i32
        %add3A_444 = arith.addi %add3A_443, %scan3A_441 : i32
        %get3A_445 = arith.index_cast %add3A_444 : i32 to index
        %get3A_446 = arith.constant 256 : index
        %get3A_447 = tpu.vector_load %arg8[%get3A_445, %get3A_446] {strides = array<i32>} : memref<128x384xf32, #tpu.memory_space<vmem>>, vector<1x16xf32>,
        %get3A_448 = vector.shape_cast %get3A_447 : vector<1x16xf32> to vector<16xf32>
        %add3A_449 = arith.addf %get3A_132, %get3A_448 : vector<16xf32>
        %gt3A = arith.constant 0.000000e+00 : f32
        %gt3A_450 = vector.broadcast %gt3A : f32 to vector<16xf32>
        %gt3A_451 = arith.cmpf ogt, %add3A_449, %gt3A_450 : vector<16xf32>
        %mul3A_452 = arith.constant 2.000000e-01 : f32
        %mul3A_453 = vector.broadcast %mul3A_452 : f32 to vector<16xf32>
        %mul3A_454 = arith.mulf %mul3A_453, %add3A_449 : vector<16xf32>
        %select_n3A = arith.select %gt3A_451, %add3A_449, %mul3A_454 : vector<16xi1>, vector<16xf32>
        %mul3A_455 = arith.constant 16 : i32
        %mul3A_456 = arith.muli %scan3A_441, %mul3A_455 : i32
        %swap3A_457 = arith.index_cast %mul3A_456 : i32 to index
        %swap3A_458 = tpu.vector_load %arg9[%swap3A_457] {strides = array<i32>} : memref<512xf32, #tpu.memory_space<vmem>>, vector<16xf32>,
        %swap3A_459 = vector.shape_cast %swap3A_458 : vector<16xf32> to vector<16xf32>
        %swap3A_460 = vector.shape_cast %select_n3A : vector<16xf32> to vector<16xf32>
        tpu.vector_store %arg9[%swap3A_457], %swap3A_460 {strides = array<i32>} : memref<512xf32, #tpu.memory_space<vmem>>, vector<16xf32>,
        %max3A = arith.maximumf %scan3A_442, %select_n3A : vector<16xf32>
        scf.yield %max3A : vector<16xf32>
      }
      %scan3A_140 = arith.constant 32 : i32
      %broadcast_in_dim3A_141 = arith.constant 0.000000e+00 : f32
      %broadcast_in_dim3A_142 = vector.broadcast %broadcast_in_dim3A_141 : f32 to vector<16xf32>
      %scan3A_143 = arith.constant 0 : i32
      %scan3A_144 = arith.constant 32 : i32
      %scan3A_145 = arith.addi %scan3A_143, %scan3A_144 : i32
      %scan3A_146 = arith.constant 1 : i32
      %scan3A_147 = scf.for %scan3A_441 = %scan3A_143 to %scan3A_145 step %scan3A_146 iter_args(%scan3A_442 = %broadcast_in_dim3A_142) -> (vector<16xf32>)  : i32 {
        %mul3A_443 = arith.constant 16 : i32
        %mul3A_444 = arith.muli %scan3A_441, %mul3A_443 : i32
        %get3A_445 = arith.index_cast %mul3A_444 : i32 to index
        %get3A_446 = tpu.vector_load %arg9[%get3A_445] {strides = array<i32>} : memref<512xf32, #tpu.memory_space<vmem>>, vector<16xf32>,
        %get3A_447 = vector.shape_cast %get3A_446 : vector<16xf32> to vector<16xf32>
        %sub3A = arith.subf %get3A_447, %scan3A_139 : vector<16xf32>
        %exp3A = math.exp %sub3A : vector<16xf32>
        %mul3A_448 = arith.constant 16 : i32
        %mul3A_449 = arith.muli %scan3A_441, %mul3A_448 : i32
        %swap3A_450 = arith.index_cast %mul3A_449 : i32 to index
        %swap3A_451 = tpu.vector_load %arg9[%swap3A_450] {strides = array<i32>} : memref<512xf32, #tpu.memory_space<vmem>>, vector<16xf32>,
        %swap3A_452 = vector.shape_cast %swap3A_451 : vector<16xf32> to vector<16xf32>
        %swap3A_453 = vector.shape_cast %exp3A : vector<16xf32> to vector<16xf32>
        tpu.vector_store %arg9[%swap3A_450], %swap3A_453 {strides = array<i32>} : memref<512xf32, #tpu.memory_space<vmem>>, vector<16xf32>,
        %add3A_454 = arith.addf %scan3A_442, %exp3A : vector<16xf32>
        scf.yield %add3A_454 : vector<16xf32>
      }
      %scan3A_148 = arith.constant 32 : i32
      %add3A_149 = arith.constant 1.000000e-16 : f32
      %add3A_150 = vector.broadcast %add3A_149 : f32 to vector<16xf32>
      %add3A_151 = arith.addf %scan3A_147, %add3A_150 : vector<16xf32>
      %div3A_152 = arith.constant 1.000000e+00 : f32
      %div3A_153 = vector.broadcast %div3A_152 : f32 to vector<16xf32>
      %div3A_154 = arith.divf %div3A_153, %add3A_151 : vector<16xf32>
      %broadcast_in_dim3A_155 = arith.constant 0.000000e+00 : f32
      %broadcast_in_dim3A_156 = vector.broadcast %broadcast_in_dim3A_155 : f32 to vector<16xf32>
      %scan3A_157 = arith.constant 0 : i32
      %scan3A_158 = arith.constant 32 : i32
      %scan3A_159 = arith.addi %scan3A_157, %scan3A_158 : i32
      %scan3A_160 = arith.constant 1 : i32
      %scan3A_161:16 = scf.for %scan3A_441 = %scan3A_157 to %scan3A_159 step %scan3A_160 iter_args(%scan3A_442 = %broadcast_in_dim3A_156, %scan3A_443 = %broadcast_in_dim3A_156, %scan3A_444 = %broadcast_in_dim3A_156, %scan3A_445 = %broadcast_in_dim3A_156, %scan3A_446 = %broadcast_in_dim3A_156, %scan3A_447 = %broadcast_in_dim3A_156, %scan3A_448 = %broadcast_in_dim3A_156, %scan3A_449 = %broadcast_in_dim3A_156, %scan3A_450 = %broadcast_in_dim3A_156, %scan3A_451 = %broadcast_in_dim3A_156, %scan3A_452 = %broadcast_in_dim3A_156, %scan3A_453 = %broadcast_in_dim3A_156, %scan3A_454 = %broadcast_in_dim3A_156, %scan3A_455 = %broadcast_in_dim3A_156, %scan3A_456 = %broadcast_in_dim3A_156, %scan3A_457 = %broadcast_in_dim3A_156) -> (vector<16xf32>, vector<16xf32>, vector<16xf32>, vector<16xf32>, vector<16xf32>, vector<16xf32>, vector<16xf32>, vector<16xf32>, vector<16xf32>, vector<16xf32>, vector<16xf32>, vector<16xf32>, vector<16xf32>, vector<16xf32>, vector<16xf32>, vector<16xf32>)  : i32 {
        %mul3A_458 = arith.constant 16 : i32
        %mul3A_459 = arith.muli %scan3A_441, %mul3A_458 : i32
        %get3A_460 = arith.index_cast %mul3A_459 : i32 to index
        %get3A_461 = tpu.vector_load %arg9[%get3A_460] {strides = array<i32>} : memref<512xf32, #tpu.memory_space<vmem>>, vector<16xf32>,
        %get3A_462 = vector.shape_cast %get3A_461 : vector<16xf32> to vector<16xf32>
        %mul3A_463 = arith.mulf %get3A_462, %div3A_154 : vector<16xf32>
        %broadcast_in_dim3A_464 = arith.constant 0 : i32
        %broadcast_in_dim3A_465 = vector.broadcast %broadcast_in_dim3A_464 : i32 to vector<16x1xi32>
        %gather3A = vector.shape_cast %broadcast_in_dim3A_465 : vector<16x1xi32> to vector<16xi32>
        %gather3A_466 = tpu.dynamic_gather %mul3A_463[%gather3A] in [0] : vector<16xf32>, vector<16xi32> -> vector<16xf32>
        %add3A_467 = arith.constant 32 : i32
        %add3A_468 = arith.addi %add3A_467, %scan3A_441 : i32
        %get3A_469 = arith.index_cast %add3A_468 : i32 to index
        %get3A_470 = arith.constant 0 : index
        %get3A_471 = tpu.vector_load %arg8[%get3A_469, %get3A_470] {strides = array<i32>} : memref<128x384xf32, #tpu.memory_space<vmem>>, vector<1x16xf32>,
        %get3A_472 = vector.shape_cast %get3A_471 : vector<1x16xf32> to vector<16xf32>
        %mul3A_473 = arith.mulf %gather3A_466, %get3A_472 : vector<16xf32>
        %add3A_474 = arith.addf %scan3A_442, %mul3A_473 : vector<16xf32>
        %add3A_475 = arith.constant 32 : i32
        %add3A_476 = arith.addi %add3A_475, %scan3A_441 : i32
        %get3A_477 = arith.index_cast %add3A_476 : i32 to index
        %get3A_478 = arith.constant 16 : index
        %get3A_479 = tpu.vector_load %arg8[%get3A_477, %get3A_478] {strides = array<i32>} : memref<128x384xf32, #tpu.memory_space<vmem>>, vector<1x16xf32>,
        %get3A_480 = vector.shape_cast %get3A_479 : vector<1x16xf32> to vector<16xf32>
        %mul3A_481 = arith.mulf %gather3A_466, %get3A_480 : vector<16xf32>
        %add3A_482 = arith.addf %scan3A_443, %mul3A_481 : vector<16xf32>
        %add3A_483 = arith.constant 32 : i32
        %add3A_484 = arith.addi %add3A_483, %scan3A_441 : i32
        %get3A_485 = arith.index_cast %add3A_484 : i32 to index
        %get3A_486 = arith.constant 32 : index
        %get3A_487 = tpu.vector_load %arg8[%get3A_485, %get3A_486] {strides = array<i32>} : memref<128x384xf32, #tpu.memory_space<vmem>>, vector<1x16xf32>,
        %get3A_488 = vector.shape_cast %get3A_487 : vector<1x16xf32> to vector<16xf32>
        %mul3A_489 = arith.mulf %gather3A_466, %get3A_488 : vector<16xf32>
        %add3A_490 = arith.addf %scan3A_444, %mul3A_489 : vector<16xf32>
        %add3A_491 = arith.constant 32 : i32
        %add3A_492 = arith.addi %add3A_491, %scan3A_441 : i32
        %get3A_493 = arith.index_cast %add3A_492 : i32 to index
        %get3A_494 = arith.constant 48 : index
        %get3A_495 = tpu.vector_load %arg8[%get3A_493, %get3A_494] {strides = array<i32>} : memref<128x384xf32, #tpu.memory_space<vmem>>, vector<1x16xf32>,
        %get3A_496 = vector.shape_cast %get3A_495 : vector<1x16xf32> to vector<16xf32>
        %mul3A_497 = arith.mulf %gather3A_466, %get3A_496 : vector<16xf32>
        %add3A_498 = arith.addf %scan3A_445, %mul3A_497 : vector<16xf32>
        %broadcast_in_dim3A_499 = arith.constant 1 : i32
        %broadcast_in_dim3A_500 = vector.broadcast %broadcast_in_dim3A_499 : i32 to vector<16x1xi32>
        %gather3A_501 = vector.shape_cast %broadcast_in_dim3A_500 : vector<16x1xi32> to vector<16xi32>
        %gather3A_502 = tpu.dynamic_gather %mul3A_463[%gather3A_501] in [0] : vector<16xf32>, vector<16xi32> -> vector<16xf32>
        %add3A_503 = arith.constant 32 : i32
        %add3A_504 = arith.addi %add3A_503, %scan3A_441 : i32
        %get3A_505 = arith.index_cast %add3A_504 : i32 to index
        %get3A_506 = arith.constant 64 : index
        %get3A_507 = tpu.vector_load %arg8[%get3A_505, %get3A_506] {strides = array<i32>} : memref<128x384xf32, #tpu.memory_space<vmem>>, vector<1x16xf32>,
        %get3A_508 = vector.shape_cast %get3A_507 : vector<1x16xf32> to vector<16xf32>
        %mul3A_509 = arith.mulf %gather3A_502, %get3A_508 : vector<16xf32>
        %add3A_510 = arith.addf %scan3A_446, %mul3A_509 : vector<16xf32>
        %add3A_511 = arith.constant 32 : i32
        %add3A_512 = arith.addi %add3A_511, %scan3A_441 : i32
        %get3A_513 = arith.index_cast %add3A_512 : i32 to index
        %get3A_514 = arith.constant 80 : index
        %get3A_515 = tpu.vector_load %arg8[%get3A_513, %get3A_514] {strides = array<i32>} : memref<128x384xf32, #tpu.memory_space<vmem>>, vector<1x16xf32>,
        %get3A_516 = vector.shape_cast %get3A_515 : vector<1x16xf32> to vector<16xf32>
        %mul3A_517 = arith.mulf %gather3A_502, %get3A_516 : vector<16xf32>
        %add3A_518 = arith.addf %scan3A_447, %mul3A_517 : vector<16xf32>
        %add3A_519 = arith.constant 32 : i32
        %add3A_520 = arith.addi %add3A_519, %scan3A_441 : i32
        %get3A_521 = arith.index_cast %add3A_520 : i32 to index
        %get3A_522 = arith.constant 96 : index
        %get3A_523 = tpu.vector_load %arg8[%get3A_521, %get3A_522] {strides = array<i32>} : memref<128x384xf32, #tpu.memory_space<vmem>>, vector<1x16xf32>,
        %get3A_524 = vector.shape_cast %get3A_523 : vector<1x16xf32> to vector<16xf32>
        %mul3A_525 = arith.mulf %gather3A_502, %get3A_524 : vector<16xf32>
        %add3A_526 = arith.addf %scan3A_448, %mul3A_525 : vector<16xf32>
        %add3A_527 = arith.constant 32 : i32
        %add3A_528 = arith.addi %add3A_527, %scan3A_441 : i32
        %get3A_529 = arith.index_cast %add3A_528 : i32 to index
        %get3A_530 = arith.constant 112 : index
        %get3A_531 = tpu.vector_load %arg8[%get3A_529, %get3A_530] {strides = array<i32>} : memref<128x384xf32, #tpu.memory_space<vmem>>, vector<1x16xf32>,
        %get3A_532 = vector.shape_cast %get3A_531 : vector<1x16xf32> to vector<16xf32>
        %mul3A_533 = arith.mulf %gather3A_502, %get3A_532 : vector<16xf32>
        %add3A_534 = arith.addf %scan3A_449, %mul3A_533 : vector<16xf32>
        %broadcast_in_dim3A_535 = arith.constant 2 : i32
        %broadcast_in_dim3A_536 = vector.broadcast %broadcast_in_dim3A_535 : i32 to vector<16x1xi32>
        %gather3A_537 = vector.shape_cast %broadcast_in_dim3A_536 : vector<16x1xi32> to vector<16xi32>
        %gather3A_538 = tpu.dynamic_gather %mul3A_463[%gather3A_537] in [0] : vector<16xf32>, vector<16xi32> -> vector<16xf32>
        %add3A_539 = arith.constant 32 : i32
        %add3A_540 = arith.addi %add3A_539, %scan3A_441 : i32
        %get3A_541 = arith.index_cast %add3A_540 : i32 to index
        %get3A_542 = arith.constant 128 : index
        %get3A_543 = tpu.vector_load %arg8[%get3A_541, %get3A_542] {strides = array<i32>} : memref<128x384xf32, #tpu.memory_space<vmem>>, vector<1x16xf32>,
        %get3A_544 = vector.shape_cast %get3A_543 : vector<1x16xf32> to vector<16xf32>
        %mul3A_545 = arith.mulf %gather3A_538, %get3A_544 : vector<16xf32>
        %add3A_546 = arith.addf %scan3A_450, %mul3A_545 : vector<16xf32>
        %add3A_547 = arith.constant 32 : i32
        %add3A_548 = arith.addi %add3A_547, %scan3A_441 : i32
        %get3A_549 = arith.index_cast %add3A_548 : i32 to index
        %get3A_550 = arith.constant 144 : index
        %get3A_551 = tpu.vector_load %arg8[%get3A_549, %get3A_550] {strides = array<i32>} : memref<128x384xf32, #tpu.memory_space<vmem>>, vector<1x16xf32>,
        %get3A_552 = vector.shape_cast %get3A_551 : vector<1x16xf32> to vector<16xf32>
        %mul3A_553 = arith.mulf %gather3A_538, %get3A_552 : vector<16xf32>
        %add3A_554 = arith.addf %scan3A_451, %mul3A_553 : vector<16xf32>
        %add3A_555 = arith.constant 32 : i32
        %add3A_556 = arith.addi %add3A_555, %scan3A_441 : i32
        %get3A_557 = arith.index_cast %add3A_556 : i32 to index
        %get3A_558 = arith.constant 160 : index
        %get3A_559 = tpu.vector_load %arg8[%get3A_557, %get3A_558] {strides = array<i32>} : memref<128x384xf32, #tpu.memory_space<vmem>>, vector<1x16xf32>,
        %get3A_560 = vector.shape_cast %get3A_559 : vector<1x16xf32> to vector<16xf32>
        %mul3A_561 = arith.mulf %gather3A_538, %get3A_560 : vector<16xf32>
        %add3A_562 = arith.addf %scan3A_452, %mul3A_561 : vector<16xf32>
        %add3A_563 = arith.constant 32 : i32
        %add3A_564 = arith.addi %add3A_563, %scan3A_441 : i32
        %get3A_565 = arith.index_cast %add3A_564 : i32 to index
        %get3A_566 = arith.constant 176 : index
        %get3A_567 = tpu.vector_load %arg8[%get3A_565, %get3A_566] {strides = array<i32>} : memref<128x384xf32, #tpu.memory_space<vmem>>, vector<1x16xf32>,
        %get3A_568 = vector.shape_cast %get3A_567 : vector<1x16xf32> to vector<16xf32>
        %mul3A_569 = arith.mulf %gather3A_538, %get3A_568 : vector<16xf32>
        %add3A_570 = arith.addf %scan3A_453, %mul3A_569 : vector<16xf32>
        %broadcast_in_dim3A_571 = arith.constant 3 : i32
        %broadcast_in_dim3A_572 = vector.broadcast %broadcast_in_dim3A_571 : i32 to vector<16x1xi32>
        %gather3A_573 = vector.shape_cast %broadcast_in_dim3A_572 : vector<16x1xi32> to vector<16xi32>
        %gather3A_574 = tpu.dynamic_gather %mul3A_463[%gather3A_573] in [0] : vector<16xf32>, vector<16xi32> -> vector<16xf32>
        %add3A_575 = arith.constant 32 : i32
        %add3A_576 = arith.addi %add3A_575, %scan3A_441 : i32
        %get3A_577 = arith.index_cast %add3A_576 : i32 to index
        %get3A_578 = arith.constant 192 : index
        %get3A_579 = tpu.vector_load %arg8[%get3A_577, %get3A_578] {strides = array<i32>} : memref<128x384xf32, #tpu.memory_space<vmem>>, vector<1x16xf32>,
        %get3A_580 = vector.shape_cast %get3A_579 : vector<1x16xf32> to vector<16xf32>
        %mul3A_581 = arith.mulf %gather3A_574, %get3A_580 : vector<16xf32>
        %add3A_582 = arith.addf %scan3A_454, %mul3A_581 : vector<16xf32>
        %add3A_583 = arith.constant 32 : i32
        %add3A_584 = arith.addi %add3A_583, %scan3A_441 : i32
        %get3A_585 = arith.index_cast %add3A_584 : i32 to index
        %get3A_586 = arith.constant 208 : index
        %get3A_587 = tpu.vector_load %arg8[%get3A_585, %get3A_586] {strides = array<i32>} : memref<128x384xf32, #tpu.memory_space<vmem>>, vector<1x16xf32>,
        %get3A_588 = vector.shape_cast %get3A_587 : vector<1x16xf32> to vector<16xf32>
        %mul3A_589 = arith.mulf %gather3A_574, %get3A_588 : vector<16xf32>
        %add3A_590 = arith.addf %scan3A_455, %mul3A_589 : vector<16xf32>
        %add3A_591 = arith.constant 32 : i32
        %add3A_592 = arith.addi %add3A_591, %scan3A_441 : i32
        %get3A_593 = arith.index_cast %add3A_592 : i32 to index
        %get3A_594 = arith.constant 224 : index
        %get3A_595 = tpu.vector_load %arg8[%get3A_593, %get3A_594] {strides = array<i32>} : memref<128x384xf32, #tpu.memory_space<vmem>>, vector<1x16xf32>,
        %get3A_596 = vector.shape_cast %get3A_595 : vector<1x16xf32> to vector<16xf32>
        %mul3A_597 = arith.mulf %gather3A_574, %get3A_596 : vector<16xf32>
        %add3A_598 = arith.addf %scan3A_456, %mul3A_597 : vector<16xf32>
        %add3A_599 = arith.constant 32 : i32
        %add3A_600 = arith.addi %add3A_599, %scan3A_441 : i32
        %get3A_601 = arith.index_cast %add3A_600 : i32 to index
        %get3A_602 = arith.constant 240 : index
        %get3A_603 = tpu.vector_load %arg8[%get3A_601, %get3A_602] {strides = array<i32>} : memref<128x384xf32, #tpu.memory_space<vmem>>, vector<1x16xf32>,
        %get3A_604 = vector.shape_cast %get3A_603 : vector<1x16xf32> to vector<16xf32>
        %mul3A_605 = arith.mulf %gather3A_574, %get3A_604 : vector<16xf32>
        %add3A_606 = arith.addf %scan3A_457, %mul3A_605 : vector<16xf32>
        scf.yield %add3A_474, %add3A_482, %add3A_490, %add3A_498, %add3A_510, %add3A_518, %add3A_526, %add3A_534, %add3A_546, %add3A_554, %add3A_562, %add3A_570, %add3A_582, %add3A_590, %add3A_598, %add3A_606 : vector<16xf32>, vector<16xf32>, vector<16xf32>, vector<16xf32>, vector<16xf32>, vector<16xf32>, vector<16xf32>, vector<16xf32>, vector<16xf32>, vector<16xf32>, vector<16xf32>, vector<16xf32>, vector<16xf32>, vector<16xf32>, vector<16xf32>, vector<16xf32>
      }
      %scan3A_162 = arith.constant 32 : i32
      %swap3A_163 = arith.constant 256 : index
      %swap3A_164 = tpu.vector_load %arg10[%swap3A_163] {strides = array<i32>} : memref<1024xf32, #tpu.memory_space<vmem>>, vector<16xf32>,
      %swap3A_165 = vector.shape_cast %swap3A_164 : vector<16xf32> to vector<16xf32>
      %swap3A_166 = vector.shape_cast %scan3A_161#0 : vector<16xf32> to vector<16xf32>
      tpu.vector_store %arg10[%swap3A_163], %swap3A_166 {strides = array<i32>} : memref<1024xf32, #tpu.memory_space<vmem>>, vector<16xf32>,
      %swap3A_167 = arith.constant 272 : index
      %swap3A_168 = tpu.vector_load %arg10[%swap3A_167] {strides = array<i32>} : memref<1024xf32, #tpu.memory_space<vmem>>, vector<16xf32>,
      %swap3A_169 = vector.shape_cast %swap3A_168 : vector<16xf32> to vector<16xf32>
      %swap3A_170 = vector.shape_cast %scan3A_161#1 : vector<16xf32> to vector<16xf32>
      tpu.vector_store %arg10[%swap3A_167], %swap3A_170 {strides = array<i32>} : memref<1024xf32, #tpu.memory_space<vmem>>, vector<16xf32>,
      %swap3A_171 = arith.constant 288 : index
      %swap3A_172 = tpu.vector_load %arg10[%swap3A_171] {strides = array<i32>} : memref<1024xf32, #tpu.memory_space<vmem>>, vector<16xf32>,
      %swap3A_173 = vector.shape_cast %swap3A_172 : vector<16xf32> to vector<16xf32>
      %swap3A_174 = vector.shape_cast %scan3A_161#2 : vector<16xf32> to vector<16xf32>
      tpu.vector_store %arg10[%swap3A_171], %swap3A_174 {strides = array<i32>} : memref<1024xf32, #tpu.memory_space<vmem>>, vector<16xf32>,
      %swap3A_175 = arith.constant 304 : index
      %swap3A_176 = tpu.vector_load %arg10[%swap3A_175] {strides = array<i32>} : memref<1024xf32, #tpu.memory_space<vmem>>, vector<16xf32>,
      %swap3A_177 = vector.shape_cast %swap3A_176 : vector<16xf32> to vector<16xf32>
      %swap3A_178 = vector.shape_cast %scan3A_161#3 : vector<16xf32> to vector<16xf32>
      tpu.vector_store %arg10[%swap3A_175], %swap3A_178 {strides = array<i32>} : memref<1024xf32, #tpu.memory_space<vmem>>, vector<16xf32>,
      %swap3A_179 = arith.constant 320 : index
      %swap3A_180 = tpu.vector_load %arg10[%swap3A_179] {strides = array<i32>} : memref<1024xf32, #tpu.memory_space<vmem>>, vector<16xf32>,
      %swap3A_181 = vector.shape_cast %swap3A_180 : vector<16xf32> to vector<16xf32>
      %swap3A_182 = vector.shape_cast %scan3A_161#4 : vector<16xf32> to vector<16xf32>
      tpu.vector_store %arg10[%swap3A_179], %swap3A_182 {strides = array<i32>} : memref<1024xf32, #tpu.memory_space<vmem>>, vector<16xf32>,
      %swap3A_183 = arith.constant 336 : index
      %swap3A_184 = tpu.vector_load %arg10[%swap3A_183] {strides = array<i32>} : memref<1024xf32, #tpu.memory_space<vmem>>, vector<16xf32>,
      %swap3A_185 = vector.shape_cast %swap3A_184 : vector<16xf32> to vector<16xf32>
      %swap3A_186 = vector.shape_cast %scan3A_161#5 : vector<16xf32> to vector<16xf32>
      tpu.vector_store %arg10[%swap3A_183], %swap3A_186 {strides = array<i32>} : memref<1024xf32, #tpu.memory_space<vmem>>, vector<16xf32>,
      %swap3A_187 = arith.constant 352 : index
      %swap3A_188 = tpu.vector_load %arg10[%swap3A_187] {strides = array<i32>} : memref<1024xf32, #tpu.memory_space<vmem>>, vector<16xf32>,
      %swap3A_189 = vector.shape_cast %swap3A_188 : vector<16xf32> to vector<16xf32>
      %swap3A_190 = vector.shape_cast %scan3A_161#6 : vector<16xf32> to vector<16xf32>
      tpu.vector_store %arg10[%swap3A_187], %swap3A_190 {strides = array<i32>} : memref<1024xf32, #tpu.memory_space<vmem>>, vector<16xf32>,
      %swap3A_191 = arith.constant 368 : index
      %swap3A_192 = tpu.vector_load %arg10[%swap3A_191] {strides = array<i32>} : memref<1024xf32, #tpu.memory_space<vmem>>, vector<16xf32>,
      %swap3A_193 = vector.shape_cast %swap3A_192 : vector<16xf32> to vector<16xf32>
      %swap3A_194 = vector.shape_cast %scan3A_161#7 : vector<16xf32> to vector<16xf32>
      tpu.vector_store %arg10[%swap3A_191], %swap3A_194 {strides = array<i32>} : memref<1024xf32, #tpu.memory_space<vmem>>, vector<16xf32>,
      %swap3A_195 = arith.constant 384 : index
      %swap3A_196 = tpu.vector_load %arg10[%swap3A_195] {strides = array<i32>} : memref<1024xf32, #tpu.memory_space<vmem>>, vector<16xf32>,
      %swap3A_197 = vector.shape_cast %swap3A_196 : vector<16xf32> to vector<16xf32>
      %swap3A_198 = vector.shape_cast %scan3A_161#8 : vector<16xf32> to vector<16xf32>
      tpu.vector_store %arg10[%swap3A_195], %swap3A_198 {strides = array<i32>} : memref<1024xf32, #tpu.memory_space<vmem>>, vector<16xf32>,
      %swap3A_199 = arith.constant 400 : index
      %swap3A_200 = tpu.vector_load %arg10[%swap3A_199] {strides = array<i32>} : memref<1024xf32, #tpu.memory_space<vmem>>, vector<16xf32>,
      %swap3A_201 = vector.shape_cast %swap3A_200 : vector<16xf32> to vector<16xf32>
      %swap3A_202 = vector.shape_cast %scan3A_161#9 : vector<16xf32> to vector<16xf32>
      tpu.vector_store %arg10[%swap3A_199], %swap3A_202 {strides = array<i32>} : memref<1024xf32, #tpu.memory_space<vmem>>, vector<16xf32>,
      %swap3A_203 = arith.constant 416 : index
      %swap3A_204 = tpu.vector_load %arg10[%swap3A_203] {strides = array<i32>} : memref<1024xf32, #tpu.memory_space<vmem>>, vector<16xf32>,
      %swap3A_205 = vector.shape_cast %swap3A_204 : vector<16xf32> to vector<16xf32>
      %swap3A_206 = vector.shape_cast %scan3A_161#10 : vector<16xf32> to vector<16xf32>
      tpu.vector_store %arg10[%swap3A_203], %swap3A_206 {strides = array<i32>} : memref<1024xf32, #tpu.memory_space<vmem>>, vector<16xf32>,
      %swap3A_207 = arith.constant 432 : index
      %swap3A_208 = tpu.vector_load %arg10[%swap3A_207] {strides = array<i32>} : memref<1024xf32, #tpu.memory_space<vmem>>, vector<16xf32>,
      %swap3A_209 = vector.shape_cast %swap3A_208 : vector<16xf32> to vector<16xf32>
      %swap3A_210 = vector.shape_cast %scan3A_161#11 : vector<16xf32> to vector<16xf32>
      tpu.vector_store %arg10[%swap3A_207], %swap3A_210 {strides = array<i32>} : memref<1024xf32, #tpu.memory_space<vmem>>, vector<16xf32>,
      %swap3A_211 = arith.constant 448 : index
      %swap3A_212 = tpu.vector_load %arg10[%swap3A_211] {strides = array<i32>} : memref<1024xf32, #tpu.memory_space<vmem>>, vector<16xf32>,
      %swap3A_213 = vector.shape_cast %swap3A_212 : vector<16xf32> to vector<16xf32>
      %swap3A_214 = vector.shape_cast %scan3A_161#12 : vector<16xf32> to vector<16xf32>
      tpu.vector_store %arg10[%swap3A_211], %swap3A_214 {strides = array<i32>} : memref<1024xf32, #tpu.memory_space<vmem>>, vector<16xf32>,
      %swap3A_215 = arith.constant 464 : index
      %swap3A_216 = tpu.vector_load %arg10[%swap3A_215] {strides = array<i32>} : memref<1024xf32, #tpu.memory_space<vmem>>, vector<16xf32>,
      %swap3A_217 = vector.shape_cast %swap3A_216 : vector<16xf32> to vector<16xf32>
      %swap3A_218 = vector.shape_cast %scan3A_161#13 : vector<16xf32> to vector<16xf32>
      tpu.vector_store %arg10[%swap3A_215], %swap3A_218 {strides = array<i32>} : memref<1024xf32, #tpu.memory_space<vmem>>, vector<16xf32>,
      %swap3A_219 = arith.constant 480 : index
      %swap3A_220 = tpu.vector_load %arg10[%swap3A_219] {strides = array<i32>} : memref<1024xf32, #tpu.memory_space<vmem>>, vector<16xf32>,
      %swap3A_221 = vector.shape_cast %swap3A_220 : vector<16xf32> to vector<16xf32>
      %swap3A_222 = vector.shape_cast %scan3A_161#14 : vector<16xf32> to vector<16xf32>
      tpu.vector_store %arg10[%swap3A_219], %swap3A_222 {strides = array<i32>} : memref<1024xf32, #tpu.memory_space<vmem>>, vector<16xf32>,
      %swap3A_223 = arith.constant 496 : index
      %swap3A_224 = tpu.vector_load %arg10[%swap3A_223] {strides = array<i32>} : memref<1024xf32, #tpu.memory_space<vmem>>, vector<16xf32>,
      %swap3A_225 = vector.shape_cast %swap3A_224 : vector<16xf32> to vector<16xf32>
      %swap3A_226 = vector.shape_cast %scan3A_161#15 : vector<16xf32> to vector<16xf32>
      tpu.vector_store %arg10[%swap3A_223], %swap3A_226 {strides = array<i32>} : memref<1024xf32, #tpu.memory_space<vmem>>, vector<16xf32>,
      %mul3A_227 = arith.constant 4 : i32
      %mul3A_228 = arith.muli %scan3A_15, %mul3A_227 : i32
      %add3A_229 = arith.constant 2 : i32
      %add3A_230 = arith.addi %mul3A_228, %add3A_229 : i32
      %mul3A_231 = arith.constant 16 : i32
      %mul3A_232 = arith.muli %add3A_230, %mul3A_231 : i32
      %get3A_233 = arith.index_cast %mul3A_232 : i32 to index
      %get3A_234 = tpu.vector_load %arg7[%get3A_233] {strides = array<i32>} : memref<5120xf32, #tpu.memory_space<vmem>>, vector<16xf32>,
      %get3A_235 = vector.shape_cast %get3A_234 : vector<16xf32> to vector<16xf32>
      %broadcast_in_dim3A_236 = arith.constant -3.000000e+38 : f32
      %broadcast_in_dim3A_237 = vector.broadcast %broadcast_in_dim3A_236 : f32 to vector<16xf32>
      %scan3A_238 = arith.constant 0 : i32
      %scan3A_239 = arith.constant 32 : i32
      %scan3A_240 = arith.addi %scan3A_238, %scan3A_239 : i32
      %scan3A_241 = arith.constant 1 : i32
      %scan3A_242 = scf.for %scan3A_441 = %scan3A_238 to %scan3A_240 step %scan3A_241 iter_args(%scan3A_442 = %broadcast_in_dim3A_237) -> (vector<16xf32>)  : i32 {
        %add3A_443 = arith.constant 64 : i32
        %add3A_444 = arith.addi %add3A_443, %scan3A_441 : i32
        %get3A_445 = arith.index_cast %add3A_444 : i32 to index
        %get3A_446 = arith.constant 256 : index
        %get3A_447 = tpu.vector_load %arg8[%get3A_445, %get3A_446] {strides = array<i32>} : memref<128x384xf32, #tpu.memory_space<vmem>>, vector<1x16xf32>,
        %get3A_448 = vector.shape_cast %get3A_447 : vector<1x16xf32> to vector<16xf32>
        %add3A_449 = arith.addf %get3A_235, %get3A_448 : vector<16xf32>
        %gt3A = arith.constant 0.000000e+00 : f32
        %gt3A_450 = vector.broadcast %gt3A : f32 to vector<16xf32>
        %gt3A_451 = arith.cmpf ogt, %add3A_449, %gt3A_450 : vector<16xf32>
        %mul3A_452 = arith.constant 2.000000e-01 : f32
        %mul3A_453 = vector.broadcast %mul3A_452 : f32 to vector<16xf32>
        %mul3A_454 = arith.mulf %mul3A_453, %add3A_449 : vector<16xf32>
        %select_n3A = arith.select %gt3A_451, %add3A_449, %mul3A_454 : vector<16xi1>, vector<16xf32>
        %mul3A_455 = arith.constant 16 : i32
        %mul3A_456 = arith.muli %scan3A_441, %mul3A_455 : i32
        %swap3A_457 = arith.index_cast %mul3A_456 : i32 to index
        %swap3A_458 = tpu.vector_load %arg9[%swap3A_457] {strides = array<i32>} : memref<512xf32, #tpu.memory_space<vmem>>, vector<16xf32>,
        %swap3A_459 = vector.shape_cast %swap3A_458 : vector<16xf32> to vector<16xf32>
        %swap3A_460 = vector.shape_cast %select_n3A : vector<16xf32> to vector<16xf32>
        tpu.vector_store %arg9[%swap3A_457], %swap3A_460 {strides = array<i32>} : memref<512xf32, #tpu.memory_space<vmem>>, vector<16xf32>,
        %max3A = arith.maximumf %scan3A_442, %select_n3A : vector<16xf32>
        scf.yield %max3A : vector<16xf32>
      }
      %scan3A_243 = arith.constant 32 : i32
      %broadcast_in_dim3A_244 = arith.constant 0.000000e+00 : f32
      %broadcast_in_dim3A_245 = vector.broadcast %broadcast_in_dim3A_244 : f32 to vector<16xf32>
      %scan3A_246 = arith.constant 0 : i32
      %scan3A_247 = arith.constant 32 : i32
      %scan3A_248 = arith.addi %scan3A_246, %scan3A_247 : i32
      %scan3A_249 = arith.constant 1 : i32
      %scan3A_250 = scf.for %scan3A_441 = %scan3A_246 to %scan3A_248 step %scan3A_249 iter_args(%scan3A_442 = %broadcast_in_dim3A_245) -> (vector<16xf32>)  : i32 {
        %mul3A_443 = arith.constant 16 : i32
        %mul3A_444 = arith.muli %scan3A_441, %mul3A_443 : i32
        %get3A_445 = arith.index_cast %mul3A_444 : i32 to index
        %get3A_446 = tpu.vector_load %arg9[%get3A_445] {strides = array<i32>} : memref<512xf32, #tpu.memory_space<vmem>>, vector<16xf32>,
        %get3A_447 = vector.shape_cast %get3A_446 : vector<16xf32> to vector<16xf32>
        %sub3A = arith.subf %get3A_447, %scan3A_242 : vector<16xf32>
        %exp3A = math.exp %sub3A : vector<16xf32>
        %mul3A_448 = arith.constant 16 : i32
        %mul3A_449 = arith.muli %scan3A_441, %mul3A_448 : i32
        %swap3A_450 = arith.index_cast %mul3A_449 : i32 to index
        %swap3A_451 = tpu.vector_load %arg9[%swap3A_450] {strides = array<i32>} : memref<512xf32, #tpu.memory_space<vmem>>, vector<16xf32>,
        %swap3A_452 = vector.shape_cast %swap3A_451 : vector<16xf32> to vector<16xf32>
        %swap3A_453 = vector.shape_cast %exp3A : vector<16xf32> to vector<16xf32>
        tpu.vector_store %arg9[%swap3A_450], %swap3A_453 {strides = array<i32>} : memref<512xf32, #tpu.memory_space<vmem>>, vector<16xf32>,
        %add3A_454 = arith.addf %scan3A_442, %exp3A : vector<16xf32>
        scf.yield %add3A_454 : vector<16xf32>
      }
      %scan3A_251 = arith.constant 32 : i32
      %add3A_252 = arith.constant 1.000000e-16 : f32
      %add3A_253 = vector.broadcast %add3A_252 : f32 to vector<16xf32>
      %add3A_254 = arith.addf %scan3A_250, %add3A_253 : vector<16xf32>
      %div3A_255 = arith.constant 1.000000e+00 : f32
      %div3A_256 = vector.broadcast %div3A_255 : f32 to vector<16xf32>
      %div3A_257 = arith.divf %div3A_256, %add3A_254 : vector<16xf32>
      %broadcast_in_dim3A_258 = arith.constant 0.000000e+00 : f32
      %broadcast_in_dim3A_259 = vector.broadcast %broadcast_in_dim3A_258 : f32 to vector<16xf32>
      %scan3A_260 = arith.constant 0 : i32
      %scan3A_261 = arith.constant 32 : i32
      %scan3A_262 = arith.addi %scan3A_260, %scan3A_261 : i32
      %scan3A_263 = arith.constant 1 : i32
      %scan3A_264:16 = scf.for %scan3A_441 = %scan3A_260 to %scan3A_262 step %scan3A_263 iter_args(%scan3A_442 = %broadcast_in_dim3A_259, %scan3A_443 = %broadcast_in_dim3A_259, %scan3A_444 = %broadcast_in_dim3A_259, %scan3A_445 = %broadcast_in_dim3A_259, %scan3A_446 = %broadcast_in_dim3A_259, %scan3A_447 = %broadcast_in_dim3A_259, %scan3A_448 = %broadcast_in_dim3A_259, %scan3A_449 = %broadcast_in_dim3A_259, %scan3A_450 = %broadcast_in_dim3A_259, %scan3A_451 = %broadcast_in_dim3A_259, %scan3A_452 = %broadcast_in_dim3A_259, %scan3A_453 = %broadcast_in_dim3A_259, %scan3A_454 = %broadcast_in_dim3A_259, %scan3A_455 = %broadcast_in_dim3A_259, %scan3A_456 = %broadcast_in_dim3A_259, %scan3A_457 = %broadcast_in_dim3A_259) -> (vector<16xf32>, vector<16xf32>, vector<16xf32>, vector<16xf32>, vector<16xf32>, vector<16xf32>, vector<16xf32>, vector<16xf32>, vector<16xf32>, vector<16xf32>, vector<16xf32>, vector<16xf32>, vector<16xf32>, vector<16xf32>, vector<16xf32>, vector<16xf32>)  : i32 {
        %mul3A_458 = arith.constant 16 : i32
        %mul3A_459 = arith.muli %scan3A_441, %mul3A_458 : i32
        %get3A_460 = arith.index_cast %mul3A_459 : i32 to index
        %get3A_461 = tpu.vector_load %arg9[%get3A_460] {strides = array<i32>} : memref<512xf32, #tpu.memory_space<vmem>>, vector<16xf32>,
        %get3A_462 = vector.shape_cast %get3A_461 : vector<16xf32> to vector<16xf32>
        %mul3A_463 = arith.mulf %get3A_462, %div3A_257 : vector<16xf32>
        %broadcast_in_dim3A_464 = arith.constant 0 : i32
        %broadcast_in_dim3A_465 = vector.broadcast %broadcast_in_dim3A_464 : i32 to vector<16x1xi32>
        %gather3A = vector.shape_cast %broadcast_in_dim3A_465 : vector<16x1xi32> to vector<16xi32>
        %gather3A_466 = tpu.dynamic_gather %mul3A_463[%gather3A] in [0] : vector<16xf32>, vector<16xi32> -> vector<16xf32>
        %add3A_467 = arith.constant 64 : i32
        %add3A_468 = arith.addi %add3A_467, %scan3A_441 : i32
        %get3A_469 = arith.index_cast %add3A_468 : i32 to index
        %get3A_470 = arith.constant 0 : index
        %get3A_471 = tpu.vector_load %arg8[%get3A_469, %get3A_470] {strides = array<i32>} : memref<128x384xf32, #tpu.memory_space<vmem>>, vector<1x16xf32>,
        %get3A_472 = vector.shape_cast %get3A_471 : vector<1x16xf32> to vector<16xf32>
        %mul3A_473 = arith.mulf %gather3A_466, %get3A_472 : vector<16xf32>
        %add3A_474 = arith.addf %scan3A_442, %mul3A_473 : vector<16xf32>
        %add3A_475 = arith.constant 64 : i32
        %add3A_476 = arith.addi %add3A_475, %scan3A_441 : i32
        %get3A_477 = arith.index_cast %add3A_476 : i32 to index
        %get3A_478 = arith.constant 16 : index
        %get3A_479 = tpu.vector_load %arg8[%get3A_477, %get3A_478] {strides = array<i32>} : memref<128x384xf32, #tpu.memory_space<vmem>>, vector<1x16xf32>,
        %get3A_480 = vector.shape_cast %get3A_479 : vector<1x16xf32> to vector<16xf32>
        %mul3A_481 = arith.mulf %gather3A_466, %get3A_480 : vector<16xf32>
        %add3A_482 = arith.addf %scan3A_443, %mul3A_481 : vector<16xf32>
        %add3A_483 = arith.constant 64 : i32
        %add3A_484 = arith.addi %add3A_483, %scan3A_441 : i32
        %get3A_485 = arith.index_cast %add3A_484 : i32 to index
        %get3A_486 = arith.constant 32 : index
        %get3A_487 = tpu.vector_load %arg8[%get3A_485, %get3A_486] {strides = array<i32>} : memref<128x384xf32, #tpu.memory_space<vmem>>, vector<1x16xf32>,
        %get3A_488 = vector.shape_cast %get3A_487 : vector<1x16xf32> to vector<16xf32>
        %mul3A_489 = arith.mulf %gather3A_466, %get3A_488 : vector<16xf32>
        %add3A_490 = arith.addf %scan3A_444, %mul3A_489 : vector<16xf32>
        %add3A_491 = arith.constant 64 : i32
        %add3A_492 = arith.addi %add3A_491, %scan3A_441 : i32
        %get3A_493 = arith.index_cast %add3A_492 : i32 to index
        %get3A_494 = arith.constant 48 : index
        %get3A_495 = tpu.vector_load %arg8[%get3A_493, %get3A_494] {strides = array<i32>} : memref<128x384xf32, #tpu.memory_space<vmem>>, vector<1x16xf32>,
        %get3A_496 = vector.shape_cast %get3A_495 : vector<1x16xf32> to vector<16xf32>
        %mul3A_497 = arith.mulf %gather3A_466, %get3A_496 : vector<16xf32>
        %add3A_498 = arith.addf %scan3A_445, %mul3A_497 : vector<16xf32>
        %broadcast_in_dim3A_499 = arith.constant 1 : i32
        %broadcast_in_dim3A_500 = vector.broadcast %broadcast_in_dim3A_499 : i32 to vector<16x1xi32>
        %gather3A_501 = vector.shape_cast %broadcast_in_dim3A_500 : vector<16x1xi32> to vector<16xi32>
        %gather3A_502 = tpu.dynamic_gather %mul3A_463[%gather3A_501] in [0] : vector<16xf32>, vector<16xi32> -> vector<16xf32>
        %add3A_503 = arith.constant 64 : i32
        %add3A_504 = arith.addi %add3A_503, %scan3A_441 : i32
        %get3A_505 = arith.index_cast %add3A_504 : i32 to index
        %get3A_506 = arith.constant 64 : index
        %get3A_507 = tpu.vector_load %arg8[%get3A_505, %get3A_506] {strides = array<i32>} : memref<128x384xf32, #tpu.memory_space<vmem>>, vector<1x16xf32>,
        %get3A_508 = vector.shape_cast %get3A_507 : vector<1x16xf32> to vector<16xf32>
        %mul3A_509 = arith.mulf %gather3A_502, %get3A_508 : vector<16xf32>
        %add3A_510 = arith.addf %scan3A_446, %mul3A_509 : vector<16xf32>
        %add3A_511 = arith.constant 64 : i32
        %add3A_512 = arith.addi %add3A_511, %scan3A_441 : i32
        %get3A_513 = arith.index_cast %add3A_512 : i32 to index
        %get3A_514 = arith.constant 80 : index
        %get3A_515 = tpu.vector_load %arg8[%get3A_513, %get3A_514] {strides = array<i32>} : memref<128x384xf32, #tpu.memory_space<vmem>>, vector<1x16xf32>,
        %get3A_516 = vector.shape_cast %get3A_515 : vector<1x16xf32> to vector<16xf32>
        %mul3A_517 = arith.mulf %gather3A_502, %get3A_516 : vector<16xf32>
        %add3A_518 = arith.addf %scan3A_447, %mul3A_517 : vector<16xf32>
        %add3A_519 = arith.constant 64 : i32
        %add3A_520 = arith.addi %add3A_519, %scan3A_441 : i32
        %get3A_521 = arith.index_cast %add3A_520 : i32 to index
        %get3A_522 = arith.constant 96 : index
        %get3A_523 = tpu.vector_load %arg8[%get3A_521, %get3A_522] {strides = array<i32>} : memref<128x384xf32, #tpu.memory_space<vmem>>, vector<1x16xf32>,
        %get3A_524 = vector.shape_cast %get3A_523 : vector<1x16xf32> to vector<16xf32>
        %mul3A_525 = arith.mulf %gather3A_502, %get3A_524 : vector<16xf32>
        %add3A_526 = arith.addf %scan3A_448, %mul3A_525 : vector<16xf32>
        %add3A_527 = arith.constant 64 : i32
        %add3A_528 = arith.addi %add3A_527, %scan3A_441 : i32
        %get3A_529 = arith.index_cast %add3A_528 : i32 to index
        %get3A_530 = arith.constant 112 : index
        %get3A_531 = tpu.vector_load %arg8[%get3A_529, %get3A_530] {strides = array<i32>} : memref<128x384xf32, #tpu.memory_space<vmem>>, vector<1x16xf32>,
        %get3A_532 = vector.shape_cast %get3A_531 : vector<1x16xf32> to vector<16xf32>
        %mul3A_533 = arith.mulf %gather3A_502, %get3A_532 : vector<16xf32>
        %add3A_534 = arith.addf %scan3A_449, %mul3A_533 : vector<16xf32>
        %broadcast_in_dim3A_535 = arith.constant 2 : i32
        %broadcast_in_dim3A_536 = vector.broadcast %broadcast_in_dim3A_535 : i32 to vector<16x1xi32>
        %gather3A_537 = vector.shape_cast %broadcast_in_dim3A_536 : vector<16x1xi32> to vector<16xi32>
        %gather3A_538 = tpu.dynamic_gather %mul3A_463[%gather3A_537] in [0] : vector<16xf32>, vector<16xi32> -> vector<16xf32>
        %add3A_539 = arith.constant 64 : i32
        %add3A_540 = arith.addi %add3A_539, %scan3A_441 : i32
        %get3A_541 = arith.index_cast %add3A_540 : i32 to index
        %get3A_542 = arith.constant 128 : index
        %get3A_543 = tpu.vector_load %arg8[%get3A_541, %get3A_542] {strides = array<i32>} : memref<128x384xf32, #tpu.memory_space<vmem>>, vector<1x16xf32>,
        %get3A_544 = vector.shape_cast %get3A_543 : vector<1x16xf32> to vector<16xf32>
        %mul3A_545 = arith.mulf %gather3A_538, %get3A_544 : vector<16xf32>
        %add3A_546 = arith.addf %scan3A_450, %mul3A_545 : vector<16xf32>
        %add3A_547 = arith.constant 64 : i32
        %add3A_548 = arith.addi %add3A_547, %scan3A_441 : i32
        %get3A_549 = arith.index_cast %add3A_548 : i32 to index
        %get3A_550 = arith.constant 144 : index
        %get3A_551 = tpu.vector_load %arg8[%get3A_549, %get3A_550] {strides = array<i32>} : memref<128x384xf32, #tpu.memory_space<vmem>>, vector<1x16xf32>,
        %get3A_552 = vector.shape_cast %get3A_551 : vector<1x16xf32> to vector<16xf32>
        %mul3A_553 = arith.mulf %gather3A_538, %get3A_552 : vector<16xf32>
        %add3A_554 = arith.addf %scan3A_451, %mul3A_553 : vector<16xf32>
        %add3A_555 = arith.constant 64 : i32
        %add3A_556 = arith.addi %add3A_555, %scan3A_441 : i32
        %get3A_557 = arith.index_cast %add3A_556 : i32 to index
        %get3A_558 = arith.constant 160 : index
        %get3A_559 = tpu.vector_load %arg8[%get3A_557, %get3A_558] {strides = array<i32>} : memref<128x384xf32, #tpu.memory_space<vmem>>, vector<1x16xf32>,
        %get3A_560 = vector.shape_cast %get3A_559 : vector<1x16xf32> to vector<16xf32>
        %mul3A_561 = arith.mulf %gather3A_538, %get3A_560 : vector<16xf32>
        %add3A_562 = arith.addf %scan3A_452, %mul3A_561 : vector<16xf32>
        %add3A_563 = arith.constant 64 : i32
        %add3A_564 = arith.addi %add3A_563, %scan3A_441 : i32
        %get3A_565 = arith.index_cast %add3A_564 : i32 to index
        %get3A_566 = arith.constant 176 : index
        %get3A_567 = tpu.vector_load %arg8[%get3A_565, %get3A_566] {strides = array<i32>} : memref<128x384xf32, #tpu.memory_space<vmem>>, vector<1x16xf32>,
        %get3A_568 = vector.shape_cast %get3A_567 : vector<1x16xf32> to vector<16xf32>
        %mul3A_569 = arith.mulf %gather3A_538, %get3A_568 : vector<16xf32>
        %add3A_570 = arith.addf %scan3A_453, %mul3A_569 : vector<16xf32>
        %broadcast_in_dim3A_571 = arith.constant 3 : i32
        %broadcast_in_dim3A_572 = vector.broadcast %broadcast_in_dim3A_571 : i32 to vector<16x1xi32>
        %gather3A_573 = vector.shape_cast %broadcast_in_dim3A_572 : vector<16x1xi32> to vector<16xi32>
        %gather3A_574 = tpu.dynamic_gather %mul3A_463[%gather3A_573] in [0] : vector<16xf32>, vector<16xi32> -> vector<16xf32>
        %add3A_575 = arith.constant 64 : i32
        %add3A_576 = arith.addi %add3A_575, %scan3A_441 : i32
        %get3A_577 = arith.index_cast %add3A_576 : i32 to index
        %get3A_578 = arith.constant 192 : index
        %get3A_579 = tpu.vector_load %arg8[%get3A_577, %get3A_578] {strides = array<i32>} : memref<128x384xf32, #tpu.memory_space<vmem>>, vector<1x16xf32>,
        %get3A_580 = vector.shape_cast %get3A_579 : vector<1x16xf32> to vector<16xf32>
        %mul3A_581 = arith.mulf %gather3A_574, %get3A_580 : vector<16xf32>
        %add3A_582 = arith.addf %scan3A_454, %mul3A_581 : vector<16xf32>
        %add3A_583 = arith.constant 64 : i32
        %add3A_584 = arith.addi %add3A_583, %scan3A_441 : i32
        %get3A_585 = arith.index_cast %add3A_584 : i32 to index
        %get3A_586 = arith.constant 208 : index
        %get3A_587 = tpu.vector_load %arg8[%get3A_585, %get3A_586] {strides = array<i32>} : memref<128x384xf32, #tpu.memory_space<vmem>>, vector<1x16xf32>,
        %get3A_588 = vector.shape_cast %get3A_587 : vector<1x16xf32> to vector<16xf32>
        %mul3A_589 = arith.mulf %gather3A_574, %get3A_588 : vector<16xf32>
        %add3A_590 = arith.addf %scan3A_455, %mul3A_589 : vector<16xf32>
        %add3A_591 = arith.constant 64 : i32
        %add3A_592 = arith.addi %add3A_591, %scan3A_441 : i32
        %get3A_593 = arith.index_cast %add3A_592 : i32 to index
        %get3A_594 = arith.constant 224 : index
        %get3A_595 = tpu.vector_load %arg8[%get3A_593, %get3A_594] {strides = array<i32>} : memref<128x384xf32, #tpu.memory_space<vmem>>, vector<1x16xf32>,
        %get3A_596 = vector.shape_cast %get3A_595 : vector<1x16xf32> to vector<16xf32>
        %mul3A_597 = arith.mulf %gather3A_574, %get3A_596 : vector<16xf32>
        %add3A_598 = arith.addf %scan3A_456, %mul3A_597 : vector<16xf32>
        %add3A_599 = arith.constant 64 : i32
        %add3A_600 = arith.addi %add3A_599, %scan3A_441 : i32
        %get3A_601 = arith.index_cast %add3A_600 : i32 to index
        %get3A_602 = arith.constant 240 : index
        %get3A_603 = tpu.vector_load %arg8[%get3A_601, %get3A_602] {strides = array<i32>} : memref<128x384xf32, #tpu.memory_space<vmem>>, vector<1x16xf32>,
        %get3A_604 = vector.shape_cast %get3A_603 : vector<1x16xf32> to vector<16xf32>
        %mul3A_605 = arith.mulf %gather3A_574, %get3A_604 : vector<16xf32>
        %add3A_606 = arith.addf %scan3A_457, %mul3A_605 : vector<16xf32>
        scf.yield %add3A_474, %add3A_482, %add3A_490, %add3A_498, %add3A_510, %add3A_518, %add3A_526, %add3A_534, %add3A_546, %add3A_554, %add3A_562, %add3A_570, %add3A_582, %add3A_590, %add3A_598, %add3A_606 : vector<16xf32>, vector<16xf32>, vector<16xf32>, vector<16xf32>, vector<16xf32>, vector<16xf32>, vector<16xf32>, vector<16xf32>, vector<16xf32>, vector<16xf32>, vector<16xf32>, vector<16xf32>, vector<16xf32>, vector<16xf32>, vector<16xf32>, vector<16xf32>
      }
      %scan3A_265 = arith.constant 32 : i32
      %swap3A_266 = arith.constant 512 : index
      %swap3A_267 = tpu.vector_load %arg10[%swap3A_266] {strides = array<i32>} : memref<1024xf32, #tpu.memory_space<vmem>>, vector<16xf32>,
      %swap3A_268 = vector.shape_cast %swap3A_267 : vector<16xf32> to vector<16xf32>
      %swap3A_269 = vector.shape_cast %scan3A_264#0 : vector<16xf32> to vector<16xf32>
      tpu.vector_store %arg10[%swap3A_266], %swap3A_269 {strides = array<i32>} : memref<1024xf32, #tpu.memory_space<vmem>>, vector<16xf32>,
      %swap3A_270 = arith.constant 528 : index
      %swap3A_271 = tpu.vector_load %arg10[%swap3A_270] {strides = array<i32>} : memref<1024xf32, #tpu.memory_space<vmem>>, vector<16xf32>,
      %swap3A_272 = vector.shape_cast %swap3A_271 : vector<16xf32> to vector<16xf32>
      %swap3A_273 = vector.shape_cast %scan3A_264#1 : vector<16xf32> to vector<16xf32>
      tpu.vector_store %arg10[%swap3A_270], %swap3A_273 {strides = array<i32>} : memref<1024xf32, #tpu.memory_space<vmem>>, vector<16xf32>,
      %swap3A_274 = arith.constant 544 : index
      %swap3A_275 = tpu.vector_load %arg10[%swap3A_274] {strides = array<i32>} : memref<1024xf32, #tpu.memory_space<vmem>>, vector<16xf32>,
      %swap3A_276 = vector.shape_cast %swap3A_275 : vector<16xf32> to vector<16xf32>
      %swap3A_277 = vector.shape_cast %scan3A_264#2 : vector<16xf32> to vector<16xf32>
      tpu.vector_store %arg10[%swap3A_274], %swap3A_277 {strides = array<i32>} : memref<1024xf32, #tpu.memory_space<vmem>>, vector<16xf32>,
      %swap3A_278 = arith.constant 560 : index
      %swap3A_279 = tpu.vector_load %arg10[%swap3A_278] {strides = array<i32>} : memref<1024xf32, #tpu.memory_space<vmem>>, vector<16xf32>,
      %swap3A_280 = vector.shape_cast %swap3A_279 : vector<16xf32> to vector<16xf32>
      %swap3A_281 = vector.shape_cast %scan3A_264#3 : vector<16xf32> to vector<16xf32>
      tpu.vector_store %arg10[%swap3A_278], %swap3A_281 {strides = array<i32>} : memref<1024xf32, #tpu.memory_space<vmem>>, vector<16xf32>,
      %swap3A_282 = arith.constant 576 : index
      %swap3A_283 = tpu.vector_load %arg10[%swap3A_282] {strides = array<i32>} : memref<1024xf32, #tpu.memory_space<vmem>>, vector<16xf32>,
      %swap3A_284 = vector.shape_cast %swap3A_283 : vector<16xf32> to vector<16xf32>
      %swap3A_285 = vector.shape_cast %scan3A_264#4 : vector<16xf32> to vector<16xf32>
      tpu.vector_store %arg10[%swap3A_282], %swap3A_285 {strides = array<i32>} : memref<1024xf32, #tpu.memory_space<vmem>>, vector<16xf32>,
      %swap3A_286 = arith.constant 592 : index
      %swap3A_287 = tpu.vector_load %arg10[%swap3A_286] {strides = array<i32>} : memref<1024xf32, #tpu.memory_space<vmem>>, vector<16xf32>,
      %swap3A_288 = vector.shape_cast %swap3A_287 : vector<16xf32> to vector<16xf32>
      %swap3A_289 = vector.shape_cast %scan3A_264#5 : vector<16xf32> to vector<16xf32>
      tpu.vector_store %arg10[%swap3A_286], %swap3A_289 {strides = array<i32>} : memref<1024xf32, #tpu.memory_space<vmem>>, vector<16xf32>,
      %swap3A_290 = arith.constant 608 : index
      %swap3A_291 = tpu.vector_load %arg10[%swap3A_290] {strides = array<i32>} : memref<1024xf32, #tpu.memory_space<vmem>>, vector<16xf32>,
      %swap3A_292 = vector.shape_cast %swap3A_291 : vector<16xf32> to vector<16xf32>
      %swap3A_293 = vector.shape_cast %scan3A_264#6 : vector<16xf32> to vector<16xf32>
      tpu.vector_store %arg10[%swap3A_290], %swap3A_293 {strides = array<i32>} : memref<1024xf32, #tpu.memory_space<vmem>>, vector<16xf32>,
      %swap3A_294 = arith.constant 624 : index
      %swap3A_295 = tpu.vector_load %arg10[%swap3A_294] {strides = array<i32>} : memref<1024xf32, #tpu.memory_space<vmem>>, vector<16xf32>,
      %swap3A_296 = vector.shape_cast %swap3A_295 : vector<16xf32> to vector<16xf32>
      %swap3A_297 = vector.shape_cast %scan3A_264#7 : vector<16xf32> to vector<16xf32>
      tpu.vector_store %arg10[%swap3A_294], %swap3A_297 {strides = array<i32>} : memref<1024xf32, #tpu.memory_space<vmem>>, vector<16xf32>,
      %swap3A_298 = arith.constant 640 : index
      %swap3A_299 = tpu.vector_load %arg10[%swap3A_298] {strides = array<i32>} : memref<1024xf32, #tpu.memory_space<vmem>>, vector<16xf32>,
      %swap3A_300 = vector.shape_cast %swap3A_299 : vector<16xf32> to vector<16xf32>
      %swap3A_301 = vector.shape_cast %scan3A_264#8 : vector<16xf32> to vector<16xf32>
      tpu.vector_store %arg10[%swap3A_298], %swap3A_301 {strides = array<i32>} : memref<1024xf32, #tpu.memory_space<vmem>>, vector<16xf32>,
      %swap3A_302 = arith.constant 656 : index
      %swap3A_303 = tpu.vector_load %arg10[%swap3A_302] {strides = array<i32>} : memref<1024xf32, #tpu.memory_space<vmem>>, vector<16xf32>,
      %swap3A_304 = vector.shape_cast %swap3A_303 : vector<16xf32> to vector<16xf32>
      %swap3A_305 = vector.shape_cast %scan3A_264#9 : vector<16xf32> to vector<16xf32>
      tpu.vector_store %arg10[%swap3A_302], %swap3A_305 {strides = array<i32>} : memref<1024xf32, #tpu.memory_space<vmem>>, vector<16xf32>,
      %swap3A_306 = arith.constant 672 : index
      %swap3A_307 = tpu.vector_load %arg10[%swap3A_306] {strides = array<i32>} : memref<1024xf32, #tpu.memory_space<vmem>>, vector<16xf32>,
      %swap3A_308 = vector.shape_cast %swap3A_307 : vector<16xf32> to vector<16xf32>
      %swap3A_309 = vector.shape_cast %scan3A_264#10 : vector<16xf32> to vector<16xf32>
      tpu.vector_store %arg10[%swap3A_306], %swap3A_309 {strides = array<i32>} : memref<1024xf32, #tpu.memory_space<vmem>>, vector<16xf32>,
      %swap3A_310 = arith.constant 688 : index
      %swap3A_311 = tpu.vector_load %arg10[%swap3A_310] {strides = array<i32>} : memref<1024xf32, #tpu.memory_space<vmem>>, vector<16xf32>,
      %swap3A_312 = vector.shape_cast %swap3A_311 : vector<16xf32> to vector<16xf32>
      %swap3A_313 = vector.shape_cast %scan3A_264#11 : vector<16xf32> to vector<16xf32>
      tpu.vector_store %arg10[%swap3A_310], %swap3A_313 {strides = array<i32>} : memref<1024xf32, #tpu.memory_space<vmem>>, vector<16xf32>,
      %swap3A_314 = arith.constant 704 : index
      %swap3A_315 = tpu.vector_load %arg10[%swap3A_314] {strides = array<i32>} : memref<1024xf32, #tpu.memory_space<vmem>>, vector<16xf32>,
      %swap3A_316 = vector.shape_cast %swap3A_315 : vector<16xf32> to vector<16xf32>
      %swap3A_317 = vector.shape_cast %scan3A_264#12 : vector<16xf32> to vector<16xf32>
      tpu.vector_store %arg10[%swap3A_314], %swap3A_317 {strides = array<i32>} : memref<1024xf32, #tpu.memory_space<vmem>>, vector<16xf32>,
      %swap3A_318 = arith.constant 720 : index
      %swap3A_319 = tpu.vector_load %arg10[%swap3A_318] {strides = array<i32>} : memref<1024xf32, #tpu.memory_space<vmem>>, vector<16xf32>,
      %swap3A_320 = vector.shape_cast %swap3A_319 : vector<16xf32> to vector<16xf32>
      %swap3A_321 = vector.shape_cast %scan3A_264#13 : vector<16xf32> to vector<16xf32>
      tpu.vector_store %arg10[%swap3A_318], %swap3A_321 {strides = array<i32>} : memref<1024xf32, #tpu.memory_space<vmem>>, vector<16xf32>,
      %swap3A_322 = arith.constant 736 : index
      %swap3A_323 = tpu.vector_load %arg10[%swap3A_322] {strides = array<i32>} : memref<1024xf32, #tpu.memory_space<vmem>>, vector<16xf32>,
      %swap3A_324 = vector.shape_cast %swap3A_323 : vector<16xf32> to vector<16xf32>
      %swap3A_325 = vector.shape_cast %scan3A_264#14 : vector<16xf32> to vector<16xf32>
      tpu.vector_store %arg10[%swap3A_322], %swap3A_325 {strides = array<i32>} : memref<1024xf32, #tpu.memory_space<vmem>>, vector<16xf32>,
      %swap3A_326 = arith.constant 752 : index
      %swap3A_327 = tpu.vector_load %arg10[%swap3A_326] {strides = array<i32>} : memref<1024xf32, #tpu.memory_space<vmem>>, vector<16xf32>,
      %swap3A_328 = vector.shape_cast %swap3A_327 : vector<16xf32> to vector<16xf32>
      %swap3A_329 = vector.shape_cast %scan3A_264#15 : vector<16xf32> to vector<16xf32>
      tpu.vector_store %arg10[%swap3A_326], %swap3A_329 {strides = array<i32>} : memref<1024xf32, #tpu.memory_space<vmem>>, vector<16xf32>,
      %mul3A_330 = arith.constant 4 : i32
      %mul3A_331 = arith.muli %scan3A_15, %mul3A_330 : i32
      %add3A_332 = arith.constant 3 : i32
      %add3A_333 = arith.addi %mul3A_331, %add3A_332 : i32
      %mul3A_334 = arith.constant 16 : i32
      %mul3A_335 = arith.muli %add3A_333, %mul3A_334 : i32
      %get3A_336 = arith.index_cast %mul3A_335 : i32 to index
      %get3A_337 = tpu.vector_load %arg7[%get3A_336] {strides = array<i32>} : memref<5120xf32, #tpu.memory_space<vmem>>, vector<16xf32>,
      %get3A_338 = vector.shape_cast %get3A_337 : vector<16xf32> to vector<16xf32>
      %broadcast_in_dim3A_339 = arith.constant -3.000000e+38 : f32
      %broadcast_in_dim3A_340 = vector.broadcast %broadcast_in_dim3A_339 : f32 to vector<16xf32>
      %scan3A_341 = arith.constant 0 : i32
      %scan3A_342 = arith.constant 32 : i32
      %scan3A_343 = arith.addi %scan3A_341, %scan3A_342 : i32
      %scan3A_344 = arith.constant 1 : i32
      %scan3A_345 = scf.for %scan3A_441 = %scan3A_341 to %scan3A_343 step %scan3A_344 iter_args(%scan3A_442 = %broadcast_in_dim3A_340) -> (vector<16xf32>)  : i32 {
        %add3A_443 = arith.constant 96 : i32
        %add3A_444 = arith.addi %add3A_443, %scan3A_441 : i32
        %get3A_445 = arith.index_cast %add3A_444 : i32 to index
        %get3A_446 = arith.constant 256 : index
        %get3A_447 = tpu.vector_load %arg8[%get3A_445, %get3A_446] {strides = array<i32>} : memref<128x384xf32, #tpu.memory_space<vmem>>, vector<1x16xf32>,
        %get3A_448 = vector.shape_cast %get3A_447 : vector<1x16xf32> to vector<16xf32>
        %add3A_449 = arith.addf %get3A_338, %get3A_448 : vector<16xf32>
        %gt3A = arith.constant 0.000000e+00 : f32
        %gt3A_450 = vector.broadcast %gt3A : f32 to vector<16xf32>
        %gt3A_451 = arith.cmpf ogt, %add3A_449, %gt3A_450 : vector<16xf32>
        %mul3A_452 = arith.constant 2.000000e-01 : f32
        %mul3A_453 = vector.broadcast %mul3A_452 : f32 to vector<16xf32>
        %mul3A_454 = arith.mulf %mul3A_453, %add3A_449 : vector<16xf32>
        %select_n3A = arith.select %gt3A_451, %add3A_449, %mul3A_454 : vector<16xi1>, vector<16xf32>
        %mul3A_455 = arith.constant 16 : i32
        %mul3A_456 = arith.muli %scan3A_441, %mul3A_455 : i32
        %swap3A_457 = arith.index_cast %mul3A_456 : i32 to index
        %swap3A_458 = tpu.vector_load %arg9[%swap3A_457] {strides = array<i32>} : memref<512xf32, #tpu.memory_space<vmem>>, vector<16xf32>,
        %swap3A_459 = vector.shape_cast %swap3A_458 : vector<16xf32> to vector<16xf32>
        %swap3A_460 = vector.shape_cast %select_n3A : vector<16xf32> to vector<16xf32>
        tpu.vector_store %arg9[%swap3A_457], %swap3A_460 {strides = array<i32>} : memref<512xf32, #tpu.memory_space<vmem>>, vector<16xf32>,
        %max3A = arith.maximumf %scan3A_442, %select_n3A : vector<16xf32>
        scf.yield %max3A : vector<16xf32>
      }
      %scan3A_346 = arith.constant 32 : i32
      %broadcast_in_dim3A_347 = arith.constant 0.000000e+00 : f32
      %broadcast_in_dim3A_348 = vector.broadcast %broadcast_in_dim3A_347 : f32 to vector<16xf32>
      %scan3A_349 = arith.constant 0 : i32
      %scan3A_350 = arith.constant 32 : i32
      %scan3A_351 = arith.addi %scan3A_349, %scan3A_350 : i32
      %scan3A_352 = arith.constant 1 : i32
      %scan3A_353 = scf.for %scan3A_441 = %scan3A_349 to %scan3A_351 step %scan3A_352 iter_args(%scan3A_442 = %broadcast_in_dim3A_348) -> (vector<16xf32>)  : i32 {
        %mul3A_443 = arith.constant 16 : i32
        %mul3A_444 = arith.muli %scan3A_441, %mul3A_443 : i32
        %get3A_445 = arith.index_cast %mul3A_444 : i32 to index
        %get3A_446 = tpu.vector_load %arg9[%get3A_445] {strides = array<i32>} : memref<512xf32, #tpu.memory_space<vmem>>, vector<16xf32>,
        %get3A_447 = vector.shape_cast %get3A_446 : vector<16xf32> to vector<16xf32>
        %sub3A = arith.subf %get3A_447, %scan3A_345 : vector<16xf32>
        %exp3A = math.exp %sub3A : vector<16xf32>
        %mul3A_448 = arith.constant 16 : i32
        %mul3A_449 = arith.muli %scan3A_441, %mul3A_448 : i32
        %swap3A_450 = arith.index_cast %mul3A_449 : i32 to index
        %swap3A_451 = tpu.vector_load %arg9[%swap3A_450] {strides = array<i32>} : memref<512xf32, #tpu.memory_space<vmem>>, vector<16xf32>,
        %swap3A_452 = vector.shape_cast %swap3A_451 : vector<16xf32> to vector<16xf32>
        %swap3A_453 = vector.shape_cast %exp3A : vector<16xf32> to vector<16xf32>
        tpu.vector_store %arg9[%swap3A_450], %swap3A_453 {strides = array<i32>} : memref<512xf32, #tpu.memory_space<vmem>>, vector<16xf32>,
        %add3A_454 = arith.addf %scan3A_442, %exp3A : vector<16xf32>
        scf.yield %add3A_454 : vector<16xf32>
      }
      %scan3A_354 = arith.constant 32 : i32
      %add3A_355 = arith.constant 1.000000e-16 : f32
      %add3A_356 = vector.broadcast %add3A_355 : f32 to vector<16xf32>
      %add3A_357 = arith.addf %scan3A_353, %add3A_356 : vector<16xf32>
      %div3A_358 = arith.constant 1.000000e+00 : f32
      %div3A_359 = vector.broadcast %div3A_358 : f32 to vector<16xf32>
      %div3A_360 = arith.divf %div3A_359, %add3A_357 : vector<16xf32>
      %broadcast_in_dim3A_361 = arith.constant 0.000000e+00 : f32
      %broadcast_in_dim3A_362 = vector.broadcast %broadcast_in_dim3A_361 : f32 to vector<16xf32>
      %scan3A_363 = arith.constant 0 : i32
      %scan3A_364 = arith.constant 32 : i32
      %scan3A_365 = arith.addi %scan3A_363, %scan3A_364 : i32
      %scan3A_366 = arith.constant 1 : i32
      %scan3A_367:16 = scf.for %scan3A_441 = %scan3A_363 to %scan3A_365 step %scan3A_366 iter_args(%scan3A_442 = %broadcast_in_dim3A_362, %scan3A_443 = %broadcast_in_dim3A_362, %scan3A_444 = %broadcast_in_dim3A_362, %scan3A_445 = %broadcast_in_dim3A_362, %scan3A_446 = %broadcast_in_dim3A_362, %scan3A_447 = %broadcast_in_dim3A_362, %scan3A_448 = %broadcast_in_dim3A_362, %scan3A_449 = %broadcast_in_dim3A_362, %scan3A_450 = %broadcast_in_dim3A_362, %scan3A_451 = %broadcast_in_dim3A_362, %scan3A_452 = %broadcast_in_dim3A_362, %scan3A_453 = %broadcast_in_dim3A_362, %scan3A_454 = %broadcast_in_dim3A_362, %scan3A_455 = %broadcast_in_dim3A_362, %scan3A_456 = %broadcast_in_dim3A_362, %scan3A_457 = %broadcast_in_dim3A_362) -> (vector<16xf32>, vector<16xf32>, vector<16xf32>, vector<16xf32>, vector<16xf32>, vector<16xf32>, vector<16xf32>, vector<16xf32>, vector<16xf32>, vector<16xf32>, vector<16xf32>, vector<16xf32>, vector<16xf32>, vector<16xf32>, vector<16xf32>, vector<16xf32>)  : i32 {
        %mul3A_458 = arith.constant 16 : i32
        %mul3A_459 = arith.muli %scan3A_441, %mul3A_458 : i32
        %get3A_460 = arith.index_cast %mul3A_459 : i32 to index
        %get3A_461 = tpu.vector_load %arg9[%get3A_460] {strides = array<i32>} : memref<512xf32, #tpu.memory_space<vmem>>, vector<16xf32>,
        %get3A_462 = vector.shape_cast %get3A_461 : vector<16xf32> to vector<16xf32>
        %mul3A_463 = arith.mulf %get3A_462, %div3A_360 : vector<16xf32>
        %broadcast_in_dim3A_464 = arith.constant 0 : i32
        %broadcast_in_dim3A_465 = vector.broadcast %broadcast_in_dim3A_464 : i32 to vector<16x1xi32>
        %gather3A = vector.shape_cast %broadcast_in_dim3A_465 : vector<16x1xi32> to vector<16xi32>
        %gather3A_466 = tpu.dynamic_gather %mul3A_463[%gather3A] in [0] : vector<16xf32>, vector<16xi32> -> vector<16xf32>
        %add3A_467 = arith.constant 96 : i32
        %add3A_468 = arith.addi %add3A_467, %scan3A_441 : i32
        %get3A_469 = arith.index_cast %add3A_468 : i32 to index
        %get3A_470 = arith.constant 0 : index
        %get3A_471 = tpu.vector_load %arg8[%get3A_469, %get3A_470] {strides = array<i32>} : memref<128x384xf32, #tpu.memory_space<vmem>>, vector<1x16xf32>,
        %get3A_472 = vector.shape_cast %get3A_471 : vector<1x16xf32> to vector<16xf32>
        %mul3A_473 = arith.mulf %gather3A_466, %get3A_472 : vector<16xf32>
        %add3A_474 = arith.addf %scan3A_442, %mul3A_473 : vector<16xf32>
        %add3A_475 = arith.constant 96 : i32
        %add3A_476 = arith.addi %add3A_475, %scan3A_441 : i32
        %get3A_477 = arith.index_cast %add3A_476 : i32 to index
        %get3A_478 = arith.constant 16 : index
        %get3A_479 = tpu.vector_load %arg8[%get3A_477, %get3A_478] {strides = array<i32>} : memref<128x384xf32, #tpu.memory_space<vmem>>, vector<1x16xf32>,
        %get3A_480 = vector.shape_cast %get3A_479 : vector<1x16xf32> to vector<16xf32>
        %mul3A_481 = arith.mulf %gather3A_466, %get3A_480 : vector<16xf32>
        %add3A_482 = arith.addf %scan3A_443, %mul3A_481 : vector<16xf32>
        %add3A_483 = arith.constant 96 : i32
        %add3A_484 = arith.addi %add3A_483, %scan3A_441 : i32
        %get3A_485 = arith.index_cast %add3A_484 : i32 to index
        %get3A_486 = arith.constant 32 : index
        %get3A_487 = tpu.vector_load %arg8[%get3A_485, %get3A_486] {strides = array<i32>} : memref<128x384xf32, #tpu.memory_space<vmem>>, vector<1x16xf32>,
        %get3A_488 = vector.shape_cast %get3A_487 : vector<1x16xf32> to vector<16xf32>
        %mul3A_489 = arith.mulf %gather3A_466, %get3A_488 : vector<16xf32>
        %add3A_490 = arith.addf %scan3A_444, %mul3A_489 : vector<16xf32>
        %add3A_491 = arith.constant 96 : i32
        %add3A_492 = arith.addi %add3A_491, %scan3A_441 : i32
        %get3A_493 = arith.index_cast %add3A_492 : i32 to index
        %get3A_494 = arith.constant 48 : index
        %get3A_495 = tpu.vector_load %arg8[%get3A_493, %get3A_494] {strides = array<i32>} : memref<128x384xf32, #tpu.memory_space<vmem>>, vector<1x16xf32>,
        %get3A_496 = vector.shape_cast %get3A_495 : vector<1x16xf32> to vector<16xf32>
        %mul3A_497 = arith.mulf %gather3A_466, %get3A_496 : vector<16xf32>
        %add3A_498 = arith.addf %scan3A_445, %mul3A_497 : vector<16xf32>
        %broadcast_in_dim3A_499 = arith.constant 1 : i32
        %broadcast_in_dim3A_500 = vector.broadcast %broadcast_in_dim3A_499 : i32 to vector<16x1xi32>
        %gather3A_501 = vector.shape_cast %broadcast_in_dim3A_500 : vector<16x1xi32> to vector<16xi32>
        %gather3A_502 = tpu.dynamic_gather %mul3A_463[%gather3A_501] in [0] : vector<16xf32>, vector<16xi32> -> vector<16xf32>
        %add3A_503 = arith.constant 96 : i32
        %add3A_504 = arith.addi %add3A_503, %scan3A_441 : i32
        %get3A_505 = arith.index_cast %add3A_504 : i32 to index
        %get3A_506 = arith.constant 64 : index
        %get3A_507 = tpu.vector_load %arg8[%get3A_505, %get3A_506] {strides = array<i32>} : memref<128x384xf32, #tpu.memory_space<vmem>>, vector<1x16xf32>,
        %get3A_508 = vector.shape_cast %get3A_507 : vector<1x16xf32> to vector<16xf32>
        %mul3A_509 = arith.mulf %gather3A_502, %get3A_508 : vector<16xf32>
        %add3A_510 = arith.addf %scan3A_446, %mul3A_509 : vector<16xf32>
        %add3A_511 = arith.constant 96 : i32
        %add3A_512 = arith.addi %add3A_511, %scan3A_441 : i32
        %get3A_513 = arith.index_cast %add3A_512 : i32 to index
        %get3A_514 = arith.constant 80 : index
        %get3A_515 = tpu.vector_load %arg8[%get3A_513, %get3A_514] {strides = array<i32>} : memref<128x384xf32, #tpu.memory_space<vmem>>, vector<1x16xf32>,
        %get3A_516 = vector.shape_cast %get3A_515 : vector<1x16xf32> to vector<16xf32>
        %mul3A_517 = arith.mulf %gather3A_502, %get3A_516 : vector<16xf32>
        %add3A_518 = arith.addf %scan3A_447, %mul3A_517 : vector<16xf32>
        %add3A_519 = arith.constant 96 : i32
        %add3A_520 = arith.addi %add3A_519, %scan3A_441 : i32
        %get3A_521 = arith.index_cast %add3A_520 : i32 to index
        %get3A_522 = arith.constant 96 : index
        %get3A_523 = tpu.vector_load %arg8[%get3A_521, %get3A_522] {strides = array<i32>} : memref<128x384xf32, #tpu.memory_space<vmem>>, vector<1x16xf32>,
        %get3A_524 = vector.shape_cast %get3A_523 : vector<1x16xf32> to vector<16xf32>
        %mul3A_525 = arith.mulf %gather3A_502, %get3A_524 : vector<16xf32>
        %add3A_526 = arith.addf %scan3A_448, %mul3A_525 : vector<16xf32>
        %add3A_527 = arith.constant 96 : i32
        %add3A_528 = arith.addi %add3A_527, %scan3A_441 : i32
        %get3A_529 = arith.index_cast %add3A_528 : i32 to index
        %get3A_530 = arith.constant 112 : index
        %get3A_531 = tpu.vector_load %arg8[%get3A_529, %get3A_530] {strides = array<i32>} : memref<128x384xf32, #tpu.memory_space<vmem>>, vector<1x16xf32>,
        %get3A_532 = vector.shape_cast %get3A_531 : vector<1x16xf32> to vector<16xf32>
        %mul3A_533 = arith.mulf %gather3A_502, %get3A_532 : vector<16xf32>
        %add3A_534 = arith.addf %scan3A_449, %mul3A_533 : vector<16xf32>
        %broadcast_in_dim3A_535 = arith.constant 2 : i32
        %broadcast_in_dim3A_536 = vector.broadcast %broadcast_in_dim3A_535 : i32 to vector<16x1xi32>
        %gather3A_537 = vector.shape_cast %broadcast_in_dim3A_536 : vector<16x1xi32> to vector<16xi32>
        %gather3A_538 = tpu.dynamic_gather %mul3A_463[%gather3A_537] in [0] : vector<16xf32>, vector<16xi32> -> vector<16xf32>
        %add3A_539 = arith.constant 96 : i32
        %add3A_540 = arith.addi %add3A_539, %scan3A_441 : i32
        %get3A_541 = arith.index_cast %add3A_540 : i32 to index
        %get3A_542 = arith.constant 128 : index
        %get3A_543 = tpu.vector_load %arg8[%get3A_541, %get3A_542] {strides = array<i32>} : memref<128x384xf32, #tpu.memory_space<vmem>>, vector<1x16xf32>,
        %get3A_544 = vector.shape_cast %get3A_543 : vector<1x16xf32> to vector<16xf32>
        %mul3A_545 = arith.mulf %gather3A_538, %get3A_544 : vector<16xf32>
        %add3A_546 = arith.addf %scan3A_450, %mul3A_545 : vector<16xf32>
        %add3A_547 = arith.constant 96 : i32
        %add3A_548 = arith.addi %add3A_547, %scan3A_441 : i32
        %get3A_549 = arith.index_cast %add3A_548 : i32 to index
        %get3A_550 = arith.constant 144 : index
        %get3A_551 = tpu.vector_load %arg8[%get3A_549, %get3A_550] {strides = array<i32>} : memref<128x384xf32, #tpu.memory_space<vmem>>, vector<1x16xf32>,
        %get3A_552 = vector.shape_cast %get3A_551 : vector<1x16xf32> to vector<16xf32>
        %mul3A_553 = arith.mulf %gather3A_538, %get3A_552 : vector<16xf32>
        %add3A_554 = arith.addf %scan3A_451, %mul3A_553 : vector<16xf32>
        %add3A_555 = arith.constant 96 : i32
        %add3A_556 = arith.addi %add3A_555, %scan3A_441 : i32
        %get3A_557 = arith.index_cast %add3A_556 : i32 to index
        %get3A_558 = arith.constant 160 : index
        %get3A_559 = tpu.vector_load %arg8[%get3A_557, %get3A_558] {strides = array<i32>} : memref<128x384xf32, #tpu.memory_space<vmem>>, vector<1x16xf32>,
        %get3A_560 = vector.shape_cast %get3A_559 : vector<1x16xf32> to vector<16xf32>
        %mul3A_561 = arith.mulf %gather3A_538, %get3A_560 : vector<16xf32>
        %add3A_562 = arith.addf %scan3A_452, %mul3A_561 : vector<16xf32>
        %add3A_563 = arith.constant 96 : i32
        %add3A_564 = arith.addi %add3A_563, %scan3A_441 : i32
        %get3A_565 = arith.index_cast %add3A_564 : i32 to index
        %get3A_566 = arith.constant 176 : index
        %get3A_567 = tpu.vector_load %arg8[%get3A_565, %get3A_566] {strides = array<i32>} : memref<128x384xf32, #tpu.memory_space<vmem>>, vector<1x16xf32>,
        %get3A_568 = vector.shape_cast %get3A_567 : vector<1x16xf32> to vector<16xf32>
        %mul3A_569 = arith.mulf %gather3A_538, %get3A_568 : vector<16xf32>
        %add3A_570 = arith.addf %scan3A_453, %mul3A_569 : vector<16xf32>
        %broadcast_in_dim3A_571 = arith.constant 3 : i32
        %broadcast_in_dim3A_572 = vector.broadcast %broadcast_in_dim3A_571 : i32 to vector<16x1xi32>
        %gather3A_573 = vector.shape_cast %broadcast_in_dim3A_572 : vector<16x1xi32> to vector<16xi32>
        %gather3A_574 = tpu.dynamic_gather %mul3A_463[%gather3A_573] in [0] : vector<16xf32>, vector<16xi32> -> vector<16xf32>
        %add3A_575 = arith.constant 96 : i32
        %add3A_576 = arith.addi %add3A_575, %scan3A_441 : i32
        %get3A_577 = arith.index_cast %add3A_576 : i32 to index
        %get3A_578 = arith.constant 192 : index
        %get3A_579 = tpu.vector_load %arg8[%get3A_577, %get3A_578] {strides = array<i32>} : memref<128x384xf32, #tpu.memory_space<vmem>>, vector<1x16xf32>,
        %get3A_580 = vector.shape_cast %get3A_579 : vector<1x16xf32> to vector<16xf32>
        %mul3A_581 = arith.mulf %gather3A_574, %get3A_580 : vector<16xf32>
        %add3A_582 = arith.addf %scan3A_454, %mul3A_581 : vector<16xf32>
        %add3A_583 = arith.constant 96 : i32
        %add3A_584 = arith.addi %add3A_583, %scan3A_441 : i32
        %get3A_585 = arith.index_cast %add3A_584 : i32 to index
        %get3A_586 = arith.constant 208 : index
        %get3A_587 = tpu.vector_load %arg8[%get3A_585, %get3A_586] {strides = array<i32>} : memref<128x384xf32, #tpu.memory_space<vmem>>, vector<1x16xf32>,
        %get3A_588 = vector.shape_cast %get3A_587 : vector<1x16xf32> to vector<16xf32>
        %mul3A_589 = arith.mulf %gather3A_574, %get3A_588 : vector<16xf32>
        %add3A_590 = arith.addf %scan3A_455, %mul3A_589 : vector<16xf32>
        %add3A_591 = arith.constant 96 : i32
        %add3A_592 = arith.addi %add3A_591, %scan3A_441 : i32
        %get3A_593 = arith.index_cast %add3A_592 : i32 to index
        %get3A_594 = arith.constant 224 : index
        %get3A_595 = tpu.vector_load %arg8[%get3A_593, %get3A_594] {strides = array<i32>} : memref<128x384xf32, #tpu.memory_space<vmem>>, vector<1x16xf32>,
        %get3A_596 = vector.shape_cast %get3A_595 : vector<1x16xf32> to vector<16xf32>
        %mul3A_597 = arith.mulf %gather3A_574, %get3A_596 : vector<16xf32>
        %add3A_598 = arith.addf %scan3A_456, %mul3A_597 : vector<16xf32>
        %add3A_599 = arith.constant 96 : i32
        %add3A_600 = arith.addi %add3A_599, %scan3A_441 : i32
        %get3A_601 = arith.index_cast %add3A_600 : i32 to index
        %get3A_602 = arith.constant 240 : index
        %get3A_603 = tpu.vector_load %arg8[%get3A_601, %get3A_602] {strides = array<i32>} : memref<128x384xf32, #tpu.memory_space<vmem>>, vector<1x16xf32>,
        %get3A_604 = vector.shape_cast %get3A_603 : vector<1x16xf32> to vector<16xf32>
        %mul3A_605 = arith.mulf %gather3A_574, %get3A_604 : vector<16xf32>
        %add3A_606 = arith.addf %scan3A_457, %mul3A_605 : vector<16xf32>
        scf.yield %add3A_474, %add3A_482, %add3A_490, %add3A_498, %add3A_510, %add3A_518, %add3A_526, %add3A_534, %add3A_546, %add3A_554, %add3A_562, %add3A_570, %add3A_582, %add3A_590, %add3A_598, %add3A_606 : vector<16xf32>, vector<16xf32>, vector<16xf32>, vector<16xf32>, vector<16xf32>, vector<16xf32>, vector<16xf32>, vector<16xf32>, vector<16xf32>, vector<16xf32>, vector<16xf32>, vector<16xf32>, vector<16xf32>, vector<16xf32>, vector<16xf32>, vector<16xf32>
      }
      %scan3A_368 = arith.constant 32 : i32
      %swap3A_369 = arith.constant 768 : index
      %swap3A_370 = tpu.vector_load %arg10[%swap3A_369] {strides = array<i32>} : memref<1024xf32, #tpu.memory_space<vmem>>, vector<16xf32>,
      %swap3A_371 = vector.shape_cast %swap3A_370 : vector<16xf32> to vector<16xf32>
      %swap3A_372 = vector.shape_cast %scan3A_367#0 : vector<16xf32> to vector<16xf32>
      tpu.vector_store %arg10[%swap3A_369], %swap3A_372 {strides = array<i32>} : memref<1024xf32, #tpu.memory_space<vmem>>, vector<16xf32>,
      %swap3A_373 = arith.constant 784 : index
      %swap3A_374 = tpu.vector_load %arg10[%swap3A_373] {strides = array<i32>} : memref<1024xf32, #tpu.memory_space<vmem>>, vector<16xf32>,
      %swap3A_375 = vector.shape_cast %swap3A_374 : vector<16xf32> to vector<16xf32>
      %swap3A_376 = vector.shape_cast %scan3A_367#1 : vector<16xf32> to vector<16xf32>
      tpu.vector_store %arg10[%swap3A_373], %swap3A_376 {strides = array<i32>} : memref<1024xf32, #tpu.memory_space<vmem>>, vector<16xf32>,
      %swap3A_377 = arith.constant 800 : index
      %swap3A_378 = tpu.vector_load %arg10[%swap3A_377] {strides = array<i32>} : memref<1024xf32, #tpu.memory_space<vmem>>, vector<16xf32>,
      %swap3A_379 = vector.shape_cast %swap3A_378 : vector<16xf32> to vector<16xf32>
      %swap3A_380 = vector.shape_cast %scan3A_367#2 : vector<16xf32> to vector<16xf32>
      tpu.vector_store %arg10[%swap3A_377], %swap3A_380 {strides = array<i32>} : memref<1024xf32, #tpu.memory_space<vmem>>, vector<16xf32>,
      %swap3A_381 = arith.constant 816 : index
      %swap3A_382 = tpu.vector_load %arg10[%swap3A_381] {strides = array<i32>} : memref<1024xf32, #tpu.memory_space<vmem>>, vector<16xf32>,
      %swap3A_383 = vector.shape_cast %swap3A_382 : vector<16xf32> to vector<16xf32>
      %swap3A_384 = vector.shape_cast %scan3A_367#3 : vector<16xf32> to vector<16xf32>
      tpu.vector_store %arg10[%swap3A_381], %swap3A_384 {strides = array<i32>} : memref<1024xf32, #tpu.memory_space<vmem>>, vector<16xf32>,
      %swap3A_385 = arith.constant 832 : index
      %swap3A_386 = tpu.vector_load %arg10[%swap3A_385] {strides = array<i32>} : memref<1024xf32, #tpu.memory_space<vmem>>, vector<16xf32>,
      %swap3A_387 = vector.shape_cast %swap3A_386 : vector<16xf32> to vector<16xf32>
      %swap3A_388 = vector.shape_cast %scan3A_367#4 : vector<16xf32> to vector<16xf32>
      tpu.vector_store %arg10[%swap3A_385], %swap3A_388 {strides = array<i32>} : memref<1024xf32, #tpu.memory_space<vmem>>, vector<16xf32>,
      %swap3A_389 = arith.constant 848 : index
      %swap3A_390 = tpu.vector_load %arg10[%swap3A_389] {strides = array<i32>} : memref<1024xf32, #tpu.memory_space<vmem>>, vector<16xf32>,
      %swap3A_391 = vector.shape_cast %swap3A_390 : vector<16xf32> to vector<16xf32>
      %swap3A_392 = vector.shape_cast %scan3A_367#5 : vector<16xf32> to vector<16xf32>
      tpu.vector_store %arg10[%swap3A_389], %swap3A_392 {strides = array<i32>} : memref<1024xf32, #tpu.memory_space<vmem>>, vector<16xf32>,
      %swap3A_393 = arith.constant 864 : index
      %swap3A_394 = tpu.vector_load %arg10[%swap3A_393] {strides = array<i32>} : memref<1024xf32, #tpu.memory_space<vmem>>, vector<16xf32>,
      %swap3A_395 = vector.shape_cast %swap3A_394 : vector<16xf32> to vector<16xf32>
      %swap3A_396 = vector.shape_cast %scan3A_367#6 : vector<16xf32> to vector<16xf32>
      tpu.vector_store %arg10[%swap3A_393], %swap3A_396 {strides = array<i32>} : memref<1024xf32, #tpu.memory_space<vmem>>, vector<16xf32>,
      %swap3A_397 = arith.constant 880 : index
      %swap3A_398 = tpu.vector_load %arg10[%swap3A_397] {strides = array<i32>} : memref<1024xf32, #tpu.memory_space<vmem>>, vector<16xf32>,
      %swap3A_399 = vector.shape_cast %swap3A_398 : vector<16xf32> to vector<16xf32>
      %swap3A_400 = vector.shape_cast %scan3A_367#7 : vector<16xf32> to vector<16xf32>
      tpu.vector_store %arg10[%swap3A_397], %swap3A_400 {strides = array<i32>} : memref<1024xf32, #tpu.memory_space<vmem>>, vector<16xf32>,
      %swap3A_401 = arith.constant 896 : index
      %swap3A_402 = tpu.vector_load %arg10[%swap3A_401] {strides = array<i32>} : memref<1024xf32, #tpu.memory_space<vmem>>, vector<16xf32>,
      %swap3A_403 = vector.shape_cast %swap3A_402 : vector<16xf32> to vector<16xf32>
      %swap3A_404 = vector.shape_cast %scan3A_367#8 : vector<16xf32> to vector<16xf32>
      tpu.vector_store %arg10[%swap3A_401], %swap3A_404 {strides = array<i32>} : memref<1024xf32, #tpu.memory_space<vmem>>, vector<16xf32>,
      %swap3A_405 = arith.constant 912 : index
      %swap3A_406 = tpu.vector_load %arg10[%swap3A_405] {strides = array<i32>} : memref<1024xf32, #tpu.memory_space<vmem>>, vector<16xf32>,
      %swap3A_407 = vector.shape_cast %swap3A_406 : vector<16xf32> to vector<16xf32>
      %swap3A_408 = vector.shape_cast %scan3A_367#9 : vector<16xf32> to vector<16xf32>
      tpu.vector_store %arg10[%swap3A_405], %swap3A_408 {strides = array<i32>} : memref<1024xf32, #tpu.memory_space<vmem>>, vector<16xf32>,
      %swap3A_409 = arith.constant 928 : index
      %swap3A_410 = tpu.vector_load %arg10[%swap3A_409] {strides = array<i32>} : memref<1024xf32, #tpu.memory_space<vmem>>, vector<16xf32>,
      %swap3A_411 = vector.shape_cast %swap3A_410 : vector<16xf32> to vector<16xf32>
      %swap3A_412 = vector.shape_cast %scan3A_367#10 : vector<16xf32> to vector<16xf32>
      tpu.vector_store %arg10[%swap3A_409], %swap3A_412 {strides = array<i32>} : memref<1024xf32, #tpu.memory_space<vmem>>, vector<16xf32>,
      %swap3A_413 = arith.constant 944 : index
      %swap3A_414 = tpu.vector_load %arg10[%swap3A_413] {strides = array<i32>} : memref<1024xf32, #tpu.memory_space<vmem>>, vector<16xf32>,
      %swap3A_415 = vector.shape_cast %swap3A_414 : vector<16xf32> to vector<16xf32>
      %swap3A_416 = vector.shape_cast %scan3A_367#11 : vector<16xf32> to vector<16xf32>
      tpu.vector_store %arg10[%swap3A_413], %swap3A_416 {strides = array<i32>} : memref<1024xf32, #tpu.memory_space<vmem>>, vector<16xf32>,
      %swap3A_417 = arith.constant 960 : index
      %swap3A_418 = tpu.vector_load %arg10[%swap3A_417] {strides = array<i32>} : memref<1024xf32, #tpu.memory_space<vmem>>, vector<16xf32>,
      %swap3A_419 = vector.shape_cast %swap3A_418 : vector<16xf32> to vector<16xf32>
      %swap3A_420 = vector.shape_cast %scan3A_367#12 : vector<16xf32> to vector<16xf32>
      tpu.vector_store %arg10[%swap3A_417], %swap3A_420 {strides = array<i32>} : memref<1024xf32, #tpu.memory_space<vmem>>, vector<16xf32>,
      %swap3A_421 = arith.constant 976 : index
      %swap3A_422 = tpu.vector_load %arg10[%swap3A_421] {strides = array<i32>} : memref<1024xf32, #tpu.memory_space<vmem>>, vector<16xf32>,
      %swap3A_423 = vector.shape_cast %swap3A_422 : vector<16xf32> to vector<16xf32>
      %swap3A_424 = vector.shape_cast %scan3A_367#13 : vector<16xf32> to vector<16xf32>
      tpu.vector_store %arg10[%swap3A_421], %swap3A_424 {strides = array<i32>} : memref<1024xf32, #tpu.memory_space<vmem>>, vector<16xf32>,
      %swap3A_425 = arith.constant 992 : index
      %swap3A_426 = tpu.vector_load %arg10[%swap3A_425] {strides = array<i32>} : memref<1024xf32, #tpu.memory_space<vmem>>, vector<16xf32>,
      %swap3A_427 = vector.shape_cast %swap3A_426 : vector<16xf32> to vector<16xf32>
      %swap3A_428 = vector.shape_cast %scan3A_367#14 : vector<16xf32> to vector<16xf32>
      tpu.vector_store %arg10[%swap3A_425], %swap3A_428 {strides = array<i32>} : memref<1024xf32, #tpu.memory_space<vmem>>, vector<16xf32>,
      %swap3A_429 = arith.constant 1008 : index
      %swap3A_430 = tpu.vector_load %arg10[%swap3A_429] {strides = array<i32>} : memref<1024xf32, #tpu.memory_space<vmem>>, vector<16xf32>,
      %swap3A_431 = vector.shape_cast %swap3A_430 : vector<16xf32> to vector<16xf32>
      %swap3A_432 = vector.shape_cast %scan3A_367#15 : vector<16xf32> to vector<16xf32>
      tpu.vector_store %arg10[%swap3A_429], %swap3A_432 {strides = array<i32>} : memref<1024xf32, #tpu.memory_space<vmem>>, vector<16xf32>,
      %mul3A_433 = arith.constant 320 : i32
      %mul3A_434 = arith.muli %add3A, %mul3A_433 : i32
      %mul3A_435 = arith.constant 4 : i32
      %mul3A_436 = arith.muli %scan3A_15, %mul3A_435 : i32
      %add3A_437 = arith.addi %mul3A_434, %mul3A_436 : i32
      %mul3A_438 = arith.constant 256 : i32
      %mul3A_439 = arith.muli %add3A_437, %mul3A_438 : i32
      "tpu.region"() ({
        %run_scoped3A = tpu.sem_alloc : memref<!tpu.dma_semaphore, #tpu.memory_space<semaphore_mem>>
        %dma_start3A_441 = tpu.memref_slice %arg5[%mul3A_439] : memref<2621440xf32, #tpu.memory_space<hbm>> -> memref<1024xf32, #tpu.memory_space<hbm>>
        %dma_start3A_442 = tpu.memref_slice %arg5[%mul3A_439] : memref<2621440xf32, #tpu.memory_space<hbm>> -> memref<1024xf32, #tpu.memory_space<hbm>>
        tpu.enqueue_dma source(%arg10 : memref<1024xf32, #tpu.memory_space<vmem>>) target(%dma_start3A_442 : memref<1024xf32, #tpu.memory_space<hbm>>) target_semaphore(%run_scoped3A : memref<!tpu.dma_semaphore, #tpu.memory_space<semaphore_mem>>)
        %dma_wait3A_443 = tpu.memref_slice %arg5[%mul3A_439] : memref<2621440xf32, #tpu.memory_space<hbm>> -> memref<1024xf32, #tpu.memory_space<hbm>>
        %dma_wait3A_444 = tpu.memref_slice %arg5[%mul3A_439] : memref<2621440xf32, #tpu.memory_space<hbm>> -> memref<1024xf32, #tpu.memory_space<hbm>>
        tpu.wait_dma2 semaphore(%run_scoped3A : memref<!tpu.dma_semaphore, #tpu.memory_space<semaphore_mem>>) src(%arg10 : memref<1024xf32, #tpu.memory_space<vmem>>) dst(%dma_wait3A_444 : memref<1024xf32, #tpu.memory_space<hbm>>)
        tpu.yield
      }) : () -> ()
      %scan3A_440 = arith.constant 0 : i32
      scf.yield %scan3A_440 : i32
    }
    %scan3A_14 = arith.constant 80 : i32
    return
  }
}

#map = affine_map<(d0, d1) -> (0, 0)>
#map1 = affine_map<(d0, d1) -> (0)>
module attributes {stable_mosaic.version = 14 : i64} {
  func.func @_sc_agg_body(%arg0: i32, %arg1: i32, %arg2: memref<10240x384xf32, #tpu.memory_space<hbm>>, %arg3: memref<163840xf32, #tpu.memory_space<hbm>>, %arg4: memref<327680xi32, #tpu.memory_space<hbm>>, %arg5: memref<2621440xf32, #tpu.memory_space<hbm>>, %arg6: memref<10240xi32, #tpu.memory_space<vmem>>, %arg7: memref<5120xf32, #tpu.memory_space<vmem>>, %arg8: memref<128x384xf32, #tpu.memory_space<vmem>>, %arg9: memref<512xf32, #tpu.memory_space<vmem>>, %arg10: memref<1024xf32, #tpu.memory_space<vmem>>, %arg11: memref<!tpu.dma_semaphore, #tpu.memory_space<semaphore_mem>>) attributes {dimension_semantics = [#tpu.dimension_semantics<core_parallel>, #tpu.dimension_semantics<subcore_parallel>], iteration_bounds = array<i64: 2, 16>, scalar_prefetch = 0 : i64, scratch_operands = 6 : i64, tpu.core_type = #tpu.core_type<sc_vector_subcore>, window_params = [{transform_indices = #map}, {transform_indices = #map1}, {transform_indices = #map1}, {transform_indices = #map1}]} {
    %mul3A = arith.constant 16 : i32
    %mul3A_0 = arith.muli %arg0, %mul3A : i32
    %add3A = arith.addi %mul3A_0, %arg1 : i32
    %mul3A_1 = arith.constant 320 : i32
    %mul3A_2 = arith.muli %add3A, %mul3A_1 : i32
    %mul3A_3 = arith.constant 32 : i32
    %mul3A_4 = arith.muli %mul3A_2, %mul3A_3 : i32
    "tpu.region"() ({
      %run_scoped3A = tpu.sem_alloc : memref<!tpu.dma_semaphore, #tpu.memory_space<semaphore_mem>>
      %dma_start3A = tpu.memref_slice %arg4[%mul3A_4] : memref<327680xi32, #tpu.memory_space<hbm>> -> memref<10240xi32, #tpu.memory_space<hbm>>
      %dma_start3A_15 = tpu.memref_slice %arg4[%mul3A_4] : memref<327680xi32, #tpu.memory_space<hbm>> -> memref<10240xi32, #tpu.memory_space<hbm>>
      tpu.enqueue_dma source(%dma_start3A_15 : memref<10240xi32, #tpu.memory_space<hbm>>) target(%arg6 : memref<10240xi32, #tpu.memory_space<vmem>>) target_semaphore(%run_scoped3A : memref<!tpu.dma_semaphore, #tpu.memory_space<semaphore_mem>>)
      %dma_wait3A = tpu.memref_slice %arg4[%mul3A_4] : memref<327680xi32, #tpu.memory_space<hbm>> -> memref<10240xi32, #tpu.memory_space<hbm>>
      %dma_wait3A_16 = tpu.memref_slice %arg4[%mul3A_4] : memref<327680xi32, #tpu.memory_space<hbm>> -> memref<10240xi32, #tpu.memory_space<hbm>>
      tpu.wait_dma2 semaphore(%run_scoped3A : memref<!tpu.dma_semaphore, #tpu.memory_space<semaphore_mem>>) src(%dma_wait3A_16 : memref<10240xi32, #tpu.memory_space<hbm>>) dst(%arg6 : memref<10240xi32, #tpu.memory_space<vmem>>)
      tpu.yield
    }) : () -> ()
    %mul3A_5 = arith.constant 320 : i32
    %mul3A_6 = arith.muli %add3A, %mul3A_5 : i32
    %mul3A_7 = arith.constant 16 : i32
    %mul3A_8 = arith.muli %mul3A_6, %mul3A_7 : i32
    "tpu.region"() ({
      %run_scoped3A = tpu.sem_alloc : memref<!tpu.dma_semaphore, #tpu.memory_space<semaphore_mem>>
      %dma_start3A = tpu.memref_slice %arg3[%mul3A_8] : memref<163840xf32, #tpu.memory_space<hbm>> -> memref<5120xf32, #tpu.memory_space<hbm>>
      %dma_start3A_15 = tpu.memref_slice %arg3[%mul3A_8] : memref<163840xf32, #tpu.memory_space<hbm>> -> memref<5120xf32, #tpu.memory_space<hbm>>
      tpu.enqueue_dma source(%dma_start3A_15 : memref<5120xf32, #tpu.memory_space<hbm>>) target(%arg7 : memref<5120xf32, #tpu.memory_space<vmem>>) target_semaphore(%run_scoped3A : memref<!tpu.dma_semaphore, #tpu.memory_space<semaphore_mem>>)
      %dma_wait3A = tpu.memref_slice %arg3[%mul3A_8] : memref<163840xf32, #tpu.memory_space<hbm>> -> memref<5120xf32, #tpu.memory_space<hbm>>
      %dma_wait3A_16 = tpu.memref_slice %arg3[%mul3A_8] : memref<163840xf32, #tpu.memory_space<hbm>> -> memref<5120xf32, #tpu.memory_space<hbm>>
      tpu.wait_dma2 semaphore(%run_scoped3A : memref<!tpu.dma_semaphore, #tpu.memory_space<semaphore_mem>>) src(%dma_wait3A_16 : memref<5120xf32, #tpu.memory_space<hbm>>) dst(%arg7 : memref<5120xf32, #tpu.memory_space<vmem>>)
      tpu.yield
    }) : () -> ()
    %scan3A = arith.constant 0 : i32
    %scan3A_9 = arith.constant 0 : i32
    %scan3A_10 = arith.constant 80 : i32
    %scan3A_11 = arith.addi %scan3A_9, %scan3A_10 : i32
    %scan3A_12 = arith.constant 1 : i32
    %scan3A_13 = scf.for %scan3A_15 = %scan3A_9 to %scan3A_11 step %scan3A_12 iter_args(%scan3A_16 = %scan3A) -> (i32)  : i32 {
      %mul3A_17 = arith.constant 128 : i32
      %mul3A_18 = arith.muli %scan3A_15, %mul3A_17 : i32
      %dma_start3A = tpu.memref_slice %arg6[%mul3A_18] : memref<10240xi32, #tpu.memory_space<vmem>> -> memref<128xi32, #tpu.memory_space<vmem>>
      %dma_start3A_19 = arith.constant 0 : i32
      %dma_start3A_20 = arith.constant 0 : i32
      %dma_start3A_21 = tpu.memref_slice %arg2[%dma_start3A_19, %dma_start3A_20] : memref<10240x384xf32, #tpu.memory_space<hbm>> -> memref<10240x384xf32, #tpu.memory_space<hbm>>
      tpu.enqueue_indirect_dma source(%dma_start3A_21 : memref<10240x384xf32, #tpu.memory_space<hbm>>) target(%arg8 : memref<128x384xf32, #tpu.memory_space<vmem>>) offsets(%dma_start3A : memref<128xi32, #tpu.memory_space<vmem>>) semaphore(%arg11 : memref<!tpu.dma_semaphore, #tpu.memory_space<semaphore_mem>>)
      %dma_wait3A = tpu.memref_slice %arg6[%mul3A_18] : memref<10240xi32, #tpu.memory_space<vmem>> -> memref<128xi32, #tpu.memory_space<vmem>>
      %dma_wait3A_22 = arith.constant 0 : i32
      %dma_wait3A_23 = arith.constant 0 : i32
      %dma_wait3A_24 = tpu.memref_slice %arg2[%dma_wait3A_22, %dma_wait3A_23] : memref<10240x384xf32, #tpu.memory_space<hbm>> -> memref<10240x384xf32, #tpu.memory_space<hbm>>
      tpu.wait_indirect_dma semaphore(%arg11 : memref<!tpu.dma_semaphore, #tpu.memory_space<semaphore_mem>>) src(%dma_wait3A_24 : memref<10240x384xf32, #tpu.memory_space<hbm>>) dst(%arg8 : memref<128x384xf32, #tpu.memory_space<vmem>>)
      %mul3A_25 = arith.constant 4 : i32
      %mul3A_26 = arith.muli %scan3A_15, %mul3A_25 : i32
      %add3A_27 = arith.constant 0 : i32
      %add3A_28 = arith.addi %mul3A_26, %add3A_27 : i32
      %mul3A_29 = arith.constant 16 : i32
      %mul3A_30 = arith.muli %add3A_28, %mul3A_29 : i32
      %get3A = arith.index_cast %mul3A_30 : i32 to index
      %get3A_31 = tpu.vector_load %arg7[%get3A] {strides = array<i32>} : memref<5120xf32, #tpu.memory_space<vmem>>, vector<16xf32>,
      %get3A_32 = vector.shape_cast %get3A_31 : vector<16xf32> to vector<16xf32>
      %broadcast_in_dim3A = arith.constant -3.000000e+38 : f32
      %broadcast_in_dim3A_33 = vector.broadcast %broadcast_in_dim3A : f32 to vector<16xf32>
      %scan3A_34 = arith.constant 0 : i32
      %scan3A_35 = arith.constant 32 : i32
      %scan3A_36 = arith.addi %scan3A_34, %scan3A_35 : i32
      %scan3A_37 = arith.constant 1 : i32
      %scan3A_38 = scf.for %scan3A_441 = %scan3A_34 to %scan3A_36 step %scan3A_37 iter_args(%scan3A_442 = %broadcast_in_dim3A_33) -> (vector<16xf32>)  : i32 {
        %add3A_443 = arith.constant 0 : i32
        %add3A_444 = arith.addi %add3A_443, %scan3A_441 : i32
        %get3A_445 = arith.index_cast %add3A_444 : i32 to index
        %get3A_446 = arith.constant 256 : index
        %get3A_447 = tpu.vector_load %arg8[%get3A_445, %get3A_446] {strides = array<i32>} : memref<128x384xf32, #tpu.memory_space<vmem>>, vector<1x16xf32>,
        %get3A_448 = vector.shape_cast %get3A_447 : vector<1x16xf32> to vector<16xf32>
        %add3A_449 = arith.addf %get3A_32, %get3A_448 : vector<16xf32>
        %gt3A = arith.constant 0.000000e+00 : f32
        %gt3A_450 = vector.broadcast %gt3A : f32 to vector<16xf32>
        %gt3A_451 = arith.cmpf ogt, %add3A_449, %gt3A_450 : vector<16xf32>
        %mul3A_452 = arith.constant 2.000000e-01 : f32
        %mul3A_453 = vector.broadcast %mul3A_452 : f32 to vector<16xf32>
        %mul3A_454 = arith.mulf %mul3A_453, %add3A_449 : vector<16xf32>
        %select_n3A = arith.select %gt3A_451, %add3A_449, %mul3A_454 : vector<16xi1>, vector<16xf32>
        %mul3A_455 = arith.constant 16 : i32
        %mul3A_456 = arith.muli %scan3A_441, %mul3A_455 : i32
        %swap3A_457 = arith.index_cast %mul3A_456 : i32 to index
        %swap3A_458 = tpu.vector_load %arg9[%swap3A_457] {strides = array<i32>} : memref<512xf32, #tpu.memory_space<vmem>>, vector<16xf32>,
        %swap3A_459 = vector.shape_cast %swap3A_458 : vector<16xf32> to vector<16xf32>
        %swap3A_460 = vector.shape_cast %select_n3A : vector<16xf32> to vector<16xf32>
        tpu.vector_store %arg9[%swap3A_457], %swap3A_460 {strides = array<i32>} : memref<512xf32, #tpu.memory_space<vmem>>, vector<16xf32>,
        %max3A = arith.maximumf %scan3A_442, %select_n3A : vector<16xf32>
        scf.yield %max3A : vector<16xf32>
      }
      %scan3A_39 = arith.constant 32 : i32
      %broadcast_in_dim3A_40 = arith.constant 0.000000e+00 : f32
      %broadcast_in_dim3A_41 = vector.broadcast %broadcast_in_dim3A_40 : f32 to vector<16xf32>
      %scan3A_42 = arith.constant 0 : i32
      %scan3A_43 = arith.constant 32 : i32
      %scan3A_44 = arith.addi %scan3A_42, %scan3A_43 : i32
      %scan3A_45 = arith.constant 1 : i32
      %scan3A_46 = scf.for %scan3A_441 = %scan3A_42 to %scan3A_44 step %scan3A_45 iter_args(%scan3A_442 = %broadcast_in_dim3A_41) -> (vector<16xf32>)  : i32 {
        %mul3A_443 = arith.constant 16 : i32
        %mul3A_444 = arith.muli %scan3A_441, %mul3A_443 : i32
        %get3A_445 = arith.index_cast %mul3A_444 : i32 to index
        %get3A_446 = tpu.vector_load %arg9[%get3A_445] {strides = array<i32>} : memref<512xf32, #tpu.memory_space<vmem>>, vector<16xf32>,
        %get3A_447 = vector.shape_cast %get3A_446 : vector<16xf32> to vector<16xf32>
        %sub3A = arith.subf %get3A_447, %scan3A_38 : vector<16xf32>
        %exp3A = math.exp %sub3A : vector<16xf32>
        %mul3A_448 = arith.constant 16 : i32
        %mul3A_449 = arith.muli %scan3A_441, %mul3A_448 : i32
        %swap3A_450 = arith.index_cast %mul3A_449 : i32 to index
        %swap3A_451 = tpu.vector_load %arg9[%swap3A_450] {strides = array<i32>} : memref<512xf32, #tpu.memory_space<vmem>>, vector<16xf32>,
        %swap3A_452 = vector.shape_cast %swap3A_451 : vector<16xf32> to vector<16xf32>
        %swap3A_453 = vector.shape_cast %exp3A : vector<16xf32> to vector<16xf32>
        tpu.vector_store %arg9[%swap3A_450], %swap3A_453 {strides = array<i32>} : memref<512xf32, #tpu.memory_space<vmem>>, vector<16xf32>,
        %add3A_454 = arith.addf %scan3A_442, %exp3A : vector<16xf32>
        scf.yield %add3A_454 : vector<16xf32>
      }
      %scan3A_47 = arith.constant 32 : i32
      %add3A_48 = arith.constant 1.000000e-16 : f32
      %add3A_49 = vector.broadcast %add3A_48 : f32 to vector<16xf32>
      %add3A_50 = arith.addf %scan3A_46, %add3A_49 : vector<16xf32>
      %div3A = arith.constant 1.000000e+00 : f32
      %div3A_51 = vector.broadcast %div3A : f32 to vector<16xf32>
      %div3A_52 = arith.divf %div3A_51, %add3A_50 : vector<16xf32>
      %broadcast_in_dim3A_53 = arith.constant 0.000000e+00 : f32
      %broadcast_in_dim3A_54 = vector.broadcast %broadcast_in_dim3A_53 : f32 to vector<16xf32>
      %scan3A_55 = arith.constant 0 : i32
      %scan3A_56 = arith.constant 32 : i32
      %scan3A_57 = arith.addi %scan3A_55, %scan3A_56 : i32
      %scan3A_58 = arith.constant 1 : i32
      %scan3A_59:16 = scf.for %scan3A_441 = %scan3A_55 to %scan3A_57 step %scan3A_58 iter_args(%scan3A_442 = %broadcast_in_dim3A_54, %scan3A_443 = %broadcast_in_dim3A_54, %scan3A_444 = %broadcast_in_dim3A_54, %scan3A_445 = %broadcast_in_dim3A_54, %scan3A_446 = %broadcast_in_dim3A_54, %scan3A_447 = %broadcast_in_dim3A_54, %scan3A_448 = %broadcast_in_dim3A_54, %scan3A_449 = %broadcast_in_dim3A_54, %scan3A_450 = %broadcast_in_dim3A_54, %scan3A_451 = %broadcast_in_dim3A_54, %scan3A_452 = %broadcast_in_dim3A_54, %scan3A_453 = %broadcast_in_dim3A_54, %scan3A_454 = %broadcast_in_dim3A_54, %scan3A_455 = %broadcast_in_dim3A_54, %scan3A_456 = %broadcast_in_dim3A_54, %scan3A_457 = %broadcast_in_dim3A_54) -> (vector<16xf32>, vector<16xf32>, vector<16xf32>, vector<16xf32>, vector<16xf32>, vector<16xf32>, vector<16xf32>, vector<16xf32>, vector<16xf32>, vector<16xf32>, vector<16xf32>, vector<16xf32>, vector<16xf32>, vector<16xf32>, vector<16xf32>, vector<16xf32>)  : i32 {
        %mul3A_458 = arith.constant 16 : i32
        %mul3A_459 = arith.muli %scan3A_441, %mul3A_458 : i32
        %get3A_460 = arith.index_cast %mul3A_459 : i32 to index
        %get3A_461 = tpu.vector_load %arg9[%get3A_460] {strides = array<i32>} : memref<512xf32, #tpu.memory_space<vmem>>, vector<16xf32>,
        %get3A_462 = vector.shape_cast %get3A_461 : vector<16xf32> to vector<16xf32>
        %mul3A_463 = arith.mulf %get3A_462, %div3A_52 : vector<16xf32>
        %broadcast_in_dim3A_464 = arith.constant 0 : i32
        %broadcast_in_dim3A_465 = vector.broadcast %broadcast_in_dim3A_464 : i32 to vector<16x1xi32>
        %gather3A = vector.shape_cast %broadcast_in_dim3A_465 : vector<16x1xi32> to vector<16xi32>
        %gather3A_466 = tpu.dynamic_gather %mul3A_463[%gather3A] in [0] : vector<16xf32>, vector<16xi32> -> vector<16xf32>
        %add3A_467 = arith.constant 0 : i32
        %add3A_468 = arith.addi %add3A_467, %scan3A_441 : i32
        %get3A_469 = arith.index_cast %add3A_468 : i32 to index
        %get3A_470 = arith.constant 0 : index
        %get3A_471 = tpu.vector_load %arg8[%get3A_469, %get3A_470] {strides = array<i32>} : memref<128x384xf32, #tpu.memory_space<vmem>>, vector<1x16xf32>,
        %get3A_472 = vector.shape_cast %get3A_471 : vector<1x16xf32> to vector<16xf32>
        %mul3A_473 = arith.mulf %gather3A_466, %get3A_472 : vector<16xf32>
        %add3A_474 = arith.addf %scan3A_442, %mul3A_473 : vector<16xf32>
        %add3A_475 = arith.constant 0 : i32
        %add3A_476 = arith.addi %add3A_475, %scan3A_441 : i32
        %get3A_477 = arith.index_cast %add3A_476 : i32 to index
        %get3A_478 = arith.constant 16 : index
        %get3A_479 = tpu.vector_load %arg8[%get3A_477, %get3A_478] {strides = array<i32>} : memref<128x384xf32, #tpu.memory_space<vmem>>, vector<1x16xf32>,
        %get3A_480 = vector.shape_cast %get3A_479 : vector<1x16xf32> to vector<16xf32>
        %mul3A_481 = arith.mulf %gather3A_466, %get3A_480 : vector<16xf32>
        %add3A_482 = arith.addf %scan3A_443, %mul3A_481 : vector<16xf32>
        %add3A_483 = arith.constant 0 : i32
        %add3A_484 = arith.addi %add3A_483, %scan3A_441 : i32
        %get3A_485 = arith.index_cast %add3A_484 : i32 to index
        %get3A_486 = arith.constant 32 : index
        %get3A_487 = tpu.vector_load %arg8[%get3A_485, %get3A_486] {strides = array<i32>} : memref<128x384xf32, #tpu.memory_space<vmem>>, vector<1x16xf32>,
        %get3A_488 = vector.shape_cast %get3A_487 : vector<1x16xf32> to vector<16xf32>
        %mul3A_489 = arith.mulf %gather3A_466, %get3A_488 : vector<16xf32>
        %add3A_490 = arith.addf %scan3A_444, %mul3A_489 : vector<16xf32>
        %add3A_491 = arith.constant 0 : i32
        %add3A_492 = arith.addi %add3A_491, %scan3A_441 : i32
        %get3A_493 = arith.index_cast %add3A_492 : i32 to index
        %get3A_494 = arith.constant 48 : index
        %get3A_495 = tpu.vector_load %arg8[%get3A_493, %get3A_494] {strides = array<i32>} : memref<128x384xf32, #tpu.memory_space<vmem>>, vector<1x16xf32>,
        %get3A_496 = vector.shape_cast %get3A_495 : vector<1x16xf32> to vector<16xf32>
        %mul3A_497 = arith.mulf %gather3A_466, %get3A_496 : vector<16xf32>
        %add3A_498 = arith.addf %scan3A_445, %mul3A_497 : vector<16xf32>
        %broadcast_in_dim3A_499 = arith.constant 1 : i32
        %broadcast_in_dim3A_500 = vector.broadcast %broadcast_in_dim3A_499 : i32 to vector<16x1xi32>
        %gather3A_501 = vector.shape_cast %broadcast_in_dim3A_500 : vector<16x1xi32> to vector<16xi32>
        %gather3A_502 = tpu.dynamic_gather %mul3A_463[%gather3A_501] in [0] : vector<16xf32>, vector<16xi32> -> vector<16xf32>
        %add3A_503 = arith.constant 0 : i32
        %add3A_504 = arith.addi %add3A_503, %scan3A_441 : i32
        %get3A_505 = arith.index_cast %add3A_504 : i32 to index
        %get3A_506 = arith.constant 64 : index
        %get3A_507 = tpu.vector_load %arg8[%get3A_505, %get3A_506] {strides = array<i32>} : memref<128x384xf32, #tpu.memory_space<vmem>>, vector<1x16xf32>,
        %get3A_508 = vector.shape_cast %get3A_507 : vector<1x16xf32> to vector<16xf32>
        %mul3A_509 = arith.mulf %gather3A_502, %get3A_508 : vector<16xf32>
        %add3A_510 = arith.addf %scan3A_446, %mul3A_509 : vector<16xf32>
        %add3A_511 = arith.constant 0 : i32
        %add3A_512 = arith.addi %add3A_511, %scan3A_441 : i32
        %get3A_513 = arith.index_cast %add3A_512 : i32 to index
        %get3A_514 = arith.constant 80 : index
        %get3A_515 = tpu.vector_load %arg8[%get3A_513, %get3A_514] {strides = array<i32>} : memref<128x384xf32, #tpu.memory_space<vmem>>, vector<1x16xf32>,
        %get3A_516 = vector.shape_cast %get3A_515 : vector<1x16xf32> to vector<16xf32>
        %mul3A_517 = arith.mulf %gather3A_502, %get3A_516 : vector<16xf32>
        %add3A_518 = arith.addf %scan3A_447, %mul3A_517 : vector<16xf32>
        %add3A_519 = arith.constant 0 : i32
        %add3A_520 = arith.addi %add3A_519, %scan3A_441 : i32
        %get3A_521 = arith.index_cast %add3A_520 : i32 to index
        %get3A_522 = arith.constant 96 : index
        %get3A_523 = tpu.vector_load %arg8[%get3A_521, %get3A_522] {strides = array<i32>} : memref<128x384xf32, #tpu.memory_space<vmem>>, vector<1x16xf32>,
        %get3A_524 = vector.shape_cast %get3A_523 : vector<1x16xf32> to vector<16xf32>
        %mul3A_525 = arith.mulf %gather3A_502, %get3A_524 : vector<16xf32>
        %add3A_526 = arith.addf %scan3A_448, %mul3A_525 : vector<16xf32>
        %add3A_527 = arith.constant 0 : i32
        %add3A_528 = arith.addi %add3A_527, %scan3A_441 : i32
        %get3A_529 = arith.index_cast %add3A_528 : i32 to index
        %get3A_530 = arith.constant 112 : index
        %get3A_531 = tpu.vector_load %arg8[%get3A_529, %get3A_530] {strides = array<i32>} : memref<128x384xf32, #tpu.memory_space<vmem>>, vector<1x16xf32>,
        %get3A_532 = vector.shape_cast %get3A_531 : vector<1x16xf32> to vector<16xf32>
        %mul3A_533 = arith.mulf %gather3A_502, %get3A_532 : vector<16xf32>
        %add3A_534 = arith.addf %scan3A_449, %mul3A_533 : vector<16xf32>
        %broadcast_in_dim3A_535 = arith.constant 2 : i32
        %broadcast_in_dim3A_536 = vector.broadcast %broadcast_in_dim3A_535 : i32 to vector<16x1xi32>
        %gather3A_537 = vector.shape_cast %broadcast_in_dim3A_536 : vector<16x1xi32> to vector<16xi32>
        %gather3A_538 = tpu.dynamic_gather %mul3A_463[%gather3A_537] in [0] : vector<16xf32>, vector<16xi32> -> vector<16xf32>
        %add3A_539 = arith.constant 0 : i32
        %add3A_540 = arith.addi %add3A_539, %scan3A_441 : i32
        %get3A_541 = arith.index_cast %add3A_540 : i32 to index
        %get3A_542 = arith.constant 128 : index
        %get3A_543 = tpu.vector_load %arg8[%get3A_541, %get3A_542] {strides = array<i32>} : memref<128x384xf32, #tpu.memory_space<vmem>>, vector<1x16xf32>,
        %get3A_544 = vector.shape_cast %get3A_543 : vector<1x16xf32> to vector<16xf32>
        %mul3A_545 = arith.mulf %gather3A_538, %get3A_544 : vector<16xf32>
        %add3A_546 = arith.addf %scan3A_450, %mul3A_545 : vector<16xf32>
        %add3A_547 = arith.constant 0 : i32
        %add3A_548 = arith.addi %add3A_547, %scan3A_441 : i32
        %get3A_549 = arith.index_cast %add3A_548 : i32 to index
        %get3A_550 = arith.constant 144 : index
        %get3A_551 = tpu.vector_load %arg8[%get3A_549, %get3A_550] {strides = array<i32>} : memref<128x384xf32, #tpu.memory_space<vmem>>, vector<1x16xf32>,
        %get3A_552 = vector.shape_cast %get3A_551 : vector<1x16xf32> to vector<16xf32>
        %mul3A_553 = arith.mulf %gather3A_538, %get3A_552 : vector<16xf32>
        %add3A_554 = arith.addf %scan3A_451, %mul3A_553 : vector<16xf32>
        %add3A_555 = arith.constant 0 : i32
        %add3A_556 = arith.addi %add3A_555, %scan3A_441 : i32
        %get3A_557 = arith.index_cast %add3A_556 : i32 to index
        %get3A_558 = arith.constant 160 : index
        %get3A_559 = tpu.vector_load %arg8[%get3A_557, %get3A_558] {strides = array<i32>} : memref<128x384xf32, #tpu.memory_space<vmem>>, vector<1x16xf32>,
        %get3A_560 = vector.shape_cast %get3A_559 : vector<1x16xf32> to vector<16xf32>
        %mul3A_561 = arith.mulf %gather3A_538, %get3A_560 : vector<16xf32>
        %add3A_562 = arith.addf %scan3A_452, %mul3A_561 : vector<16xf32>
        %add3A_563 = arith.constant 0 : i32
        %add3A_564 = arith.addi %add3A_563, %scan3A_441 : i32
        %get3A_565 = arith.index_cast %add3A_564 : i32 to index
        %get3A_566 = arith.constant 176 : index
        %get3A_567 = tpu.vector_load %arg8[%get3A_565, %get3A_566] {strides = array<i32>} : memref<128x384xf32, #tpu.memory_space<vmem>>, vector<1x16xf32>,
        %get3A_568 = vector.shape_cast %get3A_567 : vector<1x16xf32> to vector<16xf32>
        %mul3A_569 = arith.mulf %gather3A_538, %get3A_568 : vector<16xf32>
        %add3A_570 = arith.addf %scan3A_453, %mul3A_569 : vector<16xf32>
        %broadcast_in_dim3A_571 = arith.constant 3 : i32
        %broadcast_in_dim3A_572 = vector.broadcast %broadcast_in_dim3A_571 : i32 to vector<16x1xi32>
        %gather3A_573 = vector.shape_cast %broadcast_in_dim3A_572 : vector<16x1xi32> to vector<16xi32>
        %gather3A_574 = tpu.dynamic_gather %mul3A_463[%gather3A_573] in [0] : vector<16xf32>, vector<16xi32> -> vector<16xf32>
        %add3A_575 = arith.constant 0 : i32
        %add3A_576 = arith.addi %add3A_575, %scan3A_441 : i32
        %get3A_577 = arith.index_cast %add3A_576 : i32 to index
        %get3A_578 = arith.constant 192 : index
        %get3A_579 = tpu.vector_load %arg8[%get3A_577, %get3A_578] {strides = array<i32>} : memref<128x384xf32, #tpu.memory_space<vmem>>, vector<1x16xf32>,
        %get3A_580 = vector.shape_cast %get3A_579 : vector<1x16xf32> to vector<16xf32>
        %mul3A_581 = arith.mulf %gather3A_574, %get3A_580 : vector<16xf32>
        %add3A_582 = arith.addf %scan3A_454, %mul3A_581 : vector<16xf32>
        %add3A_583 = arith.constant 0 : i32
        %add3A_584 = arith.addi %add3A_583, %scan3A_441 : i32
        %get3A_585 = arith.index_cast %add3A_584 : i32 to index
        %get3A_586 = arith.constant 208 : index
        %get3A_587 = tpu.vector_load %arg8[%get3A_585, %get3A_586] {strides = array<i32>} : memref<128x384xf32, #tpu.memory_space<vmem>>, vector<1x16xf32>,
        %get3A_588 = vector.shape_cast %get3A_587 : vector<1x16xf32> to vector<16xf32>
        %mul3A_589 = arith.mulf %gather3A_574, %get3A_588 : vector<16xf32>
        %add3A_590 = arith.addf %scan3A_455, %mul3A_589 : vector<16xf32>
        %add3A_591 = arith.constant 0 : i32
        %add3A_592 = arith.addi %add3A_591, %scan3A_441 : i32
        %get3A_593 = arith.index_cast %add3A_592 : i32 to index
        %get3A_594 = arith.constant 224 : index
        %get3A_595 = tpu.vector_load %arg8[%get3A_593, %get3A_594] {strides = array<i32>} : memref<128x384xf32, #tpu.memory_space<vmem>>, vector<1x16xf32>,
        %get3A_596 = vector.shape_cast %get3A_595 : vector<1x16xf32> to vector<16xf32>
        %mul3A_597 = arith.mulf %gather3A_574, %get3A_596 : vector<16xf32>
        %add3A_598 = arith.addf %scan3A_456, %mul3A_597 : vector<16xf32>
        %add3A_599 = arith.constant 0 : i32
        %add3A_600 = arith.addi %add3A_599, %scan3A_441 : i32
        %get3A_601 = arith.index_cast %add3A_600 : i32 to index
        %get3A_602 = arith.constant 240 : index
        %get3A_603 = tpu.vector_load %arg8[%get3A_601, %get3A_602] {strides = array<i32>} : memref<128x384xf32, #tpu.memory_space<vmem>>, vector<1x16xf32>,
        %get3A_604 = vector.shape_cast %get3A_603 : vector<1x16xf32> to vector<16xf32>
        %mul3A_605 = arith.mulf %gather3A_574, %get3A_604 : vector<16xf32>
        %add3A_606 = arith.addf %scan3A_457, %mul3A_605 : vector<16xf32>
        scf.yield %add3A_474, %add3A_482, %add3A_490, %add3A_498, %add3A_510, %add3A_518, %add3A_526, %add3A_534, %add3A_546, %add3A_554, %add3A_562, %add3A_570, %add3A_582, %add3A_590, %add3A_598, %add3A_606 : vector<16xf32>, vector<16xf32>, vector<16xf32>, vector<16xf32>, vector<16xf32>, vector<16xf32>, vector<16xf32>, vector<16xf32>, vector<16xf32>, vector<16xf32>, vector<16xf32>, vector<16xf32>, vector<16xf32>, vector<16xf32>, vector<16xf32>, vector<16xf32>
      }
      %scan3A_60 = arith.constant 32 : i32
      %swap3A = arith.constant 0 : index
      %swap3A_61 = tpu.vector_load %arg10[%swap3A] {strides = array<i32>} : memref<1024xf32, #tpu.memory_space<vmem>>, vector<16xf32>,
      %swap3A_62 = vector.shape_cast %swap3A_61 : vector<16xf32> to vector<16xf32>
      %swap3A_63 = vector.shape_cast %scan3A_59#0 : vector<16xf32> to vector<16xf32>
      tpu.vector_store %arg10[%swap3A], %swap3A_63 {strides = array<i32>} : memref<1024xf32, #tpu.memory_space<vmem>>, vector<16xf32>,
      %swap3A_64 = arith.constant 16 : index
      %swap3A_65 = tpu.vector_load %arg10[%swap3A_64] {strides = array<i32>} : memref<1024xf32, #tpu.memory_space<vmem>>, vector<16xf32>,
      %swap3A_66 = vector.shape_cast %swap3A_65 : vector<16xf32> to vector<16xf32>
      %swap3A_67 = vector.shape_cast %scan3A_59#1 : vector<16xf32> to vector<16xf32>
      tpu.vector_store %arg10[%swap3A_64], %swap3A_67 {strides = array<i32>} : memref<1024xf32, #tpu.memory_space<vmem>>, vector<16xf32>,
      %swap3A_68 = arith.constant 32 : index
      %swap3A_69 = tpu.vector_load %arg10[%swap3A_68] {strides = array<i32>} : memref<1024xf32, #tpu.memory_space<vmem>>, vector<16xf32>,
      %swap3A_70 = vector.shape_cast %swap3A_69 : vector<16xf32> to vector<16xf32>
      %swap3A_71 = vector.shape_cast %scan3A_59#2 : vector<16xf32> to vector<16xf32>
      tpu.vector_store %arg10[%swap3A_68], %swap3A_71 {strides = array<i32>} : memref<1024xf32, #tpu.memory_space<vmem>>, vector<16xf32>,
      %swap3A_72 = arith.constant 48 : index
      %swap3A_73 = tpu.vector_load %arg10[%swap3A_72] {strides = array<i32>} : memref<1024xf32, #tpu.memory_space<vmem>>, vector<16xf32>,
      %swap3A_74 = vector.shape_cast %swap3A_73 : vector<16xf32> to vector<16xf32>
      %swap3A_75 = vector.shape_cast %scan3A_59#3 : vector<16xf32> to vector<16xf32>
      tpu.vector_store %arg10[%swap3A_72], %swap3A_75 {strides = array<i32>} : memref<1024xf32, #tpu.memory_space<vmem>>, vector<16xf32>,
      %swap3A_76 = arith.constant 64 : index
      %swap3A_77 = tpu.vector_load %arg10[%swap3A_76] {strides = array<i32>} : memref<1024xf32, #tpu.memory_space<vmem>>, vector<16xf32>,
      %swap3A_78 = vector.shape_cast %swap3A_77 : vector<16xf32> to vector<16xf32>
      %swap3A_79 = vector.shape_cast %scan3A_59#4 : vector<16xf32> to vector<16xf32>
      tpu.vector_store %arg10[%swap3A_76], %swap3A_79 {strides = array<i32>} : memref<1024xf32, #tpu.memory_space<vmem>>, vector<16xf32>,
      %swap3A_80 = arith.constant 80 : index
      %swap3A_81 = tpu.vector_load %arg10[%swap3A_80] {strides = array<i32>} : memref<1024xf32, #tpu.memory_space<vmem>>, vector<16xf32>,
      %swap3A_82 = vector.shape_cast %swap3A_81 : vector<16xf32> to vector<16xf32>
      %swap3A_83 = vector.shape_cast %scan3A_59#5 : vector<16xf32> to vector<16xf32>
      tpu.vector_store %arg10[%swap3A_80], %swap3A_83 {strides = array<i32>} : memref<1024xf32, #tpu.memory_space<vmem>>, vector<16xf32>,
      %swap3A_84 = arith.constant 96 : index
      %swap3A_85 = tpu.vector_load %arg10[%swap3A_84] {strides = array<i32>} : memref<1024xf32, #tpu.memory_space<vmem>>, vector<16xf32>,
      %swap3A_86 = vector.shape_cast %swap3A_85 : vector<16xf32> to vector<16xf32>
      %swap3A_87 = vector.shape_cast %scan3A_59#6 : vector<16xf32> to vector<16xf32>
      tpu.vector_store %arg10[%swap3A_84], %swap3A_87 {strides = array<i32>} : memref<1024xf32, #tpu.memory_space<vmem>>, vector<16xf32>,
      %swap3A_88 = arith.constant 112 : index
      %swap3A_89 = tpu.vector_load %arg10[%swap3A_88] {strides = array<i32>} : memref<1024xf32, #tpu.memory_space<vmem>>, vector<16xf32>,
      %swap3A_90 = vector.shape_cast %swap3A_89 : vector<16xf32> to vector<16xf32>
      %swap3A_91 = vector.shape_cast %scan3A_59#7 : vector<16xf32> to vector<16xf32>
      tpu.vector_store %arg10[%swap3A_88], %swap3A_91 {strides = array<i32>} : memref<1024xf32, #tpu.memory_space<vmem>>, vector<16xf32>,
      %swap3A_92 = arith.constant 128 : index
      %swap3A_93 = tpu.vector_load %arg10[%swap3A_92] {strides = array<i32>} : memref<1024xf32, #tpu.memory_space<vmem>>, vector<16xf32>,
      %swap3A_94 = vector.shape_cast %swap3A_93 : vector<16xf32> to vector<16xf32>
      %swap3A_95 = vector.shape_cast %scan3A_59#8 : vector<16xf32> to vector<16xf32>
      tpu.vector_store %arg10[%swap3A_92], %swap3A_95 {strides = array<i32>} : memref<1024xf32, #tpu.memory_space<vmem>>, vector<16xf32>,
      %swap3A_96 = arith.constant 144 : index
      %swap3A_97 = tpu.vector_load %arg10[%swap3A_96] {strides = array<i32>} : memref<1024xf32, #tpu.memory_space<vmem>>, vector<16xf32>,
      %swap3A_98 = vector.shape_cast %swap3A_97 : vector<16xf32> to vector<16xf32>
      %swap3A_99 = vector.shape_cast %scan3A_59#9 : vector<16xf32> to vector<16xf32>
      tpu.vector_store %arg10[%swap3A_96], %swap3A_99 {strides = array<i32>} : memref<1024xf32, #tpu.memory_space<vmem>>, vector<16xf32>,
      %swap3A_100 = arith.constant 160 : index
      %swap3A_101 = tpu.vector_load %arg10[%swap3A_100] {strides = array<i32>} : memref<1024xf32, #tpu.memory_space<vmem>>, vector<16xf32>,
      %swap3A_102 = vector.shape_cast %swap3A_101 : vector<16xf32> to vector<16xf32>
      %swap3A_103 = vector.shape_cast %scan3A_59#10 : vector<16xf32> to vector<16xf32>
      tpu.vector_store %arg10[%swap3A_100], %swap3A_103 {strides = array<i32>} : memref<1024xf32, #tpu.memory_space<vmem>>, vector<16xf32>,
      %swap3A_104 = arith.constant 176 : index
      %swap3A_105 = tpu.vector_load %arg10[%swap3A_104] {strides = array<i32>} : memref<1024xf32, #tpu.memory_space<vmem>>, vector<16xf32>,
      %swap3A_106 = vector.shape_cast %swap3A_105 : vector<16xf32> to vector<16xf32>
      %swap3A_107 = vector.shape_cast %scan3A_59#11 : vector<16xf32> to vector<16xf32>
      tpu.vector_store %arg10[%swap3A_104], %swap3A_107 {strides = array<i32>} : memref<1024xf32, #tpu.memory_space<vmem>>, vector<16xf32>,
      %swap3A_108 = arith.constant 192 : index
      %swap3A_109 = tpu.vector_load %arg10[%swap3A_108] {strides = array<i32>} : memref<1024xf32, #tpu.memory_space<vmem>>, vector<16xf32>,
      %swap3A_110 = vector.shape_cast %swap3A_109 : vector<16xf32> to vector<16xf32>
      %swap3A_111 = vector.shape_cast %scan3A_59#12 : vector<16xf32> to vector<16xf32>
      tpu.vector_store %arg10[%swap3A_108], %swap3A_111 {strides = array<i32>} : memref<1024xf32, #tpu.memory_space<vmem>>, vector<16xf32>,
      %swap3A_112 = arith.constant 208 : index
      %swap3A_113 = tpu.vector_load %arg10[%swap3A_112] {strides = array<i32>} : memref<1024xf32, #tpu.memory_space<vmem>>, vector<16xf32>,
      %swap3A_114 = vector.shape_cast %swap3A_113 : vector<16xf32> to vector<16xf32>
      %swap3A_115 = vector.shape_cast %scan3A_59#13 : vector<16xf32> to vector<16xf32>
      tpu.vector_store %arg10[%swap3A_112], %swap3A_115 {strides = array<i32>} : memref<1024xf32, #tpu.memory_space<vmem>>, vector<16xf32>,
      %swap3A_116 = arith.constant 224 : index
      %swap3A_117 = tpu.vector_load %arg10[%swap3A_116] {strides = array<i32>} : memref<1024xf32, #tpu.memory_space<vmem>>, vector<16xf32>,
      %swap3A_118 = vector.shape_cast %swap3A_117 : vector<16xf32> to vector<16xf32>
      %swap3A_119 = vector.shape_cast %scan3A_59#14 : vector<16xf32> to vector<16xf32>
      tpu.vector_store %arg10[%swap3A_116], %swap3A_119 {strides = array<i32>} : memref<1024xf32, #tpu.memory_space<vmem>>, vector<16xf32>,
      %swap3A_120 = arith.constant 240 : index
      %swap3A_121 = tpu.vector_load %arg10[%swap3A_120] {strides = array<i32>} : memref<1024xf32, #tpu.memory_space<vmem>>, vector<16xf32>,
      %swap3A_122 = vector.shape_cast %swap3A_121 : vector<16xf32> to vector<16xf32>
      %swap3A_123 = vector.shape_cast %scan3A_59#15 : vector<16xf32> to vector<16xf32>
      tpu.vector_store %arg10[%swap3A_120], %swap3A_123 {strides = array<i32>} : memref<1024xf32, #tpu.memory_space<vmem>>, vector<16xf32>,
      %mul3A_124 = arith.constant 4 : i32
      %mul3A_125 = arith.muli %scan3A_15, %mul3A_124 : i32
      %add3A_126 = arith.constant 1 : i32
      %add3A_127 = arith.addi %mul3A_125, %add3A_126 : i32
      %mul3A_128 = arith.constant 16 : i32
      %mul3A_129 = arith.muli %add3A_127, %mul3A_128 : i32
      %get3A_130 = arith.index_cast %mul3A_129 : i32 to index
      %get3A_131 = tpu.vector_load %arg7[%get3A_130] {strides = array<i32>} : memref<5120xf32, #tpu.memory_space<vmem>>, vector<16xf32>,
      %get3A_132 = vector.shape_cast %get3A_131 : vector<16xf32> to vector<16xf32>
      %broadcast_in_dim3A_133 = arith.constant -3.000000e+38 : f32
      %broadcast_in_dim3A_134 = vector.broadcast %broadcast_in_dim3A_133 : f32 to vector<16xf32>
      %scan3A_135 = arith.constant 0 : i32
      %scan3A_136 = arith.constant 32 : i32
      %scan3A_137 = arith.addi %scan3A_135, %scan3A_136 : i32
      %scan3A_138 = arith.constant 1 : i32
      %scan3A_139 = scf.for %scan3A_441 = %scan3A_135 to %scan3A_137 step %scan3A_138 iter_args(%scan3A_442 = %broadcast_in_dim3A_134) -> (vector<16xf32>)  : i32 {
        %add3A_443 = arith.constant 32 : i32
        %add3A_444 = arith.addi %add3A_443, %scan3A_441 : i32
        %get3A_445 = arith.index_cast %add3A_444 : i32 to index
        %get3A_446 = arith.constant 256 : index
        %get3A_447 = tpu.vector_load %arg8[%get3A_445, %get3A_446] {strides = array<i32>} : memref<128x384xf32, #tpu.memory_space<vmem>>, vector<1x16xf32>,
        %get3A_448 = vector.shape_cast %get3A_447 : vector<1x16xf32> to vector<16xf32>
        %add3A_449 = arith.addf %get3A_132, %get3A_448 : vector<16xf32>
        %gt3A = arith.constant 0.000000e+00 : f32
        %gt3A_450 = vector.broadcast %gt3A : f32 to vector<16xf32>
        %gt3A_451 = arith.cmpf ogt, %add3A_449, %gt3A_450 : vector<16xf32>
        %mul3A_452 = arith.constant 2.000000e-01 : f32
        %mul3A_453 = vector.broadcast %mul3A_452 : f32 to vector<16xf32>
        %mul3A_454 = arith.mulf %mul3A_453, %add3A_449 : vector<16xf32>
        %select_n3A = arith.select %gt3A_451, %add3A_449, %mul3A_454 : vector<16xi1>, vector<16xf32>
        %mul3A_455 = arith.constant 16 : i32
        %mul3A_456 = arith.muli %scan3A_441, %mul3A_455 : i32
        %swap3A_457 = arith.index_cast %mul3A_456 : i32 to index
        %swap3A_458 = tpu.vector_load %arg9[%swap3A_457] {strides = array<i32>} : memref<512xf32, #tpu.memory_space<vmem>>, vector<16xf32>,
        %swap3A_459 = vector.shape_cast %swap3A_458 : vector<16xf32> to vector<16xf32>
        %swap3A_460 = vector.shape_cast %select_n3A : vector<16xf32> to vector<16xf32>
        tpu.vector_store %arg9[%swap3A_457], %swap3A_460 {strides = array<i32>} : memref<512xf32, #tpu.memory_space<vmem>>, vector<16xf32>,
        %max3A = arith.maximumf %scan3A_442, %select_n3A : vector<16xf32>
        scf.yield %max3A : vector<16xf32>
      }
      %scan3A_140 = arith.constant 32 : i32
      %broadcast_in_dim3A_141 = arith.constant 0.000000e+00 : f32
      %broadcast_in_dim3A_142 = vector.broadcast %broadcast_in_dim3A_141 : f32 to vector<16xf32>
      %scan3A_143 = arith.constant 0 : i32
      %scan3A_144 = arith.constant 32 : i32
      %scan3A_145 = arith.addi %scan3A_143, %scan3A_144 : i32
      %scan3A_146 = arith.constant 1 : i32
      %scan3A_147 = scf.for %scan3A_441 = %scan3A_143 to %scan3A_145 step %scan3A_146 iter_args(%scan3A_442 = %broadcast_in_dim3A_142) -> (vector<16xf32>)  : i32 {
        %mul3A_443 = arith.constant 16 : i32
        %mul3A_444 = arith.muli %scan3A_441, %mul3A_443 : i32
        %get3A_445 = arith.index_cast %mul3A_444 : i32 to index
        %get3A_446 = tpu.vector_load %arg9[%get3A_445] {strides = array<i32>} : memref<512xf32, #tpu.memory_space<vmem>>, vector<16xf32>,
        %get3A_447 = vector.shape_cast %get3A_446 : vector<16xf32> to vector<16xf32>
        %sub3A = arith.subf %get3A_447, %scan3A_139 : vector<16xf32>
        %exp3A = math.exp %sub3A : vector<16xf32>
        %mul3A_448 = arith.constant 16 : i32
        %mul3A_449 = arith.muli %scan3A_441, %mul3A_448 : i32
        %swap3A_450 = arith.index_cast %mul3A_449 : i32 to index
        %swap3A_451 = tpu.vector_load %arg9[%swap3A_450] {strides = array<i32>} : memref<512xf32, #tpu.memory_space<vmem>>, vector<16xf32>,
        %swap3A_452 = vector.shape_cast %swap3A_451 : vector<16xf32> to vector<16xf32>
        %swap3A_453 = vector.shape_cast %exp3A : vector<16xf32> to vector<16xf32>
        tpu.vector_store %arg9[%swap3A_450], %swap3A_453 {strides = array<i32>} : memref<512xf32, #tpu.memory_space<vmem>>, vector<16xf32>,
        %add3A_454 = arith.addf %scan3A_442, %exp3A : vector<16xf32>
        scf.yield %add3A_454 : vector<16xf32>
      }
      %scan3A_148 = arith.constant 32 : i32
      %add3A_149 = arith.constant 1.000000e-16 : f32
      %add3A_150 = vector.broadcast %add3A_149 : f32 to vector<16xf32>
      %add3A_151 = arith.addf %scan3A_147, %add3A_150 : vector<16xf32>
      %div3A_152 = arith.constant 1.000000e+00 : f32
      %div3A_153 = vector.broadcast %div3A_152 : f32 to vector<16xf32>
      %div3A_154 = arith.divf %div3A_153, %add3A_151 : vector<16xf32>
      %broadcast_in_dim3A_155 = arith.constant 0.000000e+00 : f32
      %broadcast_in_dim3A_156 = vector.broadcast %broadcast_in_dim3A_155 : f32 to vector<16xf32>
      %scan3A_157 = arith.constant 0 : i32
      %scan3A_158 = arith.constant 32 : i32
      %scan3A_159 = arith.addi %scan3A_157, %scan3A_158 : i32
      %scan3A_160 = arith.constant 1 : i32
      %scan3A_161:16 = scf.for %scan3A_441 = %scan3A_157 to %scan3A_159 step %scan3A_160 iter_args(%scan3A_442 = %broadcast_in_dim3A_156, %scan3A_443 = %broadcast_in_dim3A_156, %scan3A_444 = %broadcast_in_dim3A_156, %scan3A_445 = %broadcast_in_dim3A_156, %scan3A_446 = %broadcast_in_dim3A_156, %scan3A_447 = %broadcast_in_dim3A_156, %scan3A_448 = %broadcast_in_dim3A_156, %scan3A_449 = %broadcast_in_dim3A_156, %scan3A_450 = %broadcast_in_dim3A_156, %scan3A_451 = %broadcast_in_dim3A_156, %scan3A_452 = %broadcast_in_dim3A_156, %scan3A_453 = %broadcast_in_dim3A_156, %scan3A_454 = %broadcast_in_dim3A_156, %scan3A_455 = %broadcast_in_dim3A_156, %scan3A_456 = %broadcast_in_dim3A_156, %scan3A_457 = %broadcast_in_dim3A_156) -> (vector<16xf32>, vector<16xf32>, vector<16xf32>, vector<16xf32>, vector<16xf32>, vector<16xf32>, vector<16xf32>, vector<16xf32>, vector<16xf32>, vector<16xf32>, vector<16xf32>, vector<16xf32>, vector<16xf32>, vector<16xf32>, vector<16xf32>, vector<16xf32>)  : i32 {
        %mul3A_458 = arith.constant 16 : i32
        %mul3A_459 = arith.muli %scan3A_441, %mul3A_458 : i32
        %get3A_460 = arith.index_cast %mul3A_459 : i32 to index
        %get3A_461 = tpu.vector_load %arg9[%get3A_460] {strides = array<i32>} : memref<512xf32, #tpu.memory_space<vmem>>, vector<16xf32>,
        %get3A_462 = vector.shape_cast %get3A_461 : vector<16xf32> to vector<16xf32>
        %mul3A_463 = arith.mulf %get3A_462, %div3A_154 : vector<16xf32>
        %broadcast_in_dim3A_464 = arith.constant 0 : i32
        %broadcast_in_dim3A_465 = vector.broadcast %broadcast_in_dim3A_464 : i32 to vector<16x1xi32>
        %gather3A = vector.shape_cast %broadcast_in_dim3A_465 : vector<16x1xi32> to vector<16xi32>
        %gather3A_466 = tpu.dynamic_gather %mul3A_463[%gather3A] in [0] : vector<16xf32>, vector<16xi32> -> vector<16xf32>
        %add3A_467 = arith.constant 32 : i32
        %add3A_468 = arith.addi %add3A_467, %scan3A_441 : i32
        %get3A_469 = arith.index_cast %add3A_468 : i32 to index
        %get3A_470 = arith.constant 0 : index
        %get3A_471 = tpu.vector_load %arg8[%get3A_469, %get3A_470] {strides = array<i32>} : memref<128x384xf32, #tpu.memory_space<vmem>>, vector<1x16xf32>,
        %get3A_472 = vector.shape_cast %get3A_471 : vector<1x16xf32> to vector<16xf32>
        %mul3A_473 = arith.mulf %gather3A_466, %get3A_472 : vector<16xf32>
        %add3A_474 = arith.addf %scan3A_442, %mul3A_473 : vector<16xf32>
        %add3A_475 = arith.constant 32 : i32
        %add3A_476 = arith.addi %add3A_475, %scan3A_441 : i32
        %get3A_477 = arith.index_cast %add3A_476 : i32 to index
        %get3A_478 = arith.constant 16 : index
        %get3A_479 = tpu.vector_load %arg8[%get3A_477, %get3A_478] {strides = array<i32>} : memref<128x384xf32, #tpu.memory_space<vmem>>, vector<1x16xf32>,
        %get3A_480 = vector.shape_cast %get3A_479 : vector<1x16xf32> to vector<16xf32>
        %mul3A_481 = arith.mulf %gather3A_466, %get3A_480 : vector<16xf32>
        %add3A_482 = arith.addf %scan3A_443, %mul3A_481 : vector<16xf32>
        %add3A_483 = arith.constant 32 : i32
        %add3A_484 = arith.addi %add3A_483, %scan3A_441 : i32
        %get3A_485 = arith.index_cast %add3A_484 : i32 to index
        %get3A_486 = arith.constant 32 : index
        %get3A_487 = tpu.vector_load %arg8[%get3A_485, %get3A_486] {strides = array<i32>} : memref<128x384xf32, #tpu.memory_space<vmem>>, vector<1x16xf32>,
        %get3A_488 = vector.shape_cast %get3A_487 : vector<1x16xf32> to vector<16xf32>
        %mul3A_489 = arith.mulf %gather3A_466, %get3A_488 : vector<16xf32>
        %add3A_490 = arith.addf %scan3A_444, %mul3A_489 : vector<16xf32>
        %add3A_491 = arith.constant 32 : i32
        %add3A_492 = arith.addi %add3A_491, %scan3A_441 : i32
        %get3A_493 = arith.index_cast %add3A_492 : i32 to index
        %get3A_494 = arith.constant 48 : index
        %get3A_495 = tpu.vector_load %arg8[%get3A_493, %get3A_494] {strides = array<i32>} : memref<128x384xf32, #tpu.memory_space<vmem>>, vector<1x16xf32>,
        %get3A_496 = vector.shape_cast %get3A_495 : vector<1x16xf32> to vector<16xf32>
        %mul3A_497 = arith.mulf %gather3A_466, %get3A_496 : vector<16xf32>
        %add3A_498 = arith.addf %scan3A_445, %mul3A_497 : vector<16xf32>
        %broadcast_in_dim3A_499 = arith.constant 1 : i32
        %broadcast_in_dim3A_500 = vector.broadcast %broadcast_in_dim3A_499 : i32 to vector<16x1xi32>
        %gather3A_501 = vector.shape_cast %broadcast_in_dim3A_500 : vector<16x1xi32> to vector<16xi32>
        %gather3A_502 = tpu.dynamic_gather %mul3A_463[%gather3A_501] in [0] : vector<16xf32>, vector<16xi32> -> vector<16xf32>
        %add3A_503 = arith.constant 32 : i32
        %add3A_504 = arith.addi %add3A_503, %scan3A_441 : i32
        %get3A_505 = arith.index_cast %add3A_504 : i32 to index
        %get3A_506 = arith.constant 64 : index
        %get3A_507 = tpu.vector_load %arg8[%get3A_505, %get3A_506] {strides = array<i32>} : memref<128x384xf32, #tpu.memory_space<vmem>>, vector<1x16xf32>,
        %get3A_508 = vector.shape_cast %get3A_507 : vector<1x16xf32> to vector<16xf32>
        %mul3A_509 = arith.mulf %gather3A_502, %get3A_508 : vector<16xf32>
        %add3A_510 = arith.addf %scan3A_446, %mul3A_509 : vector<16xf32>
        %add3A_511 = arith.constant 32 : i32
        %add3A_512 = arith.addi %add3A_511, %scan3A_441 : i32
        %get3A_513 = arith.index_cast %add3A_512 : i32 to index
        %get3A_514 = arith.constant 80 : index
        %get3A_515 = tpu.vector_load %arg8[%get3A_513, %get3A_514] {strides = array<i32>} : memref<128x384xf32, #tpu.memory_space<vmem>>, vector<1x16xf32>,
        %get3A_516 = vector.shape_cast %get3A_515 : vector<1x16xf32> to vector<16xf32>
        %mul3A_517 = arith.mulf %gather3A_502, %get3A_516 : vector<16xf32>
        %add3A_518 = arith.addf %scan3A_447, %mul3A_517 : vector<16xf32>
        %add3A_519 = arith.constant 32 : i32
        %add3A_520 = arith.addi %add3A_519, %scan3A_441 : i32
        %get3A_521 = arith.index_cast %add3A_520 : i32 to index
        %get3A_522 = arith.constant 96 : index
        %get3A_523 = tpu.vector_load %arg8[%get3A_521, %get3A_522] {strides = array<i32>} : memref<128x384xf32, #tpu.memory_space<vmem>>, vector<1x16xf32>,
        %get3A_524 = vector.shape_cast %get3A_523 : vector<1x16xf32> to vector<16xf32>
        %mul3A_525 = arith.mulf %gather3A_502, %get3A_524 : vector<16xf32>
        %add3A_526 = arith.addf %scan3A_448, %mul3A_525 : vector<16xf32>
        %add3A_527 = arith.constant 32 : i32
        %add3A_528 = arith.addi %add3A_527, %scan3A_441 : i32
        %get3A_529 = arith.index_cast %add3A_528 : i32 to index
        %get3A_530 = arith.constant 112 : index
        %get3A_531 = tpu.vector_load %arg8[%get3A_529, %get3A_530] {strides = array<i32>} : memref<128x384xf32, #tpu.memory_space<vmem>>, vector<1x16xf32>,
        %get3A_532 = vector.shape_cast %get3A_531 : vector<1x16xf32> to vector<16xf32>
        %mul3A_533 = arith.mulf %gather3A_502, %get3A_532 : vector<16xf32>
        %add3A_534 = arith.addf %scan3A_449, %mul3A_533 : vector<16xf32>
        %broadcast_in_dim3A_535 = arith.constant 2 : i32
        %broadcast_in_dim3A_536 = vector.broadcast %broadcast_in_dim3A_535 : i32 to vector<16x1xi32>
        %gather3A_537 = vector.shape_cast %broadcast_in_dim3A_536 : vector<16x1xi32> to vector<16xi32>
        %gather3A_538 = tpu.dynamic_gather %mul3A_463[%gather3A_537] in [0] : vector<16xf32>, vector<16xi32> -> vector<16xf32>
        %add3A_539 = arith.constant 32 : i32
        %add3A_540 = arith.addi %add3A_539, %scan3A_441 : i32
        %get3A_541 = arith.index_cast %add3A_540 : i32 to index
        %get3A_542 = arith.constant 128 : index
        %get3A_543 = tpu.vector_load %arg8[%get3A_541, %get3A_542] {strides = array<i32>} : memref<128x384xf32, #tpu.memory_space<vmem>>, vector<1x16xf32>,
        %get3A_544 = vector.shape_cast %get3A_543 : vector<1x16xf32> to vector<16xf32>
        %mul3A_545 = arith.mulf %gather3A_538, %get3A_544 : vector<16xf32>
        %add3A_546 = arith.addf %scan3A_450, %mul3A_545 : vector<16xf32>
        %add3A_547 = arith.constant 32 : i32
        %add3A_548 = arith.addi %add3A_547, %scan3A_441 : i32
        %get3A_549 = arith.index_cast %add3A_548 : i32 to index
        %get3A_550 = arith.constant 144 : index
        %get3A_551 = tpu.vector_load %arg8[%get3A_549, %get3A_550] {strides = array<i32>} : memref<128x384xf32, #tpu.memory_space<vmem>>, vector<1x16xf32>,
        %get3A_552 = vector.shape_cast %get3A_551 : vector<1x16xf32> to vector<16xf32>
        %mul3A_553 = arith.mulf %gather3A_538, %get3A_552 : vector<16xf32>
        %add3A_554 = arith.addf %scan3A_451, %mul3A_553 : vector<16xf32>
        %add3A_555 = arith.constant 32 : i32
        %add3A_556 = arith.addi %add3A_555, %scan3A_441 : i32
        %get3A_557 = arith.index_cast %add3A_556 : i32 to index
        %get3A_558 = arith.constant 160 : index
        %get3A_559 = tpu.vector_load %arg8[%get3A_557, %get3A_558] {strides = array<i32>} : memref<128x384xf32, #tpu.memory_space<vmem>>, vector<1x16xf32>,
        %get3A_560 = vector.shape_cast %get3A_559 : vector<1x16xf32> to vector<16xf32>
        %mul3A_561 = arith.mulf %gather3A_538, %get3A_560 : vector<16xf32>
        %add3A_562 = arith.addf %scan3A_452, %mul3A_561 : vector<16xf32>
        %add3A_563 = arith.constant 32 : i32
        %add3A_564 = arith.addi %add3A_563, %scan3A_441 : i32
        %get3A_565 = arith.index_cast %add3A_564 : i32 to index
        %get3A_566 = arith.constant 176 : index
        %get3A_567 = tpu.vector_load %arg8[%get3A_565, %get3A_566] {strides = array<i32>} : memref<128x384xf32, #tpu.memory_space<vmem>>, vector<1x16xf32>,
        %get3A_568 = vector.shape_cast %get3A_567 : vector<1x16xf32> to vector<16xf32>
        %mul3A_569 = arith.mulf %gather3A_538, %get3A_568 : vector<16xf32>
        %add3A_570 = arith.addf %scan3A_453, %mul3A_569 : vector<16xf32>
        %broadcast_in_dim3A_571 = arith.constant 3 : i32
        %broadcast_in_dim3A_572 = vector.broadcast %broadcast_in_dim3A_571 : i32 to vector<16x1xi32>
        %gather3A_573 = vector.shape_cast %broadcast_in_dim3A_572 : vector<16x1xi32> to vector<16xi32>
        %gather3A_574 = tpu.dynamic_gather %mul3A_463[%gather3A_573] in [0] : vector<16xf32>, vector<16xi32> -> vector<16xf32>
        %add3A_575 = arith.constant 32 : i32
        %add3A_576 = arith.addi %add3A_575, %scan3A_441 : i32
        %get3A_577 = arith.index_cast %add3A_576 : i32 to index
        %get3A_578 = arith.constant 192 : index
        %get3A_579 = tpu.vector_load %arg8[%get3A_577, %get3A_578] {strides = array<i32>} : memref<128x384xf32, #tpu.memory_space<vmem>>, vector<1x16xf32>,
        %get3A_580 = vector.shape_cast %get3A_579 : vector<1x16xf32> to vector<16xf32>
        %mul3A_581 = arith.mulf %gather3A_574, %get3A_580 : vector<16xf32>
        %add3A_582 = arith.addf %scan3A_454, %mul3A_581 : vector<16xf32>
        %add3A_583 = arith.constant 32 : i32
        %add3A_584 = arith.addi %add3A_583, %scan3A_441 : i32
        %get3A_585 = arith.index_cast %add3A_584 : i32 to index
        %get3A_586 = arith.constant 208 : index
        %get3A_587 = tpu.vector_load %arg8[%get3A_585, %get3A_586] {strides = array<i32>} : memref<128x384xf32, #tpu.memory_space<vmem>>, vector<1x16xf32>,
        %get3A_588 = vector.shape_cast %get3A_587 : vector<1x16xf32> to vector<16xf32>
        %mul3A_589 = arith.mulf %gather3A_574, %get3A_588 : vector<16xf32>
        %add3A_590 = arith.addf %scan3A_455, %mul3A_589 : vector<16xf32>
        %add3A_591 = arith.constant 32 : i32
        %add3A_592 = arith.addi %add3A_591, %scan3A_441 : i32
        %get3A_593 = arith.index_cast %add3A_592 : i32 to index
        %get3A_594 = arith.constant 224 : index
        %get3A_595 = tpu.vector_load %arg8[%get3A_593, %get3A_594] {strides = array<i32>} : memref<128x384xf32, #tpu.memory_space<vmem>>, vector<1x16xf32>,
        %get3A_596 = vector.shape_cast %get3A_595 : vector<1x16xf32> to vector<16xf32>
        %mul3A_597 = arith.mulf %gather3A_574, %get3A_596 : vector<16xf32>
        %add3A_598 = arith.addf %scan3A_456, %mul3A_597 : vector<16xf32>
        %add3A_599 = arith.constant 32 : i32
        %add3A_600 = arith.addi %add3A_599, %scan3A_441 : i32
        %get3A_601 = arith.index_cast %add3A_600 : i32 to index
        %get3A_602 = arith.constant 240 : index
        %get3A_603 = tpu.vector_load %arg8[%get3A_601, %get3A_602] {strides = array<i32>} : memref<128x384xf32, #tpu.memory_space<vmem>>, vector<1x16xf32>,
        %get3A_604 = vector.shape_cast %get3A_603 : vector<1x16xf32> to vector<16xf32>
        %mul3A_605 = arith.mulf %gather3A_574, %get3A_604 : vector<16xf32>
        %add3A_606 = arith.addf %scan3A_457, %mul3A_605 : vector<16xf32>
        scf.yield %add3A_474, %add3A_482, %add3A_490, %add3A_498, %add3A_510, %add3A_518, %add3A_526, %add3A_534, %add3A_546, %add3A_554, %add3A_562, %add3A_570, %add3A_582, %add3A_590, %add3A_598, %add3A_606 : vector<16xf32>, vector<16xf32>, vector<16xf32>, vector<16xf32>, vector<16xf32>, vector<16xf32>, vector<16xf32>, vector<16xf32>, vector<16xf32>, vector<16xf32>, vector<16xf32>, vector<16xf32>, vector<16xf32>, vector<16xf32>, vector<16xf32>, vector<16xf32>
      }
      %scan3A_162 = arith.constant 32 : i32
      %swap3A_163 = arith.constant 256 : index
      %swap3A_164 = tpu.vector_load %arg10[%swap3A_163] {strides = array<i32>} : memref<1024xf32, #tpu.memory_space<vmem>>, vector<16xf32>,
      %swap3A_165 = vector.shape_cast %swap3A_164 : vector<16xf32> to vector<16xf32>
      %swap3A_166 = vector.shape_cast %scan3A_161#0 : vector<16xf32> to vector<16xf32>
      tpu.vector_store %arg10[%swap3A_163], %swap3A_166 {strides = array<i32>} : memref<1024xf32, #tpu.memory_space<vmem>>, vector<16xf32>,
      %swap3A_167 = arith.constant 272 : index
      %swap3A_168 = tpu.vector_load %arg10[%swap3A_167] {strides = array<i32>} : memref<1024xf32, #tpu.memory_space<vmem>>, vector<16xf32>,
      %swap3A_169 = vector.shape_cast %swap3A_168 : vector<16xf32> to vector<16xf32>
      %swap3A_170 = vector.shape_cast %scan3A_161#1 : vector<16xf32> to vector<16xf32>
      tpu.vector_store %arg10[%swap3A_167], %swap3A_170 {strides = array<i32>} : memref<1024xf32, #tpu.memory_space<vmem>>, vector<16xf32>,
      %swap3A_171 = arith.constant 288 : index
      %swap3A_172 = tpu.vector_load %arg10[%swap3A_171] {strides = array<i32>} : memref<1024xf32, #tpu.memory_space<vmem>>, vector<16xf32>,
      %swap3A_173 = vector.shape_cast %swap3A_172 : vector<16xf32> to vector<16xf32>
      %swap3A_174 = vector.shape_cast %scan3A_161#2 : vector<16xf32> to vector<16xf32>
      tpu.vector_store %arg10[%swap3A_171], %swap3A_174 {strides = array<i32>} : memref<1024xf32, #tpu.memory_space<vmem>>, vector<16xf32>,
      %swap3A_175 = arith.constant 304 : index
      %swap3A_176 = tpu.vector_load %arg10[%swap3A_175] {strides = array<i32>} : memref<1024xf32, #tpu.memory_space<vmem>>, vector<16xf32>,
      %swap3A_177 = vector.shape_cast %swap3A_176 : vector<16xf32> to vector<16xf32>
      %swap3A_178 = vector.shape_cast %scan3A_161#3 : vector<16xf32> to vector<16xf32>
      tpu.vector_store %arg10[%swap3A_175], %swap3A_178 {strides = array<i32>} : memref<1024xf32, #tpu.memory_space<vmem>>, vector<16xf32>,
      %swap3A_179 = arith.constant 320 : index
      %swap3A_180 = tpu.vector_load %arg10[%swap3A_179] {strides = array<i32>} : memref<1024xf32, #tpu.memory_space<vmem>>, vector<16xf32>,
      %swap3A_181 = vector.shape_cast %swap3A_180 : vector<16xf32> to vector<16xf32>
      %swap3A_182 = vector.shape_cast %scan3A_161#4 : vector<16xf32> to vector<16xf32>
      tpu.vector_store %arg10[%swap3A_179], %swap3A_182 {strides = array<i32>} : memref<1024xf32, #tpu.memory_space<vmem>>, vector<16xf32>,
      %swap3A_183 = arith.constant 336 : index
      %swap3A_184 = tpu.vector_load %arg10[%swap3A_183] {strides = array<i32>} : memref<1024xf32, #tpu.memory_space<vmem>>, vector<16xf32>,
      %swap3A_185 = vector.shape_cast %swap3A_184 : vector<16xf32> to vector<16xf32>
      %swap3A_186 = vector.shape_cast %scan3A_161#5 : vector<16xf32> to vector<16xf32>
      tpu.vector_store %arg10[%swap3A_183], %swap3A_186 {strides = array<i32>} : memref<1024xf32, #tpu.memory_space<vmem>>, vector<16xf32>,
      %swap3A_187 = arith.constant 352 : index
      %swap3A_188 = tpu.vector_load %arg10[%swap3A_187] {strides = array<i32>} : memref<1024xf32, #tpu.memory_space<vmem>>, vector<16xf32>,
      %swap3A_189 = vector.shape_cast %swap3A_188 : vector<16xf32> to vector<16xf32>
      %swap3A_190 = vector.shape_cast %scan3A_161#6 : vector<16xf32> to vector<16xf32>
      tpu.vector_store %arg10[%swap3A_187], %swap3A_190 {strides = array<i32>} : memref<1024xf32, #tpu.memory_space<vmem>>, vector<16xf32>,
      %swap3A_191 = arith.constant 368 : index
      %swap3A_192 = tpu.vector_load %arg10[%swap3A_191] {strides = array<i32>} : memref<1024xf32, #tpu.memory_space<vmem>>, vector<16xf32>,
      %swap3A_193 = vector.shape_cast %swap3A_192 : vector<16xf32> to vector<16xf32>
      %swap3A_194 = vector.shape_cast %scan3A_161#7 : vector<16xf32> to vector<16xf32>
      tpu.vector_store %arg10[%swap3A_191], %swap3A_194 {strides = array<i32>} : memref<1024xf32, #tpu.memory_space<vmem>>, vector<16xf32>,
      %swap3A_195 = arith.constant 384 : index
      %swap3A_196 = tpu.vector_load %arg10[%swap3A_195] {strides = array<i32>} : memref<1024xf32, #tpu.memory_space<vmem>>, vector<16xf32>,
      %swap3A_197 = vector.shape_cast %swap3A_196 : vector<16xf32> to vector<16xf32>
      %swap3A_198 = vector.shape_cast %scan3A_161#8 : vector<16xf32> to vector<16xf32>
      tpu.vector_store %arg10[%swap3A_195], %swap3A_198 {strides = array<i32>} : memref<1024xf32, #tpu.memory_space<vmem>>, vector<16xf32>,
      %swap3A_199 = arith.constant 400 : index
      %swap3A_200 = tpu.vector_load %arg10[%swap3A_199] {strides = array<i32>} : memref<1024xf32, #tpu.memory_space<vmem>>, vector<16xf32>,
      %swap3A_201 = vector.shape_cast %swap3A_200 : vector<16xf32> to vector<16xf32>
      %swap3A_202 = vector.shape_cast %scan3A_161#9 : vector<16xf32> to vector<16xf32>
      tpu.vector_store %arg10[%swap3A_199], %swap3A_202 {strides = array<i32>} : memref<1024xf32, #tpu.memory_space<vmem>>, vector<16xf32>,
      %swap3A_203 = arith.constant 416 : index
      %swap3A_204 = tpu.vector_load %arg10[%swap3A_203] {strides = array<i32>} : memref<1024xf32, #tpu.memory_space<vmem>>, vector<16xf32>,
      %swap3A_205 = vector.shape_cast %swap3A_204 : vector<16xf32> to vector<16xf32>
      %swap3A_206 = vector.shape_cast %scan3A_161#10 : vector<16xf32> to vector<16xf32>
      tpu.vector_store %arg10[%swap3A_203], %swap3A_206 {strides = array<i32>} : memref<1024xf32, #tpu.memory_space<vmem>>, vector<16xf32>,
      %swap3A_207 = arith.constant 432 : index
      %swap3A_208 = tpu.vector_load %arg10[%swap3A_207] {strides = array<i32>} : memref<1024xf32, #tpu.memory_space<vmem>>, vector<16xf32>,
      %swap3A_209 = vector.shape_cast %swap3A_208 : vector<16xf32> to vector<16xf32>
      %swap3A_210 = vector.shape_cast %scan3A_161#11 : vector<16xf32> to vector<16xf32>
      tpu.vector_store %arg10[%swap3A_207], %swap3A_210 {strides = array<i32>} : memref<1024xf32, #tpu.memory_space<vmem>>, vector<16xf32>,
      %swap3A_211 = arith.constant 448 : index
      %swap3A_212 = tpu.vector_load %arg10[%swap3A_211] {strides = array<i32>} : memref<1024xf32, #tpu.memory_space<vmem>>, vector<16xf32>,
      %swap3A_213 = vector.shape_cast %swap3A_212 : vector<16xf32> to vector<16xf32>
      %swap3A_214 = vector.shape_cast %scan3A_161#12 : vector<16xf32> to vector<16xf32>
      tpu.vector_store %arg10[%swap3A_211], %swap3A_214 {strides = array<i32>} : memref<1024xf32, #tpu.memory_space<vmem>>, vector<16xf32>,
      %swap3A_215 = arith.constant 464 : index
      %swap3A_216 = tpu.vector_load %arg10[%swap3A_215] {strides = array<i32>} : memref<1024xf32, #tpu.memory_space<vmem>>, vector<16xf32>,
      %swap3A_217 = vector.shape_cast %swap3A_216 : vector<16xf32> to vector<16xf32>
      %swap3A_218 = vector.shape_cast %scan3A_161#13 : vector<16xf32> to vector<16xf32>
      tpu.vector_store %arg10[%swap3A_215], %swap3A_218 {strides = array<i32>} : memref<1024xf32, #tpu.memory_space<vmem>>, vector<16xf32>,
      %swap3A_219 = arith.constant 480 : index
      %swap3A_220 = tpu.vector_load %arg10[%swap3A_219] {strides = array<i32>} : memref<1024xf32, #tpu.memory_space<vmem>>, vector<16xf32>,
      %swap3A_221 = vector.shape_cast %swap3A_220 : vector<16xf32> to vector<16xf32>
      %swap3A_222 = vector.shape_cast %scan3A_161#14 : vector<16xf32> to vector<16xf32>
      tpu.vector_store %arg10[%swap3A_219], %swap3A_222 {strides = array<i32>} : memref<1024xf32, #tpu.memory_space<vmem>>, vector<16xf32>,
      %swap3A_223 = arith.constant 496 : index
      %swap3A_224 = tpu.vector_load %arg10[%swap3A_223] {strides = array<i32>} : memref<1024xf32, #tpu.memory_space<vmem>>, vector<16xf32>,
      %swap3A_225 = vector.shape_cast %swap3A_224 : vector<16xf32> to vector<16xf32>
      %swap3A_226 = vector.shape_cast %scan3A_161#15 : vector<16xf32> to vector<16xf32>
      tpu.vector_store %arg10[%swap3A_223], %swap3A_226 {strides = array<i32>} : memref<1024xf32, #tpu.memory_space<vmem>>, vector<16xf32>,
      %mul3A_227 = arith.constant 4 : i32
      %mul3A_228 = arith.muli %scan3A_15, %mul3A_227 : i32
      %add3A_229 = arith.constant 2 : i32
      %add3A_230 = arith.addi %mul3A_228, %add3A_229 : i32
      %mul3A_231 = arith.constant 16 : i32
      %mul3A_232 = arith.muli %add3A_230, %mul3A_231 : i32
      %get3A_233 = arith.index_cast %mul3A_232 : i32 to index
      %get3A_234 = tpu.vector_load %arg7[%get3A_233] {strides = array<i32>} : memref<5120xf32, #tpu.memory_space<vmem>>, vector<16xf32>,
      %get3A_235 = vector.shape_cast %get3A_234 : vector<16xf32> to vector<16xf32>
      %broadcast_in_dim3A_236 = arith.constant -3.000000e+38 : f32
      %broadcast_in_dim3A_237 = vector.broadcast %broadcast_in_dim3A_236 : f32 to vector<16xf32>
      %scan3A_238 = arith.constant 0 : i32
      %scan3A_239 = arith.constant 32 : i32
      %scan3A_240 = arith.addi %scan3A_238, %scan3A_239 : i32
      %scan3A_241 = arith.constant 1 : i32
      %scan3A_242 = scf.for %scan3A_441 = %scan3A_238 to %scan3A_240 step %scan3A_241 iter_args(%scan3A_442 = %broadcast_in_dim3A_237) -> (vector<16xf32>)  : i32 {
        %add3A_443 = arith.constant 64 : i32
        %add3A_444 = arith.addi %add3A_443, %scan3A_441 : i32
        %get3A_445 = arith.index_cast %add3A_444 : i32 to index
        %get3A_446 = arith.constant 256 : index
        %get3A_447 = tpu.vector_load %arg8[%get3A_445, %get3A_446] {strides = array<i32>} : memref<128x384xf32, #tpu.memory_space<vmem>>, vector<1x16xf32>,
        %get3A_448 = vector.shape_cast %get3A_447 : vector<1x16xf32> to vector<16xf32>
        %add3A_449 = arith.addf %get3A_235, %get3A_448 : vector<16xf32>
        %gt3A = arith.constant 0.000000e+00 : f32
        %gt3A_450 = vector.broadcast %gt3A : f32 to vector<16xf32>
        %gt3A_451 = arith.cmpf ogt, %add3A_449, %gt3A_450 : vector<16xf32>
        %mul3A_452 = arith.constant 2.000000e-01 : f32
        %mul3A_453 = vector.broadcast %mul3A_452 : f32 to vector<16xf32>
        %mul3A_454 = arith.mulf %mul3A_453, %add3A_449 : vector<16xf32>
        %select_n3A = arith.select %gt3A_451, %add3A_449, %mul3A_454 : vector<16xi1>, vector<16xf32>
        %mul3A_455 = arith.constant 16 : i32
        %mul3A_456 = arith.muli %scan3A_441, %mul3A_455 : i32
        %swap3A_457 = arith.index_cast %mul3A_456 : i32 to index
        %swap3A_458 = tpu.vector_load %arg9[%swap3A_457] {strides = array<i32>} : memref<512xf32, #tpu.memory_space<vmem>>, vector<16xf32>,
        %swap3A_459 = vector.shape_cast %swap3A_458 : vector<16xf32> to vector<16xf32>
        %swap3A_460 = vector.shape_cast %select_n3A : vector<16xf32> to vector<16xf32>
        tpu.vector_store %arg9[%swap3A_457], %swap3A_460 {strides = array<i32>} : memref<512xf32, #tpu.memory_space<vmem>>, vector<16xf32>,
        %max3A = arith.maximumf %scan3A_442, %select_n3A : vector<16xf32>
        scf.yield %max3A : vector<16xf32>
      }
      %scan3A_243 = arith.constant 32 : i32
      %broadcast_in_dim3A_244 = arith.constant 0.000000e+00 : f32
      %broadcast_in_dim3A_245 = vector.broadcast %broadcast_in_dim3A_244 : f32 to vector<16xf32>
      %scan3A_246 = arith.constant 0 : i32
      %scan3A_247 = arith.constant 32 : i32
      %scan3A_248 = arith.addi %scan3A_246, %scan3A_247 : i32
      %scan3A_249 = arith.constant 1 : i32
      %scan3A_250 = scf.for %scan3A_441 = %scan3A_246 to %scan3A_248 step %scan3A_249 iter_args(%scan3A_442 = %broadcast_in_dim3A_245) -> (vector<16xf32>)  : i32 {
        %mul3A_443 = arith.constant 16 : i32
        %mul3A_444 = arith.muli %scan3A_441, %mul3A_443 : i32
        %get3A_445 = arith.index_cast %mul3A_444 : i32 to index
        %get3A_446 = tpu.vector_load %arg9[%get3A_445] {strides = array<i32>} : memref<512xf32, #tpu.memory_space<vmem>>, vector<16xf32>,
        %get3A_447 = vector.shape_cast %get3A_446 : vector<16xf32> to vector<16xf32>
        %sub3A = arith.subf %get3A_447, %scan3A_242 : vector<16xf32>
        %exp3A = math.exp %sub3A : vector<16xf32>
        %mul3A_448 = arith.constant 16 : i32
        %mul3A_449 = arith.muli %scan3A_441, %mul3A_448 : i32
        %swap3A_450 = arith.index_cast %mul3A_449 : i32 to index
        %swap3A_451 = tpu.vector_load %arg9[%swap3A_450] {strides = array<i32>} : memref<512xf32, #tpu.memory_space<vmem>>, vector<16xf32>,
        %swap3A_452 = vector.shape_cast %swap3A_451 : vector<16xf32> to vector<16xf32>
        %swap3A_453 = vector.shape_cast %exp3A : vector<16xf32> to vector<16xf32>
        tpu.vector_store %arg9[%swap3A_450], %swap3A_453 {strides = array<i32>} : memref<512xf32, #tpu.memory_space<vmem>>, vector<16xf32>,
        %add3A_454 = arith.addf %scan3A_442, %exp3A : vector<16xf32>
        scf.yield %add3A_454 : vector<16xf32>
      }
      %scan3A_251 = arith.constant 32 : i32
      %add3A_252 = arith.constant 1.000000e-16 : f32
      %add3A_253 = vector.broadcast %add3A_252 : f32 to vector<16xf32>
      %add3A_254 = arith.addf %scan3A_250, %add3A_253 : vector<16xf32>
      %div3A_255 = arith.constant 1.000000e+00 : f32
      %div3A_256 = vector.broadcast %div3A_255 : f32 to vector<16xf32>
      %div3A_257 = arith.divf %div3A_256, %add3A_254 : vector<16xf32>
      %broadcast_in_dim3A_258 = arith.constant 0.000000e+00 : f32
      %broadcast_in_dim3A_259 = vector.broadcast %broadcast_in_dim3A_258 : f32 to vector<16xf32>
      %scan3A_260 = arith.constant 0 : i32
      %scan3A_261 = arith.constant 32 : i32
      %scan3A_262 = arith.addi %scan3A_260, %scan3A_261 : i32
      %scan3A_263 = arith.constant 1 : i32
      %scan3A_264:16 = scf.for %scan3A_441 = %scan3A_260 to %scan3A_262 step %scan3A_263 iter_args(%scan3A_442 = %broadcast_in_dim3A_259, %scan3A_443 = %broadcast_in_dim3A_259, %scan3A_444 = %broadcast_in_dim3A_259, %scan3A_445 = %broadcast_in_dim3A_259, %scan3A_446 = %broadcast_in_dim3A_259, %scan3A_447 = %broadcast_in_dim3A_259, %scan3A_448 = %broadcast_in_dim3A_259, %scan3A_449 = %broadcast_in_dim3A_259, %scan3A_450 = %broadcast_in_dim3A_259, %scan3A_451 = %broadcast_in_dim3A_259, %scan3A_452 = %broadcast_in_dim3A_259, %scan3A_453 = %broadcast_in_dim3A_259, %scan3A_454 = %broadcast_in_dim3A_259, %scan3A_455 = %broadcast_in_dim3A_259, %scan3A_456 = %broadcast_in_dim3A_259, %scan3A_457 = %broadcast_in_dim3A_259) -> (vector<16xf32>, vector<16xf32>, vector<16xf32>, vector<16xf32>, vector<16xf32>, vector<16xf32>, vector<16xf32>, vector<16xf32>, vector<16xf32>, vector<16xf32>, vector<16xf32>, vector<16xf32>, vector<16xf32>, vector<16xf32>, vector<16xf32>, vector<16xf32>)  : i32 {
        %mul3A_458 = arith.constant 16 : i32
        %mul3A_459 = arith.muli %scan3A_441, %mul3A_458 : i32
        %get3A_460 = arith.index_cast %mul3A_459 : i32 to index
        %get3A_461 = tpu.vector_load %arg9[%get3A_460] {strides = array<i32>} : memref<512xf32, #tpu.memory_space<vmem>>, vector<16xf32>,
        %get3A_462 = vector.shape_cast %get3A_461 : vector<16xf32> to vector<16xf32>
        %mul3A_463 = arith.mulf %get3A_462, %div3A_257 : vector<16xf32>
        %broadcast_in_dim3A_464 = arith.constant 0 : i32
        %broadcast_in_dim3A_465 = vector.broadcast %broadcast_in_dim3A_464 : i32 to vector<16x1xi32>
        %gather3A = vector.shape_cast %broadcast_in_dim3A_465 : vector<16x1xi32> to vector<16xi32>
        %gather3A_466 = tpu.dynamic_gather %mul3A_463[%gather3A] in [0] : vector<16xf32>, vector<16xi32> -> vector<16xf32>
        %add3A_467 = arith.constant 64 : i32
        %add3A_468 = arith.addi %add3A_467, %scan3A_441 : i32
        %get3A_469 = arith.index_cast %add3A_468 : i32 to index
        %get3A_470 = arith.constant 0 : index
        %get3A_471 = tpu.vector_load %arg8[%get3A_469, %get3A_470] {strides = array<i32>} : memref<128x384xf32, #tpu.memory_space<vmem>>, vector<1x16xf32>,
        %get3A_472 = vector.shape_cast %get3A_471 : vector<1x16xf32> to vector<16xf32>
        %mul3A_473 = arith.mulf %gather3A_466, %get3A_472 : vector<16xf32>
        %add3A_474 = arith.addf %scan3A_442, %mul3A_473 : vector<16xf32>
        %add3A_475 = arith.constant 64 : i32
        %add3A_476 = arith.addi %add3A_475, %scan3A_441 : i32
        %get3A_477 = arith.index_cast %add3A_476 : i32 to index
        %get3A_478 = arith.constant 16 : index
        %get3A_479 = tpu.vector_load %arg8[%get3A_477, %get3A_478] {strides = array<i32>} : memref<128x384xf32, #tpu.memory_space<vmem>>, vector<1x16xf32>,
        %get3A_480 = vector.shape_cast %get3A_479 : vector<1x16xf32> to vector<16xf32>
        %mul3A_481 = arith.mulf %gather3A_466, %get3A_480 : vector<16xf32>
        %add3A_482 = arith.addf %scan3A_443, %mul3A_481 : vector<16xf32>
        %add3A_483 = arith.constant 64 : i32
        %add3A_484 = arith.addi %add3A_483, %scan3A_441 : i32
        %get3A_485 = arith.index_cast %add3A_484 : i32 to index
        %get3A_486 = arith.constant 32 : index
        %get3A_487 = tpu.vector_load %arg8[%get3A_485, %get3A_486] {strides = array<i32>} : memref<128x384xf32, #tpu.memory_space<vmem>>, vector<1x16xf32>,
        %get3A_488 = vector.shape_cast %get3A_487 : vector<1x16xf32> to vector<16xf32>
        %mul3A_489 = arith.mulf %gather3A_466, %get3A_488 : vector<16xf32>
        %add3A_490 = arith.addf %scan3A_444, %mul3A_489 : vector<16xf32>
        %add3A_491 = arith.constant 64 : i32
        %add3A_492 = arith.addi %add3A_491, %scan3A_441 : i32
        %get3A_493 = arith.index_cast %add3A_492 : i32 to index
        %get3A_494 = arith.constant 48 : index
        %get3A_495 = tpu.vector_load %arg8[%get3A_493, %get3A_494] {strides = array<i32>} : memref<128x384xf32, #tpu.memory_space<vmem>>, vector<1x16xf32>,
        %get3A_496 = vector.shape_cast %get3A_495 : vector<1x16xf32> to vector<16xf32>
        %mul3A_497 = arith.mulf %gather3A_466, %get3A_496 : vector<16xf32>
        %add3A_498 = arith.addf %scan3A_445, %mul3A_497 : vector<16xf32>
        %broadcast_in_dim3A_499 = arith.constant 1 : i32
        %broadcast_in_dim3A_500 = vector.broadcast %broadcast_in_dim3A_499 : i32 to vector<16x1xi32>
        %gather3A_501 = vector.shape_cast %broadcast_in_dim3A_500 : vector<16x1xi32> to vector<16xi32>
        %gather3A_502 = tpu.dynamic_gather %mul3A_463[%gather3A_501] in [0] : vector<16xf32>, vector<16xi32> -> vector<16xf32>
        %add3A_503 = arith.constant 64 : i32
        %add3A_504 = arith.addi %add3A_503, %scan3A_441 : i32
        %get3A_505 = arith.index_cast %add3A_504 : i32 to index
        %get3A_506 = arith.constant 64 : index
        %get3A_507 = tpu.vector_load %arg8[%get3A_505, %get3A_506] {strides = array<i32>} : memref<128x384xf32, #tpu.memory_space<vmem>>, vector<1x16xf32>,
        %get3A_508 = vector.shape_cast %get3A_507 : vector<1x16xf32> to vector<16xf32>
        %mul3A_509 = arith.mulf %gather3A_502, %get3A_508 : vector<16xf32>
        %add3A_510 = arith.addf %scan3A_446, %mul3A_509 : vector<16xf32>
        %add3A_511 = arith.constant 64 : i32
        %add3A_512 = arith.addi %add3A_511, %scan3A_441 : i32
        %get3A_513 = arith.index_cast %add3A_512 : i32 to index
        %get3A_514 = arith.constant 80 : index
        %get3A_515 = tpu.vector_load %arg8[%get3A_513, %get3A_514] {strides = array<i32>} : memref<128x384xf32, #tpu.memory_space<vmem>>, vector<1x16xf32>,
        %get3A_516 = vector.shape_cast %get3A_515 : vector<1x16xf32> to vector<16xf32>
        %mul3A_517 = arith.mulf %gather3A_502, %get3A_516 : vector<16xf32>
        %add3A_518 = arith.addf %scan3A_447, %mul3A_517 : vector<16xf32>
        %add3A_519 = arith.constant 64 : i32
        %add3A_520 = arith.addi %add3A_519, %scan3A_441 : i32
        %get3A_521 = arith.index_cast %add3A_520 : i32 to index
        %get3A_522 = arith.constant 96 : index
        %get3A_523 = tpu.vector_load %arg8[%get3A_521, %get3A_522] {strides = array<i32>} : memref<128x384xf32, #tpu.memory_space<vmem>>, vector<1x16xf32>,
        %get3A_524 = vector.shape_cast %get3A_523 : vector<1x16xf32> to vector<16xf32>
        %mul3A_525 = arith.mulf %gather3A_502, %get3A_524 : vector<16xf32>
        %add3A_526 = arith.addf %scan3A_448, %mul3A_525 : vector<16xf32>
        %add3A_527 = arith.constant 64 : i32
        %add3A_528 = arith.addi %add3A_527, %scan3A_441 : i32
        %get3A_529 = arith.index_cast %add3A_528 : i32 to index
        %get3A_530 = arith.constant 112 : index
        %get3A_531 = tpu.vector_load %arg8[%get3A_529, %get3A_530] {strides = array<i32>} : memref<128x384xf32, #tpu.memory_space<vmem>>, vector<1x16xf32>,
        %get3A_532 = vector.shape_cast %get3A_531 : vector<1x16xf32> to vector<16xf32>
        %mul3A_533 = arith.mulf %gather3A_502, %get3A_532 : vector<16xf32>
        %add3A_534 = arith.addf %scan3A_449, %mul3A_533 : vector<16xf32>
        %broadcast_in_dim3A_535 = arith.constant 2 : i32
        %broadcast_in_dim3A_536 = vector.broadcast %broadcast_in_dim3A_535 : i32 to vector<16x1xi32>
        %gather3A_537 = vector.shape_cast %broadcast_in_dim3A_536 : vector<16x1xi32> to vector<16xi32>
        %gather3A_538 = tpu.dynamic_gather %mul3A_463[%gather3A_537] in [0] : vector<16xf32>, vector<16xi32> -> vector<16xf32>
        %add3A_539 = arith.constant 64 : i32
        %add3A_540 = arith.addi %add3A_539, %scan3A_441 : i32
        %get3A_541 = arith.index_cast %add3A_540 : i32 to index
        %get3A_542 = arith.constant 128 : index
        %get3A_543 = tpu.vector_load %arg8[%get3A_541, %get3A_542] {strides = array<i32>} : memref<128x384xf32, #tpu.memory_space<vmem>>, vector<1x16xf32>,
        %get3A_544 = vector.shape_cast %get3A_543 : vector<1x16xf32> to vector<16xf32>
        %mul3A_545 = arith.mulf %gather3A_538, %get3A_544 : vector<16xf32>
        %add3A_546 = arith.addf %scan3A_450, %mul3A_545 : vector<16xf32>
        %add3A_547 = arith.constant 64 : i32
        %add3A_548 = arith.addi %add3A_547, %scan3A_441 : i32
        %get3A_549 = arith.index_cast %add3A_548 : i32 to index
        %get3A_550 = arith.constant 144 : index
        %get3A_551 = tpu.vector_load %arg8[%get3A_549, %get3A_550] {strides = array<i32>} : memref<128x384xf32, #tpu.memory_space<vmem>>, vector<1x16xf32>,
        %get3A_552 = vector.shape_cast %get3A_551 : vector<1x16xf32> to vector<16xf32>
        %mul3A_553 = arith.mulf %gather3A_538, %get3A_552 : vector<16xf32>
        %add3A_554 = arith.addf %scan3A_451, %mul3A_553 : vector<16xf32>
        %add3A_555 = arith.constant 64 : i32
        %add3A_556 = arith.addi %add3A_555, %scan3A_441 : i32
        %get3A_557 = arith.index_cast %add3A_556 : i32 to index
        %get3A_558 = arith.constant 160 : index
        %get3A_559 = tpu.vector_load %arg8[%get3A_557, %get3A_558] {strides = array<i32>} : memref<128x384xf32, #tpu.memory_space<vmem>>, vector<1x16xf32>,
        %get3A_560 = vector.shape_cast %get3A_559 : vector<1x16xf32> to vector<16xf32>
        %mul3A_561 = arith.mulf %gather3A_538, %get3A_560 : vector<16xf32>
        %add3A_562 = arith.addf %scan3A_452, %mul3A_561 : vector<16xf32>
        %add3A_563 = arith.constant 64 : i32
        %add3A_564 = arith.addi %add3A_563, %scan3A_441 : i32
        %get3A_565 = arith.index_cast %add3A_564 : i32 to index
        %get3A_566 = arith.constant 176 : index
        %get3A_567 = tpu.vector_load %arg8[%get3A_565, %get3A_566] {strides = array<i32>} : memref<128x384xf32, #tpu.memory_space<vmem>>, vector<1x16xf32>,
        %get3A_568 = vector.shape_cast %get3A_567 : vector<1x16xf32> to vector<16xf32>
        %mul3A_569 = arith.mulf %gather3A_538, %get3A_568 : vector<16xf32>
        %add3A_570 = arith.addf %scan3A_453, %mul3A_569 : vector<16xf32>
        %broadcast_in_dim3A_571 = arith.constant 3 : i32
        %broadcast_in_dim3A_572 = vector.broadcast %broadcast_in_dim3A_571 : i32 to vector<16x1xi32>
        %gather3A_573 = vector.shape_cast %broadcast_in_dim3A_572 : vector<16x1xi32> to vector<16xi32>
        %gather3A_574 = tpu.dynamic_gather %mul3A_463[%gather3A_573] in [0] : vector<16xf32>, vector<16xi32> -> vector<16xf32>
        %add3A_575 = arith.constant 64 : i32
        %add3A_576 = arith.addi %add3A_575, %scan3A_441 : i32
        %get3A_577 = arith.index_cast %add3A_576 : i32 to index
        %get3A_578 = arith.constant 192 : index
        %get3A_579 = tpu.vector_load %arg8[%get3A_577, %get3A_578] {strides = array<i32>} : memref<128x384xf32, #tpu.memory_space<vmem>>, vector<1x16xf32>,
        %get3A_580 = vector.shape_cast %get3A_579 : vector<1x16xf32> to vector<16xf32>
        %mul3A_581 = arith.mulf %gather3A_574, %get3A_580 : vector<16xf32>
        %add3A_582 = arith.addf %scan3A_454, %mul3A_581 : vector<16xf32>
        %add3A_583 = arith.constant 64 : i32
        %add3A_584 = arith.addi %add3A_583, %scan3A_441 : i32
        %get3A_585 = arith.index_cast %add3A_584 : i32 to index
        %get3A_586 = arith.constant 208 : index
        %get3A_587 = tpu.vector_load %arg8[%get3A_585, %get3A_586] {strides = array<i32>} : memref<128x384xf32, #tpu.memory_space<vmem>>, vector<1x16xf32>,
        %get3A_588 = vector.shape_cast %get3A_587 : vector<1x16xf32> to vector<16xf32>
        %mul3A_589 = arith.mulf %gather3A_574, %get3A_588 : vector<16xf32>
        %add3A_590 = arith.addf %scan3A_455, %mul3A_589 : vector<16xf32>
        %add3A_591 = arith.constant 64 : i32
        %add3A_592 = arith.addi %add3A_591, %scan3A_441 : i32
        %get3A_593 = arith.index_cast %add3A_592 : i32 to index
        %get3A_594 = arith.constant 224 : index
        %get3A_595 = tpu.vector_load %arg8[%get3A_593, %get3A_594] {strides = array<i32>} : memref<128x384xf32, #tpu.memory_space<vmem>>, vector<1x16xf32>,
        %get3A_596 = vector.shape_cast %get3A_595 : vector<1x16xf32> to vector<16xf32>
        %mul3A_597 = arith.mulf %gather3A_574, %get3A_596 : vector<16xf32>
        %add3A_598 = arith.addf %scan3A_456, %mul3A_597 : vector<16xf32>
        %add3A_599 = arith.constant 64 : i32
        %add3A_600 = arith.addi %add3A_599, %scan3A_441 : i32
        %get3A_601 = arith.index_cast %add3A_600 : i32 to index
        %get3A_602 = arith.constant 240 : index
        %get3A_603 = tpu.vector_load %arg8[%get3A_601, %get3A_602] {strides = array<i32>} : memref<128x384xf32, #tpu.memory_space<vmem>>, vector<1x16xf32>,
        %get3A_604 = vector.shape_cast %get3A_603 : vector<1x16xf32> to vector<16xf32>
        %mul3A_605 = arith.mulf %gather3A_574, %get3A_604 : vector<16xf32>
        %add3A_606 = arith.addf %scan3A_457, %mul3A_605 : vector<16xf32>
        scf.yield %add3A_474, %add3A_482, %add3A_490, %add3A_498, %add3A_510, %add3A_518, %add3A_526, %add3A_534, %add3A_546, %add3A_554, %add3A_562, %add3A_570, %add3A_582, %add3A_590, %add3A_598, %add3A_606 : vector<16xf32>, vector<16xf32>, vector<16xf32>, vector<16xf32>, vector<16xf32>, vector<16xf32>, vector<16xf32>, vector<16xf32>, vector<16xf32>, vector<16xf32>, vector<16xf32>, vector<16xf32>, vector<16xf32>, vector<16xf32>, vector<16xf32>, vector<16xf32>
      }
      %scan3A_265 = arith.constant 32 : i32
      %swap3A_266 = arith.constant 512 : index
      %swap3A_267 = tpu.vector_load %arg10[%swap3A_266] {strides = array<i32>} : memref<1024xf32, #tpu.memory_space<vmem>>, vector<16xf32>,
      %swap3A_268 = vector.shape_cast %swap3A_267 : vector<16xf32> to vector<16xf32>
      %swap3A_269 = vector.shape_cast %scan3A_264#0 : vector<16xf32> to vector<16xf32>
      tpu.vector_store %arg10[%swap3A_266], %swap3A_269 {strides = array<i32>} : memref<1024xf32, #tpu.memory_space<vmem>>, vector<16xf32>,
      %swap3A_270 = arith.constant 528 : index
      %swap3A_271 = tpu.vector_load %arg10[%swap3A_270] {strides = array<i32>} : memref<1024xf32, #tpu.memory_space<vmem>>, vector<16xf32>,
      %swap3A_272 = vector.shape_cast %swap3A_271 : vector<16xf32> to vector<16xf32>
      %swap3A_273 = vector.shape_cast %scan3A_264#1 : vector<16xf32> to vector<16xf32>
      tpu.vector_store %arg10[%swap3A_270], %swap3A_273 {strides = array<i32>} : memref<1024xf32, #tpu.memory_space<vmem>>, vector<16xf32>,
      %swap3A_274 = arith.constant 544 : index
      %swap3A_275 = tpu.vector_load %arg10[%swap3A_274] {strides = array<i32>} : memref<1024xf32, #tpu.memory_space<vmem>>, vector<16xf32>,
      %swap3A_276 = vector.shape_cast %swap3A_275 : vector<16xf32> to vector<16xf32>
      %swap3A_277 = vector.shape_cast %scan3A_264#2 : vector<16xf32> to vector<16xf32>
      tpu.vector_store %arg10[%swap3A_274], %swap3A_277 {strides = array<i32>} : memref<1024xf32, #tpu.memory_space<vmem>>, vector<16xf32>,
      %swap3A_278 = arith.constant 560 : index
      %swap3A_279 = tpu.vector_load %arg10[%swap3A_278] {strides = array<i32>} : memref<1024xf32, #tpu.memory_space<vmem>>, vector<16xf32>,
      %swap3A_280 = vector.shape_cast %swap3A_279 : vector<16xf32> to vector<16xf32>
      %swap3A_281 = vector.shape_cast %scan3A_264#3 : vector<16xf32> to vector<16xf32>
      tpu.vector_store %arg10[%swap3A_278], %swap3A_281 {strides = array<i32>} : memref<1024xf32, #tpu.memory_space<vmem>>, vector<16xf32>,
      %swap3A_282 = arith.constant 576 : index
      %swap3A_283 = tpu.vector_load %arg10[%swap3A_282] {strides = array<i32>} : memref<1024xf32, #tpu.memory_space<vmem>>, vector<16xf32>,
      %swap3A_284 = vector.shape_cast %swap3A_283 : vector<16xf32> to vector<16xf32>
      %swap3A_285 = vector.shape_cast %scan3A_264#4 : vector<16xf32> to vector<16xf32>
      tpu.vector_store %arg10[%swap3A_282], %swap3A_285 {strides = array<i32>} : memref<1024xf32, #tpu.memory_space<vmem>>, vector<16xf32>,
      %swap3A_286 = arith.constant 592 : index
      %swap3A_287 = tpu.vector_load %arg10[%swap3A_286] {strides = array<i32>} : memref<1024xf32, #tpu.memory_space<vmem>>, vector<16xf32>,
      %swap3A_288 = vector.shape_cast %swap3A_287 : vector<16xf32> to vector<16xf32>
      %swap3A_289 = vector.shape_cast %scan3A_264#5 : vector<16xf32> to vector<16xf32>
      tpu.vector_store %arg10[%swap3A_286], %swap3A_289 {strides = array<i32>} : memref<1024xf32, #tpu.memory_space<vmem>>, vector<16xf32>,
      %swap3A_290 = arith.constant 608 : index
      %swap3A_291 = tpu.vector_load %arg10[%swap3A_290] {strides = array<i32>} : memref<1024xf32, #tpu.memory_space<vmem>>, vector<16xf32>,
      %swap3A_292 = vector.shape_cast %swap3A_291 : vector<16xf32> to vector<16xf32>
      %swap3A_293 = vector.shape_cast %scan3A_264#6 : vector<16xf32> to vector<16xf32>
      tpu.vector_store %arg10[%swap3A_290], %swap3A_293 {strides = array<i32>} : memref<1024xf32, #tpu.memory_space<vmem>>, vector<16xf32>,
      %swap3A_294 = arith.constant 624 : index
      %swap3A_295 = tpu.vector_load %arg10[%swap3A_294] {strides = array<i32>} : memref<1024xf32, #tpu.memory_space<vmem>>, vector<16xf32>,
      %swap3A_296 = vector.shape_cast %swap3A_295 : vector<16xf32> to vector<16xf32>
      %swap3A_297 = vector.shape_cast %scan3A_264#7 : vector<16xf32> to vector<16xf32>
      tpu.vector_store %arg10[%swap3A_294], %swap3A_297 {strides = array<i32>} : memref<1024xf32, #tpu.memory_space<vmem>>, vector<16xf32>,
      %swap3A_298 = arith.constant 640 : index
      %swap3A_299 = tpu.vector_load %arg10[%swap3A_298] {strides = array<i32>} : memref<1024xf32, #tpu.memory_space<vmem>>, vector<16xf32>,
      %swap3A_300 = vector.shape_cast %swap3A_299 : vector<16xf32> to vector<16xf32>
      %swap3A_301 = vector.shape_cast %scan3A_264#8 : vector<16xf32> to vector<16xf32>
      tpu.vector_store %arg10[%swap3A_298], %swap3A_301 {strides = array<i32>} : memref<1024xf32, #tpu.memory_space<vmem>>, vector<16xf32>,
      %swap3A_302 = arith.constant 656 : index
      %swap3A_303 = tpu.vector_load %arg10[%swap3A_302] {strides = array<i32>} : memref<1024xf32, #tpu.memory_space<vmem>>, vector<16xf32>,
      %swap3A_304 = vector.shape_cast %swap3A_303 : vector<16xf32> to vector<16xf32>
      %swap3A_305 = vector.shape_cast %scan3A_264#9 : vector<16xf32> to vector<16xf32>
      tpu.vector_store %arg10[%swap3A_302], %swap3A_305 {strides = array<i32>} : memref<1024xf32, #tpu.memory_space<vmem>>, vector<16xf32>,
      %swap3A_306 = arith.constant 672 : index
      %swap3A_307 = tpu.vector_load %arg10[%swap3A_306] {strides = array<i32>} : memref<1024xf32, #tpu.memory_space<vmem>>, vector<16xf32>,
      %swap3A_308 = vector.shape_cast %swap3A_307 : vector<16xf32> to vector<16xf32>
      %swap3A_309 = vector.shape_cast %scan3A_264#10 : vector<16xf32> to vector<16xf32>
      tpu.vector_store %arg10[%swap3A_306], %swap3A_309 {strides = array<i32>} : memref<1024xf32, #tpu.memory_space<vmem>>, vector<16xf32>,
      %swap3A_310 = arith.constant 688 : index
      %swap3A_311 = tpu.vector_load %arg10[%swap3A_310] {strides = array<i32>} : memref<1024xf32, #tpu.memory_space<vmem>>, vector<16xf32>,
      %swap3A_312 = vector.shape_cast %swap3A_311 : vector<16xf32> to vector<16xf32>
      %swap3A_313 = vector.shape_cast %scan3A_264#11 : vector<16xf32> to vector<16xf32>
      tpu.vector_store %arg10[%swap3A_310], %swap3A_313 {strides = array<i32>} : memref<1024xf32, #tpu.memory_space<vmem>>, vector<16xf32>,
      %swap3A_314 = arith.constant 704 : index
      %swap3A_315 = tpu.vector_load %arg10[%swap3A_314] {strides = array<i32>} : memref<1024xf32, #tpu.memory_space<vmem>>, vector<16xf32>,
      %swap3A_316 = vector.shape_cast %swap3A_315 : vector<16xf32> to vector<16xf32>
      %swap3A_317 = vector.shape_cast %scan3A_264#12 : vector<16xf32> to vector<16xf32>
      tpu.vector_store %arg10[%swap3A_314], %swap3A_317 {strides = array<i32>} : memref<1024xf32, #tpu.memory_space<vmem>>, vector<16xf32>,
      %swap3A_318 = arith.constant 720 : index
      %swap3A_319 = tpu.vector_load %arg10[%swap3A_318] {strides = array<i32>} : memref<1024xf32, #tpu.memory_space<vmem>>, vector<16xf32>,
      %swap3A_320 = vector.shape_cast %swap3A_319 : vector<16xf32> to vector<16xf32>
      %swap3A_321 = vector.shape_cast %scan3A_264#13 : vector<16xf32> to vector<16xf32>
      tpu.vector_store %arg10[%swap3A_318], %swap3A_321 {strides = array<i32>} : memref<1024xf32, #tpu.memory_space<vmem>>, vector<16xf32>,
      %swap3A_322 = arith.constant 736 : index
      %swap3A_323 = tpu.vector_load %arg10[%swap3A_322] {strides = array<i32>} : memref<1024xf32, #tpu.memory_space<vmem>>, vector<16xf32>,
      %swap3A_324 = vector.shape_cast %swap3A_323 : vector<16xf32> to vector<16xf32>
      %swap3A_325 = vector.shape_cast %scan3A_264#14 : vector<16xf32> to vector<16xf32>
      tpu.vector_store %arg10[%swap3A_322], %swap3A_325 {strides = array<i32>} : memref<1024xf32, #tpu.memory_space<vmem>>, vector<16xf32>,
      %swap3A_326 = arith.constant 752 : index
      %swap3A_327 = tpu.vector_load %arg10[%swap3A_326] {strides = array<i32>} : memref<1024xf32, #tpu.memory_space<vmem>>, vector<16xf32>,
      %swap3A_328 = vector.shape_cast %swap3A_327 : vector<16xf32> to vector<16xf32>
      %swap3A_329 = vector.shape_cast %scan3A_264#15 : vector<16xf32> to vector<16xf32>
      tpu.vector_store %arg10[%swap3A_326], %swap3A_329 {strides = array<i32>} : memref<1024xf32, #tpu.memory_space<vmem>>, vector<16xf32>,
      %mul3A_330 = arith.constant 4 : i32
      %mul3A_331 = arith.muli %scan3A_15, %mul3A_330 : i32
      %add3A_332 = arith.constant 3 : i32
      %add3A_333 = arith.addi %mul3A_331, %add3A_332 : i32
      %mul3A_334 = arith.constant 16 : i32
      %mul3A_335 = arith.muli %add3A_333, %mul3A_334 : i32
      %get3A_336 = arith.index_cast %mul3A_335 : i32 to index
      %get3A_337 = tpu.vector_load %arg7[%get3A_336] {strides = array<i32>} : memref<5120xf32, #tpu.memory_space<vmem>>, vector<16xf32>,
      %get3A_338 = vector.shape_cast %get3A_337 : vector<16xf32> to vector<16xf32>
      %broadcast_in_dim3A_339 = arith.constant -3.000000e+38 : f32
      %broadcast_in_dim3A_340 = vector.broadcast %broadcast_in_dim3A_339 : f32 to vector<16xf32>
      %scan3A_341 = arith.constant 0 : i32
      %scan3A_342 = arith.constant 32 : i32
      %scan3A_343 = arith.addi %scan3A_341, %scan3A_342 : i32
      %scan3A_344 = arith.constant 1 : i32
      %scan3A_345 = scf.for %scan3A_441 = %scan3A_341 to %scan3A_343 step %scan3A_344 iter_args(%scan3A_442 = %broadcast_in_dim3A_340) -> (vector<16xf32>)  : i32 {
        %add3A_443 = arith.constant 96 : i32
        %add3A_444 = arith.addi %add3A_443, %scan3A_441 : i32
        %get3A_445 = arith.index_cast %add3A_444 : i32 to index
        %get3A_446 = arith.constant 256 : index
        %get3A_447 = tpu.vector_load %arg8[%get3A_445, %get3A_446] {strides = array<i32>} : memref<128x384xf32, #tpu.memory_space<vmem>>, vector<1x16xf32>,
        %get3A_448 = vector.shape_cast %get3A_447 : vector<1x16xf32> to vector<16xf32>
        %add3A_449 = arith.addf %get3A_338, %get3A_448 : vector<16xf32>
        %gt3A = arith.constant 0.000000e+00 : f32
        %gt3A_450 = vector.broadcast %gt3A : f32 to vector<16xf32>
        %gt3A_451 = arith.cmpf ogt, %add3A_449, %gt3A_450 : vector<16xf32>
        %mul3A_452 = arith.constant 2.000000e-01 : f32
        %mul3A_453 = vector.broadcast %mul3A_452 : f32 to vector<16xf32>
        %mul3A_454 = arith.mulf %mul3A_453, %add3A_449 : vector<16xf32>
        %select_n3A = arith.select %gt3A_451, %add3A_449, %mul3A_454 : vector<16xi1>, vector<16xf32>
        %mul3A_455 = arith.constant 16 : i32
        %mul3A_456 = arith.muli %scan3A_441, %mul3A_455 : i32
        %swap3A_457 = arith.index_cast %mul3A_456 : i32 to index
        %swap3A_458 = tpu.vector_load %arg9[%swap3A_457] {strides = array<i32>} : memref<512xf32, #tpu.memory_space<vmem>>, vector<16xf32>,
        %swap3A_459 = vector.shape_cast %swap3A_458 : vector<16xf32> to vector<16xf32>
        %swap3A_460 = vector.shape_cast %select_n3A : vector<16xf32> to vector<16xf32>
        tpu.vector_store %arg9[%swap3A_457], %swap3A_460 {strides = array<i32>} : memref<512xf32, #tpu.memory_space<vmem>>, vector<16xf32>,
        %max3A = arith.maximumf %scan3A_442, %select_n3A : vector<16xf32>
        scf.yield %max3A : vector<16xf32>
      }
      %scan3A_346 = arith.constant 32 : i32
      %broadcast_in_dim3A_347 = arith.constant 0.000000e+00 : f32
      %broadcast_in_dim3A_348 = vector.broadcast %broadcast_in_dim3A_347 : f32 to vector<16xf32>
      %scan3A_349 = arith.constant 0 : i32
      %scan3A_350 = arith.constant 32 : i32
      %scan3A_351 = arith.addi %scan3A_349, %scan3A_350 : i32
      %scan3A_352 = arith.constant 1 : i32
      %scan3A_353 = scf.for %scan3A_441 = %scan3A_349 to %scan3A_351 step %scan3A_352 iter_args(%scan3A_442 = %broadcast_in_dim3A_348) -> (vector<16xf32>)  : i32 {
        %mul3A_443 = arith.constant 16 : i32
        %mul3A_444 = arith.muli %scan3A_441, %mul3A_443 : i32
        %get3A_445 = arith.index_cast %mul3A_444 : i32 to index
        %get3A_446 = tpu.vector_load %arg9[%get3A_445] {strides = array<i32>} : memref<512xf32, #tpu.memory_space<vmem>>, vector<16xf32>,
        %get3A_447 = vector.shape_cast %get3A_446 : vector<16xf32> to vector<16xf32>
        %sub3A = arith.subf %get3A_447, %scan3A_345 : vector<16xf32>
        %exp3A = math.exp %sub3A : vector<16xf32>
        %mul3A_448 = arith.constant 16 : i32
        %mul3A_449 = arith.muli %scan3A_441, %mul3A_448 : i32
        %swap3A_450 = arith.index_cast %mul3A_449 : i32 to index
        %swap3A_451 = tpu.vector_load %arg9[%swap3A_450] {strides = array<i32>} : memref<512xf32, #tpu.memory_space<vmem>>, vector<16xf32>,
        %swap3A_452 = vector.shape_cast %swap3A_451 : vector<16xf32> to vector<16xf32>
        %swap3A_453 = vector.shape_cast %exp3A : vector<16xf32> to vector<16xf32>
        tpu.vector_store %arg9[%swap3A_450], %swap3A_453 {strides = array<i32>} : memref<512xf32, #tpu.memory_space<vmem>>, vector<16xf32>,
        %add3A_454 = arith.addf %scan3A_442, %exp3A : vector<16xf32>
        scf.yield %add3A_454 : vector<16xf32>
      }
      %scan3A_354 = arith.constant 32 : i32
      %add3A_355 = arith.constant 1.000000e-16 : f32
      %add3A_356 = vector.broadcast %add3A_355 : f32 to vector<16xf32>
      %add3A_357 = arith.addf %scan3A_353, %add3A_356 : vector<16xf32>
      %div3A_358 = arith.constant 1.000000e+00 : f32
      %div3A_359 = vector.broadcast %div3A_358 : f32 to vector<16xf32>
      %div3A_360 = arith.divf %div3A_359, %add3A_357 : vector<16xf32>
      %broadcast_in_dim3A_361 = arith.constant 0.000000e+00 : f32
      %broadcast_in_dim3A_362 = vector.broadcast %broadcast_in_dim3A_361 : f32 to vector<16xf32>
      %scan3A_363 = arith.constant 0 : i32
      %scan3A_364 = arith.constant 32 : i32
      %scan3A_365 = arith.addi %scan3A_363, %scan3A_364 : i32
      %scan3A_366 = arith.constant 1 : i32
      %scan3A_367:16 = scf.for %scan3A_441 = %scan3A_363 to %scan3A_365 step %scan3A_366 iter_args(%scan3A_442 = %broadcast_in_dim3A_362, %scan3A_443 = %broadcast_in_dim3A_362, %scan3A_444 = %broadcast_in_dim3A_362, %scan3A_445 = %broadcast_in_dim3A_362, %scan3A_446 = %broadcast_in_dim3A_362, %scan3A_447 = %broadcast_in_dim3A_362, %scan3A_448 = %broadcast_in_dim3A_362, %scan3A_449 = %broadcast_in_dim3A_362, %scan3A_450 = %broadcast_in_dim3A_362, %scan3A_451 = %broadcast_in_dim3A_362, %scan3A_452 = %broadcast_in_dim3A_362, %scan3A_453 = %broadcast_in_dim3A_362, %scan3A_454 = %broadcast_in_dim3A_362, %scan3A_455 = %broadcast_in_dim3A_362, %scan3A_456 = %broadcast_in_dim3A_362, %scan3A_457 = %broadcast_in_dim3A_362) -> (vector<16xf32>, vector<16xf32>, vector<16xf32>, vector<16xf32>, vector<16xf32>, vector<16xf32>, vector<16xf32>, vector<16xf32>, vector<16xf32>, vector<16xf32>, vector<16xf32>, vector<16xf32>, vector<16xf32>, vector<16xf32>, vector<16xf32>, vector<16xf32>)  : i32 {
        %mul3A_458 = arith.constant 16 : i32
        %mul3A_459 = arith.muli %scan3A_441, %mul3A_458 : i32
        %get3A_460 = arith.index_cast %mul3A_459 : i32 to index
        %get3A_461 = tpu.vector_load %arg9[%get3A_460] {strides = array<i32>} : memref<512xf32, #tpu.memory_space<vmem>>, vector<16xf32>,
        %get3A_462 = vector.shape_cast %get3A_461 : vector<16xf32> to vector<16xf32>
        %mul3A_463 = arith.mulf %get3A_462, %div3A_360 : vector<16xf32>
        %broadcast_in_dim3A_464 = arith.constant 0 : i32
        %broadcast_in_dim3A_465 = vector.broadcast %broadcast_in_dim3A_464 : i32 to vector<16x1xi32>
        %gather3A = vector.shape_cast %broadcast_in_dim3A_465 : vector<16x1xi32> to vector<16xi32>
        %gather3A_466 = tpu.dynamic_gather %mul3A_463[%gather3A] in [0] : vector<16xf32>, vector<16xi32> -> vector<16xf32>
        %add3A_467 = arith.constant 96 : i32
        %add3A_468 = arith.addi %add3A_467, %scan3A_441 : i32
        %get3A_469 = arith.index_cast %add3A_468 : i32 to index
        %get3A_470 = arith.constant 0 : index
        %get3A_471 = tpu.vector_load %arg8[%get3A_469, %get3A_470] {strides = array<i32>} : memref<128x384xf32, #tpu.memory_space<vmem>>, vector<1x16xf32>,
        %get3A_472 = vector.shape_cast %get3A_471 : vector<1x16xf32> to vector<16xf32>
        %mul3A_473 = arith.mulf %gather3A_466, %get3A_472 : vector<16xf32>
        %add3A_474 = arith.addf %scan3A_442, %mul3A_473 : vector<16xf32>
        %add3A_475 = arith.constant 96 : i32
        %add3A_476 = arith.addi %add3A_475, %scan3A_441 : i32
        %get3A_477 = arith.index_cast %add3A_476 : i32 to index
        %get3A_478 = arith.constant 16 : index
        %get3A_479 = tpu.vector_load %arg8[%get3A_477, %get3A_478] {strides = array<i32>} : memref<128x384xf32, #tpu.memory_space<vmem>>, vector<1x16xf32>,
        %get3A_480 = vector.shape_cast %get3A_479 : vector<1x16xf32> to vector<16xf32>
        %mul3A_481 = arith.mulf %gather3A_466, %get3A_480 : vector<16xf32>
        %add3A_482 = arith.addf %scan3A_443, %mul3A_481 : vector<16xf32>
        %add3A_483 = arith.constant 96 : i32
        %add3A_484 = arith.addi %add3A_483, %scan3A_441 : i32
        %get3A_485 = arith.index_cast %add3A_484 : i32 to index
        %get3A_486 = arith.constant 32 : index
        %get3A_487 = tpu.vector_load %arg8[%get3A_485, %get3A_486] {strides = array<i32>} : memref<128x384xf32, #tpu.memory_space<vmem>>, vector<1x16xf32>,
        %get3A_488 = vector.shape_cast %get3A_487 : vector<1x16xf32> to vector<16xf32>
        %mul3A_489 = arith.mulf %gather3A_466, %get3A_488 : vector<16xf32>
        %add3A_490 = arith.addf %scan3A_444, %mul3A_489 : vector<16xf32>
        %add3A_491 = arith.constant 96 : i32
        %add3A_492 = arith.addi %add3A_491, %scan3A_441 : i32
        %get3A_493 = arith.index_cast %add3A_492 : i32 to index
        %get3A_494 = arith.constant 48 : index
        %get3A_495 = tpu.vector_load %arg8[%get3A_493, %get3A_494] {strides = array<i32>} : memref<128x384xf32, #tpu.memory_space<vmem>>, vector<1x16xf32>,
        %get3A_496 = vector.shape_cast %get3A_495 : vector<1x16xf32> to vector<16xf32>
        %mul3A_497 = arith.mulf %gather3A_466, %get3A_496 : vector<16xf32>
        %add3A_498 = arith.addf %scan3A_445, %mul3A_497 : vector<16xf32>
        %broadcast_in_dim3A_499 = arith.constant 1 : i32
        %broadcast_in_dim3A_500 = vector.broadcast %broadcast_in_dim3A_499 : i32 to vector<16x1xi32>
        %gather3A_501 = vector.shape_cast %broadcast_in_dim3A_500 : vector<16x1xi32> to vector<16xi32>
        %gather3A_502 = tpu.dynamic_gather %mul3A_463[%gather3A_501] in [0] : vector<16xf32>, vector<16xi32> -> vector<16xf32>
        %add3A_503 = arith.constant 96 : i32
        %add3A_504 = arith.addi %add3A_503, %scan3A_441 : i32
        %get3A_505 = arith.index_cast %add3A_504 : i32 to index
        %get3A_506 = arith.constant 64 : index
        %get3A_507 = tpu.vector_load %arg8[%get3A_505, %get3A_506] {strides = array<i32>} : memref<128x384xf32, #tpu.memory_space<vmem>>, vector<1x16xf32>,
        %get3A_508 = vector.shape_cast %get3A_507 : vector<1x16xf32> to vector<16xf32>
        %mul3A_509 = arith.mulf %gather3A_502, %get3A_508 : vector<16xf32>
        %add3A_510 = arith.addf %scan3A_446, %mul3A_509 : vector<16xf32>
        %add3A_511 = arith.constant 96 : i32
        %add3A_512 = arith.addi %add3A_511, %scan3A_441 : i32
        %get3A_513 = arith.index_cast %add3A_512 : i32 to index
        %get3A_514 = arith.constant 80 : index
        %get3A_515 = tpu.vector_load %arg8[%get3A_513, %get3A_514] {strides = array<i32>} : memref<128x384xf32, #tpu.memory_space<vmem>>, vector<1x16xf32>,
        %get3A_516 = vector.shape_cast %get3A_515 : vector<1x16xf32> to vector<16xf32>
        %mul3A_517 = arith.mulf %gather3A_502, %get3A_516 : vector<16xf32>
        %add3A_518 = arith.addf %scan3A_447, %mul3A_517 : vector<16xf32>
        %add3A_519 = arith.constant 96 : i32
        %add3A_520 = arith.addi %add3A_519, %scan3A_441 : i32
        %get3A_521 = arith.index_cast %add3A_520 : i32 to index
        %get3A_522 = arith.constant 96 : index
        %get3A_523 = tpu.vector_load %arg8[%get3A_521, %get3A_522] {strides = array<i32>} : memref<128x384xf32, #tpu.memory_space<vmem>>, vector<1x16xf32>,
        %get3A_524 = vector.shape_cast %get3A_523 : vector<1x16xf32> to vector<16xf32>
        %mul3A_525 = arith.mulf %gather3A_502, %get3A_524 : vector<16xf32>
        %add3A_526 = arith.addf %scan3A_448, %mul3A_525 : vector<16xf32>
        %add3A_527 = arith.constant 96 : i32
        %add3A_528 = arith.addi %add3A_527, %scan3A_441 : i32
        %get3A_529 = arith.index_cast %add3A_528 : i32 to index
        %get3A_530 = arith.constant 112 : index
        %get3A_531 = tpu.vector_load %arg8[%get3A_529, %get3A_530] {strides = array<i32>} : memref<128x384xf32, #tpu.memory_space<vmem>>, vector<1x16xf32>,
        %get3A_532 = vector.shape_cast %get3A_531 : vector<1x16xf32> to vector<16xf32>
        %mul3A_533 = arith.mulf %gather3A_502, %get3A_532 : vector<16xf32>
        %add3A_534 = arith.addf %scan3A_449, %mul3A_533 : vector<16xf32>
        %broadcast_in_dim3A_535 = arith.constant 2 : i32
        %broadcast_in_dim3A_536 = vector.broadcast %broadcast_in_dim3A_535 : i32 to vector<16x1xi32>
        %gather3A_537 = vector.shape_cast %broadcast_in_dim3A_536 : vector<16x1xi32> to vector<16xi32>
        %gather3A_538 = tpu.dynamic_gather %mul3A_463[%gather3A_537] in [0] : vector<16xf32>, vector<16xi32> -> vector<16xf32>
        %add3A_539 = arith.constant 96 : i32
        %add3A_540 = arith.addi %add3A_539, %scan3A_441 : i32
        %get3A_541 = arith.index_cast %add3A_540 : i32 to index
        %get3A_542 = arith.constant 128 : index
        %get3A_543 = tpu.vector_load %arg8[%get3A_541, %get3A_542] {strides = array<i32>} : memref<128x384xf32, #tpu.memory_space<vmem>>, vector<1x16xf32>,
        %get3A_544 = vector.shape_cast %get3A_543 : vector<1x16xf32> to vector<16xf32>
        %mul3A_545 = arith.mulf %gather3A_538, %get3A_544 : vector<16xf32>
        %add3A_546 = arith.addf %scan3A_450, %mul3A_545 : vector<16xf32>
        %add3A_547 = arith.constant 96 : i32
        %add3A_548 = arith.addi %add3A_547, %scan3A_441 : i32
        %get3A_549 = arith.index_cast %add3A_548 : i32 to index
        %get3A_550 = arith.constant 144 : index
        %get3A_551 = tpu.vector_load %arg8[%get3A_549, %get3A_550] {strides = array<i32>} : memref<128x384xf32, #tpu.memory_space<vmem>>, vector<1x16xf32>,
        %get3A_552 = vector.shape_cast %get3A_551 : vector<1x16xf32> to vector<16xf32>
        %mul3A_553 = arith.mulf %gather3A_538, %get3A_552 : vector<16xf32>
        %add3A_554 = arith.addf %scan3A_451, %mul3A_553 : vector<16xf32>
        %add3A_555 = arith.constant 96 : i32
        %add3A_556 = arith.addi %add3A_555, %scan3A_441 : i32
        %get3A_557 = arith.index_cast %add3A_556 : i32 to index
        %get3A_558 = arith.constant 160 : index
        %get3A_559 = tpu.vector_load %arg8[%get3A_557, %get3A_558] {strides = array<i32>} : memref<128x384xf32, #tpu.memory_space<vmem>>, vector<1x16xf32>,
        %get3A_560 = vector.shape_cast %get3A_559 : vector<1x16xf32> to vector<16xf32>
        %mul3A_561 = arith.mulf %gather3A_538, %get3A_560 : vector<16xf32>
        %add3A_562 = arith.addf %scan3A_452, %mul3A_561 : vector<16xf32>
        %add3A_563 = arith.constant 96 : i32
        %add3A_564 = arith.addi %add3A_563, %scan3A_441 : i32
        %get3A_565 = arith.index_cast %add3A_564 : i32 to index
        %get3A_566 = arith.constant 176 : index
        %get3A_567 = tpu.vector_load %arg8[%get3A_565, %get3A_566] {strides = array<i32>} : memref<128x384xf32, #tpu.memory_space<vmem>>, vector<1x16xf32>,
        %get3A_568 = vector.shape_cast %get3A_567 : vector<1x16xf32> to vector<16xf32>
        %mul3A_569 = arith.mulf %gather3A_538, %get3A_568 : vector<16xf32>
        %add3A_570 = arith.addf %scan3A_453, %mul3A_569 : vector<16xf32>
        %broadcast_in_dim3A_571 = arith.constant 3 : i32
        %broadcast_in_dim3A_572 = vector.broadcast %broadcast_in_dim3A_571 : i32 to vector<16x1xi32>
        %gather3A_573 = vector.shape_cast %broadcast_in_dim3A_572 : vector<16x1xi32> to vector<16xi32>
        %gather3A_574 = tpu.dynamic_gather %mul3A_463[%gather3A_573] in [0] : vector<16xf32>, vector<16xi32> -> vector<16xf32>
        %add3A_575 = arith.constant 96 : i32
        %add3A_576 = arith.addi %add3A_575, %scan3A_441 : i32
        %get3A_577 = arith.index_cast %add3A_576 : i32 to index
        %get3A_578 = arith.constant 192 : index
        %get3A_579 = tpu.vector_load %arg8[%get3A_577, %get3A_578] {strides = array<i32>} : memref<128x384xf32, #tpu.memory_space<vmem>>, vector<1x16xf32>,
        %get3A_580 = vector.shape_cast %get3A_579 : vector<1x16xf32> to vector<16xf32>
        %mul3A_581 = arith.mulf %gather3A_574, %get3A_580 : vector<16xf32>
        %add3A_582 = arith.addf %scan3A_454, %mul3A_581 : vector<16xf32>
        %add3A_583 = arith.constant 96 : i32
        %add3A_584 = arith.addi %add3A_583, %scan3A_441 : i32
        %get3A_585 = arith.index_cast %add3A_584 : i32 to index
        %get3A_586 = arith.constant 208 : index
        %get3A_587 = tpu.vector_load %arg8[%get3A_585, %get3A_586] {strides = array<i32>} : memref<128x384xf32, #tpu.memory_space<vmem>>, vector<1x16xf32>,
        %get3A_588 = vector.shape_cast %get3A_587 : vector<1x16xf32> to vector<16xf32>
        %mul3A_589 = arith.mulf %gather3A_574, %get3A_588 : vector<16xf32>
        %add3A_590 = arith.addf %scan3A_455, %mul3A_589 : vector<16xf32>
        %add3A_591 = arith.constant 96 : i32
        %add3A_592 = arith.addi %add3A_591, %scan3A_441 : i32
        %get3A_593 = arith.index_cast %add3A_592 : i32 to index
        %get3A_594 = arith.constant 224 : index
        %get3A_595 = tpu.vector_load %arg8[%get3A_593, %get3A_594] {strides = array<i32>} : memref<128x384xf32, #tpu.memory_space<vmem>>, vector<1x16xf32>,
        %get3A_596 = vector.shape_cast %get3A_595 : vector<1x16xf32> to vector<16xf32>
        %mul3A_597 = arith.mulf %gather3A_574, %get3A_596 : vector<16xf32>
        %add3A_598 = arith.addf %scan3A_456, %mul3A_597 : vector<16xf32>
        %add3A_599 = arith.constant 96 : i32
        %add3A_600 = arith.addi %add3A_599, %scan3A_441 : i32
        %get3A_601 = arith.index_cast %add3A_600 : i32 to index
        %get3A_602 = arith.constant 240 : index
        %get3A_603 = tpu.vector_load %arg8[%get3A_601, %get3A_602] {strides = array<i32>} : memref<128x384xf32, #tpu.memory_space<vmem>>, vector<1x16xf32>,
        %get3A_604 = vector.shape_cast %get3A_603 : vector<1x16xf32> to vector<16xf32>
        %mul3A_605 = arith.mulf %gather3A_574, %get3A_604 : vector<16xf32>
        %add3A_606 = arith.addf %scan3A_457, %mul3A_605 : vector<16xf32>
        scf.yield %add3A_474, %add3A_482, %add3A_490, %add3A_498, %add3A_510, %add3A_518, %add3A_526, %add3A_534, %add3A_546, %add3A_554, %add3A_562, %add3A_570, %add3A_582, %add3A_590, %add3A_598, %add3A_606 : vector<16xf32>, vector<16xf32>, vector<16xf32>, vector<16xf32>, vector<16xf32>, vector<16xf32>, vector<16xf32>, vector<16xf32>, vector<16xf32>, vector<16xf32>, vector<16xf32>, vector<16xf32>, vector<16xf32>, vector<16xf32>, vector<16xf32>, vector<16xf32>
      }
      %scan3A_368 = arith.constant 32 : i32
      %swap3A_369 = arith.constant 768 : index
      %swap3A_370 = tpu.vector_load %arg10[%swap3A_369] {strides = array<i32>} : memref<1024xf32, #tpu.memory_space<vmem>>, vector<16xf32>,
      %swap3A_371 = vector.shape_cast %swap3A_370 : vector<16xf32> to vector<16xf32>
      %swap3A_372 = vector.shape_cast %scan3A_367#0 : vector<16xf32> to vector<16xf32>
      tpu.vector_store %arg10[%swap3A_369], %swap3A_372 {strides = array<i32>} : memref<1024xf32, #tpu.memory_space<vmem>>, vector<16xf32>,
      %swap3A_373 = arith.constant 784 : index
      %swap3A_374 = tpu.vector_load %arg10[%swap3A_373] {strides = array<i32>} : memref<1024xf32, #tpu.memory_space<vmem>>, vector<16xf32>,
      %swap3A_375 = vector.shape_cast %swap3A_374 : vector<16xf32> to vector<16xf32>
      %swap3A_376 = vector.shape_cast %scan3A_367#1 : vector<16xf32> to vector<16xf32>
      tpu.vector_store %arg10[%swap3A_373], %swap3A_376 {strides = array<i32>} : memref<1024xf32, #tpu.memory_space<vmem>>, vector<16xf32>,
      %swap3A_377 = arith.constant 800 : index
      %swap3A_378 = tpu.vector_load %arg10[%swap3A_377] {strides = array<i32>} : memref<1024xf32, #tpu.memory_space<vmem>>, vector<16xf32>,
      %swap3A_379 = vector.shape_cast %swap3A_378 : vector<16xf32> to vector<16xf32>
      %swap3A_380 = vector.shape_cast %scan3A_367#2 : vector<16xf32> to vector<16xf32>
      tpu.vector_store %arg10[%swap3A_377], %swap3A_380 {strides = array<i32>} : memref<1024xf32, #tpu.memory_space<vmem>>, vector<16xf32>,
      %swap3A_381 = arith.constant 816 : index
      %swap3A_382 = tpu.vector_load %arg10[%swap3A_381] {strides = array<i32>} : memref<1024xf32, #tpu.memory_space<vmem>>, vector<16xf32>,
      %swap3A_383 = vector.shape_cast %swap3A_382 : vector<16xf32> to vector<16xf32>
      %swap3A_384 = vector.shape_cast %scan3A_367#3 : vector<16xf32> to vector<16xf32>
      tpu.vector_store %arg10[%swap3A_381], %swap3A_384 {strides = array<i32>} : memref<1024xf32, #tpu.memory_space<vmem>>, vector<16xf32>,
      %swap3A_385 = arith.constant 832 : index
      %swap3A_386 = tpu.vector_load %arg10[%swap3A_385] {strides = array<i32>} : memref<1024xf32, #tpu.memory_space<vmem>>, vector<16xf32>,
      %swap3A_387 = vector.shape_cast %swap3A_386 : vector<16xf32> to vector<16xf32>
      %swap3A_388 = vector.shape_cast %scan3A_367#4 : vector<16xf32> to vector<16xf32>
      tpu.vector_store %arg10[%swap3A_385], %swap3A_388 {strides = array<i32>} : memref<1024xf32, #tpu.memory_space<vmem>>, vector<16xf32>,
      %swap3A_389 = arith.constant 848 : index
      %swap3A_390 = tpu.vector_load %arg10[%swap3A_389] {strides = array<i32>} : memref<1024xf32, #tpu.memory_space<vmem>>, vector<16xf32>,
      %swap3A_391 = vector.shape_cast %swap3A_390 : vector<16xf32> to vector<16xf32>
      %swap3A_392 = vector.shape_cast %scan3A_367#5 : vector<16xf32> to vector<16xf32>
      tpu.vector_store %arg10[%swap3A_389], %swap3A_392 {strides = array<i32>} : memref<1024xf32, #tpu.memory_space<vmem>>, vector<16xf32>,
      %swap3A_393 = arith.constant 864 : index
      %swap3A_394 = tpu.vector_load %arg10[%swap3A_393] {strides = array<i32>} : memref<1024xf32, #tpu.memory_space<vmem>>, vector<16xf32>,
      %swap3A_395 = vector.shape_cast %swap3A_394 : vector<16xf32> to vector<16xf32>
      %swap3A_396 = vector.shape_cast %scan3A_367#6 : vector<16xf32> to vector<16xf32>
      tpu.vector_store %arg10[%swap3A_393], %swap3A_396 {strides = array<i32>} : memref<1024xf32, #tpu.memory_space<vmem>>, vector<16xf32>,
      %swap3A_397 = arith.constant 880 : index
      %swap3A_398 = tpu.vector_load %arg10[%swap3A_397] {strides = array<i32>} : memref<1024xf32, #tpu.memory_space<vmem>>, vector<16xf32>,
      %swap3A_399 = vector.shape_cast %swap3A_398 : vector<16xf32> to vector<16xf32>
      %swap3A_400 = vector.shape_cast %scan3A_367#7 : vector<16xf32> to vector<16xf32>
      tpu.vector_store %arg10[%swap3A_397], %swap3A_400 {strides = array<i32>} : memref<1024xf32, #tpu.memory_space<vmem>>, vector<16xf32>,
      %swap3A_401 = arith.constant 896 : index
      %swap3A_402 = tpu.vector_load %arg10[%swap3A_401] {strides = array<i32>} : memref<1024xf32, #tpu.memory_space<vmem>>, vector<16xf32>,
      %swap3A_403 = vector.shape_cast %swap3A_402 : vector<16xf32> to vector<16xf32>
      %swap3A_404 = vector.shape_cast %scan3A_367#8 : vector<16xf32> to vector<16xf32>
      tpu.vector_store %arg10[%swap3A_401], %swap3A_404 {strides = array<i32>} : memref<1024xf32, #tpu.memory_space<vmem>>, vector<16xf32>,
      %swap3A_405 = arith.constant 912 : index
      %swap3A_406 = tpu.vector_load %arg10[%swap3A_405] {strides = array<i32>} : memref<1024xf32, #tpu.memory_space<vmem>>, vector<16xf32>,
      %swap3A_407 = vector.shape_cast %swap3A_406 : vector<16xf32> to vector<16xf32>
      %swap3A_408 = vector.shape_cast %scan3A_367#9 : vector<16xf32> to vector<16xf32>
      tpu.vector_store %arg10[%swap3A_405], %swap3A_408 {strides = array<i32>} : memref<1024xf32, #tpu.memory_space<vmem>>, vector<16xf32>,
      %swap3A_409 = arith.constant 928 : index
      %swap3A_410 = tpu.vector_load %arg10[%swap3A_409] {strides = array<i32>} : memref<1024xf32, #tpu.memory_space<vmem>>, vector<16xf32>,
      %swap3A_411 = vector.shape_cast %swap3A_410 : vector<16xf32> to vector<16xf32>
      %swap3A_412 = vector.shape_cast %scan3A_367#10 : vector<16xf32> to vector<16xf32>
      tpu.vector_store %arg10[%swap3A_409], %swap3A_412 {strides = array<i32>} : memref<1024xf32, #tpu.memory_space<vmem>>, vector<16xf32>,
      %swap3A_413 = arith.constant 944 : index
      %swap3A_414 = tpu.vector_load %arg10[%swap3A_413] {strides = array<i32>} : memref<1024xf32, #tpu.memory_space<vmem>>, vector<16xf32>,
      %swap3A_415 = vector.shape_cast %swap3A_414 : vector<16xf32> to vector<16xf32>
      %swap3A_416 = vector.shape_cast %scan3A_367#11 : vector<16xf32> to vector<16xf32>
      tpu.vector_store %arg10[%swap3A_413], %swap3A_416 {strides = array<i32>} : memref<1024xf32, #tpu.memory_space<vmem>>, vector<16xf32>,
      %swap3A_417 = arith.constant 960 : index
      %swap3A_418 = tpu.vector_load %arg10[%swap3A_417] {strides = array<i32>} : memref<1024xf32, #tpu.memory_space<vmem>>, vector<16xf32>,
      %swap3A_419 = vector.shape_cast %swap3A_418 : vector<16xf32> to vector<16xf32>
      %swap3A_420 = vector.shape_cast %scan3A_367#12 : vector<16xf32> to vector<16xf32>
      tpu.vector_store %arg10[%swap3A_417], %swap3A_420 {strides = array<i32>} : memref<1024xf32, #tpu.memory_space<vmem>>, vector<16xf32>,
      %swap3A_421 = arith.constant 976 : index
      %swap3A_422 = tpu.vector_load %arg10[%swap3A_421] {strides = array<i32>} : memref<1024xf32, #tpu.memory_space<vmem>>, vector<16xf32>,
      %swap3A_423 = vector.shape_cast %swap3A_422 : vector<16xf32> to vector<16xf32>
      %swap3A_424 = vector.shape_cast %scan3A_367#13 : vector<16xf32> to vector<16xf32>
      tpu.vector_store %arg10[%swap3A_421], %swap3A_424 {strides = array<i32>} : memref<1024xf32, #tpu.memory_space<vmem>>, vector<16xf32>,
      %swap3A_425 = arith.constant 992 : index
      %swap3A_426 = tpu.vector_load %arg10[%swap3A_425] {strides = array<i32>} : memref<1024xf32, #tpu.memory_space<vmem>>, vector<16xf32>,
      %swap3A_427 = vector.shape_cast %swap3A_426 : vector<16xf32> to vector<16xf32>
      %swap3A_428 = vector.shape_cast %scan3A_367#14 : vector<16xf32> to vector<16xf32>
      tpu.vector_store %arg10[%swap3A_425], %swap3A_428 {strides = array<i32>} : memref<1024xf32, #tpu.memory_space<vmem>>, vector<16xf32>,
      %swap3A_429 = arith.constant 1008 : index
      %swap3A_430 = tpu.vector_load %arg10[%swap3A_429] {strides = array<i32>} : memref<1024xf32, #tpu.memory_space<vmem>>, vector<16xf32>,
      %swap3A_431 = vector.shape_cast %swap3A_430 : vector<16xf32> to vector<16xf32>
      %swap3A_432 = vector.shape_cast %scan3A_367#15 : vector<16xf32> to vector<16xf32>
      tpu.vector_store %arg10[%swap3A_429], %swap3A_432 {strides = array<i32>} : memref<1024xf32, #tpu.memory_space<vmem>>, vector<16xf32>,
      %mul3A_433 = arith.constant 320 : i32
      %mul3A_434 = arith.muli %add3A, %mul3A_433 : i32
      %mul3A_435 = arith.constant 4 : i32
      %mul3A_436 = arith.muli %scan3A_15, %mul3A_435 : i32
      %add3A_437 = arith.addi %mul3A_434, %mul3A_436 : i32
      %mul3A_438 = arith.constant 256 : i32
      %mul3A_439 = arith.muli %add3A_437, %mul3A_438 : i32
      "tpu.region"() ({
        %run_scoped3A = tpu.sem_alloc : memref<!tpu.dma_semaphore, #tpu.memory_space<semaphore_mem>>
        %dma_start3A_441 = tpu.memref_slice %arg5[%mul3A_439] : memref<2621440xf32, #tpu.memory_space<hbm>> -> memref<1024xf32, #tpu.memory_space<hbm>>
        %dma_start3A_442 = tpu.memref_slice %arg5[%mul3A_439] : memref<2621440xf32, #tpu.memory_space<hbm>> -> memref<1024xf32, #tpu.memory_space<hbm>>
        tpu.enqueue_dma source(%arg10 : memref<1024xf32, #tpu.memory_space<vmem>>) target(%dma_start3A_442 : memref<1024xf32, #tpu.memory_space<hbm>>) target_semaphore(%run_scoped3A : memref<!tpu.dma_semaphore, #tpu.memory_space<semaphore_mem>>)
        %dma_wait3A_443 = tpu.memref_slice %arg5[%mul3A_439] : memref<2621440xf32, #tpu.memory_space<hbm>> -> memref<1024xf32, #tpu.memory_space<hbm>>
        %dma_wait3A_444 = tpu.memref_slice %arg5[%mul3A_439] : memref<2621440xf32, #tpu.memory_space<hbm>> -> memref<1024xf32, #tpu.memory_space<hbm>>
        tpu.wait_dma2 semaphore(%run_scoped3A : memref<!tpu.dma_semaphore, #tpu.memory_space<semaphore_mem>>) src(%arg10 : memref<1024xf32, #tpu.memory_space<vmem>>) dst(%dma_wait3A_444 : memref<1024xf32, #tpu.memory_space<hbm>>)
        tpu.yield
      }) : () -> ()
      %scan3A_440 = arith.constant 0 : i32
      scf.yield %scan3A_440 : i32
    }
    %scan3A_14 = arith.constant 80 : i32
    return
  }
}

module attributes {stable_mosaic.version = 14 : i64} {
  func.func @_tables_kernel(%arg0: i32, %arg1: memref<4x1000x10xf32, #tpu.memory_space<vmem>>, %arg2: memref<1000x64xf32, #tpu.memory_space<vmem>>, %arg3: memref<1000x64xf32, #tpu.memory_space<vmem>>, %arg4: memref<10x256xf32, #tpu.memory_space<vmem>>, %arg5: memref<64x2xf32, #tpu.memory_space<vmem>>, %arg6: memref<64x2xf32, #tpu.memory_space<vmem>>, %arg7: memref<1000x384xf32, #tpu.memory_space<vmem>>, %arg8: memref<1000x384xf32, #tpu.memory_space<vmem>>, %arg9: memref<1000x16xf32, #tpu.memory_space<vmem>>, %arg10: memref<1000x16xf32, #tpu.memory_space<vmem>>) attributes {dimension_semantics = [#tpu.dimension_semantics<arbitrary>], iteration_bounds = array<i64: 10>, scalar_prefetch = 0 : i64, scratch_operands = 0 : i64, tpu.core_type = #tpu.core_type<tc>, window_params = [{transform_indices = @transform_0, window_bounds = array<i64: 4, 1000, 10>}, {transform_indices = @transform_1, window_bounds = array<i64: 1000, 64>}, {transform_indices = @transform_2, window_bounds = array<i64: 1000, 64>}, {pipeline_mode = #tpu.pipeline_mode<synchronous>, transform_indices = @transform_3, window_bounds = array<i64: 10, 256>}, {pipeline_mode = #tpu.pipeline_mode<synchronous>, transform_indices = @transform_4, window_bounds = array<i64: 64, 2>}, {pipeline_mode = #tpu.pipeline_mode<synchronous>, transform_indices = @transform_5, window_bounds = array<i64: 64, 2>}, {transform_indices = @transform_6, window_bounds = array<i64: 1000, 384>}, {transform_indices = @transform_7, window_bounds = array<i64: 1000, 384>}, {transform_indices = @transform_8, window_bounds = array<i64: 1000, 16>}, {transform_indices = @transform_9, window_bounds = array<i64: 1000, 16>}]} {
    %get3A = arith.constant 0 : index
    %get3A_0 = arith.constant 0 : index
    %get3A_1 = vector.load %arg2[%get3A, %get3A_0] : memref<1000x64xf32, #tpu.memory_space<vmem>>, vector<1000x64xf32>
    %get3A_2 = arith.constant 0 : index
    %get3A_3 = arith.constant 0 : index
    %get3A_4 = vector.load %arg5[%get3A_2, %get3A_3] : memref<64x2xf32, #tpu.memory_space<vmem>>, vector<64x2xf32>
    %dot_general3A = arith.constant dense<0.000000e+00> : vector<1000x2xf32>
    %dot_general3A_5 = tpu.matmul %get3A_1, %get3A_4, %dot_general3A {dimension_numbers = #tpu.dot_dimension_numbers<[1], [0], [0], [1], [0, 0, 1, 1], [], []>, transpose_lhs_hint = false} : vector<1000x64xf32>, vector<64x2xf32>, vector<1000x2xf32> -> vector<1000x2xf32>
    %get3A_6 = arith.constant 0 : index
    %get3A_7 = arith.constant 0 : index
    %get3A_8 = vector.load %arg3[%get3A_6, %get3A_7] : memref<1000x64xf32, #tpu.memory_space<vmem>>, vector<1000x64xf32>
    %get3A_9 = arith.constant 0 : index
    %get3A_10 = arith.constant 0 : index
    %get3A_11 = vector.load %arg6[%get3A_9, %get3A_10] : memref<64x2xf32, #tpu.memory_space<vmem>>, vector<64x2xf32>
    %dot_general3A_12 = arith.constant dense<0.000000e+00> : vector<1000x2xf32>
    %dot_general3A_13 = tpu.matmul %get3A_8, %get3A_11, %dot_general3A_12 {dimension_numbers = #tpu.dot_dimension_numbers<[1], [0], [0], [1], [0, 0, 1, 1], [], []>, transpose_lhs_hint = false} : vector<1000x64xf32>, vector<64x2xf32>, vector<1000x2xf32> -> vector<1000x2xf32>
    %get3A_14 = arith.constant 0 : index
    %get3A_15 = arith.constant 0 : index
    %get3A_16 = arith.constant 0 : index
    %get3A_17 = vector.load %arg1[%get3A_14, %get3A_15, %get3A_16] : memref<4x1000x10xf32, #tpu.memory_space<vmem>>, vector<1x1000x10xf32>
    %get3A_18 = vector.shape_cast %get3A_17 : vector<1x1000x10xf32> to vector<1000x10xf32>
    %get3A_19 = arith.constant 0 : index
    %get3A_20 = arith.constant 0 : index
    %get3A_21 = vector.load %arg4[%get3A_19, %get3A_20] : memref<10x256xf32, #tpu.memory_space<vmem>>, vector<10x256xf32>
    %dot_general3A_22 = arith.constant dense<0.000000e+00> : vector<1000x256xf32>
    %dot_general3A_23 = tpu.matmul %get3A_18, %get3A_21, %dot_general3A_22 {dimension_numbers = #tpu.dot_dimension_numbers<[1], [0], [0], [1], [0, 0, 1, 1], [], []>, transpose_lhs_hint = false} : vector<1000x10xf32>, vector<10x256xf32>, vector<1000x256xf32> -> vector<1000x256xf32>
    %slice3A = vector.extract_strided_slice %dot_general3A_23 {offsets = [0, 0], sizes = [1000, 64], strides = [1, 1]} : vector<1000x256xf32> to vector<1000x64xf32>
    %swap3A = arith.constant 0 : index
    %swap3A_24 = arith.constant 0 : index
    %swap3A_25 = vector.load %arg7[%swap3A, %swap3A_24] : memref<1000x384xf32, #tpu.memory_space<vmem>>, vector<1000x64xf32>
    tpu.vector_store %arg7[%swap3A, %swap3A_24], %slice3A {strides = array<i32>} : memref<1000x384xf32, #tpu.memory_space<vmem>>, vector<1000x64xf32>,
    %slice3A_26 = vector.extract_strided_slice %dot_general3A_23 {offsets = [0, 64], sizes = [1000, 64], strides = [1, 1]} : vector<1000x256xf32> to vector<1000x64xf32>
    %swap3A_27 = arith.constant 0 : index
    %swap3A_28 = arith.constant 0 : index
    %swap3A_29 = vector.load %arg8[%swap3A_27, %swap3A_28] : memref<1000x384xf32, #tpu.memory_space<vmem>>, vector<1000x64xf32>
    tpu.vector_store %arg8[%swap3A_27, %swap3A_28], %slice3A_26 {strides = array<i32>} : memref<1000x384xf32, #tpu.memory_space<vmem>>, vector<1000x64xf32>,
    %slice3A_30 = vector.extract_strided_slice %dot_general3A_23 {offsets = [0, 128], sizes = [1000, 1], strides = [1, 1]} : vector<1000x256xf32> to vector<1000x1xf32>
    %slice3A_31 = vector.extract_strided_slice %dot_general3A_5 {offsets = [0, 0], sizes = [1000, 1], strides = [1, 1]} : vector<1000x2xf32> to vector<1000x1xf32>
    %add3A = arith.addf %slice3A_30, %slice3A_31 : vector<1000x1xf32>
    %slice3A_32 = vector.extract_strided_slice %dot_general3A_23 {offsets = [0, 129], sizes = [1000, 1], strides = [1, 1]} : vector<1000x256xf32> to vector<1000x1xf32>
    %slice3A_33 = vector.extract_strided_slice %dot_general3A_5 {offsets = [0, 1], sizes = [1000, 1], strides = [1, 1]} : vector<1000x2xf32> to vector<1000x1xf32>
    %add3A_34 = arith.addf %slice3A_32, %slice3A_33 : vector<1000x1xf32>
    %slice3A_35 = vector.extract_strided_slice %dot_general3A_23 {offsets = [0, 130], sizes = [1000, 1], strides = [1, 1]} : vector<1000x256xf32> to vector<1000x1xf32>
    %slice3A_36 = vector.extract_strided_slice %dot_general3A_13 {offsets = [0, 0], sizes = [1000, 1], strides = [1, 1]} : vector<1000x2xf32> to vector<1000x1xf32>
    %add3A_37 = arith.addf %slice3A_35, %slice3A_36 : vector<1000x1xf32>
    %slice3A_38 = vector.extract_strided_slice %dot_general3A_23 {offsets = [0, 131], sizes = [1000, 1], strides = [1, 1]} : vector<1000x256xf32> to vector<1000x1xf32>
    %slice3A_39 = vector.extract_strided_slice %dot_general3A_13 {offsets = [0, 1], sizes = [1000, 1], strides = [1, 1]} : vector<1000x2xf32> to vector<1000x1xf32>
    %add3A_40 = arith.addf %slice3A_38, %slice3A_39 : vector<1000x1xf32>
    %get3A_41 = arith.constant 1 : index
    %get3A_42 = arith.constant 0 : index
    %get3A_43 = arith.constant 0 : index
    %get3A_44 = vector.load %arg1[%get3A_41, %get3A_42, %get3A_43] : memref<4x1000x10xf32, #tpu.memory_space<vmem>>, vector<1x1000x10xf32>
    %get3A_45 = vector.shape_cast %get3A_44 : vector<1x1000x10xf32> to vector<1000x10xf32>
    %get3A_46 = arith.constant 0 : index
    %get3A_47 = arith.constant 0 : index
    %get3A_48 = vector.load %arg4[%get3A_46, %get3A_47] : memref<10x256xf32, #tpu.memory_space<vmem>>, vector<10x256xf32>
    %dot_general3A_49 = arith.constant dense<0.000000e+00> : vector<1000x256xf32>
    %dot_general3A_50 = tpu.matmul %get3A_45, %get3A_48, %dot_general3A_49 {dimension_numbers = #tpu.dot_dimension_numbers<[1], [0], [0], [1], [0, 0, 1, 1], [], []>, transpose_lhs_hint = false} : vector<1000x10xf32>, vector<10x256xf32>, vector<1000x256xf32> -> vector<1000x256xf32>
    %slice3A_51 = vector.extract_strided_slice %dot_general3A_50 {offsets = [0, 0], sizes = [1000, 64], strides = [1, 1]} : vector<1000x256xf32> to vector<1000x64xf32>
    %swap3A_52 = arith.constant 0 : index
    %swap3A_53 = arith.constant 64 : index
    %swap3A_54 = vector.load %arg7[%swap3A_52, %swap3A_53] : memref<1000x384xf32, #tpu.memory_space<vmem>>, vector<1000x64xf32>
    tpu.vector_store %arg7[%swap3A_52, %swap3A_53], %slice3A_51 {strides = array<i32>} : memref<1000x384xf32, #tpu.memory_space<vmem>>, vector<1000x64xf32>,
    %slice3A_55 = vector.extract_strided_slice %dot_general3A_50 {offsets = [0, 64], sizes = [1000, 64], strides = [1, 1]} : vector<1000x256xf32> to vector<1000x64xf32>
    %swap3A_56 = arith.constant 0 : index
    %swap3A_57 = arith.constant 64 : index
    %swap3A_58 = vector.load %arg8[%swap3A_56, %swap3A_57] : memref<1000x384xf32, #tpu.memory_space<vmem>>, vector<1000x64xf32>
    tpu.vector_store %arg8[%swap3A_56, %swap3A_57], %slice3A_55 {strides = array<i32>} : memref<1000x384xf32, #tpu.memory_space<vmem>>, vector<1000x64xf32>,
    %slice3A_59 = vector.extract_strided_slice %dot_general3A_50 {offsets = [0, 128], sizes = [1000, 1], strides = [1, 1]} : vector<1000x256xf32> to vector<1000x1xf32>
    %slice3A_60 = vector.extract_strided_slice %dot_general3A_5 {offsets = [0, 0], sizes = [1000, 1], strides = [1, 1]} : vector<1000x2xf32> to vector<1000x1xf32>
    %add3A_61 = arith.addf %slice3A_59, %slice3A_60 : vector<1000x1xf32>
    %slice3A_62 = vector.extract_strided_slice %dot_general3A_50 {offsets = [0, 129], sizes = [1000, 1], strides = [1, 1]} : vector<1000x256xf32> to vector<1000x1xf32>
    %slice3A_63 = vector.extract_strided_slice %dot_general3A_5 {offsets = [0, 1], sizes = [1000, 1], strides = [1, 1]} : vector<1000x2xf32> to vector<1000x1xf32>
    %add3A_64 = arith.addf %slice3A_62, %slice3A_63 : vector<1000x1xf32>
    %slice3A_65 = vector.extract_strided_slice %dot_general3A_50 {offsets = [0, 130], sizes = [1000, 1], strides = [1, 1]} : vector<1000x256xf32> to vector<1000x1xf32>
    %slice3A_66 = vector.extract_strided_slice %dot_general3A_13 {offsets = [0, 0], sizes = [1000, 1], strides = [1, 1]} : vector<1000x2xf32> to vector<1000x1xf32>
    %add3A_67 = arith.addf %slice3A_65, %slice3A_66 : vector<1000x1xf32>
    %slice3A_68 = vector.extract_strided_slice %dot_general3A_50 {offsets = [0, 131], sizes = [1000, 1], strides = [1, 1]} : vector<1000x256xf32> to vector<1000x1xf32>
    %slice3A_69 = vector.extract_strided_slice %dot_general3A_13 {offsets = [0, 1], sizes = [1000, 1], strides = [1, 1]} : vector<1000x2xf32> to vector<1000x1xf32>
    %add3A_70 = arith.addf %slice3A_68, %slice3A_69 : vector<1000x1xf32>
    %get3A_71 = arith.constant 2 : index
    %get3A_72 = arith.constant 0 : index
    %get3A_73 = arith.constant 0 : index
    %get3A_74 = vector.load %arg1[%get3A_71, %get3A_72, %get3A_73] : memref<4x1000x10xf32, #tpu.memory_space<vmem>>, vector<1x1000x10xf32>
    %get3A_75 = vector.shape_cast %get3A_74 : vector<1x1000x10xf32> to vector<1000x10xf32>
    %get3A_76 = arith.constant 0 : index
    %get3A_77 = arith.constant 0 : index
    %get3A_78 = vector.load %arg4[%get3A_76, %get3A_77] : memref<10x256xf32, #tpu.memory_space<vmem>>, vector<10x256xf32>
    %dot_general3A_79 = arith.constant dense<0.000000e+00> : vector<1000x256xf32>
    %dot_general3A_80 = tpu.matmul %get3A_75, %get3A_78, %dot_general3A_79 {dimension_numbers = #tpu.dot_dimension_numbers<[1], [0], [0], [1], [0, 0, 1, 1], [], []>, transpose_lhs_hint = false} : vector<1000x10xf32>, vector<10x256xf32>, vector<1000x256xf32> -> vector<1000x256xf32>
    %slice3A_81 = vector.extract_strided_slice %dot_general3A_80 {offsets = [0, 0], sizes = [1000, 64], strides = [1, 1]} : vector<1000x256xf32> to vector<1000x64xf32>
    %swap3A_82 = arith.constant 0 : index
    %swap3A_83 = arith.constant 128 : index
    %swap3A_84 = vector.load %arg7[%swap3A_82, %swap3A_83] : memref<1000x384xf32, #tpu.memory_space<vmem>>, vector<1000x64xf32>
    tpu.vector_store %arg7[%swap3A_82, %swap3A_83], %slice3A_81 {strides = array<i32>} : memref<1000x384xf32, #tpu.memory_space<vmem>>, vector<1000x64xf32>,
    %slice3A_85 = vector.extract_strided_slice %dot_general3A_80 {offsets = [0, 64], sizes = [1000, 64], strides = [1, 1]} : vector<1000x256xf32> to vector<1000x64xf32>
    %swap3A_86 = arith.constant 0 : index
    %swap3A_87 = arith.constant 128 : index
    %swap3A_88 = vector.load %arg8[%swap3A_86, %swap3A_87] : memref<1000x384xf32, #tpu.memory_space<vmem>>, vector<1000x64xf32>
    tpu.vector_store %arg8[%swap3A_86, %swap3A_87], %slice3A_85 {strides = array<i32>} : memref<1000x384xf32, #tpu.memory_space<vmem>>, vector<1000x64xf32>,
    %slice3A_89 = vector.extract_strided_slice %dot_general3A_80 {offsets = [0, 128], sizes = [1000, 1], strides = [1, 1]} : vector<1000x256xf32> to vector<1000x1xf32>
    %slice3A_90 = vector.extract_strided_slice %dot_general3A_5 {offsets = [0, 0], sizes = [1000, 1], strides = [1, 1]} : vector<1000x2xf32> to vector<1000x1xf32>
    %add3A_91 = arith.addf %slice3A_89, %slice3A_90 : vector<1000x1xf32>
    %slice3A_92 = vector.extract_strided_slice %dot_general3A_80 {offsets = [0, 129], sizes = [1000, 1], strides = [1, 1]} : vector<1000x256xf32> to vector<1000x1xf32>
    %slice3A_93 = vector.extract_strided_slice %dot_general3A_5 {offsets = [0, 1], sizes = [1000, 1], strides = [1, 1]} : vector<1000x2xf32> to vector<1000x1xf32>
    %add3A_94 = arith.addf %slice3A_92, %slice3A_93 : vector<1000x1xf32>
    %slice3A_95 = vector.extract_strided_slice %dot_general3A_80 {offsets = [0, 130], sizes = [1000, 1], strides = [1, 1]} : vector<1000x256xf32> to vector<1000x1xf32>
    %slice3A_96 = vector.extract_strided_slice %dot_general3A_13 {offsets = [0, 0], sizes = [1000, 1], strides = [1, 1]} : vector<1000x2xf32> to vector<1000x1xf32>
    %add3A_97 = arith.addf %slice3A_95, %slice3A_96 : vector<1000x1xf32>
    %slice3A_98 = vector.extract_strided_slice %dot_general3A_80 {offsets = [0, 131], sizes = [1000, 1], strides = [1, 1]} : vector<1000x256xf32> to vector<1000x1xf32>
    %slice3A_99 = vector.extract_strided_slice %dot_general3A_13 {offsets = [0, 1], sizes = [1000, 1], strides = [1, 1]} : vector<1000x2xf32> to vector<1000x1xf32>
    %add3A_100 = arith.addf %slice3A_98, %slice3A_99 : vector<1000x1xf32>
    %get3A_101 = arith.constant 3 : index
    %get3A_102 = arith.constant 0 : index
    %get3A_103 = arith.constant 0 : index
    %get3A_104 = vector.load %arg1[%get3A_101, %get3A_102, %get3A_103] : memref<4x1000x10xf32, #tpu.memory_space<vmem>>, vector<1x1000x10xf32>
    %get3A_105 = vector.shape_cast %get3A_104 : vector<1x1000x10xf32> to vector<1000x10xf32>
    %get3A_106 = arith.constant 0 : index
    %get3A_107 = arith.constant 0 : index
    %get3A_108 = vector.load %arg4[%get3A_106, %get3A_107] : memref<10x256xf32, #tpu.memory_space<vmem>>, vector<10x256xf32>
    %dot_general3A_109 = arith.constant dense<0.000000e+00> : vector<1000x256xf32>
    %dot_general3A_110 = tpu.matmul %get3A_105, %get3A_108, %dot_general3A_109 {dimension_numbers = #tpu.dot_dimension_numbers<[1], [0], [0], [1], [0, 0, 1, 1], [], []>, transpose_lhs_hint = false} : vector<1000x10xf32>, vector<10x256xf32>, vector<1000x256xf32> -> vector<1000x256xf32>
    %slice3A_111 = vector.extract_strided_slice %dot_general3A_110 {offsets = [0, 0], sizes = [1000, 64], strides = [1, 1]} : vector<1000x256xf32> to vector<1000x64xf32>
    %swap3A_112 = arith.constant 0 : index
    %swap3A_113 = arith.constant 192 : index
    %swap3A_114 = vector.load %arg7[%swap3A_112, %swap3A_113] : memref<1000x384xf32, #tpu.memory_space<vmem>>, vector<1000x64xf32>
    tpu.vector_store %arg7[%swap3A_112, %swap3A_113], %slice3A_111 {strides = array<i32>} : memref<1000x384xf32, #tpu.memory_space<vmem>>, vector<1000x64xf32>,
    %slice3A_115 = vector.extract_strided_slice %dot_general3A_110 {offsets = [0, 64], sizes = [1000, 64], strides = [1, 1]} : vector<1000x256xf32> to vector<1000x64xf32>
    %swap3A_116 = arith.constant 0 : index
    %swap3A_117 = arith.constant 192 : index
    %swap3A_118 = vector.load %arg8[%swap3A_116, %swap3A_117] : memref<1000x384xf32, #tpu.memory_space<vmem>>, vector<1000x64xf32>
    tpu.vector_store %arg8[%swap3A_116, %swap3A_117], %slice3A_115 {strides = array<i32>} : memref<1000x384xf32, #tpu.memory_space<vmem>>, vector<1000x64xf32>,
    %slice3A_119 = vector.extract_strided_slice %dot_general3A_110 {offsets = [0, 128], sizes = [1000, 1], strides = [1, 1]} : vector<1000x256xf32> to vector<1000x1xf32>
    %slice3A_120 = vector.extract_strided_slice %dot_general3A_5 {offsets = [0, 0], sizes = [1000, 1], strides = [1, 1]} : vector<1000x2xf32> to vector<1000x1xf32>
    %add3A_121 = arith.addf %slice3A_119, %slice3A_120 : vector<1000x1xf32>
    %slice3A_122 = vector.extract_strided_slice %dot_general3A_110 {offsets = [0, 129], sizes = [1000, 1], strides = [1, 1]} : vector<1000x256xf32> to vector<1000x1xf32>
    %slice3A_123 = vector.extract_strided_slice %dot_general3A_5 {offsets = [0, 1], sizes = [1000, 1], strides = [1, 1]} : vector<1000x2xf32> to vector<1000x1xf32>
    %add3A_124 = arith.addf %slice3A_122, %slice3A_123 : vector<1000x1xf32>
    %slice3A_125 = vector.extract_strided_slice %dot_general3A_110 {offsets = [0, 130], sizes = [1000, 1], strides = [1, 1]} : vector<1000x256xf32> to vector<1000x1xf32>
    %slice3A_126 = vector.extract_strided_slice %dot_general3A_13 {offsets = [0, 0], sizes = [1000, 1], strides = [1, 1]} : vector<1000x2xf32> to vector<1000x1xf32>
    %add3A_127 = arith.addf %slice3A_125, %slice3A_126 : vector<1000x1xf32>
    %slice3A_128 = vector.extract_strided_slice %dot_general3A_110 {offsets = [0, 131], sizes = [1000, 1], strides = [1, 1]} : vector<1000x256xf32> to vector<1000x1xf32>
    %slice3A_129 = vector.extract_strided_slice %dot_general3A_13 {offsets = [0, 1], sizes = [1000, 1], strides = [1, 1]} : vector<1000x2xf32> to vector<1000x1xf32>
    %add3A_130 = arith.addf %slice3A_128, %slice3A_129 : vector<1000x1xf32>
    %broadcast_in_dim3A = arith.constant 0.000000e+00 : f32
    %broadcast_in_dim3A_131 = vector.broadcast %broadcast_in_dim3A : f32 to vector<1000x12xf32>
    %concatenate3A = tpu.concatenate %add3A, %add3A_61, %add3A_91, %add3A_121, %broadcast_in_dim3A_131 in 1 : vector<1000x1xf32>, vector<1000x1xf32>, vector<1000x1xf32>, vector<1000x1xf32>, vector<1000x12xf32> -> vector<1000x16xf32>
    %swap3A_132 = arith.constant 0 : index
    %swap3A_133 = arith.constant 256 : index
    %swap3A_134 = vector.load %arg7[%swap3A_132, %swap3A_133] : memref<1000x384xf32, #tpu.memory_space<vmem>>, vector<1000x16xf32>
    tpu.vector_store %arg7[%swap3A_132, %swap3A_133], %concatenate3A {strides = array<i32>} : memref<1000x384xf32, #tpu.memory_space<vmem>>, vector<1000x16xf32>,
    %concatenate3A_135 = tpu.concatenate %add3A_37, %add3A_67, %add3A_97, %add3A_127, %broadcast_in_dim3A_131 in 1 : vector<1000x1xf32>, vector<1000x1xf32>, vector<1000x1xf32>, vector<1000x1xf32>, vector<1000x12xf32> -> vector<1000x16xf32>
    %swap3A_136 = arith.constant 0 : index
    %swap3A_137 = arith.constant 256 : index
    %swap3A_138 = vector.load %arg8[%swap3A_136, %swap3A_137] : memref<1000x384xf32, #tpu.memory_space<vmem>>, vector<1000x16xf32>
    tpu.vector_store %arg8[%swap3A_136, %swap3A_137], %concatenate3A_135 {strides = array<i32>} : memref<1000x384xf32, #tpu.memory_space<vmem>>, vector<1000x16xf32>,
    %concatenate3A_139 = tpu.concatenate %add3A_34, %add3A_64, %add3A_94, %add3A_124, %broadcast_in_dim3A_131 in 1 : vector<1000x1xf32>, vector<1000x1xf32>, vector<1000x1xf32>, vector<1000x1xf32>, vector<1000x12xf32> -> vector<1000x16xf32>
    %swap3A_140 = arith.constant 0 : index
    %swap3A_141 = arith.constant 0 : index
    %swap3A_142 = vector.load %arg9[%swap3A_140, %swap3A_141] : memref<1000x16xf32, #tpu.memory_space<vmem>>, vector<1000x16xf32>
    tpu.vector_store %arg9[%swap3A_140, %swap3A_141], %concatenate3A_139 {strides = array<i32>} : memref<1000x16xf32, #tpu.memory_space<vmem>>, vector<1000x16xf32>,
    %concatenate3A_143 = tpu.concatenate %add3A_40, %add3A_70, %add3A_100, %add3A_130, %broadcast_in_dim3A_131 in 1 : vector<1000x1xf32>, vector<1000x1xf32>, vector<1000x1xf32>, vector<1000x1xf32>, vector<1000x12xf32> -> vector<1000x16xf32>
    %swap3A_144 = arith.constant 0 : index
    %swap3A_145 = arith.constant 0 : index
    %swap3A_146 = vector.load %arg10[%swap3A_144, %swap3A_145] : memref<1000x16xf32, #tpu.memory_space<vmem>>, vector<1000x16xf32>
    tpu.vector_store %arg10[%swap3A_144, %swap3A_145], %concatenate3A_143 {strides = array<i32>} : memref<1000x16xf32, #tpu.memory_space<vmem>>, vector<1000x16xf32>,
    return
  }
  func.func @transform_0(%arg0: i32) -> (i32, i32, i32) {
    %c0_i32 = arith.constant 0 : i32
    %c0_i32_0 = arith.constant 0 : i32
    %c0_i32_1 = arith.constant 0 : i32
    return %c0_i32, %arg0, %c0_i32_0 : i32, i32, i32
  }
  func.func @transform_1(%arg0: i32) -> (i32, i32) {
    %c0_i32 = arith.constant 0 : i32
    %c0_i32_0 = arith.constant 0 : i32
    return %arg0, %c0_i32 : i32, i32
  }
  func.func @transform_2(%arg0: i32) -> (i32, i32) {
    %c0_i32 = arith.constant 0 : i32
    %c0_i32_0 = arith.constant 0 : i32
    return %arg0, %c0_i32 : i32, i32
  }
  func.func @transform_3(%arg0: i32) -> (i32, i32) {
    %c0_i32 = arith.constant 0 : i32
    %c0_i32_0 = arith.constant 0 : i32
    %c0_i32_1 = arith.constant 0 : i32
    return %c0_i32, %c0_i32_0 : i32, i32
  }
  func.func @transform_4(%arg0: i32) -> (i32, i32) {
    %c0_i32 = arith.constant 0 : i32
    %c0_i32_0 = arith.constant 0 : i32
    %c0_i32_1 = arith.constant 0 : i32
    return %c0_i32, %c0_i32_0 : i32, i32
  }
  func.func @transform_5(%arg0: i32) -> (i32, i32) {
    %c0_i32 = arith.constant 0 : i32
    %c0_i32_0 = arith.constant 0 : i32
    %c0_i32_1 = arith.constant 0 : i32
    return %c0_i32, %c0_i32_0 : i32, i32
  }
  func.func @transform_6(%arg0: i32) -> (i32, i32) {
    %c0_i32 = arith.constant 0 : i32
    %c0_i32_0 = arith.constant 0 : i32
    return %arg0, %c0_i32 : i32, i32
  }
  func.func @transform_7(%arg0: i32) -> (i32, i32) {
    %c0_i32 = arith.constant 0 : i32
    %c0_i32_0 = arith.constant 0 : i32
    return %arg0, %c0_i32 : i32, i32
  }
  func.func @transform_8(%arg0: i32) -> (i32, i32) {
    %c0_i32 = arith.constant 0 : i32
    %c0_i32_0 = arith.constant 0 : i32
    return %arg0, %c0_i32 : i32, i32
  }
  func.func @transform_9(%arg0: i32) -> (i32, i32) {
    %c0_i32 = arith.constant 0 : i32
    %c0_i32_0 = arith.constant 0 : i32
    return %arg0, %c0_i32 : i32, i32
  }
}

module attributes {stable_mosaic.version = 14 : i64} {
  func.func @_topk_kernel(%arg0: i32, %arg1: memref<64x10240xf32, #tpu.memory_space<vmem>>, %arg2: memref<1000x64xf32, #tpu.memory_space<vmem>>, %arg3: memref<1000x32xi32, #tpu.memory_space<vmem>>) attributes {dimension_semantics = [#tpu.dimension_semantics<arbitrary>], iteration_bounds = array<i64: 10>, scalar_prefetch = 0 : i64, scratch_operands = 0 : i64, tpu.core_type = #tpu.core_type<tc>, window_params = [{pipeline_mode = #tpu.pipeline_mode<synchronous>, transform_indices = @transform_0, window_bounds = array<i64: 64, 10240>}, {transform_indices = @transform_1, window_bounds = array<i64: 1000, 64>}, {transform_indices = @transform_2, window_bounds = array<i64: 1000, 32>}]} {
    %get3A = arith.constant 0 : index
    %get3A_0 = arith.constant 0 : index
    %get3A_1 = vector.load %arg2[%get3A, %get3A_0] : memref<1000x64xf32, #tpu.memory_space<vmem>>, vector<1000x64xf32>
    %broadcast_in_dim3A = arith.constant -3.000000e+00 : f32
    %broadcast_in_dim3A_2 = vector.broadcast %broadcast_in_dim3A : f32 to vector<1000x128xf32>
    %broadcast_in_dim3A_3 = arith.constant 0 : i32
    %broadcast_in_dim3A_4 = vector.broadcast %broadcast_in_dim3A_3 : i32 to vector<1000x128xi32>
    %scan3A = arith.constant 0 : i32
    %scan3A_5 = arith.constant 10 : i32
    %scan3A_6 = arith.addi %scan3A, %scan3A_5 : i32
    %scan3A_7 = arith.constant 1 : i32
    %scan3A_8:16 = scf.for %scan3A_21 = %scan3A to %scan3A_6 step %scan3A_7 iter_args(%scan3A_22 = %broadcast_in_dim3A_2, %scan3A_23 = %broadcast_in_dim3A_2, %scan3A_24 = %broadcast_in_dim3A_2, %scan3A_25 = %broadcast_in_dim3A_2, %scan3A_26 = %broadcast_in_dim3A_2, %scan3A_27 = %broadcast_in_dim3A_2, %scan3A_28 = %broadcast_in_dim3A_2, %scan3A_29 = %broadcast_in_dim3A_2, %scan3A_30 = %broadcast_in_dim3A_4, %scan3A_31 = %broadcast_in_dim3A_4, %scan3A_32 = %broadcast_in_dim3A_4, %scan3A_33 = %broadcast_in_dim3A_4, %scan3A_34 = %broadcast_in_dim3A_4, %scan3A_35 = %broadcast_in_dim3A_4, %scan3A_36 = %broadcast_in_dim3A_4, %scan3A_37 = %broadcast_in_dim3A_4) -> (vector<1000x128xf32>, vector<1000x128xf32>, vector<1000x128xf32>, vector<1000x128xf32>, vector<1000x128xf32>, vector<1000x128xf32>, vector<1000x128xf32>, vector<1000x128xf32>, vector<1000x128xi32>, vector<1000x128xi32>, vector<1000x128xi32>, vector<1000x128xi32>, vector<1000x128xi32>, vector<1000x128xi32>, vector<1000x128xi32>, vector<1000x128xi32>)  : i32 {
      %mul3A = arith.constant 1024 : i32
      %mul3A_38 = arith.muli %scan3A_21, %mul3A : i32
      %get3A_39 = arith.constant 0 : index
      %get3A_40 = arith.index_cast %mul3A_38 : i32 to index
      %get3A_41 = vector.load %arg1[%get3A_39, %get3A_40] : memref<64x10240xf32, #tpu.memory_space<vmem>>, vector<64x1024xf32>
      %dot_general3A = arith.constant dense<0.000000e+00> : vector<1000x1024xf32>
      %dot_general3A_42 = tpu.matmul %get3A_1, %get3A_41, %dot_general3A {dimension_numbers = #tpu.dot_dimension_numbers<[1], [0], [0], [1], [0, 0, 1, 1], [], []>, transpose_lhs_hint = false} : vector<1000x64xf32>, vector<64x1024xf32>, vector<1000x1024xf32> -> vector<1000x1024xf32>
      %mul3A_43 = arith.mulf %get3A_41, %get3A_41 : vector<64x1024xf32>
      %reduce_sum3A = arith.constant dense<0.000000e+00> : vector<1024xf32>
      %reduce_sum3A_44 = vector.multi_reduction <add>, %mul3A_43, %reduce_sum3A [0] : vector<64x1024xf32> to vector<1024xf32>
      %broadcast_in_dim3A_45 = vector.shape_cast %reduce_sum3A_44 : vector<1024xf32> to vector<1x1024xf32>
      %add3A = arith.constant 1.000000e-30 : f32
      %add3A_46 = vector.broadcast %add3A : f32 to vector<1x1024xf32>
      %add3A_47 = arith.addf %broadcast_in_dim3A_45, %add3A_46 : vector<1x1024xf32>
      %rsqrt3A = math.rsqrt %add3A_47 : vector<1x1024xf32>
      %iota3A_48 = tpu.iota {dimensions = array<i32: 1>} : vector<1000x1024xi32>
      %add3A_49 = vector.broadcast %mul3A_38 : i32 to vector<1000x1024xi32>
      %add3A_50 = arith.addi %add3A_49, %iota3A_48 : vector<1000x1024xi32>
      %lt3A = arith.constant 10000 : i32
      %lt3A_51 = vector.broadcast %lt3A : i32 to vector<1000x1024xi32>
      %lt3A_52 = arith.cmpi slt, %add3A_50, %lt3A_51 : vector<1000x1024xi32>
      %mul3A_53 = vector.broadcast %rsqrt3A : vector<1x1024xf32> to vector<1000x1024xf32>
      %mul3A_54 = arith.mulf %dot_general3A_42, %mul3A_53 : vector<1000x1024xf32>
      %jit3A = arith.constant -2.000000e+00 : f32
      %broadcast_in_dim3A_55 = vector.broadcast %jit3A : f32 to vector<1000x1024xf32>
      %select_n3A = arith.select %lt3A_52, %mul3A_54, %broadcast_in_dim3A_55 : vector<1000x1024xi1>, vector<1000x1024xf32>
      %slice3A = vector.extract_strided_slice %select_n3A {offsets = [0, 0], sizes = [1000, 128], strides = [1, 1]} : vector<1000x1024xf32> to vector<1000x128xf32>
      %add3A_56 = arith.constant 0 : i32
      %add3A_57 = arith.addi %mul3A_38, %add3A_56 : i32
      %iota3A_58 = tpu.iota {dimensions = array<i32: 1>} : vector<1000x128xi32>
      %add3A_59 = vector.broadcast %add3A_57 : i32 to vector<1000x128xi32>
      %add3A_60 = arith.addi %add3A_59, %iota3A_58 : vector<1000x128xi32>
      %gt3A = arith.cmpf ogt, %slice3A, %scan3A_22 : vector<1000x128xf32>
      %select_n3A_61 = arith.select %gt3A, %slice3A, %scan3A_22 : vector<1000x128xi1>, vector<1000x128xf32>
      %select_n3A_62 = arith.select %gt3A, %add3A_60, %scan3A_30 : vector<1000x128xi1>, vector<1000x128xi32>
      %select_n3A_63 = arith.select %gt3A, %scan3A_22, %slice3A : vector<1000x128xi1>, vector<1000x128xf32>
      %select_n3A_64 = arith.select %gt3A, %scan3A_30, %add3A_60 : vector<1000x128xi1>, vector<1000x128xi32>
      %gt3A_65 = arith.cmpf ogt, %select_n3A_63, %scan3A_23 : vector<1000x128xf32>
      %select_n3A_66 = arith.select %gt3A_65, %select_n3A_63, %scan3A_23 : vector<1000x128xi1>, vector<1000x128xf32>
      %select_n3A_67 = arith.select %gt3A_65, %select_n3A_64, %scan3A_31 : vector<1000x128xi1>, vector<1000x128xi32>
      %select_n3A_68 = arith.select %gt3A_65, %scan3A_23, %select_n3A_63 : vector<1000x128xi1>, vector<1000x128xf32>
      %select_n3A_69 = arith.select %gt3A_65, %scan3A_31, %select_n3A_64 : vector<1000x128xi1>, vector<1000x128xi32>
      %gt3A_70 = arith.cmpf ogt, %select_n3A_68, %scan3A_24 : vector<1000x128xf32>
      %select_n3A_71 = arith.select %gt3A_70, %select_n3A_68, %scan3A_24 : vector<1000x128xi1>, vector<1000x128xf32>
      %select_n3A_72 = arith.select %gt3A_70, %select_n3A_69, %scan3A_32 : vector<1000x128xi1>, vector<1000x128xi32>
      %select_n3A_73 = arith.select %gt3A_70, %scan3A_24, %select_n3A_68 : vector<1000x128xi1>, vector<1000x128xf32>
      %select_n3A_74 = arith.select %gt3A_70, %scan3A_32, %select_n3A_69 : vector<1000x128xi1>, vector<1000x128xi32>
      %gt3A_75 = arith.cmpf ogt, %select_n3A_73, %scan3A_25 : vector<1000x128xf32>
      %select_n3A_76 = arith.select %gt3A_75, %select_n3A_73, %scan3A_25 : vector<1000x128xi1>, vector<1000x128xf32>
      %select_n3A_77 = arith.select %gt3A_75, %select_n3A_74, %scan3A_33 : vector<1000x128xi1>, vector<1000x128xi32>
      %select_n3A_78 = arith.select %gt3A_75, %scan3A_25, %select_n3A_73 : vector<1000x128xi1>, vector<1000x128xf32>
      %select_n3A_79 = arith.select %gt3A_75, %scan3A_33, %select_n3A_74 : vector<1000x128xi1>, vector<1000x128xi32>
      %gt3A_80 = arith.cmpf ogt, %select_n3A_78, %scan3A_26 : vector<1000x128xf32>
      %select_n3A_81 = arith.select %gt3A_80, %select_n3A_78, %scan3A_26 : vector<1000x128xi1>, vector<1000x128xf32>
      %select_n3A_82 = arith.select %gt3A_80, %select_n3A_79, %scan3A_34 : vector<1000x128xi1>, vector<1000x128xi32>
      %select_n3A_83 = arith.select %gt3A_80, %scan3A_26, %select_n3A_78 : vector<1000x128xi1>, vector<1000x128xf32>
      %select_n3A_84 = arith.select %gt3A_80, %scan3A_34, %select_n3A_79 : vector<1000x128xi1>, vector<1000x128xi32>
      %gt3A_85 = arith.cmpf ogt, %select_n3A_83, %scan3A_27 : vector<1000x128xf32>
      %select_n3A_86 = arith.select %gt3A_85, %select_n3A_83, %scan3A_27 : vector<1000x128xi1>, vector<1000x128xf32>
      %select_n3A_87 = arith.select %gt3A_85, %select_n3A_84, %scan3A_35 : vector<1000x128xi1>, vector<1000x128xi32>
      %select_n3A_88 = arith.select %gt3A_85, %scan3A_27, %select_n3A_83 : vector<1000x128xi1>, vector<1000x128xf32>
      %select_n3A_89 = arith.select %gt3A_85, %scan3A_35, %select_n3A_84 : vector<1000x128xi1>, vector<1000x128xi32>
      %gt3A_90 = arith.cmpf ogt, %select_n3A_88, %scan3A_28 : vector<1000x128xf32>
      %select_n3A_91 = arith.select %gt3A_90, %select_n3A_88, %scan3A_28 : vector<1000x128xi1>, vector<1000x128xf32>
      %select_n3A_92 = arith.select %gt3A_90, %select_n3A_89, %scan3A_36 : vector<1000x128xi1>, vector<1000x128xi32>
      %select_n3A_93 = arith.select %gt3A_90, %scan3A_28, %select_n3A_88 : vector<1000x128xi1>, vector<1000x128xf32>
      %select_n3A_94 = arith.select %gt3A_90, %scan3A_36, %select_n3A_89 : vector<1000x128xi1>, vector<1000x128xi32>
      %gt3A_95 = arith.cmpf ogt, %select_n3A_93, %scan3A_29 : vector<1000x128xf32>
      %select_n3A_96 = arith.select %gt3A_95, %select_n3A_93, %scan3A_29 : vector<1000x128xi1>, vector<1000x128xf32>
      %select_n3A_97 = arith.select %gt3A_95, %select_n3A_94, %scan3A_37 : vector<1000x128xi1>, vector<1000x128xi32>
      %slice3A_98 = vector.extract_strided_slice %select_n3A {offsets = [0, 128], sizes = [1000, 128], strides = [1, 1]} : vector<1000x1024xf32> to vector<1000x128xf32>
      %add3A_99 = arith.constant 128 : i32
      %add3A_100 = arith.addi %mul3A_38, %add3A_99 : i32
      %iota3A_101 = tpu.iota {dimensions = array<i32: 1>} : vector<1000x128xi32>
      %add3A_102 = vector.broadcast %add3A_100 : i32 to vector<1000x128xi32>
      %add3A_103 = arith.addi %add3A_102, %iota3A_101 : vector<1000x128xi32>
      %gt3A_104 = arith.cmpf ogt, %slice3A_98, %select_n3A_61 : vector<1000x128xf32>
      %select_n3A_105 = arith.select %gt3A_104, %slice3A_98, %select_n3A_61 : vector<1000x128xi1>, vector<1000x128xf32>
      %select_n3A_106 = arith.select %gt3A_104, %add3A_103, %select_n3A_62 : vector<1000x128xi1>, vector<1000x128xi32>
      %select_n3A_107 = arith.select %gt3A_104, %select_n3A_61, %slice3A_98 : vector<1000x128xi1>, vector<1000x128xf32>
      %select_n3A_108 = arith.select %gt3A_104, %select_n3A_62, %add3A_103 : vector<1000x128xi1>, vector<1000x128xi32>
      %gt3A_109 = arith.cmpf ogt, %select_n3A_107, %select_n3A_66 : vector<1000x128xf32>
      %select_n3A_110 = arith.select %gt3A_109, %select_n3A_107, %select_n3A_66 : vector<1000x128xi1>, vector<1000x128xf32>
      %select_n3A_111 = arith.select %gt3A_109, %select_n3A_108, %select_n3A_67 : vector<1000x128xi1>, vector<1000x128xi32>
      %select_n3A_112 = arith.select %gt3A_109, %select_n3A_66, %select_n3A_107 : vector<1000x128xi1>, vector<1000x128xf32>
      %select_n3A_113 = arith.select %gt3A_109, %select_n3A_67, %select_n3A_108 : vector<1000x128xi1>, vector<1000x128xi32>
      %gt3A_114 = arith.cmpf ogt, %select_n3A_112, %select_n3A_71 : vector<1000x128xf32>
      %select_n3A_115 = arith.select %gt3A_114, %select_n3A_112, %select_n3A_71 : vector<1000x128xi1>, vector<1000x128xf32>
      %select_n3A_116 = arith.select %gt3A_114, %select_n3A_113, %select_n3A_72 : vector<1000x128xi1>, vector<1000x128xi32>
      %select_n3A_117 = arith.select %gt3A_114, %select_n3A_71, %select_n3A_112 : vector<1000x128xi1>, vector<1000x128xf32>
      %select_n3A_118 = arith.select %gt3A_114, %select_n3A_72, %select_n3A_113 : vector<1000x128xi1>, vector<1000x128xi32>
      %gt3A_119 = arith.cmpf ogt, %select_n3A_117, %select_n3A_76 : vector<1000x128xf32>
      %select_n3A_120 = arith.select %gt3A_119, %select_n3A_117, %select_n3A_76 : vector<1000x128xi1>, vector<1000x128xf32>
      %select_n3A_121 = arith.select %gt3A_119, %select_n3A_118, %select_n3A_77 : vector<1000x128xi1>, vector<1000x128xi32>
      %select_n3A_122 = arith.select %gt3A_119, %select_n3A_76, %select_n3A_117 : vector<1000x128xi1>, vector<1000x128xf32>
      %select_n3A_123 = arith.select %gt3A_119, %select_n3A_77, %select_n3A_118 : vector<1000x128xi1>, vector<1000x128xi32>
      %gt3A_124 = arith.cmpf ogt, %select_n3A_122, %select_n3A_81 : vector<1000x128xf32>
      %select_n3A_125 = arith.select %gt3A_124, %select_n3A_122, %select_n3A_81 : vector<1000x128xi1>, vector<1000x128xf32>
      %select_n3A_126 = arith.select %gt3A_124, %select_n3A_123, %select_n3A_82 : vector<1000x128xi1>, vector<1000x128xi32>
      %select_n3A_127 = arith.select %gt3A_124, %select_n3A_81, %select_n3A_122 : vector<1000x128xi1>, vector<1000x128xf32>
      %select_n3A_128 = arith.select %gt3A_124, %select_n3A_82, %select_n3A_123 : vector<1000x128xi1>, vector<1000x128xi32>
      %gt3A_129 = arith.cmpf ogt, %select_n3A_127, %select_n3A_86 : vector<1000x128xf32>
      %select_n3A_130 = arith.select %gt3A_129, %select_n3A_127, %select_n3A_86 : vector<1000x128xi1>, vector<1000x128xf32>
      %select_n3A_131 = arith.select %gt3A_129, %select_n3A_128, %select_n3A_87 : vector<1000x128xi1>, vector<1000x128xi32>
      %select_n3A_132 = arith.select %gt3A_129, %select_n3A_86, %select_n3A_127 : vector<1000x128xi1>, vector<1000x128xf32>
      %select_n3A_133 = arith.select %gt3A_129, %select_n3A_87, %select_n3A_128 : vector<1000x128xi1>, vector<1000x128xi32>
      %gt3A_134 = arith.cmpf ogt, %select_n3A_132, %select_n3A_91 : vector<1000x128xf32>
      %select_n3A_135 = arith.select %gt3A_134, %select_n3A_132, %select_n3A_91 : vector<1000x128xi1>, vector<1000x128xf32>
      %select_n3A_136 = arith.select %gt3A_134, %select_n3A_133, %select_n3A_92 : vector<1000x128xi1>, vector<1000x128xi32>
      %select_n3A_137 = arith.select %gt3A_134, %select_n3A_91, %select_n3A_132 : vector<1000x128xi1>, vector<1000x128xf32>
      %select_n3A_138 = arith.select %gt3A_134, %select_n3A_92, %select_n3A_133 : vector<1000x128xi1>, vector<1000x128xi32>
      %gt3A_139 = arith.cmpf ogt, %select_n3A_137, %select_n3A_96 : vector<1000x128xf32>
      %select_n3A_140 = arith.select %gt3A_139, %select_n3A_137, %select_n3A_96 : vector<1000x128xi1>, vector<1000x128xf32>
      %select_n3A_141 = arith.select %gt3A_139, %select_n3A_138, %select_n3A_97 : vector<1000x128xi1>, vector<1000x128xi32>
      %slice3A_142 = vector.extract_strided_slice %select_n3A {offsets = [0, 256], sizes = [1000, 128], strides = [1, 1]} : vector<1000x1024xf32> to vector<1000x128xf32>
      %add3A_143 = arith.constant 256 : i32
      %add3A_144 = arith.addi %mul3A_38, %add3A_143 : i32
      %iota3A_145 = tpu.iota {dimensions = array<i32: 1>} : vector<1000x128xi32>
      %add3A_146 = vector.broadcast %add3A_144 : i32 to vector<1000x128xi32>
      %add3A_147 = arith.addi %add3A_146, %iota3A_145 : vector<1000x128xi32>
      %gt3A_148 = arith.cmpf ogt, %slice3A_142, %select_n3A_105 : vector<1000x128xf32>
      %select_n3A_149 = arith.select %gt3A_148, %slice3A_142, %select_n3A_105 : vector<1000x128xi1>, vector<1000x128xf32>
      %select_n3A_150 = arith.select %gt3A_148, %add3A_147, %select_n3A_106 : vector<1000x128xi1>, vector<1000x128xi32>
      %select_n3A_151 = arith.select %gt3A_148, %select_n3A_105, %slice3A_142 : vector<1000x128xi1>, vector<1000x128xf32>
      %select_n3A_152 = arith.select %gt3A_148, %select_n3A_106, %add3A_147 : vector<1000x128xi1>, vector<1000x128xi32>
      %gt3A_153 = arith.cmpf ogt, %select_n3A_151, %select_n3A_110 : vector<1000x128xf32>
      %select_n3A_154 = arith.select %gt3A_153, %select_n3A_151, %select_n3A_110 : vector<1000x128xi1>, vector<1000x128xf32>
      %select_n3A_155 = arith.select %gt3A_153, %select_n3A_152, %select_n3A_111 : vector<1000x128xi1>, vector<1000x128xi32>
      %select_n3A_156 = arith.select %gt3A_153, %select_n3A_110, %select_n3A_151 : vector<1000x128xi1>, vector<1000x128xf32>
      %select_n3A_157 = arith.select %gt3A_153, %select_n3A_111, %select_n3A_152 : vector<1000x128xi1>, vector<1000x128xi32>
      %gt3A_158 = arith.cmpf ogt, %select_n3A_156, %select_n3A_115 : vector<1000x128xf32>
      %select_n3A_159 = arith.select %gt3A_158, %select_n3A_156, %select_n3A_115 : vector<1000x128xi1>, vector<1000x128xf32>
      %select_n3A_160 = arith.select %gt3A_158, %select_n3A_157, %select_n3A_116 : vector<1000x128xi1>, vector<1000x128xi32>
      %select_n3A_161 = arith.select %gt3A_158, %select_n3A_115, %select_n3A_156 : vector<1000x128xi1>, vector<1000x128xf32>
      %select_n3A_162 = arith.select %gt3A_158, %select_n3A_116, %select_n3A_157 : vector<1000x128xi1>, vector<1000x128xi32>
      %gt3A_163 = arith.cmpf ogt, %select_n3A_161, %select_n3A_120 : vector<1000x128xf32>
      %select_n3A_164 = arith.select %gt3A_163, %select_n3A_161, %select_n3A_120 : vector<1000x128xi1>, vector<1000x128xf32>
      %select_n3A_165 = arith.select %gt3A_163, %select_n3A_162, %select_n3A_121 : vector<1000x128xi1>, vector<1000x128xi32>
      %select_n3A_166 = arith.select %gt3A_163, %select_n3A_120, %select_n3A_161 : vector<1000x128xi1>, vector<1000x128xf32>
      %select_n3A_167 = arith.select %gt3A_163, %select_n3A_121, %select_n3A_162 : vector<1000x128xi1>, vector<1000x128xi32>
      %gt3A_168 = arith.cmpf ogt, %select_n3A_166, %select_n3A_125 : vector<1000x128xf32>
      %select_n3A_169 = arith.select %gt3A_168, %select_n3A_166, %select_n3A_125 : vector<1000x128xi1>, vector<1000x128xf32>
      %select_n3A_170 = arith.select %gt3A_168, %select_n3A_167, %select_n3A_126 : vector<1000x128xi1>, vector<1000x128xi32>
      %select_n3A_171 = arith.select %gt3A_168, %select_n3A_125, %select_n3A_166 : vector<1000x128xi1>, vector<1000x128xf32>
      %select_n3A_172 = arith.select %gt3A_168, %select_n3A_126, %select_n3A_167 : vector<1000x128xi1>, vector<1000x128xi32>
      %gt3A_173 = arith.cmpf ogt, %select_n3A_171, %select_n3A_130 : vector<1000x128xf32>
      %select_n3A_174 = arith.select %gt3A_173, %select_n3A_171, %select_n3A_130 : vector<1000x128xi1>, vector<1000x128xf32>
      %select_n3A_175 = arith.select %gt3A_173, %select_n3A_172, %select_n3A_131 : vector<1000x128xi1>, vector<1000x128xi32>
      %select_n3A_176 = arith.select %gt3A_173, %select_n3A_130, %select_n3A_171 : vector<1000x128xi1>, vector<1000x128xf32>
      %select_n3A_177 = arith.select %gt3A_173, %select_n3A_131, %select_n3A_172 : vector<1000x128xi1>, vector<1000x128xi32>
      %gt3A_178 = arith.cmpf ogt, %select_n3A_176, %select_n3A_135 : vector<1000x128xf32>
      %select_n3A_179 = arith.select %gt3A_178, %select_n3A_176, %select_n3A_135 : vector<1000x128xi1>, vector<1000x128xf32>
      %select_n3A_180 = arith.select %gt3A_178, %select_n3A_177, %select_n3A_136 : vector<1000x128xi1>, vector<1000x128xi32>
      %select_n3A_181 = arith.select %gt3A_178, %select_n3A_135, %select_n3A_176 : vector<1000x128xi1>, vector<1000x128xf32>
      %select_n3A_182 = arith.select %gt3A_178, %select_n3A_136, %select_n3A_177 : vector<1000x128xi1>, vector<1000x128xi32>
      %gt3A_183 = arith.cmpf ogt, %select_n3A_181, %select_n3A_140 : vector<1000x128xf32>
      %select_n3A_184 = arith.select %gt3A_183, %select_n3A_181, %select_n3A_140 : vector<1000x128xi1>, vector<1000x128xf32>
      %select_n3A_185 = arith.select %gt3A_183, %select_n3A_182, %select_n3A_141 : vector<1000x128xi1>, vector<1000x128xi32>
      %slice3A_186 = vector.extract_strided_slice %select_n3A {offsets = [0, 384], sizes = [1000, 128], strides = [1, 1]} : vector<1000x1024xf32> to vector<1000x128xf32>
      %add3A_187 = arith.constant 384 : i32
      %add3A_188 = arith.addi %mul3A_38, %add3A_187 : i32
      %iota3A_189 = tpu.iota {dimensions = array<i32: 1>} : vector<1000x128xi32>
      %add3A_190 = vector.broadcast %add3A_188 : i32 to vector<1000x128xi32>
      %add3A_191 = arith.addi %add3A_190, %iota3A_189 : vector<1000x128xi32>
      %gt3A_192 = arith.cmpf ogt, %slice3A_186, %select_n3A_149 : vector<1000x128xf32>
      %select_n3A_193 = arith.select %gt3A_192, %slice3A_186, %select_n3A_149 : vector<1000x128xi1>, vector<1000x128xf32>
      %select_n3A_194 = arith.select %gt3A_192, %add3A_191, %select_n3A_150 : vector<1000x128xi1>, vector<1000x128xi32>
      %select_n3A_195 = arith.select %gt3A_192, %select_n3A_149, %slice3A_186 : vector<1000x128xi1>, vector<1000x128xf32>
      %select_n3A_196 = arith.select %gt3A_192, %select_n3A_150, %add3A_191 : vector<1000x128xi1>, vector<1000x128xi32>
      %gt3A_197 = arith.cmpf ogt, %select_n3A_195, %select_n3A_154 : vector<1000x128xf32>
      %select_n3A_198 = arith.select %gt3A_197, %select_n3A_195, %select_n3A_154 : vector<1000x128xi1>, vector<1000x128xf32>
      %select_n3A_199 = arith.select %gt3A_197, %select_n3A_196, %select_n3A_155 : vector<1000x128xi1>, vector<1000x128xi32>
      %select_n3A_200 = arith.select %gt3A_197, %select_n3A_154, %select_n3A_195 : vector<1000x128xi1>, vector<1000x128xf32>
      %select_n3A_201 = arith.select %gt3A_197, %select_n3A_155, %select_n3A_196 : vector<1000x128xi1>, vector<1000x128xi32>
      %gt3A_202 = arith.cmpf ogt, %select_n3A_200, %select_n3A_159 : vector<1000x128xf32>
      %select_n3A_203 = arith.select %gt3A_202, %select_n3A_200, %select_n3A_159 : vector<1000x128xi1>, vector<1000x128xf32>
      %select_n3A_204 = arith.select %gt3A_202, %select_n3A_201, %select_n3A_160 : vector<1000x128xi1>, vector<1000x128xi32>
      %select_n3A_205 = arith.select %gt3A_202, %select_n3A_159, %select_n3A_200 : vector<1000x128xi1>, vector<1000x128xf32>
      %select_n3A_206 = arith.select %gt3A_202, %select_n3A_160, %select_n3A_201 : vector<1000x128xi1>, vector<1000x128xi32>
      %gt3A_207 = arith.cmpf ogt, %select_n3A_205, %select_n3A_164 : vector<1000x128xf32>
      %select_n3A_208 = arith.select %gt3A_207, %select_n3A_205, %select_n3A_164 : vector<1000x128xi1>, vector<1000x128xf32>
      %select_n3A_209 = arith.select %gt3A_207, %select_n3A_206, %select_n3A_165 : vector<1000x128xi1>, vector<1000x128xi32>
      %select_n3A_210 = arith.select %gt3A_207, %select_n3A_164, %select_n3A_205 : vector<1000x128xi1>, vector<1000x128xf32>
      %select_n3A_211 = arith.select %gt3A_207, %select_n3A_165, %select_n3A_206 : vector<1000x128xi1>, vector<1000x128xi32>
      %gt3A_212 = arith.cmpf ogt, %select_n3A_210, %select_n3A_169 : vector<1000x128xf32>
      %select_n3A_213 = arith.select %gt3A_212, %select_n3A_210, %select_n3A_169 : vector<1000x128xi1>, vector<1000x128xf32>
      %select_n3A_214 = arith.select %gt3A_212, %select_n3A_211, %select_n3A_170 : vector<1000x128xi1>, vector<1000x128xi32>
      %select_n3A_215 = arith.select %gt3A_212, %select_n3A_169, %select_n3A_210 : vector<1000x128xi1>, vector<1000x128xf32>
      %select_n3A_216 = arith.select %gt3A_212, %select_n3A_170, %select_n3A_211 : vector<1000x128xi1>, vector<1000x128xi32>
      %gt3A_217 = arith.cmpf ogt, %select_n3A_215, %select_n3A_174 : vector<1000x128xf32>
      %select_n3A_218 = arith.select %gt3A_217, %select_n3A_215, %select_n3A_174 : vector<1000x128xi1>, vector<1000x128xf32>
      %select_n3A_219 = arith.select %gt3A_217, %select_n3A_216, %select_n3A_175 : vector<1000x128xi1>, vector<1000x128xi32>
      %select_n3A_220 = arith.select %gt3A_217, %select_n3A_174, %select_n3A_215 : vector<1000x128xi1>, vector<1000x128xf32>
      %select_n3A_221 = arith.select %gt3A_217, %select_n3A_175, %select_n3A_216 : vector<1000x128xi1>, vector<1000x128xi32>
      %gt3A_222 = arith.cmpf ogt, %select_n3A_220, %select_n3A_179 : vector<1000x128xf32>
      %select_n3A_223 = arith.select %gt3A_222, %select_n3A_220, %select_n3A_179 : vector<1000x128xi1>, vector<1000x128xf32>
      %select_n3A_224 = arith.select %gt3A_222, %select_n3A_221, %select_n3A_180 : vector<1000x128xi1>, vector<1000x128xi32>
      %select_n3A_225 = arith.select %gt3A_222, %select_n3A_179, %select_n3A_220 : vector<1000x128xi1>, vector<1000x128xf32>
      %select_n3A_226 = arith.select %gt3A_222, %select_n3A_180, %select_n3A_221 : vector<1000x128xi1>, vector<1000x128xi32>
      %gt3A_227 = arith.cmpf ogt, %select_n3A_225, %select_n3A_184 : vector<1000x128xf32>
      %select_n3A_228 = arith.select %gt3A_227, %select_n3A_225, %select_n3A_184 : vector<1000x128xi1>, vector<1000x128xf32>
      %select_n3A_229 = arith.select %gt3A_227, %select_n3A_226, %select_n3A_185 : vector<1000x128xi1>, vector<1000x128xi32>
      %slice3A_230 = vector.extract_strided_slice %select_n3A {offsets = [0, 512], sizes = [1000, 128], strides = [1, 1]} : vector<1000x1024xf32> to vector<1000x128xf32>
      %add3A_231 = arith.constant 512 : i32
      %add3A_232 = arith.addi %mul3A_38, %add3A_231 : i32
      %iota3A_233 = tpu.iota {dimensions = array<i32: 1>} : vector<1000x128xi32>
      %add3A_234 = vector.broadcast %add3A_232 : i32 to vector<1000x128xi32>
      %add3A_235 = arith.addi %add3A_234, %iota3A_233 : vector<1000x128xi32>
      %gt3A_236 = arith.cmpf ogt, %slice3A_230, %select_n3A_193 : vector<1000x128xf32>
      %select_n3A_237 = arith.select %gt3A_236, %slice3A_230, %select_n3A_193 : vector<1000x128xi1>, vector<1000x128xf32>
      %select_n3A_238 = arith.select %gt3A_236, %add3A_235, %select_n3A_194 : vector<1000x128xi1>, vector<1000x128xi32>
      %select_n3A_239 = arith.select %gt3A_236, %select_n3A_193, %slice3A_230 : vector<1000x128xi1>, vector<1000x128xf32>
      %select_n3A_240 = arith.select %gt3A_236, %select_n3A_194, %add3A_235 : vector<1000x128xi1>, vector<1000x128xi32>
      %gt3A_241 = arith.cmpf ogt, %select_n3A_239, %select_n3A_198 : vector<1000x128xf32>
      %select_n3A_242 = arith.select %gt3A_241, %select_n3A_239, %select_n3A_198 : vector<1000x128xi1>, vector<1000x128xf32>
      %select_n3A_243 = arith.select %gt3A_241, %select_n3A_240, %select_n3A_199 : vector<1000x128xi1>, vector<1000x128xi32>
      %select_n3A_244 = arith.select %gt3A_241, %select_n3A_198, %select_n3A_239 : vector<1000x128xi1>, vector<1000x128xf32>
      %select_n3A_245 = arith.select %gt3A_241, %select_n3A_199, %select_n3A_240 : vector<1000x128xi1>, vector<1000x128xi32>
      %gt3A_246 = arith.cmpf ogt, %select_n3A_244, %select_n3A_203 : vector<1000x128xf32>
      %select_n3A_247 = arith.select %gt3A_246, %select_n3A_244, %select_n3A_203 : vector<1000x128xi1>, vector<1000x128xf32>
      %select_n3A_248 = arith.select %gt3A_246, %select_n3A_245, %select_n3A_204 : vector<1000x128xi1>, vector<1000x128xi32>
      %select_n3A_249 = arith.select %gt3A_246, %select_n3A_203, %select_n3A_244 : vector<1000x128xi1>, vector<1000x128xf32>
      %select_n3A_250 = arith.select %gt3A_246, %select_n3A_204, %select_n3A_245 : vector<1000x128xi1>, vector<1000x128xi32>
      %gt3A_251 = arith.cmpf ogt, %select_n3A_249, %select_n3A_208 : vector<1000x128xf32>
      %select_n3A_252 = arith.select %gt3A_251, %select_n3A_249, %select_n3A_208 : vector<1000x128xi1>, vector<1000x128xf32>
      %select_n3A_253 = arith.select %gt3A_251, %select_n3A_250, %select_n3A_209 : vector<1000x128xi1>, vector<1000x128xi32>
      %select_n3A_254 = arith.select %gt3A_251, %select_n3A_208, %select_n3A_249 : vector<1000x128xi1>, vector<1000x128xf32>
      %select_n3A_255 = arith.select %gt3A_251, %select_n3A_209, %select_n3A_250 : vector<1000x128xi1>, vector<1000x128xi32>
      %gt3A_256 = arith.cmpf ogt, %select_n3A_254, %select_n3A_213 : vector<1000x128xf32>
      %select_n3A_257 = arith.select %gt3A_256, %select_n3A_254, %select_n3A_213 : vector<1000x128xi1>, vector<1000x128xf32>
      %select_n3A_258 = arith.select %gt3A_256, %select_n3A_255, %select_n3A_214 : vector<1000x128xi1>, vector<1000x128xi32>
      %select_n3A_259 = arith.select %gt3A_256, %select_n3A_213, %select_n3A_254 : vector<1000x128xi1>, vector<1000x128xf32>
      %select_n3A_260 = arith.select %gt3A_256, %select_n3A_214, %select_n3A_255 : vector<1000x128xi1>, vector<1000x128xi32>
      %gt3A_261 = arith.cmpf ogt, %select_n3A_259, %select_n3A_218 : vector<1000x128xf32>
      %select_n3A_262 = arith.select %gt3A_261, %select_n3A_259, %select_n3A_218 : vector<1000x128xi1>, vector<1000x128xf32>
      %select_n3A_263 = arith.select %gt3A_261, %select_n3A_260, %select_n3A_219 : vector<1000x128xi1>, vector<1000x128xi32>
      %select_n3A_264 = arith.select %gt3A_261, %select_n3A_218, %select_n3A_259 : vector<1000x128xi1>, vector<1000x128xf32>
      %select_n3A_265 = arith.select %gt3A_261, %select_n3A_219, %select_n3A_260 : vector<1000x128xi1>, vector<1000x128xi32>
      %gt3A_266 = arith.cmpf ogt, %select_n3A_264, %select_n3A_223 : vector<1000x128xf32>
      %select_n3A_267 = arith.select %gt3A_266, %select_n3A_264, %select_n3A_223 : vector<1000x128xi1>, vector<1000x128xf32>
      %select_n3A_268 = arith.select %gt3A_266, %select_n3A_265, %select_n3A_224 : vector<1000x128xi1>, vector<1000x128xi32>
      %select_n3A_269 = arith.select %gt3A_266, %select_n3A_223, %select_n3A_264 : vector<1000x128xi1>, vector<1000x128xf32>
      %select_n3A_270 = arith.select %gt3A_266, %select_n3A_224, %select_n3A_265 : vector<1000x128xi1>, vector<1000x128xi32>
      %gt3A_271 = arith.cmpf ogt, %select_n3A_269, %select_n3A_228 : vector<1000x128xf32>
      %select_n3A_272 = arith.select %gt3A_271, %select_n3A_269, %select_n3A_228 : vector<1000x128xi1>, vector<1000x128xf32>
      %select_n3A_273 = arith.select %gt3A_271, %select_n3A_270, %select_n3A_229 : vector<1000x128xi1>, vector<1000x128xi32>
      %slice3A_274 = vector.extract_strided_slice %select_n3A {offsets = [0, 640], sizes = [1000, 128], strides = [1, 1]} : vector<1000x1024xf32> to vector<1000x128xf32>
      %add3A_275 = arith.constant 640 : i32
      %add3A_276 = arith.addi %mul3A_38, %add3A_275 : i32
      %iota3A_277 = tpu.iota {dimensions = array<i32: 1>} : vector<1000x128xi32>
      %add3A_278 = vector.broadcast %add3A_276 : i32 to vector<1000x128xi32>
      %add3A_279 = arith.addi %add3A_278, %iota3A_277 : vector<1000x128xi32>
      %gt3A_280 = arith.cmpf ogt, %slice3A_274, %select_n3A_237 : vector<1000x128xf32>
      %select_n3A_281 = arith.select %gt3A_280, %slice3A_274, %select_n3A_237 : vector<1000x128xi1>, vector<1000x128xf32>
      %select_n3A_282 = arith.select %gt3A_280, %add3A_279, %select_n3A_238 : vector<1000x128xi1>, vector<1000x128xi32>
      %select_n3A_283 = arith.select %gt3A_280, %select_n3A_237, %slice3A_274 : vector<1000x128xi1>, vector<1000x128xf32>
      %select_n3A_284 = arith.select %gt3A_280, %select_n3A_238, %add3A_279 : vector<1000x128xi1>, vector<1000x128xi32>
      %gt3A_285 = arith.cmpf ogt, %select_n3A_283, %select_n3A_242 : vector<1000x128xf32>
      %select_n3A_286 = arith.select %gt3A_285, %select_n3A_283, %select_n3A_242 : vector<1000x128xi1>, vector<1000x128xf32>
      %select_n3A_287 = arith.select %gt3A_285, %select_n3A_284, %select_n3A_243 : vector<1000x128xi1>, vector<1000x128xi32>
      %select_n3A_288 = arith.select %gt3A_285, %select_n3A_242, %select_n3A_283 : vector<1000x128xi1>, vector<1000x128xf32>
      %select_n3A_289 = arith.select %gt3A_285, %select_n3A_243, %select_n3A_284 : vector<1000x128xi1>, vector<1000x128xi32>
      %gt3A_290 = arith.cmpf ogt, %select_n3A_288, %select_n3A_247 : vector<1000x128xf32>
      %select_n3A_291 = arith.select %gt3A_290, %select_n3A_288, %select_n3A_247 : vector<1000x128xi1>, vector<1000x128xf32>
      %select_n3A_292 = arith.select %gt3A_290, %select_n3A_289, %select_n3A_248 : vector<1000x128xi1>, vector<1000x128xi32>
      %select_n3A_293 = arith.select %gt3A_290, %select_n3A_247, %select_n3A_288 : vector<1000x128xi1>, vector<1000x128xf32>
      %select_n3A_294 = arith.select %gt3A_290, %select_n3A_248, %select_n3A_289 : vector<1000x128xi1>, vector<1000x128xi32>
      %gt3A_295 = arith.cmpf ogt, %select_n3A_293, %select_n3A_252 : vector<1000x128xf32>
      %select_n3A_296 = arith.select %gt3A_295, %select_n3A_293, %select_n3A_252 : vector<1000x128xi1>, vector<1000x128xf32>
      %select_n3A_297 = arith.select %gt3A_295, %select_n3A_294, %select_n3A_253 : vector<1000x128xi1>, vector<1000x128xi32>
      %select_n3A_298 = arith.select %gt3A_295, %select_n3A_252, %select_n3A_293 : vector<1000x128xi1>, vector<1000x128xf32>
      %select_n3A_299 = arith.select %gt3A_295, %select_n3A_253, %select_n3A_294 : vector<1000x128xi1>, vector<1000x128xi32>
      %gt3A_300 = arith.cmpf ogt, %select_n3A_298, %select_n3A_257 : vector<1000x128xf32>
      %select_n3A_301 = arith.select %gt3A_300, %select_n3A_298, %select_n3A_257 : vector<1000x128xi1>, vector<1000x128xf32>
      %select_n3A_302 = arith.select %gt3A_300, %select_n3A_299, %select_n3A_258 : vector<1000x128xi1>, vector<1000x128xi32>
      %select_n3A_303 = arith.select %gt3A_300, %select_n3A_257, %select_n3A_298 : vector<1000x128xi1>, vector<1000x128xf32>
      %select_n3A_304 = arith.select %gt3A_300, %select_n3A_258, %select_n3A_299 : vector<1000x128xi1>, vector<1000x128xi32>
      %gt3A_305 = arith.cmpf ogt, %select_n3A_303, %select_n3A_262 : vector<1000x128xf32>
      %select_n3A_306 = arith.select %gt3A_305, %select_n3A_303, %select_n3A_262 : vector<1000x128xi1>, vector<1000x128xf32>
      %select_n3A_307 = arith.select %gt3A_305, %select_n3A_304, %select_n3A_263 : vector<1000x128xi1>, vector<1000x128xi32>
      %select_n3A_308 = arith.select %gt3A_305, %select_n3A_262, %select_n3A_303 : vector<1000x128xi1>, vector<1000x128xf32>
      %select_n3A_309 = arith.select %gt3A_305, %select_n3A_263, %select_n3A_304 : vector<1000x128xi1>, vector<1000x128xi32>
      %gt3A_310 = arith.cmpf ogt, %select_n3A_308, %select_n3A_267 : vector<1000x128xf32>
      %select_n3A_311 = arith.select %gt3A_310, %select_n3A_308, %select_n3A_267 : vector<1000x128xi1>, vector<1000x128xf32>
      %select_n3A_312 = arith.select %gt3A_310, %select_n3A_309, %select_n3A_268 : vector<1000x128xi1>, vector<1000x128xi32>
      %select_n3A_313 = arith.select %gt3A_310, %select_n3A_267, %select_n3A_308 : vector<1000x128xi1>, vector<1000x128xf32>
      %select_n3A_314 = arith.select %gt3A_310, %select_n3A_268, %select_n3A_309 : vector<1000x128xi1>, vector<1000x128xi32>
      %gt3A_315 = arith.cmpf ogt, %select_n3A_313, %select_n3A_272 : vector<1000x128xf32>
      %select_n3A_316 = arith.select %gt3A_315, %select_n3A_313, %select_n3A_272 : vector<1000x128xi1>, vector<1000x128xf32>
      %select_n3A_317 = arith.select %gt3A_315, %select_n3A_314, %select_n3A_273 : vector<1000x128xi1>, vector<1000x128xi32>
      %slice3A_318 = vector.extract_strided_slice %select_n3A {offsets = [0, 768], sizes = [1000, 128], strides = [1, 1]} : vector<1000x1024xf32> to vector<1000x128xf32>
      %add3A_319 = arith.constant 768 : i32
      %add3A_320 = arith.addi %mul3A_38, %add3A_319 : i32
      %iota3A_321 = tpu.iota {dimensions = array<i32: 1>} : vector<1000x128xi32>
      %add3A_322 = vector.broadcast %add3A_320 : i32 to vector<1000x128xi32>
      %add3A_323 = arith.addi %add3A_322, %iota3A_321 : vector<1000x128xi32>
      %gt3A_324 = arith.cmpf ogt, %slice3A_318, %select_n3A_281 : vector<1000x128xf32>
      %select_n3A_325 = arith.select %gt3A_324, %slice3A_318, %select_n3A_281 : vector<1000x128xi1>, vector<1000x128xf32>
      %select_n3A_326 = arith.select %gt3A_324, %add3A_323, %select_n3A_282 : vector<1000x128xi1>, vector<1000x128xi32>
      %select_n3A_327 = arith.select %gt3A_324, %select_n3A_281, %slice3A_318 : vector<1000x128xi1>, vector<1000x128xf32>
      %select_n3A_328 = arith.select %gt3A_324, %select_n3A_282, %add3A_323 : vector<1000x128xi1>, vector<1000x128xi32>
      %gt3A_329 = arith.cmpf ogt, %select_n3A_327, %select_n3A_286 : vector<1000x128xf32>
      %select_n3A_330 = arith.select %gt3A_329, %select_n3A_327, %select_n3A_286 : vector<1000x128xi1>, vector<1000x128xf32>
      %select_n3A_331 = arith.select %gt3A_329, %select_n3A_328, %select_n3A_287 : vector<1000x128xi1>, vector<1000x128xi32>
      %select_n3A_332 = arith.select %gt3A_329, %select_n3A_286, %select_n3A_327 : vector<1000x128xi1>, vector<1000x128xf32>
      %select_n3A_333 = arith.select %gt3A_329, %select_n3A_287, %select_n3A_328 : vector<1000x128xi1>, vector<1000x128xi32>
      %gt3A_334 = arith.cmpf ogt, %select_n3A_332, %select_n3A_291 : vector<1000x128xf32>
      %select_n3A_335 = arith.select %gt3A_334, %select_n3A_332, %select_n3A_291 : vector<1000x128xi1>, vector<1000x128xf32>
      %select_n3A_336 = arith.select %gt3A_334, %select_n3A_333, %select_n3A_292 : vector<1000x128xi1>, vector<1000x128xi32>
      %select_n3A_337 = arith.select %gt3A_334, %select_n3A_291, %select_n3A_332 : vector<1000x128xi1>, vector<1000x128xf32>
      %select_n3A_338 = arith.select %gt3A_334, %select_n3A_292, %select_n3A_333 : vector<1000x128xi1>, vector<1000x128xi32>
      %gt3A_339 = arith.cmpf ogt, %select_n3A_337, %select_n3A_296 : vector<1000x128xf32>
      %select_n3A_340 = arith.select %gt3A_339, %select_n3A_337, %select_n3A_296 : vector<1000x128xi1>, vector<1000x128xf32>
      %select_n3A_341 = arith.select %gt3A_339, %select_n3A_338, %select_n3A_297 : vector<1000x128xi1>, vector<1000x128xi32>
      %select_n3A_342 = arith.select %gt3A_339, %select_n3A_296, %select_n3A_337 : vector<1000x128xi1>, vector<1000x128xf32>
      %select_n3A_343 = arith.select %gt3A_339, %select_n3A_297, %select_n3A_338 : vector<1000x128xi1>, vector<1000x128xi32>
      %gt3A_344 = arith.cmpf ogt, %select_n3A_342, %select_n3A_301 : vector<1000x128xf32>
      %select_n3A_345 = arith.select %gt3A_344, %select_n3A_342, %select_n3A_301 : vector<1000x128xi1>, vector<1000x128xf32>
      %select_n3A_346 = arith.select %gt3A_344, %select_n3A_343, %select_n3A_302 : vector<1000x128xi1>, vector<1000x128xi32>
      %select_n3A_347 = arith.select %gt3A_344, %select_n3A_301, %select_n3A_342 : vector<1000x128xi1>, vector<1000x128xf32>
      %select_n3A_348 = arith.select %gt3A_344, %select_n3A_302, %select_n3A_343 : vector<1000x128xi1>, vector<1000x128xi32>
      %gt3A_349 = arith.cmpf ogt, %select_n3A_347, %select_n3A_306 : vector<1000x128xf32>
      %select_n3A_350 = arith.select %gt3A_349, %select_n3A_347, %select_n3A_306 : vector<1000x128xi1>, vector<1000x128xf32>
      %select_n3A_351 = arith.select %gt3A_349, %select_n3A_348, %select_n3A_307 : vector<1000x128xi1>, vector<1000x128xi32>
      %select_n3A_352 = arith.select %gt3A_349, %select_n3A_306, %select_n3A_347 : vector<1000x128xi1>, vector<1000x128xf32>
      %select_n3A_353 = arith.select %gt3A_349, %select_n3A_307, %select_n3A_348 : vector<1000x128xi1>, vector<1000x128xi32>
      %gt3A_354 = arith.cmpf ogt, %select_n3A_352, %select_n3A_311 : vector<1000x128xf32>
      %select_n3A_355 = arith.select %gt3A_354, %select_n3A_352, %select_n3A_311 : vector<1000x128xi1>, vector<1000x128xf32>
      %select_n3A_356 = arith.select %gt3A_354, %select_n3A_353, %select_n3A_312 : vector<1000x128xi1>, vector<1000x128xi32>
      %select_n3A_357 = arith.select %gt3A_354, %select_n3A_311, %select_n3A_352 : vector<1000x128xi1>, vector<1000x128xf32>
      %select_n3A_358 = arith.select %gt3A_354, %select_n3A_312, %select_n3A_353 : vector<1000x128xi1>, vector<1000x128xi32>
      %gt3A_359 = arith.cmpf ogt, %select_n3A_357, %select_n3A_316 : vector<1000x128xf32>
      %select_n3A_360 = arith.select %gt3A_359, %select_n3A_357, %select_n3A_316 : vector<1000x128xi1>, vector<1000x128xf32>
      %select_n3A_361 = arith.select %gt3A_359, %select_n3A_358, %select_n3A_317 : vector<1000x128xi1>, vector<1000x128xi32>
      %slice3A_362 = vector.extract_strided_slice %select_n3A {offsets = [0, 896], sizes = [1000, 128], strides = [1, 1]} : vector<1000x1024xf32> to vector<1000x128xf32>
      %add3A_363 = arith.constant 896 : i32
      %add3A_364 = arith.addi %mul3A_38, %add3A_363 : i32
      %iota3A_365 = tpu.iota {dimensions = array<i32: 1>} : vector<1000x128xi32>
      %add3A_366 = vector.broadcast %add3A_364 : i32 to vector<1000x128xi32>
      %add3A_367 = arith.addi %add3A_366, %iota3A_365 : vector<1000x128xi32>
      %gt3A_368 = arith.cmpf ogt, %slice3A_362, %select_n3A_325 : vector<1000x128xf32>
      %select_n3A_369 = arith.select %gt3A_368, %slice3A_362, %select_n3A_325 : vector<1000x128xi1>, vector<1000x128xf32>
      %select_n3A_370 = arith.select %gt3A_368, %add3A_367, %select_n3A_326 : vector<1000x128xi1>, vector<1000x128xi32>
      %select_n3A_371 = arith.select %gt3A_368, %select_n3A_325, %slice3A_362 : vector<1000x128xi1>, vector<1000x128xf32>
      %select_n3A_372 = arith.select %gt3A_368, %select_n3A_326, %add3A_367 : vector<1000x128xi1>, vector<1000x128xi32>
      %gt3A_373 = arith.cmpf ogt, %select_n3A_371, %select_n3A_330 : vector<1000x128xf32>
      %select_n3A_374 = arith.select %gt3A_373, %select_n3A_371, %select_n3A_330 : vector<1000x128xi1>, vector<1000x128xf32>
      %select_n3A_375 = arith.select %gt3A_373, %select_n3A_372, %select_n3A_331 : vector<1000x128xi1>, vector<1000x128xi32>
      %select_n3A_376 = arith.select %gt3A_373, %select_n3A_330, %select_n3A_371 : vector<1000x128xi1>, vector<1000x128xf32>
      %select_n3A_377 = arith.select %gt3A_373, %select_n3A_331, %select_n3A_372 : vector<1000x128xi1>, vector<1000x128xi32>
      %gt3A_378 = arith.cmpf ogt, %select_n3A_376, %select_n3A_335 : vector<1000x128xf32>
      %select_n3A_379 = arith.select %gt3A_378, %select_n3A_376, %select_n3A_335 : vector<1000x128xi1>, vector<1000x128xf32>
      %select_n3A_380 = arith.select %gt3A_378, %select_n3A_377, %select_n3A_336 : vector<1000x128xi1>, vector<1000x128xi32>
      %select_n3A_381 = arith.select %gt3A_378, %select_n3A_335, %select_n3A_376 : vector<1000x128xi1>, vector<1000x128xf32>
      %select_n3A_382 = arith.select %gt3A_378, %select_n3A_336, %select_n3A_377 : vector<1000x128xi1>, vector<1000x128xi32>
      %gt3A_383 = arith.cmpf ogt, %select_n3A_381, %select_n3A_340 : vector<1000x128xf32>
      %select_n3A_384 = arith.select %gt3A_383, %select_n3A_381, %select_n3A_340 : vector<1000x128xi1>, vector<1000x128xf32>
      %select_n3A_385 = arith.select %gt3A_383, %select_n3A_382, %select_n3A_341 : vector<1000x128xi1>, vector<1000x128xi32>
      %select_n3A_386 = arith.select %gt3A_383, %select_n3A_340, %select_n3A_381 : vector<1000x128xi1>, vector<1000x128xf32>
      %select_n3A_387 = arith.select %gt3A_383, %select_n3A_341, %select_n3A_382 : vector<1000x128xi1>, vector<1000x128xi32>
      %gt3A_388 = arith.cmpf ogt, %select_n3A_386, %select_n3A_345 : vector<1000x128xf32>
      %select_n3A_389 = arith.select %gt3A_388, %select_n3A_386, %select_n3A_345 : vector<1000x128xi1>, vector<1000x128xf32>
      %select_n3A_390 = arith.select %gt3A_388, %select_n3A_387, %select_n3A_346 : vector<1000x128xi1>, vector<1000x128xi32>
      %select_n3A_391 = arith.select %gt3A_388, %select_n3A_345, %select_n3A_386 : vector<1000x128xi1>, vector<1000x128xf32>
      %select_n3A_392 = arith.select %gt3A_388, %select_n3A_346, %select_n3A_387 : vector<1000x128xi1>, vector<1000x128xi32>
      %gt3A_393 = arith.cmpf ogt, %select_n3A_391, %select_n3A_350 : vector<1000x128xf32>
      %select_n3A_394 = arith.select %gt3A_393, %select_n3A_391, %select_n3A_350 : vector<1000x128xi1>, vector<1000x128xf32>
      %select_n3A_395 = arith.select %gt3A_393, %select_n3A_392, %select_n3A_351 : vector<1000x128xi1>, vector<1000x128xi32>
      %select_n3A_396 = arith.select %gt3A_393, %select_n3A_350, %select_n3A_391 : vector<1000x128xi1>, vector<1000x128xf32>
      %select_n3A_397 = arith.select %gt3A_393, %select_n3A_351, %select_n3A_392 : vector<1000x128xi1>, vector<1000x128xi32>
      %gt3A_398 = arith.cmpf ogt, %select_n3A_396, %select_n3A_355 : vector<1000x128xf32>
      %select_n3A_399 = arith.select %gt3A_398, %select_n3A_396, %select_n3A_355 : vector<1000x128xi1>, vector<1000x128xf32>
      %select_n3A_400 = arith.select %gt3A_398, %select_n3A_397, %select_n3A_356 : vector<1000x128xi1>, vector<1000x128xi32>
      %select_n3A_401 = arith.select %gt3A_398, %select_n3A_355, %select_n3A_396 : vector<1000x128xi1>, vector<1000x128xf32>
      %select_n3A_402 = arith.select %gt3A_398, %select_n3A_356, %select_n3A_397 : vector<1000x128xi1>, vector<1000x128xi32>
      %gt3A_403 = arith.cmpf ogt, %select_n3A_401, %select_n3A_360 : vector<1000x128xf32>
      %select_n3A_404 = arith.select %gt3A_403, %select_n3A_401, %select_n3A_360 : vector<1000x128xi1>, vector<1000x128xf32>
      %select_n3A_405 = arith.select %gt3A_403, %select_n3A_402, %select_n3A_361 : vector<1000x128xi1>, vector<1000x128xi32>
      scf.yield %select_n3A_369, %select_n3A_374, %select_n3A_379, %select_n3A_384, %select_n3A_389, %select_n3A_394, %select_n3A_399, %select_n3A_404, %select_n3A_370, %select_n3A_375, %select_n3A_380, %select_n3A_385, %select_n3A_390, %select_n3A_395, %select_n3A_400, %select_n3A_405 : vector<1000x128xf32>, vector<1000x128xf32>, vector<1000x128xf32>, vector<1000x128xf32>, vector<1000x128xf32>, vector<1000x128xf32>, vector<1000x128xf32>, vector<1000x128xf32>, vector<1000x128xi32>, vector<1000x128xi32>, vector<1000x128xi32>, vector<1000x128xi32>, vector<1000x128xi32>, vector<1000x128xi32>, vector<1000x128xi32>, vector<1000x128xi32>
    }
    %scan3A_9 = arith.constant 10 : i32
    %concatenate3A = tpu.concatenate %scan3A_8#0, %scan3A_8#1, %scan3A_8#2, %scan3A_8#3, %scan3A_8#4, %scan3A_8#5, %scan3A_8#6, %scan3A_8#7 in 1 : vector<1000x128xf32>, vector<1000x128xf32>, vector<1000x128xf32>, vector<1000x128xf32>, vector<1000x128xf32>, vector<1000x128xf32>, vector<1000x128xf32>, vector<1000x128xf32> -> vector<1000x1024xf32>
    %concatenate3A_10 = tpu.concatenate %scan3A_8#8, %scan3A_8#9, %scan3A_8#10, %scan3A_8#11, %scan3A_8#12, %scan3A_8#13, %scan3A_8#14, %scan3A_8#15 in 1 : vector<1000x128xi32>, vector<1000x128xi32>, vector<1000x128xi32>, vector<1000x128xi32>, vector<1000x128xi32>, vector<1000x128xi32>, vector<1000x128xi32>, vector<1000x128xi32> -> vector<1000x1024xi32>
    %iota3A = tpu.iota {dimensions = array<i32: 1>} : vector<1000x32xi32>
    %broadcast_in_dim3A_11 = arith.constant 0 : i32
    %broadcast_in_dim3A_12 = vector.broadcast %broadcast_in_dim3A_11 : i32 to vector<1000x32xi32>
    %scan3A_13 = arith.constant 0 : i32
    %scan3A_14 = arith.constant 32 : i32
    %scan3A_15 = arith.addi %scan3A_13, %scan3A_14 : i32
    %scan3A_16 = arith.constant 1 : i32
    %scan3A_17:2 = scf.for %scan3A_21 = %scan3A_13 to %scan3A_15 step %scan3A_16 iter_args(%scan3A_22 = %concatenate3A, %scan3A_23 = %broadcast_in_dim3A_12) -> (vector<1000x1024xf32>, vector<1000x32xi32>)  : i32 {
      %reduce_max3A = arith.constant dense<0xFF800000> : vector<1000xf32>
      %reduce_max3A_24 = vector.multi_reduction <maximumf>, %scan3A_22, %reduce_max3A [1] : vector<1000x1024xf32> to vector<1000xf32>
      %broadcast_in_dim3A_25 = vector.shape_cast %reduce_max3A_24 : vector<1000xf32> to vector<1000x1xf32>
      %eq3A = vector.broadcast %broadcast_in_dim3A_25 : vector<1000x1xf32> to vector<1000x1024xf32>
      %eq3A_26 = arith.cmpf oeq, %scan3A_22, %eq3A : vector<1000x1024xf32>
      %jit3A = arith.constant 1073741824 : i32
      %broadcast_in_dim3A_27 = vector.broadcast %jit3A : i32 to vector<1000x1024xi32>
      %select_n3A = arith.select %eq3A_26, %concatenate3A_10, %broadcast_in_dim3A_27 : vector<1000x1024xi1>, vector<1000x1024xi32>
      %reduce_min3A = arith.constant dense<2147483647> : vector<1000xi32>
      %reduce_min3A_28 = vector.multi_reduction <minsi>, %select_n3A, %reduce_min3A [1] : vector<1000x1024xi32> to vector<1000xi32>
      %broadcast_in_dim3A_29 = vector.shape_cast %reduce_min3A_28 : vector<1000xi32> to vector<1000x1xi32>
      %eq3A_30 = vector.broadcast %broadcast_in_dim3A_29 : vector<1000x1xi32> to vector<1000x1024xi32>
      %eq3A_31 = arith.cmpi eq, %concatenate3A_10, %eq3A_30 : vector<1000x1024xi32>
      %jit3A_32 = arith.constant -3.000000e+00 : f32
      %broadcast_in_dim3A_33 = vector.broadcast %jit3A_32 : f32 to vector<1000x1024xf32>
      %select_n3A_34 = arith.select %eq3A_31, %broadcast_in_dim3A_33, %scan3A_22 : vector<1000x1024xi1>, vector<1000x1024xf32>
      %eq3A_35 = vector.broadcast %scan3A_21 : i32 to vector<1000x32xi32>
      %eq3A_36 = arith.cmpi eq, %iota3A, %eq3A_35 : vector<1000x32xi32>
      %broadcast_in_dim3A_37 = vector.shape_cast %broadcast_in_dim3A_29 : vector<1000x1xi32> to vector<1000x1xi32>
      %broadcast_in_dim3A_38 = vector.broadcast %broadcast_in_dim3A_37 : vector<1000x1xi32> to vector<1000x32xi32>
      %select_n3A_39 = arith.select %eq3A_36, %broadcast_in_dim3A_38, %scan3A_23 : vector<1000x32xi1>, vector<1000x32xi32>
      scf.yield %select_n3A_34, %select_n3A_39 : vector<1000x1024xf32>, vector<1000x32xi32>
    }
    %scan3A_18 = arith.constant 32 : i32
    %swap3A = arith.constant 0 : index
    %swap3A_19 = arith.constant 0 : index
    %swap3A_20 = vector.load %arg3[%swap3A, %swap3A_19] : memref<1000x32xi32, #tpu.memory_space<vmem>>, vector<1000x32xi32>
    tpu.vector_store %arg3[%swap3A, %swap3A_19], %scan3A_17#1 {strides = array<i32>} : memref<1000x32xi32, #tpu.memory_space<vmem>>, vector<1000x32xi32>,
    return
  }
  func.func @transform_0(%arg0: i32) -> (i32, i32) {
    %c0_i32 = arith.constant 0 : i32
    %c0_i32_0 = arith.constant 0 : i32
    %c0_i32_1 = arith.constant 0 : i32
    return %c0_i32, %c0_i32_0 : i32, i32
  }
  func.func @transform_1(%arg0: i32) -> (i32, i32) {
    %c0_i32 = arith.constant 0 : i32
    %c0_i32_0 = arith.constant 0 : i32
    return %arg0, %c0_i32 : i32, i32
  }
  func.func @transform_2(%arg0: i32) -> (i32, i32) {
    %c0_i32 = arith.constant 0 : i32
    %c0_i32_0 = arith.constant 0 : i32
    return %arg0, %c0_i32 : i32, i32
  }
}

module attributes {stable_mosaic.version = 14 : i64} {
  func.func @_stats_kernel(%arg0: i32, %arg1: memref<1000x256xf32, #tpu.memory_space<vmem>>, %arg2: memref<8x256xf32, #tpu.memory_space<vmem>>, %arg3: memref<8x256xf32, #tpu.memory_space<vmem>>) attributes {dimension_semantics = [#tpu.dimension_semantics<arbitrary>], iteration_bounds = array<i64: 20>, scalar_prefetch = 0 : i64, scratch_operands = 0 : i64, tpu.core_type = #tpu.core_type<tc>, window_params = [{transform_indices = @transform_0, window_bounds = array<i64: 1000, 256>}, {transform_indices = @transform_1, window_bounds = array<i64: 8, 256>}, {transform_indices = @transform_2, window_bounds = array<i64: 8, 256>}]} {
    %get3A = arith.constant 0 : index
    %get3A_0 = arith.constant 0 : index
    %get3A_1 = vector.load %arg1[%get3A, %get3A_0] : memref<1000x256xf32, #tpu.memory_space<vmem>>, vector<1000x256xf32>
    %broadcast_in_dim3A = arith.constant 0.000000e+00 : f32
    %broadcast_in_dim3A_2 = vector.broadcast %broadcast_in_dim3A : f32 to vector<7x256xf32>
    %reduce_sum3A = arith.constant dense<0.000000e+00> : vector<256xf32>
    %reduce_sum3A_3 = vector.multi_reduction <add>, %get3A_1, %reduce_sum3A [0] : vector<1000x256xf32> to vector<256xf32>
    %broadcast_in_dim3A_4 = vector.shape_cast %reduce_sum3A_3 : vector<256xf32> to vector<1x256xf32>
    %concatenate3A = tpu.concatenate %broadcast_in_dim3A_4, %broadcast_in_dim3A_2 in 0 : vector<1x256xf32>, vector<7x256xf32> -> vector<8x256xf32>
    %mul3A = arith.mulf %get3A_1, %get3A_1 : vector<1000x256xf32>
    %reduce_sum3A_5 = arith.constant dense<0.000000e+00> : vector<256xf32>
    %reduce_sum3A_6 = vector.multi_reduction <add>, %mul3A, %reduce_sum3A_5 [0] : vector<1000x256xf32> to vector<256xf32>
    %broadcast_in_dim3A_7 = vector.shape_cast %reduce_sum3A_6 : vector<256xf32> to vector<1x256xf32>
    %concatenate3A_8 = tpu.concatenate %broadcast_in_dim3A_7, %broadcast_in_dim3A_2 in 0 : vector<1x256xf32>, vector<7x256xf32> -> vector<8x256xf32>
    %jit3A = arith.constant 10 : i32
    %eq3A = arith.constant 0 : i32
    %eq3A_9 = arith.cmpi eq, %jit3A, %eq3A : i32
    %jit3A_10 = arith.constant 1 : i32
    %select_n3A = arith.select %eq3A_9, %jit3A_10, %jit3A : i32
    %rem3A = arith.remsi %arg0, %select_n3A : i32
    %ne3A = arith.constant 0 : i32
    %ne3A_11 = arith.cmpi ne, %rem3A, %ne3A : i32
    %lt3A = arith.constant 0 : i32
    %lt3A_12 = arith.cmpi slt, %rem3A, %lt3A : i32
    %lt3A_13 = arith.constant 0 : i32
    %lt3A_14 = arith.cmpi slt, %select_n3A, %lt3A_13 : i32
    %ne3A_15 = arith.xori %lt3A_12, %lt3A_14 : i1
    %and3A = arith.andi %ne3A_15, %ne3A_11 : i1
    %add3A = arith.addi %rem3A, %select_n3A : i32
    %select_n3A_16 = arith.select %and3A, %add3A, %rem3A : i32
    %eq3A_17 = arith.constant 0 : i32
    %eq3A_18 = arith.cmpi eq, %select_n3A_16, %eq3A_17 : i32
    %convert_element_type3A = arith.extui %eq3A_18 : i1 to i32
    %cond3A = arith.constant 0 : i32
    %cond3A_19 = arith.cmpi ne, %convert_element_type3A, %cond3A : i32
    scf.if %cond3A_19 {
      %swap3A = arith.constant 0 : index
      %swap3A_24 = arith.constant 0 : index
      %swap3A_25 = vector.load %arg2[%swap3A, %swap3A_24] : memref<8x256xf32, #tpu.memory_space<vmem>>, vector<8x256xf32>
      tpu.vector_store %arg2[%swap3A, %swap3A_24], %concatenate3A {strides = array<i32>} : memref<8x256xf32, #tpu.memory_space<vmem>>, vector<8x256xf32>,
      %swap3A_26 = arith.constant 0 : index
      %swap3A_27 = arith.constant 0 : index
      %swap3A_28 = vector.load %arg3[%swap3A_26, %swap3A_27] : memref<8x256xf32, #tpu.memory_space<vmem>>, vector<8x256xf32>
      tpu.vector_store %arg3[%swap3A_26, %swap3A_27], %concatenate3A_8 {strides = array<i32>} : memref<8x256xf32, #tpu.memory_space<vmem>>, vector<8x256xf32>,
    } else {
    }
    %not3A = arith.constant true
    %not3A_20 = arith.xori %eq3A_18, %not3A : i1
    %convert_element_type3A_21 = arith.extui %not3A_20 : i1 to i32
    %cond3A_22 = arith.constant 0 : i32
    %cond3A_23 = arith.cmpi ne, %convert_element_type3A_21, %cond3A_22 : i32
    scf.if %cond3A_23 {
      %get3A_24 = arith.constant 0 : index
      %get3A_25 = arith.constant 0 : index
      %get3A_26 = vector.load %arg2[%get3A_24, %get3A_25] : memref<8x256xf32, #tpu.memory_space<vmem>>, vector<8x256xf32>
      %add3A_27 = arith.addf %get3A_26, %concatenate3A : vector<8x256xf32>
      %swap3A = arith.constant 0 : index
      %swap3A_28 = arith.constant 0 : index
      %swap3A_29 = vector.load %arg2[%swap3A, %swap3A_28] : memref<8x256xf32, #tpu.memory_space<vmem>>, vector<8x256xf32>
      tpu.vector_store %arg2[%swap3A, %swap3A_28], %add3A_27 {strides = array<i32>} : memref<8x256xf32, #tpu.memory_space<vmem>>, vector<8x256xf32>,
      %get3A_30 = arith.constant 0 : index
      %get3A_31 = arith.constant 0 : index
      %get3A_32 = vector.load %arg3[%get3A_30, %get3A_31] : memref<8x256xf32, #tpu.memory_space<vmem>>, vector<8x256xf32>
      %add3A_33 = arith.addf %get3A_32, %concatenate3A_8 : vector<8x256xf32>
      %swap3A_34 = arith.constant 0 : index
      %swap3A_35 = arith.constant 0 : index
      %swap3A_36 = vector.load %arg3[%swap3A_34, %swap3A_35] : memref<8x256xf32, #tpu.memory_space<vmem>>, vector<8x256xf32>
      tpu.vector_store %arg3[%swap3A_34, %swap3A_35], %add3A_33 {strides = array<i32>} : memref<8x256xf32, #tpu.memory_space<vmem>>, vector<8x256xf32>,
    } else {
    }
    return
  }
  func.func @transform_0(%arg0: i32) -> (i32, i32) {
    %c0_i32 = arith.constant 0 : i32
    %c0_i32_0 = arith.constant 0 : i32
    return %arg0, %c0_i32 : i32, i32
  }
  func.func @transform_1(%arg0: i32) -> (i32, i32) {
    %mul3A = arith.constant 1000 : i32
    %mul3A_0 = arith.muli %arg0, %mul3A : i32
    %jit3A = arith.constant 10000 : i32
    %div3A = arith.divsi %mul3A_0, %jit3A : i32
    %sign3A = arith.constant 0 : i32
    %sign3A_1 = arith.cmpi sgt, %mul3A_0, %sign3A : i32
    %sign3A_2 = arith.extui %sign3A_1 : i1 to i32
    %sign3A_3 = arith.constant 0 : i32
    %sign3A_4 = arith.cmpi slt, %mul3A_0, %sign3A_3 : i32
    %sign3A_5 = arith.extui %sign3A_4 : i1 to i32
    %sign3A_6 = arith.subi %sign3A_2, %sign3A_5 : i32
    %sign3A_7 = arith.constant 0 : i32
    %sign3A_8 = arith.cmpi sgt, %jit3A, %sign3A_7 : i32
    %sign3A_9 = arith.extui %sign3A_8 : i1 to i32
    %sign3A_10 = arith.constant 0 : i32
    %sign3A_11 = arith.cmpi slt, %jit3A, %sign3A_10 : i32
    %sign3A_12 = arith.extui %sign3A_11 : i1 to i32
    %sign3A_13 = arith.subi %sign3A_9, %sign3A_12 : i32
    %ne3A = arith.cmpi ne, %sign3A_6, %sign3A_13 : i32
    %rem3A = arith.remsi %mul3A_0, %jit3A : i32
    %ne3A_14 = arith.constant 0 : i32
    %ne3A_15 = arith.cmpi ne, %rem3A, %ne3A_14 : i32
    %and3A = arith.andi %ne3A, %ne3A_15 : i1
    %sub3A = arith.constant 1 : i32
    %sub3A_16 = arith.subi %div3A, %sub3A : i32
    %select_n3A = arith.select %and3A, %sub3A_16, %div3A : i32
    %c0_i32 = arith.constant 0 : i32
    %c0_i32_17 = arith.constant 0 : i32
    return %select_n3A, %c0_i32 : i32, i32
  }
  func.func @transform_2(%arg0: i32) -> (i32, i32) {
    %mul3A = arith.constant 1000 : i32
    %mul3A_0 = arith.muli %arg0, %mul3A : i32
    %jit3A = arith.constant 10000 : i32
    %div3A = arith.divsi %mul3A_0, %jit3A : i32
    %sign3A = arith.constant 0 : i32
    %sign3A_1 = arith.cmpi sgt, %mul3A_0, %sign3A : i32
    %sign3A_2 = arith.extui %sign3A_1 : i1 to i32
    %sign3A_3 = arith.constant 0 : i32
    %sign3A_4 = arith.cmpi slt, %mul3A_0, %sign3A_3 : i32
    %sign3A_5 = arith.extui %sign3A_4 : i1 to i32
    %sign3A_6 = arith.subi %sign3A_2, %sign3A_5 : i32
    %sign3A_7 = arith.constant 0 : i32
    %sign3A_8 = arith.cmpi sgt, %jit3A, %sign3A_7 : i32
    %sign3A_9 = arith.extui %sign3A_8 : i1 to i32
    %sign3A_10 = arith.constant 0 : i32
    %sign3A_11 = arith.cmpi slt, %jit3A, %sign3A_10 : i32
    %sign3A_12 = arith.extui %sign3A_11 : i1 to i32
    %sign3A_13 = arith.subi %sign3A_9, %sign3A_12 : i32
    %ne3A = arith.cmpi ne, %sign3A_6, %sign3A_13 : i32
    %rem3A = arith.remsi %mul3A_0, %jit3A : i32
    %ne3A_14 = arith.constant 0 : i32
    %ne3A_15 = arith.cmpi ne, %rem3A, %ne3A_14 : i32
    %and3A = arith.andi %ne3A, %ne3A_15 : i1
    %sub3A = arith.constant 1 : i32
    %sub3A_16 = arith.subi %div3A, %sub3A : i32
    %select_n3A = arith.select %and3A, %sub3A_16, %div3A : i32
    %c0_i32 = arith.constant 0 : i32
    %c0_i32_17 = arith.constant 0 : i32
    return %select_n3A, %c0_i32 : i32, i32
  }
}

module attributes {stable_mosaic.version = 14 : i64} {
  func.func @_finish_kernel(%arg0: i32, %arg1: memref<400x256xf32, #tpu.memory_space<vmem>>, %arg2: memref<400x256xf32, #tpu.memory_space<vmem>>, %arg3: memref<2x64xf32, #tpu.memory_space<vmem>>, %arg4: memref<2x64xf32, #tpu.memory_space<vmem>>, %arg5: memref<4x400x128xf32, #tpu.memory_space<vmem>>) attributes {dimension_semantics = [#tpu.dimension_semantics<arbitrary>], iteration_bounds = array<i64: 25>, scalar_prefetch = 0 : i64, scratch_operands = 0 : i64, tpu.core_type = #tpu.core_type<tc>, window_params = [{transform_indices = @transform_0, window_bounds = array<i64: 400, 256>}, {transform_indices = @transform_1, window_bounds = array<i64: 400, 256>}, {pipeline_mode = #tpu.pipeline_mode<synchronous>, transform_indices = @transform_2, window_bounds = array<i64: 2, 64>}, {pipeline_mode = #tpu.pipeline_mode<synchronous>, transform_indices = @transform_3, window_bounds = array<i64: 2, 64>}, {transform_indices = @transform_4, window_bounds = array<i64: 4, 400, 128>}]} {
    %get3A = arith.constant 0 : index
    %get3A_0 = arith.constant 0 : index
    %get3A_1 = vector.load %arg3[%get3A, %get3A_0] : memref<2x64xf32, #tpu.memory_space<vmem>>, vector<1x64xf32>
    %get3A_2 = arith.constant 1 : index
    %get3A_3 = arith.constant 0 : index
    %get3A_4 = vector.load %arg3[%get3A_2, %get3A_3] : memref<2x64xf32, #tpu.memory_space<vmem>>, vector<1x64xf32>
    %get3A_5 = arith.constant 0 : index
    %get3A_6 = arith.constant 0 : index
    %get3A_7 = vector.load %arg4[%get3A_5, %get3A_6] : memref<2x64xf32, #tpu.memory_space<vmem>>, vector<1x64xf32>
    %get3A_8 = arith.constant 1 : index
    %get3A_9 = arith.constant 0 : index
    %get3A_10 = vector.load %arg4[%get3A_8, %get3A_9] : memref<2x64xf32, #tpu.memory_space<vmem>>, vector<1x64xf32>
    %get3A_11 = arith.constant 0 : index
    %get3A_12 = arith.constant 0 : index
    %get3A_13 = vector.load %arg1[%get3A_11, %get3A_12] : memref<400x256xf32, #tpu.memory_space<vmem>>, vector<400x64xf32>
    %mul3A = vector.broadcast %get3A_1 : vector<1x64xf32> to vector<400x64xf32>
    %mul3A_14 = arith.mulf %get3A_13, %mul3A : vector<400x64xf32>
    %add3A = vector.broadcast %get3A_7 : vector<1x64xf32> to vector<400x64xf32>
    %add3A_15 = arith.addf %mul3A_14, %add3A : vector<400x64xf32>
    %get3A_16 = arith.constant 0 : index
    %get3A_17 = arith.constant 0 : index
    %get3A_18 = vector.load %arg2[%get3A_16, %get3A_17] : memref<400x256xf32, #tpu.memory_space<vmem>>, vector<400x64xf32>
    %mul3A_19 = vector.broadcast %get3A_4 : vector<1x64xf32> to vector<400x64xf32>
    %mul3A_20 = arith.mulf %get3A_18, %mul3A_19 : vector<400x64xf32>
    %add3A_21 = vector.broadcast %get3A_10 : vector<1x64xf32> to vector<400x64xf32>
    %add3A_22 = arith.addf %mul3A_20, %add3A_21 : vector<400x64xf32>
    %max3A = arith.constant 0.000000e+00 : f32
    %max3A_23 = vector.broadcast %max3A : f32 to vector<400x64xf32>
    %max3A_24 = arith.maximumf %add3A_15, %max3A_23 : vector<400x64xf32>
    %max3A_25 = arith.constant 0.000000e+00 : f32
    %max3A_26 = vector.broadcast %max3A_25 : f32 to vector<400x64xf32>
    %max3A_27 = arith.maximumf %add3A_22, %max3A_26 : vector<400x64xf32>
    %concatenate3A = tpu.concatenate %max3A_24, %max3A_27 in 1 : vector<400x64xf32>, vector<400x64xf32> -> vector<400x128xf32>
    %gt3A = arith.constant 0.000000e+00 : f32
    %gt3A_28 = vector.broadcast %gt3A : f32 to vector<400x128xf32>
    %gt3A_29 = arith.cmpf ogt, %concatenate3A, %gt3A_28 : vector<400x128xf32>
    %mul3A_30 = arith.constant 0.00999999977 : f32
    %mul3A_31 = vector.broadcast %mul3A_30 : f32 to vector<400x128xf32>
    %mul3A_32 = arith.mulf %mul3A_31, %concatenate3A : vector<400x128xf32>
    %select_n3A = arith.select %gt3A_29, %concatenate3A, %mul3A_32 : vector<400x128xi1>, vector<400x128xf32>
    %swap3A = arith.constant 0 : index
    %swap3A_33 = arith.constant 0 : index
    %swap3A_34 = arith.constant 0 : index
    %swap3A_35 = vector.load %arg5[%swap3A, %swap3A_33, %swap3A_34] : memref<4x400x128xf32, #tpu.memory_space<vmem>>, vector<1x400x128xf32>
    %swap3A_36 = vector.shape_cast %swap3A_35 : vector<1x400x128xf32> to vector<400x128xf32>
    %swap3A_37 = vector.shape_cast %select_n3A : vector<400x128xf32> to vector<1x400x128xf32>
    tpu.vector_store %arg5[%swap3A, %swap3A_33, %swap3A_34], %swap3A_37 {strides = array<i32>} : memref<4x400x128xf32, #tpu.memory_space<vmem>>, vector<1x400x128xf32>,
    %get3A_38 = arith.constant 0 : index
    %get3A_39 = arith.constant 64 : index
    %get3A_40 = vector.load %arg1[%get3A_38, %get3A_39] : memref<400x256xf32, #tpu.memory_space<vmem>>, vector<400x64xf32>
    %mul3A_41 = vector.broadcast %get3A_1 : vector<1x64xf32> to vector<400x64xf32>
    %mul3A_42 = arith.mulf %get3A_40, %mul3A_41 : vector<400x64xf32>
    %add3A_43 = vector.broadcast %get3A_7 : vector<1x64xf32> to vector<400x64xf32>
    %add3A_44 = arith.addf %mul3A_42, %add3A_43 : vector<400x64xf32>
    %get3A_45 = arith.constant 0 : index
    %get3A_46 = arith.constant 64 : index
    %get3A_47 = vector.load %arg2[%get3A_45, %get3A_46] : memref<400x256xf32, #tpu.memory_space<vmem>>, vector<400x64xf32>
    %mul3A_48 = vector.broadcast %get3A_4 : vector<1x64xf32> to vector<400x64xf32>
    %mul3A_49 = arith.mulf %get3A_47, %mul3A_48 : vector<400x64xf32>
    %add3A_50 = vector.broadcast %get3A_10 : vector<1x64xf32> to vector<400x64xf32>
    %add3A_51 = arith.addf %mul3A_49, %add3A_50 : vector<400x64xf32>
    %max3A_52 = arith.constant 0.000000e+00 : f32
    %max3A_53 = vector.broadcast %max3A_52 : f32 to vector<400x64xf32>
    %max3A_54 = arith.maximumf %add3A_44, %max3A_53 : vector<400x64xf32>
    %max3A_55 = arith.constant 0.000000e+00 : f32
    %max3A_56 = vector.broadcast %max3A_55 : f32 to vector<400x64xf32>
    %max3A_57 = arith.maximumf %add3A_51, %max3A_56 : vector<400x64xf32>
    %concatenate3A_58 = tpu.concatenate %max3A_54, %max3A_57 in 1 : vector<400x64xf32>, vector<400x64xf32> -> vector<400x128xf32>
    %gt3A_59 = arith.constant 0.000000e+00 : f32
    %gt3A_60 = vector.broadcast %gt3A_59 : f32 to vector<400x128xf32>
    %gt3A_61 = arith.cmpf ogt, %concatenate3A_58, %gt3A_60 : vector<400x128xf32>
    %mul3A_62 = arith.constant 0.00999999977 : f32
    %mul3A_63 = vector.broadcast %mul3A_62 : f32 to vector<400x128xf32>
    %mul3A_64 = arith.mulf %mul3A_63, %concatenate3A_58 : vector<400x128xf32>
    %select_n3A_65 = arith.select %gt3A_61, %concatenate3A_58, %mul3A_64 : vector<400x128xi1>, vector<400x128xf32>
    %swap3A_66 = arith.constant 1 : index
    %swap3A_67 = arith.constant 0 : index
    %swap3A_68 = arith.constant 0 : index
    %swap3A_69 = vector.load %arg5[%swap3A_66, %swap3A_67, %swap3A_68] : memref<4x400x128xf32, #tpu.memory_space<vmem>>, vector<1x400x128xf32>
    %swap3A_70 = vector.shape_cast %swap3A_69 : vector<1x400x128xf32> to vector<400x128xf32>
    %swap3A_71 = vector.shape_cast %select_n3A_65 : vector<400x128xf32> to vector<1x400x128xf32>
    tpu.vector_store %arg5[%swap3A_66, %swap3A_67, %swap3A_68], %swap3A_71 {strides = array<i32>} : memref<4x400x128xf32, #tpu.memory_space<vmem>>, vector<1x400x128xf32>,
    %get3A_72 = arith.constant 0 : index
    %get3A_73 = arith.constant 128 : index
    %get3A_74 = vector.load %arg1[%get3A_72, %get3A_73] : memref<400x256xf32, #tpu.memory_space<vmem>>, vector<400x64xf32>
    %mul3A_75 = vector.broadcast %get3A_1 : vector<1x64xf32> to vector<400x64xf32>
    %mul3A_76 = arith.mulf %get3A_74, %mul3A_75 : vector<400x64xf32>
    %add3A_77 = vector.broadcast %get3A_7 : vector<1x64xf32> to vector<400x64xf32>
    %add3A_78 = arith.addf %mul3A_76, %add3A_77 : vector<400x64xf32>
    %get3A_79 = arith.constant 0 : index
    %get3A_80 = arith.constant 128 : index
    %get3A_81 = vector.load %arg2[%get3A_79, %get3A_80] : memref<400x256xf32, #tpu.memory_space<vmem>>, vector<400x64xf32>
    %mul3A_82 = vector.broadcast %get3A_4 : vector<1x64xf32> to vector<400x64xf32>
    %mul3A_83 = arith.mulf %get3A_81, %mul3A_82 : vector<400x64xf32>
    %add3A_84 = vector.broadcast %get3A_10 : vector<1x64xf32> to vector<400x64xf32>
    %add3A_85 = arith.addf %mul3A_83, %add3A_84 : vector<400x64xf32>
    %max3A_86 = arith.constant 0.000000e+00 : f32
    %max3A_87 = vector.broadcast %max3A_86 : f32 to vector<400x64xf32>
    %max3A_88 = arith.maximumf %add3A_78, %max3A_87 : vector<400x64xf32>
    %max3A_89 = arith.constant 0.000000e+00 : f32
    %max3A_90 = vector.broadcast %max3A_89 : f32 to vector<400x64xf32>
    %max3A_91 = arith.maximumf %add3A_85, %max3A_90 : vector<400x64xf32>
    %concatenate3A_92 = tpu.concatenate %max3A_88, %max3A_91 in 1 : vector<400x64xf32>, vector<400x64xf32> -> vector<400x128xf32>
    %gt3A_93 = arith.constant 0.000000e+00 : f32
    %gt3A_94 = vector.broadcast %gt3A_93 : f32 to vector<400x128xf32>
    %gt3A_95 = arith.cmpf ogt, %concatenate3A_92, %gt3A_94 : vector<400x128xf32>
    %mul3A_96 = arith.constant 0.00999999977 : f32
    %mul3A_97 = vector.broadcast %mul3A_96 : f32 to vector<400x128xf32>
    %mul3A_98 = arith.mulf %mul3A_97, %concatenate3A_92 : vector<400x128xf32>
    %select_n3A_99 = arith.select %gt3A_95, %concatenate3A_92, %mul3A_98 : vector<400x128xi1>, vector<400x128xf32>
    %swap3A_100 = arith.constant 2 : index
    %swap3A_101 = arith.constant 0 : index
    %swap3A_102 = arith.constant 0 : index
    %swap3A_103 = vector.load %arg5[%swap3A_100, %swap3A_101, %swap3A_102] : memref<4x400x128xf32, #tpu.memory_space<vmem>>, vector<1x400x128xf32>
    %swap3A_104 = vector.shape_cast %swap3A_103 : vector<1x400x128xf32> to vector<400x128xf32>
    %swap3A_105 = vector.shape_cast %select_n3A_99 : vector<400x128xf32> to vector<1x400x128xf32>
    tpu.vector_store %arg5[%swap3A_100, %swap3A_101, %swap3A_102], %swap3A_105 {strides = array<i32>} : memref<4x400x128xf32, #tpu.memory_space<vmem>>, vector<1x400x128xf32>,
    %get3A_106 = arith.constant 0 : index
    %get3A_107 = arith.constant 192 : index
    %get3A_108 = vector.load %arg1[%get3A_106, %get3A_107] : memref<400x256xf32, #tpu.memory_space<vmem>>, vector<400x64xf32>
    %mul3A_109 = vector.broadcast %get3A_1 : vector<1x64xf32> to vector<400x64xf32>
    %mul3A_110 = arith.mulf %get3A_108, %mul3A_109 : vector<400x64xf32>
    %add3A_111 = vector.broadcast %get3A_7 : vector<1x64xf32> to vector<400x64xf32>
    %add3A_112 = arith.addf %mul3A_110, %add3A_111 : vector<400x64xf32>
    %get3A_113 = arith.constant 0 : index
    %get3A_114 = arith.constant 192 : index
    %get3A_115 = vector.load %arg2[%get3A_113, %get3A_114] : memref<400x256xf32, #tpu.memory_space<vmem>>, vector<400x64xf32>
    %mul3A_116 = vector.broadcast %get3A_4 : vector<1x64xf32> to vector<400x64xf32>
    %mul3A_117 = arith.mulf %get3A_115, %mul3A_116 : vector<400x64xf32>
    %add3A_118 = vector.broadcast %get3A_10 : vector<1x64xf32> to vector<400x64xf32>
    %add3A_119 = arith.addf %mul3A_117, %add3A_118 : vector<400x64xf32>
    %max3A_120 = arith.constant 0.000000e+00 : f32
    %max3A_121 = vector.broadcast %max3A_120 : f32 to vector<400x64xf32>
    %max3A_122 = arith.maximumf %add3A_112, %max3A_121 : vector<400x64xf32>
    %max3A_123 = arith.constant 0.000000e+00 : f32
    %max3A_124 = vector.broadcast %max3A_123 : f32 to vector<400x64xf32>
    %max3A_125 = arith.maximumf %add3A_119, %max3A_124 : vector<400x64xf32>
    %concatenate3A_126 = tpu.concatenate %max3A_122, %max3A_125 in 1 : vector<400x64xf32>, vector<400x64xf32> -> vector<400x128xf32>
    %gt3A_127 = arith.constant 0.000000e+00 : f32
    %gt3A_128 = vector.broadcast %gt3A_127 : f32 to vector<400x128xf32>
    %gt3A_129 = arith.cmpf ogt, %concatenate3A_126, %gt3A_128 : vector<400x128xf32>
    %mul3A_130 = arith.constant 0.00999999977 : f32
    %mul3A_131 = vector.broadcast %mul3A_130 : f32 to vector<400x128xf32>
    %mul3A_132 = arith.mulf %mul3A_131, %concatenate3A_126 : vector<400x128xf32>
    %select_n3A_133 = arith.select %gt3A_129, %concatenate3A_126, %mul3A_132 : vector<400x128xi1>, vector<400x128xf32>
    %swap3A_134 = arith.constant 3 : index
    %swap3A_135 = arith.constant 0 : index
    %swap3A_136 = arith.constant 0 : index
    %swap3A_137 = vector.load %arg5[%swap3A_134, %swap3A_135, %swap3A_136] : memref<4x400x128xf32, #tpu.memory_space<vmem>>, vector<1x400x128xf32>
    %swap3A_138 = vector.shape_cast %swap3A_137 : vector<1x400x128xf32> to vector<400x128xf32>
    %swap3A_139 = vector.shape_cast %select_n3A_133 : vector<400x128xf32> to vector<1x400x128xf32>
    tpu.vector_store %arg5[%swap3A_134, %swap3A_135, %swap3A_136], %swap3A_139 {strides = array<i32>} : memref<4x400x128xf32, #tpu.memory_space<vmem>>, vector<1x400x128xf32>,
    return
  }
  func.func @transform_0(%arg0: i32) -> (i32, i32) {
    %c0_i32 = arith.constant 0 : i32
    %c0_i32_0 = arith.constant 0 : i32
    return %arg0, %c0_i32 : i32, i32
  }
  func.func @transform_1(%arg0: i32) -> (i32, i32) {
    %add3A = arith.constant 25 : i32
    %add3A_0 = arith.addi %arg0, %add3A : i32
    %c0_i32 = arith.constant 0 : i32
    %c0_i32_1 = arith.constant 0 : i32
    return %add3A_0, %c0_i32 : i32, i32
  }
  func.func @transform_2(%arg0: i32) -> (i32, i32) {
    %c0_i32 = arith.constant 0 : i32
    %c0_i32_0 = arith.constant 0 : i32
    %c0_i32_1 = arith.constant 0 : i32
    return %c0_i32, %c0_i32_0 : i32, i32
  }
  func.func @transform_3(%arg0: i32) -> (i32, i32) {
    %c0_i32 = arith.constant 0 : i32
    %c0_i32_0 = arith.constant 0 : i32
    %c0_i32_1 = arith.constant 0 : i32
    return %c0_i32, %c0_i32_0 : i32, i32
  }
  func.func @transform_4(%arg0: i32) -> (i32, i32, i32) {
    %c0_i32 = arith.constant 0 : i32
    %c0_i32_0 = arith.constant 0 : i32
    %c0_i32_1 = arith.constant 0 : i32
    return %c0_i32, %arg0, %c0_i32_0 : i32, i32, i32
  }
}

</mosaic_0001>

<sc_bundles>
// kernel: kernel.12.cloned.1.call-start
scs
__scs_entry_jumppad:
0x0: {  	(pc) =	sbr.rel $0x88, $3  }
0x1: {  	(tag) =	ssettag $0x0;
	lr =	simm.s32 $0x1  }
0x2: {  	[smem:$0x3F94] =	sst lr;
	_ =	strace $0xD0000000  }
0x3: {  	_ = 	snop  }
0x4: {  	_ = 	snop  }
0x5: {  	_ = 	snop  }
0x6: {  	_ = 	snop  }
0x7: {  	_ = 	snop  }
__scs_overlays_trampoline_lowered:
0x8: {  	[smem:$0x3FA3] =	sst s0  }
0x9: {  	[smem:$0x3FA4] =	sst s1  }
0xa: {  	[smem:$0x3FA5] =	sst s2  }
0xb: {  	[smem:$0x3FA6] =	sst s3  }
0xc: {  	[smem:$0x3FA7] =	sst s4  }
0xd: {  	[smem:$0x3FA8] =	sst s5  }
0xe: {  	[smem:$0x3FA9] =	sst s6  }
0xf: {  	[smem:$0x3FAA] =	sst s7  }
0x10: {  	[smem:$0x3FAB] =	sst s8  }
0x11: {  	[smem:$0x3FAC] =	sst s9;
	s0 =	simm.s32 @!p0 $0x0  }
0x12: {  	s1 =	sld [smem:$0x3F92];
	s0 =	simm.s32 @p0 $0x1  }
0x13: {  	[smem:$0x3FAD] =	sst s0;
	s0 =	simm.s32 @!p1 $0x0  }
0x14: {  	s2 =	sld [smem:$0x3F91];
	s0 =	simm.s32 @p1 $0x1  }
0x15: {  	[smem:$0x3FAE] =	sst s0;
	s0 =	simm.s32 @!p2 $0x0  }
0x16: {  	s3 =	sld [smem:$0x3FDB];
	s0 =	simm.s32 @p2 $0x1  }
0x17: {  	s4 =	simm.s32 $0x1BF5;
	[smem:$0x3FB0] =	sst s0  }
0x18: {  	s0 =	sld [smem:$0x3F93];
	_ =	swait.ge [sflag:s4], $0x0  }
0x19: {  	s7 =	sld [smem:$0x3F94]  }
0x1a: {  	s8 =	sadd.s32 $0xFFFFE003, lr  }
0x1b: {  	s9 =	sadd.s32 $0xFFFFFEF7, lr;
	s5 =	simm.s32 $0xFFFFFFFF;
	p2 =	slt.u32 s8, $0xFFFFF086  }
0x1c: {  	p1 =	slt.u32 s9, $0xF7A;
	s5 =	simm.s32 @!p2 $0x0  }
0x1d: {  	s5 =	simm.s32 @p1 $0x1;
	p0 =	seq.s32 s7, s2  }
0x1e: {  	s7 =	smul.u32 @!p0 $0xF7A, s2;
	p2 =	seq.s32 @!p0 s5, $0x0  }
0x1f: {  	s9 =	smul.u32 $0xF7A, s1;
	s8 =	simm.s32 @!p0 $0x1BF5;
	p2 =	por !p2, p0  }
0x20: {  	[sflag:s8] =	ssyncset.s32 @!p0 $0xFFFFF086;
	s6 =	sadd.s32 @!p0 s3, s7;
	s7 =	simm.s32 @!p0 $0x108  }
0x21: {  	s3 =	sadd.s32 s3, s9;
	s6 =	sadd.s32 @!p0 $0x88, s6;
	s7 =	simm.s32 @p2 $0x1082  }
0x22: {  	[simem:s7], [sflag:s8] =	dma.local @!p0 [hbm:s6], $0xF7A  }
0x23: {  	s9 =	sor.u32 $0xD0000000, s2;
	s6 =	simm.s32 $0x108;
	_ =	swait.ge @!p0 [sflag:s8], $0x0  }
0x24: {  	s3 =	sadd.s32 $0x88, s3;
	s6 =	simm.s32 @!p1 $0x1082;
	[sflag:s4] =	ssyncset.s32 $0xFFFFF086  }
0x25: {  	[simem:s6], [sflag:s4] =	dma.local [hbm:s3], $0xF7A  }
0x26: {  	[smem:$0x3F94] =	sst s1;
	(tag) =	ssettag s2;
	_ =	strace s9  }
0x27: {  	s1 =	sld [smem:$0x3FA4]  }
0x28: {  	s2 =	sld [smem:$0x3FA5]  }
0x29: {  	s4 =	sld [smem:$0x3FA7]  }
0x2a: {  	p0 =	seq.s32 s5, $0x0;
	s5 =	sld [smem:$0x3FA8]  }
0x2b: {  	s6 =	sld [smem:$0x3FA9]  }
0x2c: {  	s7 =	sld [smem:$0x3FAA]  }
0x2d: {  	s3 =	simm.s32 $0x108;
	s8 =	sld [smem:$0x3FAB]  }
0x2e: {  	s3 =	simm.s32 @!p0 $0x1082;
	s9 =	sld [smem:$0x3FAC]  }
0x2f: {  	lr =	sadd.s32 s0, s3;
	s0 =	sld [smem:$0x3FA3]  }
0x30: {  	s3 =	sld [smem:$0x3FA6]  }
0x31: {  	[smem:$0x3FAF] =	sst s10  }
0x32: {  	s10 =	sld [smem:$0x3FAD];
	_ =	sdelay $0x3  }
0x33: {  	p0 =	seq.s32 s10, $0x1;
	s10 =	sld [smem:$0x3FAF];
	_ =	sdelay $0x3  }
0x34: {  	[smem:$0x3FAF] =	sst s10  }
0x35: {  	s10 =	sld [smem:$0x3FAE];
	_ =	sdelay $0x3  }
0x36: {  	p1 =	seq.s32 s10, $0x1;
	s10 =	sld [smem:$0x3FAF];
	_ =	sdelay $0x3  }
0x37: {  	[smem:$0x3FAF] =	sst s10  }
0x38: {  	s10 =	sld [smem:$0x3FB0]  }
0x39: {  	_ = 	snop;
	(pc) =	sbr.ind lr, $3  }
0x3a: {  	_ = 	snop  }
0x3b: {  	_ = 	snop  }
0x3c: {  	p2 =	seq.s32 s10, $0x1;
	s10 =	sld [smem:$0x3FAF]  }
0x3d: {  	_ =	shalt  }
0x3e: {  	_ =	shalt  }
0x3f: {  	_ =	shalt  }
0x40: {  	_ =	shalt  }
0x41: {  	_ =	shalt  }
0x42: {  	_ =	shalt  }
0x43: {  	_ =	shalt  }
0x44: {  	_ =	shalt  }
0x45: {  	_ =	shalt  }
0x46: {  	_ =	shalt  }
0x47: {  	_ =	shalt  }
0x48: {  	_ =	shalt  }
0x49: {  	_ =	shalt  }
0x4a: {  	_ =	shalt  }
0x4b: {  	_ =	shalt  }
0x4c: {  	_ =	shalt  }
0x4d: {  	_ =	shalt  }
0x4e: {  	_ =	shalt  }
0x4f: {  	_ =	shalt  }
0x50: {  	_ =	shalt  }
0x51: {  	_ =	shalt  }
0x52: {  	_ =	shalt  }
0x53: {  	_ =	shalt  }
0x54: {  	_ =	shalt  }
0x55: {  	_ =	shalt  }
0x56: {  	_ =	shalt  }
0x57: {  	_ =	shalt  }
0x58: {  	_ =	shalt  }
0x59: {  	_ =	shalt  }
0x5a: {  	_ =	shalt  }
0x5b: {  	_ =	shalt  }
0x5c: {  	_ =	shalt  }
0x5d: {  	_ =	shalt  }
0x5e: {  	_ =	shalt  }
0x5f: {  	_ =	shalt  }
0x60: {  	_ =	shalt  }
0x61: {  	_ =	shalt  }
0x62: {  	_ =	shalt  }
0x63: {  	_ =	shalt  }
0x64: {  	_ =	shalt  }
0x65: {  	_ =	shalt  }
0x66: {  	_ =	shalt  }
0x67: {  	_ =	shalt  }
0x68: {  	_ =	shalt  }
0x69: {  	_ =	shalt  }
0x6a: {  	_ =	shalt  }
0x6b: {  	_ =	shalt  }
0x6c: {  	_ =	shalt  }
0x6d: {  	_ =	shalt  }
0x6e: {  	_ =	shalt  }
0x6f: {  	_ =	shalt  }
0x70: {  	_ =	shalt  }
0x71: {  	_ =	shalt  }
0x72: {  	_ =	shalt  }
0x73: {  	_ =	shalt  }
0x74: {  	_ =	shalt  }
0x75: {  	_ =	shalt  }
0x76: {  	_ =	shalt  }
0x77: {  	_ =	shalt  }
0x78: {  	_ =	shalt  }
0x79: {  	_ =	shalt  }
0x7a: {  	_ =	shalt  }
0x7b: {  	_ =	shalt  }
0x7c: {  	_ =	shalt  }
0x7d: {  	_ =	shalt  }
0x7e: {  	_ =	shalt  }
0x7f: {  	_ =	shalt  }
0x80: {  	_ =	shalt  }
0x81: {  	_ =	shalt  }
0x82: {  	_ =	shalt  }
0x83: {  	_ =	shalt  }
0x84: {  	_ =	shalt  }
0x85: {  	_ =	shalt  }
0x86: {  	_ =	shalt  }
0x87: {  	_ =	shalt  }
.Lfunc_end0:
.L_simem_size_0:
called_computation.1_lowered:
.L_overlay_start_0:
0x88: {  	s2 =	sld [smem:$0x3FD9]  }
0x89: {  	s3 =	sld [smem:$0x3FFE];
	_ =	sdelay $0x1  }
0x8a: {  	s1 =	srdreg.scid  }
0x8b: {  	s0 =	sand.u32 $0x1, s1  }
0x8c: {  	s16 =	sshll.u32 s0, $0xA;
	s2 =	sadd.s32 s3, s2  }
0x8d: {  	s2 =	sadd.s32 s2, s16  }
0x8e: {  	[smem:$0x3FBB] =	sst s2  }
0x8f: {  	_ = 	snop  }
0x90: {  	(tm) =	ssettm $0x1  }
0x91: {  	s17 =	sld [smem:$0x3FFB];
	_ =	sdelay $0x3  }
0x92: {  	_ =	strace s17  }
0x93: {  	s2 =	sld [smem:$0x3FFC];
	_ =	sdelay $0x3  }
0x94: {  	_ =	strace s2  }
0x95: {  	s2 =	sld [smem:$0x3FFD];
	_ =	sdelay $0x3  }
0x96: {  	_ =	strace s2  }
0x97: {  	_ =	strace $0x8FFFFFFF  }
0x98: {  	s18 =	sld [smem:$0x3FDB];
	_ =	sdelay $0x1  }
0x99: {  	s19 =	simm.s32 $_scs_section_size  }
0x9a: {  	s4 =	simm.s32 $_size__tile_overlayer_lowered;
	s5 =	simm.s32 $_tile_overlayer_lowered  }
0x9b: {  	s22 =	simm.s32 $0x1BFF;
	s21 =	sshll.u32 s5, $0x1;
	s2 =	sadd.s32 s19, s18  }
0x9c: {  	s6 =	simm.s32 $0x0;
	s20 =	sshll.u32 s4, $0x1;
	s4 =	sadd.s32 s21, s2  }
0x9d: {  	[timem:s6], [sflag:s22] =	dma.local [hbm:s4], s20  }
0x9e: {  	_ =	swait.ge [sflag:s22], s20  }
0x9f: {  	s3 =	ssub.s32 $0x0, s20;
	[sflag:s22] =	ssyncset.done $0x0  }
0xa0: {  	[sflag:s22] =	ssyncadd.s32 s3;
	_ =	sdelay $0x1  }
0xa1: {  	s23 =	simm.s32 $0x1B8B  }
0xa2: {  	_ =	swait.ge [sflag:s23], $0x1  }
0xa3: {  	[sflag:s23] =	ssyncset.done $0x0  }
0xa4: {  	s25 =	simm.s32 $0x1B8E;
	s24 =	sld [smem:$0x3FFE];
	[sflag:s23] =	ssyncadd.s32 $0xFFFFFFFF  }
0xa5: {  	s26 =	simm.s32 $execute0_lowered;
	[smem:$0x3FD2] =	sst s25  }
0xa6: {  	s4 =	sshll.u32 s26, $0x1;
	_ =	strace $0x80000046;
	[dreg:$0x1] =	wrdreg $0xFFFFFFFF  }
0xa7: {  	s28 =	simm.s32 $_size_execute0_lowered;
	s2 =	sadd.s32 s2, s4;
	[dreg:$0x0] =	wrdreg $0x0  }
0xa8: {  	s4 =	sshll.u32 s28, $0x1;
	[dreg:$0x2] =	wrdreg s2  }
0xa9: {  	[dreg:$0x3] =	wrdreg s4  }
0xaa: {  	[dreg:$0x4] =	wrdreg $0xC0  }
0xab: {  	_ =	task [dreg:s6], $0x5FFFF  }
0xac: {  	[dreg:$0x1] =	wrdreg $0xFFFFFFFF  }
0xad: {  	[dreg:$0x0] =	wrdreg $0x60  }
0xae: {  	[dreg:$0x2] =	wrdreg s24  }
0xaf: {  	[dreg:$0x3] =	wrdreg $0xA  }
0xb0: {  	_ =	task.clear_ibuf [dreg:s6], $0x4FFFF;
	_ =	strace $0x90000046  }
0xb1: {  	s29 =	simm.s32 $0xA;
	_ =	strace $0x80000048  }
0xb2: {  	_ =	swait.ge [sflag:s29], $0x1  }
0xb3: {  	[sflag:s29] =	ssyncadd.s32 $0xFFFFFFFF  }
0xb4: {  	_ =	strace $0x90000048  }
0xb5: {  	_ =	sfence  }
0xb6: {  	s30 =	sld [smem:$0x0];
	_ =	sdelay $0x2  }
0xb7: {  	s31 =	sshll.u32 s1, $0xD;
	s1 =	sshrl.u32 s1, $0x2  }
0xb8: {  	s3 =	sand.u32 $0x4000, s31;
	s1 =	sadd.s32 s1, s30  }
0xb9: {  	s0 =	sor.u32 s3, s0;
	s1 =	sshll.u32 s1, $0x11  }
0xba: {  	s0 =	sor.u32 s1, s0  }
0xbb: {  	s0 =	sadd.s32 $0x8F2B, s0  }
0xbc: {  	[sflag:s0] =	ssyncadd.remote.s32 $0x1  }
0xbd: {  	_ =	sfence.sel $0xFFFF  }
0xbe: {  	[dreg:$0x0] =	wrdreg $0xFFFFFFFF;
	(pc) =	sbr.abs _section_cstart, $3  }
0xbf: {  	[dreg:$0x1] =	wrdreg $0xFFFFFFFF  }
0xc0: {  	_ =	task.clear_ibuf [dreg:s6], $0x2FFFF;
	_ =	strace $0x9FFFFFFF  }
0xc1: {  	(tm) =	ssettm $0x7FFFFFFF  }
tec
execute0_lowered:
.L_overlay_start_1:
0x0: {  	(tag) =	ssettag $0x1  }
0x1: {  	s0 =	srdreg.scid  }
0x2: {  	s1 =	rddreg [dreg:$0x0];
	s4 =	stileid.u32  }
0x3: {  	s2 =	simm.s32 $0x0;
	s10 =	simm.s32 $0x2;
	s30 =	simm.s32 $0xA400  }
0x4: {  	s31 =	simm.s32 $0xA800;
	s11 =	simm.s32 $0xBC00;
	s9 =	simm.s32 $0xCC00  }
0x5: {  	s12 =	simm.s32 $0xD400;
	s13 =	simm.s32 $0xD800;
	s14 =	simm.s32 $0xE000  }
0x6: {  	s15 =	simm.s32 $0xE400;
	s16 =	simm.s32 $0xEC00;
	s17 =	simm.s32 $0xF000  }
0x7: {  	s18 =	simm.s32 $0xF800;
	s19 =	simm.s32 $0x1;
	s0 =	sand.u32 $0x1, s0  }
0x8: {  	s20 =	simm.s32 $0xFE00;
	s22 =	simm.s32 $0x0;
	s3 =	sshll.u32 s0, $0x4  }
0x9: {  	[smem:$0x7FF] =	sst s2;
	s0 =	ssub.s32 $0x2, s0;
	s5 =	sor.u32 s4, s3  }
0xa: {  	_ =	strace $0x80000047;
	s8 =	sshrl.u32 s0, $0x1;
	s4 =	smul.u32 $0x280, s5  }
0xb: {  	s3 =	sadd.s32 $0xE00, s1;
	s6 =	smul.u32 $0x500, s5;
	s0 =	ssub.s32 s0, s8  }
0xc: {  	s8 =	smul.u32 $0x14000, s5;
	s5 =	simm.s32 $0xC000;
	s0 =	smax.u32 s0, $0x1  }
0xd: {  	v2 =	vlaneseq.u32;
	vm0 =	vmmov $0xffff;
	s7 =	sadd.s32 s4, s1;
	s6 =	sadd.s32 s6, s1;
	s4 =	sadd.s32 $0xFFE00, s1  }
0xe: {  	vm1 =	vmmov $0xff;
	v3 =	vimm.s32 $0x0;
	v4 =	vimm.s32 $0x1;
	[dreg:$0x4] =	wrdreg s0;
	s0 =	simm.s32 $0xB000;
	s6 =	sadd.s32 $0xF5E00, s6  }
0xf: {  	v5 =	vimm.s32 $0x2;
	v6 =	vimm.s32 $0x3;
	v1 =	vshrl.u32 v2, $0x3;
	s29 =	sadd.s32 $0xF0E00, s7;
	s7 =	sadd.s32 $0xF00, s1;
	[dreg:$0x2] =	wrdreg s6  }
0x10: {  	v0 =	vand.u32 $0x7, v2;
	v2 =	vor.u32 $0x8, v2;
	v1 =	vmul.u32 $0x8, v1;
	s1 =	simm.s32 $0xB400;
	[dreg:$0x3] =	wrdreg s29;
	s6 =	simm.s32 $0xC800  }
.LBB2_1:
0x11: {  	[dreg:$0x5] =	wrdreg s22  }
0x12: {  	s21 =	rddreg [dreg:$0x2]  }
0x13: {  	[tilespmem:s2], [sflag:$0x2] =	stream.linear.gather [hbm4b:s21+s2], $0x2800, $0x38;
	[tilespmem:$0x10200] =	vst v63  }
0x14: {  	_ =	swait.ge [sflag:s10], $0x2800  }
0x15: {  	[sflag:s10] =	ssyncset.done $0x0  }
0x16: {  	s29 =	simm.s32 $0x2800;
	s28 =	rddreg [dreg:$0x3];
	[sflag:s10] =	ssyncadd.s32 $0xFFFFD800  }
0x17: {  	[tilespmem:s29], [sflag:$0x2] =	stream.linear.gather [hbm4b:s28+s2], $0x1400, $0x38;
	[tilespmem:$0x10200] =	vst v63  }
0x18: {  	_ =	swait.ge [sflag:s10], $0x1400  }
0x19: {  	[sflag:s10] =	ssyncset.done $0x0  }
0x1a: {  	s21 =	simm.s32 $0x0;
	[sflag:s10] =	ssyncadd.s32 $0xFFFFEC00  }
.LBB2_2:
0x1b: {  	s22 =	sshll.u32 s21, $0x7  }
0x1c: {  	s22 =	sand.u32 $0x3FFFFF80, s22  }
0x1d: {  	v7 =	vld [tilespmem:s22+$0x0];
	_ =	sdelay $0x4  }
0x1e: {  	v8 =	vshrl.u32 v7, $0x3  }
0x1f: {  	v8 =	vmul.u32 $0x18, v8  }
0x20: {  	v7 =	vand.u32 $0x7, v7  }
0x21: {  	v7 =	vor.u32 v7, v8  }
0x22: {  	v8 =	vperm.xlane v7, v0;
	_ =	sdelay $0x1  }
0x23: {  	v8 =	vadd.s32 v1, v8;
	_ =	sdelay $0x1  }
0x24: {  	v7 =	vperm.xlane v7, v2;
	_ =	sdelay $0x1  }
0x25: {  	s23 =	simm.s32 $0x0;
	s24 =	simm.s32 $0x3C00;
	v7 =	vadd.s32 v1, v7  }
0x26: {  	[tilespmem:s24], [sflag:$0x1] =	stream.indirect_vreg.gather [hbm4b:s3+s23], $0x80, v8, vm0, $0xb8;
	[tilespmem:$0x10200] =	vst v63  }
0x27: {  	s25 =	simm.s32 $0x4400  }
0x28: {  	[tilespmem:s25], [sflag:$0x1] =	stream.indirect_vreg.gather [hbm4b:s7+s23], $0x80, v8, vm1, $0xb8;
	[tilespmem:$0x10200] =	vst v63  }
0x29: {  	s26 =	simm.s32 $0x4800  }
0x2a: {  	[tilespmem:s26], [sflag:$0x1] =	stream.indirect_vreg.gather [hbm4b:s3+s23], $0x80, v7, vm0, $0xb8;
	[tilespmem:$0x10200] =	vst v63  }
0x2b: {  	s28 =	simm.s32 $0x5000  }
0x2c: {  	[tilespmem:s28], [sflag:$0x1] =	stream.indirect_vreg.gather [hbm4b:s7+s23], $0x80, v7, vm1, $0xb8;
	[tilespmem:$0x10200] =	vst v63  }
0x2d: {  	v7 =	vld [tilespmem:s22+$0x10];
	_ =	sdelay $0x4  }
0x2e: {  	v8 =	vshrl.u32 v7, $0x3  }
0x2f: {  	v8 =	vmul.u32 $0x18, v8  }
0x30: {  	v7 =	vand.u32 $0x7, v7  }
0x31: {  	v7 =	vor.u32 v7, v8  }
0x32: {  	v8 =	vperm.xlane v7, v0;
	_ =	sdelay $0x1  }
0x33: {  	v8 =	vadd.s32 v1, v8;
	_ =	sdelay $0x1  }
0x34: {  	v7 =	vperm.xlane v7, v2;
	_ =	sdelay $0x1  }
0x35: {  	s29 =	simm.s32 $0x5400;
	v7 =	vadd.s32 v1, v7  }
0x36: {  	[tilespmem:s29], [sflag:$0x1] =	stream.indirect_vreg.gather [hbm4b:s3+s23], $0x80, v8, vm0, $0xb8;
	[tilespmem:$0x10200] =	vst v63  }
0x37: {  	s25 =	simm.s32 $0x5C00  }
0x38: {  	[tilespmem:s25], [sflag:$0x1] =	stream.indirect_vreg.gather [hbm4b:s7+s23], $0x80, v8, vm1, $0xb8;
	[tilespmem:$0x10200] =	vst v63  }
0x39: {  	s26 =	simm.s32 $0x6000  }
0x3a: {  	[tilespmem:s26], [sflag:$0x1] =	stream.indirect_vreg.gather [hbm4b:s3+s23], $0x80, v7, vm0, $0xb8;
	[tilespmem:$0x10200] =	vst v63  }
0x3b: {  	s28 =	simm.s32 $0x6800  }
0x3c: {  	[tilespmem:s28], [sflag:$0x1] =	stream.indirect_vreg.gather [hbm4b:s7+s23], $0x80, v7, vm1, $0xb8;
	[tilespmem:$0x10200] =	vst v63  }
0x3d: {  	v7 =	vld [tilespmem:s22+$0x20];
	_ =	sdelay $0x4  }
0x3e: {  	v8 =	vshrl.u32 v7, $0x3  }
0x3f: {  	v8 =	vmul.u32 $0x18, v8  }
0x40: {  	v7 =	vand.u32 $0x7, v7  }
0x41: {  	v7 =	vor.u32 v7, v8  }
0x42: {  	v8 =	vperm.xlane v7, v0;
	_ =	sdelay $0x1  }
0x43: {  	v8 =	vadd.s32 v1, v8;
	_ =	sdelay $0x1  }
0x44: {  	v7 =	vperm.xlane v7, v2;
	_ =	sdelay $0x1  }
0x45: {  	s29 =	simm.s32 $0x6C00;
	v7 =	vadd.s32 v1, v7  }
0x46: {  	[tilespmem:s29], [sflag:$0x1] =	stream.indirect_vreg.gather [hbm4b:s3+s23], $0x80, v8, vm0, $0xb8;
	[tilespmem:$0x10200] =	vst v63  }
0x47: {  	s25 =	simm.s32 $0x7400  }
0x48: {  	[tilespmem:s25], [sflag:$0x1] =	stream.indirect_vreg.gather [hbm4b:s7+s23], $0x80, v8, vm1, $0xb8;
	[tilespmem:$0x10200] =	vst v63  }
0x49: {  	s26 =	simm.s32 $0x7800  }
0x4a: {  	[tilespmem:s26], [sflag:$0x1] =	stream.indirect_vreg.gather [hbm4b:s3+s23], $0x80, v7, vm0, $0xb8;
	[tilespmem:$0x10200] =	vst v63  }
0x4b: {  	s28 =	simm.s32 $0x8000  }
0x4c: {  	[tilespmem:s28], [sflag:$0x1] =	stream.indirect_vreg.gather [hbm4b:s7+s23], $0x80, v7, vm1, $0xb8;
	[tilespmem:$0x10200] =	vst v63  }
0x4d: {  	v7 =	vld [tilespmem:s22+$0x30];
	_ =	sdelay $0x4  }
0x4e: {  	v8 =	vshrl.u32 v7, $0x3  }
0x4f: {  	v8 =	vmul.u32 $0x18, v8  }
0x50: {  	v7 =	vand.u32 $0x7, v7  }
0x51: {  	v7 =	vor.u32 v7, v8  }
0x52: {  	v8 =	vperm.xlane v7, v0;
	_ =	sdelay $0x1  }
0x53: {  	v8 =	vadd.s32 v1, v8;
	_ =	sdelay $0x1  }
0x54: {  	v7 =	vperm.xlane v7, v2;
	_ =	sdelay $0x1  }
0x55: {  	s29 =	simm.s32 $0x8400;
	v7 =	vadd.s32 v1, v7  }
0x56: {  	[tilespmem:s29], [sflag:$0x1] =	stream.indirect_vreg.gather [hbm4b:s3+s23], $0x80, v8, vm0, $0xb8;
	[tilespmem:$0x10200] =	vst v63  }
0x57: {  	s25 =	simm.s32 $0x8C00  }
0x58: {  	[tilespmem:s25], [sflag:$0x1] =	stream.indirect_vreg.gather [hbm4b:s7+s23], $0x80, v8, vm1, $0xb8;
	[tilespmem:$0x10200] =	vst v63  }
0x59: {  	s26 =	simm.s32 $0x9000  }
0x5a: {  	[tilespmem:s26], [sflag:$0x1] =	stream.indirect_vreg.gather [hbm4b:s3+s23], $0x80, v7, vm0, $0xb8;
	[tilespmem:$0x10200] =	vst v63  }
0x5b: {  	s28 =	simm.s32 $0x9800  }
0x5c: {  	[tilespmem:s28], [sflag:$0x1] =	stream.indirect_vreg.gather [hbm4b:s7+s23], $0x80, v7, vm1, $0xb8;
	[tilespmem:$0x10200] =	vst v63  }
0x5d: {  	v7 =	vld [tilespmem:s22+$0x40];
	_ =	sdelay $0x4  }
0x5e: {  	v8 =	vshrl.u32 v7, $0x3  }
0x5f: {  	v8 =	vmul.u32 $0x18, v8  }
0x60: {  	v7 =	vand.u32 $0x7, v7  }
0x61: {  	v7 =	vor.u32 v7, v8  }
0x62: {  	v8 =	vperm.xlane v7, v0;
	_ =	sdelay $0x1  }
0x63: {  	v8 =	vadd.s32 v1, v8;
	_ =	sdelay $0x1  }
0x64: {  	v7 =	vperm.xlane v7, v2;
	_ =	sdelay $0x1  }
0x65: {  	s29 =	simm.s32 $0x9C00;
	v7 =	vadd.s32 v1, v7  }
0x66: {  	[tilespmem:s29], [sflag:$0x1] =	stream.indirect_vreg.gather [hbm4b:s3+s23], $0x80, v8, vm0, $0xb8;
	[tilespmem:$0x10200] =	vst v63  }
0x67: {  	_ = 	snop  }
0x68: {  	[tilespmem:s30], [sflag:$0x1] =	stream.indirect_vreg.gather [hbm4b:s7+s23], $0x80, v8, vm1, $0xb8;
	[tilespmem:$0x10200] =	vst v63  }
0x69: {  	_ = 	snop  }
0x6a: {  	[tilespmem:s31], [sflag:$0x1] =	stream.indirect_vreg.gather [hbm4b:s3+s23], $0x80, v7, vm0, $0xb8;
	[tilespmem:$0x10200] =	vst v63  }
0x6b: {  	_ = 	snop  }
0x6c: {  	[tilespmem:s0], [sflag:$0x1] =	stream.indirect_vreg.gather [hbm4b:s7+s23], $0x80, v7, vm1, $0xb8;
	[tilespmem:$0x10200] =	vst v63  }
0x6d: {  	v7 =	vld [tilespmem:s22+$0x50];
	_ =	sdelay $0x4  }
0x6e: {  	v8 =	vshrl.u32 v7, $0x3  }
0x6f: {  	v8 =	vmul.u32 $0x18, v8  }
0x70: {  	v7 =	vand.u32 $0x7, v7  }
0x71: {  	v7 =	vor.u32 v7, v8  }
0x72: {  	v8 =	vperm.xlane v7, v0;
	_ =	sdelay $0x1  }
0x73: {  	v8 =	vadd.s32 v1, v8;
	_ =	sdelay $0x1  }
0x74: {  	v7 =	vperm.xlane v7, v2;
	_ =	sdelay $0x1  }
0x75: {  	v7 =	vadd.s32 v1, v7  }
0x76: {  	[tilespmem:s1], [sflag:$0x1] =	stream.indirect_vreg.gather [hbm4b:s3+s23], $0x80, v8, vm0, $0xb8;
	[tilespmem:$0x10200] =	vst v63  }
0x77: {  	_ = 	snop  }
0x78: {  	[tilespmem:s11], [sflag:$0x1] =	stream.indirect_vreg.gather [hbm4b:s7+s23], $0x80, v8, vm1, $0xb8;
	[tilespmem:$0x10200] =	vst v63  }
0x79: {  	_ = 	snop  }
0x7a: {  	[tilespmem:s5], [sflag:$0x1] =	stream.indirect_vreg.gather [hbm4b:s3+s23], $0x80, v7, vm0, $0xb8;
	[tilespmem:$0x10200] =	vst v63  }
0x7b: {  	_ = 	snop  }
0x7c: {  	[tilespmem:s6], [sflag:$0x1] =	stream.indirect_vreg.gather [hbm4b:s7+s23], $0x80, v7, vm1, $0xb8;
	[tilespmem:$0x10200] =	vst v63  }
0x7d: {  	v7 =	vld [tilespmem:s22+$0x60];
	_ =	sdelay $0x4  }
0x7e: {  	v8 =	vshrl.u32 v7, $0x3  }
0x7f: {  	v8 =	vmul.u32 $0x18, v8  }
0x80: {  	v7 =	vand.u32 $0x7, v7  }
0x81: {  	v7 =	vor.u32 v7, v8  }
0x82: {  	v8 =	vperm.xlane v7, v0;
	_ =	sdelay $0x1  }
0x83: {  	v8 =	vadd.s32 v1, v8;
	_ =	sdelay $0x1  }
0x84: {  	v7 =	vperm.xlane v7, v2;
	_ =	sdelay $0x1  }
0x85: {  	v7 =	vadd.s32 v1, v7  }
0x86: {  	[tilespmem:s9], [sflag:$0x1] =	stream.indirect_vreg.gather [hbm4b:s3+s23], $0x80, v8, vm0, $0xb8;
	[tilespmem:$0x10200] =	vst v63  }
0x87: {  	_ = 	snop  }
0x88: {  	[tilespmem:s12], [sflag:$0x1] =	stream.indirect_vreg.gather [hbm4b:s7+s23], $0x80, v8, vm1, $0xb8;
	[tilespmem:$0x10200] =	vst v63  }
0x89: {  	_ = 	snop  }
0x8a: {  	[tilespmem:s13], [sflag:$0x1] =	stream.indirect_vreg.gather [hbm4b:s3+s23], $0x80, v7, vm0, $0xb8;
	[tilespmem:$0x10200] =	vst v63  }
0x8b: {  	_ = 	snop  }
0x8c: {  	[tilespmem:s14], [sflag:$0x1] =	stream.indirect_vreg.gather [hbm4b:s7+s23], $0x80, v7, vm1, $0xb8;
	[tilespmem:$0x10200] =	vst v63  }
0x8d: {  	v7 =	vld [tilespmem:s22+$0x70];
	_ =	sdelay $0x4  }
0x8e: {  	v8 =	vshrl.u32 v7, $0x3  }
0x8f: {  	v8 =	vmul.u32 $0x18, v8  }
0x90: {  	v7 =	vand.u32 $0x7, v7  }
0x91: {  	v7 =	vor.u32 v7, v8  }
0x92: {  	v8 =	vperm.xlane v7, v0;
	_ =	sdelay $0x1  }
0x93: {  	v8 =	vadd.s32 v1, v8;
	_ =	sdelay $0x1  }
0x94: {  	v7 =	vperm.xlane v7, v2;
	_ =	sdelay $0x1  }
0x95: {  	v7 =	vadd.s32 v1, v7  }
0x96: {  	[tilespmem:s15], [sflag:$0x1] =	stream.indirect_vreg.gather [hbm4b:s3+s23], $0x80, v8, vm0, $0xb8;
	[tilespmem:$0x10200] =	vst v63  }
0x97: {  	_ = 	snop  }
0x98: {  	[tilespmem:s16], [sflag:$0x1] =	stream.indirect_vreg.gather [hbm4b:s7+s23], $0x80, v8, vm1, $0xb8;
	[tilespmem:$0x10200] =	vst v63  }
0x99: {  	s25 =	simm.s32 $0x0  }
0x9a: {  	[tilespmem:s17], [sflag:$0x1] =	stream.indirect_vreg.gather [hbm4b:s3+s23], $0x80, v7, vm0, $0xb8;
	[tilespmem:$0x10200] =	vst v63  }
0x9b: {  	s26 =	smul.u32 $0x3000, s25  }
0x9c: {  	[tilespmem:s18], [sflag:$0x1] =	stream.indirect_vreg.gather [hbm4b:s7+s23], $0x80, v7, vm1, $0xb8;
	[tilespmem:$0x10200] =	vst v63  }
0x9d: {  	_ =	swait.ge [sflag:s19], $0xC000  }
0x9e: {  	s28 =	sshll.u32 s21, $0x6;
	s24 =	sshra.s32 s26, $0x2;
	[sflag:s19] =	ssyncset.done $0x0  }
0x9f: {  	s22 =	sand.u32 $0x3FFFFFC0, s28;
	s23 =	sand.u32 $0x380, s23;
	[sflag:s19] =	ssyncadd.s32 $0xFFFF4000  }
0xa0: {  	s23 =	sor.u32 s23, s24;
	v7 =	vld [tilespmem:s22+$0x2800]  }
0xa1: {  	v8 =	vld [tilespmem:s23+$0x4400];
	_ =	sdelay $0x4  }
0xa2: {  	v8 =	vadd.f32 v8, v7  }
0xa3: {  	s29 =	simm.s32 $0x0  }
0xa4: {  	s25 =	smul.u32 $0x3000, s29;
	v9 =	vmul.f32 $2.000000030e-01, v8  }
0xa5: {  	s24 =	simm.s32 $0x80;
	vm2 =	vgt.f32 v8, $0.0e+00  }
0xa6: {  	s25 =	sshra.s32 s25, $0x2;
	s26 =	sand.u32 $0x380, s24;
	s23 =	simm.s32 $0xFC00;
	v8 =	vsel vm2, v8, v9  }
0xa7: {  	s25 =	sor.u32 s26, s25;
	[tilespmem:s23+$0x0] =	vst v8  }
0xa8: {  	v9 =	vld [tilespmem:s25+$0x4400];
	_ =	sdelay $0x4  }
0xa9: {  	v10 =	vimm.f32 $-3.000000010e+38;
	v9 =	vadd.f32 v9, v7  }
0xaa: {  	s26 =	simm.s32 $0x0;
	v8 =	vmax.f32 v10, v8;
	s25 =	simm.s32 $0x3  }
.LBB2_3:
0xab: {  	p0 =	sne.s32 s25, $0x1F;
	s26 =	smul.u32 $0x3000, s26;
	v10 =	vmul.f32 $2.000000030e-01, v9  }
0xac: {  	vm2 =	vgt.f32 v9, $0.0e+00;
	s24 =	sadd.s32 $0x80, s24  }
0xad: {  	s23 =	sadd.s32 $0x10, s23;
	s28 =	sand.u32 $0x380, s24;
	s26 =	sshra.s32 s26, $0x2;
	v9 =	vsel vm2, v9, v10  }
0xae: {  	s26 =	sor.u32 s28, s26;
	[tilespmem:s23+$0x0] =	vst v9;
	v8 =	vmax.f32 v8, v9  }
0xaf: {  	v9 =	vld [tilespmem:s26+$0x4400];
	_ =	sdelay $0x1  }
.Ltmp0:
0xb0: {  	(pc) =	sbr.rel @p0 .LBB2_3-.Ltmp0, $3  }
0xb1: {  	_ =	sdelay $0x1  }
0xb2: {  	v9 =	vadd.f32 v9, v7  }
0xb3: {  	s26 =	sshrl.u32 s25, $0x3;
	s25 =	sadd.s32 $0x1, s25  }
0xb4: {  	s25 =	smul.u32 $0x3000, s26;
	v10 =	vmul.f32 $2.000000030e-01, v9  }
0xb5: {  	vm2 =	vgt.f32 v9, $0.0e+00;
	s24 =	sadd.s32 $0x80, s24  }
0xb6: {  	s23 =	sadd.s32 $0x10, s23;
	s24 =	sand.u32 $0x380, s24;
	s25 =	sshra.s32 s25, $0x2;
	v9 =	vsel vm2, v9, v10  }
0xb7: {  	s24 =	sor.u32 s24, s25;
	[tilespmem:s23+$0x0] =	vst v9  }
0xb8: {  	v10 =	vld [tilespmem:s24+$0x4400];
	_ =	sdelay $0x4  }
0xb9: {  	v7 =	vadd.f32 v10, v7;
	_ =	sdelay $0x1  }
0xba: {  	v10 =	vmul.f32 $2.000000030e-01, v7  }
0xbb: {  	vm2 =	vgt.f32 v7, $0.0e+00  }
0xbc: {  	v8 =	vmax.f32 v8, v9;
	s23 =	sadd.s32 $0x10, s23;
	v7 =	vsel vm2, v7, v10  }
0xbd: {  	s24 =	simm.s32 $0x40;
	[tilespmem:s23+$0x0] =	vst v7;
	v8 =	vmax.f32 v8, v7;
	v7 =	vimm.f32 $0.0e+00;
	s23 =	simm.s32 $0x0  }
.LBB2_5:
0xbe: {  	p0 =	sne.s32 s24, $0x7C0;
	v9 =	vld [tilespmem:s23+$0xFC00];
	_ =	sdelay $0x4  }
0xbf: {  	v9 =	vsub.f32 v9, v8;
	_ =	sdelay $0x1  }
0xc0: {  	v9 =	vmul.f32 $1.442695020e+00, v9;
	_ =	sdelay $0x1  }
0xc1: {  	(erf) = vpow2.f32 v9;
	_ =	sdelay $0x5  }
.Ltmp1:
0xc2: {  	(pc) =	sbr.rel @p0 .LBB2_5-.Ltmp1, $3  }
0xc3: {  	_ =	sdelay $0x1  }
0xc4: {  	v9 =	vpop (erf)  }
0xc5: {  	[tilespmem:s23+$0xFC00] =	vst v9;
	s23 =	sshra.s32 s24, $0x2;
	s24 =	sadd.s32 $0x40, s24;
	v7 =	vadd.f32 v9, v7  }
0xc6: {  	v9 =	vld [tilespmem:s23+$0xFC00];
	_ =	sdelay $0x4  }
0xc7: {  	v8 =	vsub.f32 v9, v8;
	_ =	sdelay $0x1  }
0xc8: {  	v8 =	vmul.f32 $1.442695020e+00, v8;
	_ =	sdelay $0x1  }
0xc9: {  	(erf) = vpow2.f32 v8;
	_ =	sdelay $0x8  }
0xca: {  	v8 =	vpop (erf)  }
0xcb: {  	v7 =	vadd.f32 v8, v7;
	_ =	sdelay $0x1  }
0xcc: {  	v7 =	vadd.f32 $1.000000020e-16, v7;
	_ =	sdelay $0x1  }
0xcd: {  	(erf) = vrcp.f32 v7;
	_ =	sdelay $0x1  }
0xce: {  	s24 =	simm.s32 $0x0  }
0xcf: {  	s24 =	smul.u32 $0x3000, s24  }
0xd0: {  	s25 =	simm.s32 $0xFC00;
	[tilespmem:s23+$0xFC00] =	vst v8;
	s23 =	simm.s32 $0x0  }
0xd1: {  	s24 =	sshra.s32 s24, $0x2;
	s29 =	sand.u32 $0x380, s23;
	v7 =	vld [tilespmem:s25+$0x0]  }
0xd2: {  	s24 =	sor.u32 s29, s24  }
0xd3: {  	v9 =	vld [tilespmem:s24+$0x4070]  }
0xd4: {  	v10 =	vld [tilespmem:s24+$0x3C00]  }
0xd5: {  	v11 =	vld [tilespmem:s24+$0x3C10];
	v18 =	vpop (erf)  }
0xd6: {  	v13 =	vld [tilespmem:s24+$0x3C20];
	v12 =	vmul.f32 v7, v18  }
0xd7: {  	v14 =	vld [tilespmem:s24+$0x3C30]  }
0xd8: {  	v19 =	vld [tilespmem:s24+$0x3C50];
	v8 =	vperm.xlane v12, v6  }
0xd9: {  	v20 =	vimm.f32 $0.0e+00;
	v16 =	vld [tilespmem:s24+$0x3C40];
	v15 =	vperm.xlane v12, v3;
	v26 =	vperm.xlane v12, v4  }
0xda: {  	v24 =	vimm.f32 $0.0e+00;
	v21 =	vperm.xlane v12, v5;
	v7 =	vmul.f32 v9, v8  }
0xdb: {  	v25 =	vimm.f32 $0.0e+00;
	v10 =	vmul.f32 v10, v15;
	v11 =	vmul.f32 v11, v15  }
0xdc: {  	v23 =	vimm.f32 $0.0e+00;
	v9 =	vld [tilespmem:s24+$0x3C60];
	v13 =	vmul.f32 v13, v15;
	v22 =	vmul.f32 v14, v15  }
0xdd: {  	v29 =	vld [tilespmem:s24+$0x3C70];
	v32 =	vmul.f32 v19, v26;
	v19 =	vimm.f32 $0.0e+00;
	v7 =	vadd.f32 v7, v20  }
0xde: {  	v30 =	vld [tilespmem:s24+$0x4000];
	v17 =	vadd.f32 v10, v20;
	v15 =	vadd.f32 v11, v20;
	v10 =	vmul.f32 v16, v26  }
0xdf: {  	v31 =	vld [tilespmem:s24+$0x4010];
	v14 =	vadd.f32 v13, v20;
	v12 =	vadd.f32 v22, v20;
	v22 =	vimm.f32 $0.0e+00  }
0xe0: {  	v27 =	vld [tilespmem:s24+$0x4020];
	v16 =	vimm.f32 $0.0e+00;
	v11 =	vimm.f32 $0.0e+00;
	v13 =	vadd.f32 v10, v20  }
0xe1: {  	s28 =	simm.s32 $0x0;
	s26 =	simm.s32 $0xFC10;
	v28 =	vld [tilespmem:s24+$0x4030];
	s25 =	simm.s32 $0x2;
	v10 =	vimm.f32 $0.0e+00;
	v33 =	vmul.f32 v9, v26;
	v9 =	vimm.f32 $0.0e+00  }
.LBB2_7:
0xe2: {  	p0 =	sne.s32 s25, $0x1F;
	v34 =	vld [tilespmem:s26+$0x0];
	s28 =	smul.u32 $0x3000, s28;
	v20 =	vadd.f32 v32, v20;
	v26 =	vmul.f32 v29, v26  }
0xe3: {  	s23 =	sadd.s32 $0x80, s23;
	v24 =	vadd.f32 v33, v24;
	v29 =	vmul.f32 v30, v21;
	v30 =	vld [tilespmem:s24+$0x4040]  }
0xe4: {  	s29 =	sand.u32 $0x380, s23;
	s28 =	sshra.s32 s28, $0x2;
	v25 =	vadd.f32 v26, v25;
	v26 =	vmul.f32 v31, v21;
	v31 =	vld [tilespmem:s24+$0x4050]  }
0xe5: {  	v22 =	vadd.f32 v29, v22;
	v27 =	vmul.f32 v27, v21;
	v29 =	vld [tilespmem:s24+$0x4060];
	s24 =	sor.u32 s29, s28  }
0xe6: {  	v32 =	vld [tilespmem:s24+$0x4070];
	v23 =	vadd.f32 v26, v23;
	v21 =	vmul.f32 v28, v21  }
0xe7: {  	v28 =	vmul.f32 v34, v18;
	v33 =	vld [tilespmem:s24+$0x3C00];
	v19 =	vadd.f32 v27, v19  }
0xe8: {  	v27 =	vld [tilespmem:s24+$0x3C10];
	v16 =	vadd.f32 v21, v16;
	v30 =	vmul.f32 v30, v8  }
0xe9: {  	v34 =	vperm.xlane v28, v3;
	v35 =	vld [tilespmem:s24+$0x3C20];
	v36 =	vperm.xlane v28, v6  }
0xea: {  	v26 =	vperm.xlane v28, v4;
	v21 =	vperm.xlane v28, v5;
	v37 =	vld [tilespmem:s24+$0x3C30];
	v11 =	vadd.f32 v30, v11  }
0xeb: {  	v31 =	vmul.f32 v31, v8;
	v28 =	vld [tilespmem:s24+$0x3C40];
	v30 =	vmul.f32 v32, v36  }
0xec: {  	v38 =	vmul.f32 v29, v8;
	v8 =	vmov v36;
	v32 =	vmul.f32 v33, v34;
	v33 =	vld [tilespmem:s24+$0x3C50]  }
0xed: {  	v10 =	vadd.f32 v31, v10;
	v27 =	vmul.f32 v27, v34;
	v36 =	vld [tilespmem:s24+$0x3C60];
	v7 =	vadd.f32 v30, v7  }
.Ltmp2:
0xee: {  	v9 =	vadd.f32 v38, v9;
	v17 =	vadd.f32 v32, v17;
	v31 =	vmul.f32 v35, v34;
	v29 =	vld [tilespmem:s24+$0x3C70];
	(pc) =	sbr.rel @p0 .LBB2_7-.Ltmp2, $4  }
0xef: {  	v15 =	vadd.f32 v27, v15;
	v27 =	vmul.f32 v37, v34;
	v30 =	vld [tilespmem:s24+$0x4000]  }
0xf0: {  	v14 =	vadd.f32 v31, v14;
	v28 =	vmul.f32 v28, v26;
	v31 =	vld [tilespmem:s24+$0x4010]  }
0xf1: {  	v12 =	vadd.f32 v27, v12;
	v32 =	vmul.f32 v33, v26;
	v27 =	vld [tilespmem:s24+$0x4020]  }
0xf2: {  	s26 =	sadd.s32 $0x10, s26;
	s28 =	sshrl.u32 s25, $0x3;
	s25 =	sadd.s32 $0x1, s25;
	v13 =	vadd.f32 v28, v13;
	v33 =	vmul.f32 v36, v26;
	v28 =	vld [tilespmem:s24+$0x4030]  }
0xf3: {  	v34 =	vld [tilespmem:s26+$0x0];
	s25 =	smul.u32 $0x3000, s28  }
0xf4: {  	v35 =	vld [tilespmem:s24+$0x4040];
	s23 =	sadd.s32 $0x80, s23  }
0xf5: {  	v36 =	vld [tilespmem:s24+$0x4050];
	s23 =	sand.u32 $0x380, s23;
	s25 =	sshra.s32 s25, $0x2  }
0xf6: {  	v37 =	vld [tilespmem:s24+$0x4060];
	s23 =	sor.u32 s23, s25  }
0xf7: {  	v38 =	vld [tilespmem:s23+$0x4070]  }
0xf8: {  	v39 =	vld [tilespmem:s23+$0x3C00]  }
0xf9: {  	v40 =	vld [tilespmem:s23+$0x3C10]  }
0xfa: {  	v41 =	vld [tilespmem:s23+$0x3C20]  }
0xfb: {  	v42 =	vld [tilespmem:s23+$0x3C30]  }
0xfc: {  	v43 =	vld [tilespmem:s23+$0x3C40]  }
0xfd: {  	v44 =	vld [tilespmem:s23+$0x3C50]  }
0xfe: {  	v45 =	vld [tilespmem:s23+$0x3C60];
	v18 =	vmul.f32 v34, v18  }
0xff: {  	v26 =	vmul.f32 v29, v26;
	v57 =	vld [tilespmem:s23+$0x3C70]  }
0x100: {  	v30 =	vmul.f32 v30, v21;
	v46 =	vld [tilespmem:s23+$0x4000];
	v58 =	vperm.xlane v18, v3  }
0x101: {  	v20 =	vadd.f32 v32, v20;
	v24 =	vadd.f32 v33, v24;
	v31 =	vmul.f32 v31, v21;
	v47 =	vld [tilespmem:s23+$0x4010]  }
0x102: {  	v25 =	vadd.f32 v26, v25;
	v22 =	vadd.f32 v30, v22;
	v32 =	vld [tilespmem:s23+$0x4020];
	v59 =	vmul.f32 v39, v58  }
0x103: {  	v27 =	vmul.f32 v27, v21;
	v33 =	vld [tilespmem:s23+$0x4030];
	v23 =	vadd.f32 v31, v23;
	v60 =	vmul.f32 v40, v58  }
0x104: {  	v31 =	vld [tilespmem:s23+$0x4040];
	v61 =	vperm.xlane v18, v4;
	v62 =	vmul.f32 v41, v58;
	v17 =	vadd.f32 v59, v17  }
0x105: {  	v63 =	vld [tilespmem:s23+$0x4050];
	v19 =	vadd.f32 v27, v19;
	v29 =	vmul.f32 v42, v58;
	v15 =	vadd.f32 v60, v15  }
0x106: {  	v50 =	vperm.xlane v18, v5;
	v41 =	vld [tilespmem:s23+$0x4060];
	v48 =	vmul.f32 v43, v61;
	v14 =	vadd.f32 v62, v14;
	[tilespmem:$0xFE00] =	vst v17  }
0x107: {  	v53 =	vmul.f32 v35, v8;
	v52 =	vmul.f32 v57, v61;
	v12 =	vadd.f32 v29, v12;
	[tilespmem:$0xFE10] =	vst v15  }
0x108: {  	v55 =	vperm.xlane v18, v6;
	v54 =	vmul.f32 v46, v50;
	v13 =	vadd.f32 v48, v13;
	[tilespmem:$0xFE20] =	vst v14  }
0x109: {  	v11 =	vadd.f32 v53, v11;
	v49 =	vmul.f32 v44, v61;
	v56 =	vadd.f32 v52, v25;
	[tilespmem:$0xFE30] =	vst v12  }
0x10a: {  	v42 =	vmul.f32 v28, v21;
	v51 =	vmul.f32 v45, v61;
	v58 =	vadd.f32 v54, v22;
	[tilespmem:$0xFE40] =	vst v13  }
0x10b: {  	v57 =	vmul.f32 v47, v50;
	v61 =	vmul.f32 v31, v55;
	v15 =	vadd.f32 v49, v20;
	[tilespmem:$0xFE70] =	vst v56  }
0x10c: {  	v60 =	vmul.f32 v36, v8;
	v8 =	vmul.f32 v37, v8;
	v17 =	vadd.f32 v51, v24;
	[tilespmem:$0xFE80] =	vst v58  }
0x10d: {  	v16 =	vadd.f32 v42, v16;
	v59 =	vmul.f32 v32, v50;
	v20 =	vadd.f32 v57, v23;
	[tilespmem:$0xFE50] =	vst v15  }
0x10e: {  	v14 =	vmul.f32 v33, v50;
	v8 =	vadd.f32 v8, v9;
	v9 =	vadd.f32 v61, v11;
	[tilespmem:$0xFE60] =	vst v17  }
0x10f: {  	v63 =	vmul.f32 v63, v55;
	v10 =	vadd.f32 v60, v10;
	v15 =	vadd.f32 v59, v19;
	[tilespmem:$0xFE90] =	vst v20  }
0x110: {  	v13 =	vmul.f32 v38, v55;
	v62 =	vadd.f32 v14, v16;
	[tilespmem:$0xFEC0] =	vst v9  }
0x111: {  	v11 =	vmul.f32 v41, v55;
	v10 =	vadd.f32 v63, v10;
	[tilespmem:$0xFEA0] =	vst v15  }
0x112: {  	s24 =	simm.s32 $0x0;
	v7 =	vadd.f32 v13, v7;
	[tilespmem:$0xFEB0] =	vst v62  }
0x113: {  	s23 =	smul.u32 $0x3000, s24;
	v8 =	vadd.f32 v11, v8;
	[tilespmem:$0xFED0] =	vst v10  }
0x114: {  	s25 =	simm.s32 $0x0;
	[tilespmem:$0xFEF0] =	vst v7  }
0x115: {  	s24 =	sand.u32 $0x380, s25;
	s23 =	sshra.s32 s23, $0x2;
	[tilespmem:$0xFEE0] =	vst v8  }
0x116: {  	s23 =	sor.u32 s24, s23;
	v7 =	vld [tilespmem:s22+$0x2810]  }
0x117: {  	v8 =	vld [tilespmem:s23+$0x7400];
	_ =	sdelay $0x4  }
0x118: {  	v8 =	vadd.f32 v8, v7  }
0x119: {  	s26 =	simm.s32 $0x0  }
0x11a: {  	s28 =	smul.u32 $0x3000, s26;
	v9 =	vmul.f32 $2.000000030e-01, v8  }
0x11b: {  	s24 =	simm.s32 $0x80;
	vm2 =	vgt.f32 v8, $0.0e+00  }
0x11c: {  	s25 =	sshra.s32 s28, $0x2;
	s29 =	sand.u32 $0x380, s24;
	s23 =	simm.s32 $0xFC00;
	v8 =	vsel vm2, v8, v9  }
0x11d: {  	s25 =	sor.u32 s29, s25;
	[tilespmem:s23+$0x0] =	vst v8  }
0x11e: {  	v9 =	vld [tilespmem:s25+$0x7400];
	_ =	sdelay $0x4  }
0x11f: {  	v10 =	vimm.f32 $-3.000000010e+38;
	v9 =	vadd.f32 v9, v7  }
0x120: {  	s26 =	simm.s32 $0x0;
	v8 =	vmax.f32 v10, v8;
	s25 =	simm.s32 $0x3  }
.LBB2_9:
0x121: {  	p0 =	sne.s32 s25, $0x1F;
	s26 =	smul.u32 $0x3000, s26;
	v10 =	vmul.f32 $2.000000030e-01, v9  }
0x122: {  	vm2 =	vgt.f32 v9, $0.0e+00;
	s24 =	sadd.s32 $0x80, s24  }
0x123: {  	s23 =	sadd.s32 $0x10, s23;
	s28 =	sand.u32 $0x380, s24;
	s26 =	sshra.s32 s26, $0x2;
	v9 =	vsel vm2, v9, v10  }
0x124: {  	s26 =	sor.u32 s28, s26;
	[tilespmem:s23+$0x0] =	vst v9;
	v8 =	vmax.f32 v8, v9  }
0x125: {  	v9 =	vld [tilespmem:s26+$0x7400];
	_ =	sdelay $0x1  }
.Ltmp3:
0x126: {  	(pc) =	sbr.rel @p0 .LBB2_9-.Ltmp3, $3  }
0x127: {  	_ =	sdelay $0x1  }
0x128: {  	v9 =	vadd.f32 v9, v7  }
0x129: {  	s26 =	sshrl.u32 s25, $0x3;
	s25 =	sadd.s32 $0x1, s25  }
0x12a: {  	s25 =	smul.u32 $0x3000, s26;
	v10 =	vmul.f32 $2.000000030e-01, v9  }
0x12b: {  	vm2 =	vgt.f32 v9, $0.0e+00;
	s24 =	sadd.s32 $0x80, s24  }
0x12c: {  	s23 =	sadd.s32 $0x10, s23;
	s24 =	sand.u32 $0x380, s24;
	s25 =	sshra.s32 s25, $0x2;
	v9 =	vsel vm2, v9, v10  }
0x12d: {  	s24 =	sor.u32 s24, s25;
	[tilespmem:s23+$0x0] =	vst v9  }
0x12e: {  	v10 =	vld [tilespmem:s24+$0x7400];
	_ =	sdelay $0x4  }
0x12f: {  	v7 =	vadd.f32 v10, v7;
	_ =	sdelay $0x1  }
0x130: {  	v10 =	vmul.f32 $2.000000030e-01, v7  }
0x131: {  	vm2 =	vgt.f32 v7, $0.0e+00  }
0x132: {  	v8 =	vmax.f32 v8, v9;
	s23 =	sadd.s32 $0x10, s23;
	v7 =	vsel vm2, v7, v10  }
0x133: {  	s24 =	simm.s32 $0x40;
	[tilespmem:s23+$0x0] =	vst v7;
	v8 =	vmax.f32 v8, v7;
	v7 =	vimm.f32 $0.0e+00;
	s23 =	simm.s32 $0x0  }
.LBB2_11:
0x134: {  	p0 =	sne.s32 s24, $0x7C0;
	v9 =	vld [tilespmem:s23+$0xFC00];
	_ =	sdelay $0x4  }
0x135: {  	v9 =	vsub.f32 v9, v8;
	_ =	sdelay $0x1  }
0x136: {  	v9 =	vmul.f32 $1.442695020e+00, v9;
	_ =	sdelay $0x1  }
0x137: {  	(erf) = vpow2.f32 v9;
	_ =	sdelay $0x5  }
.Ltmp4:
0x138: {  	(pc) =	sbr.rel @p0 .LBB2_11-.Ltmp4, $3  }
0x139: {  	_ =	sdelay $0x1  }
0x13a: {  	v9 =	vpop (erf)  }
0x13b: {  	[tilespmem:s23+$0xFC00] =	vst v9;
	s23 =	sshra.s32 s24, $0x2;
	s24 =	sadd.s32 $0x40, s24;
	v7 =	vadd.f32 v9, v7  }
0x13c: {  	v9 =	vld [tilespmem:s23+$0xFC00];
	_ =	sdelay $0x4  }
0x13d: {  	v8 =	vsub.f32 v9, v8;
	_ =	sdelay $0x1  }
0x13e: {  	v8 =	vmul.f32 $1.442695020e+00, v8;
	_ =	sdelay $0x1  }
0x13f: {  	(erf) = vpow2.f32 v8;
	_ =	sdelay $0x8  }
0x140: {  	v8 =	vpop (erf)  }
0x141: {  	v7 =	vadd.f32 v8, v7;
	_ =	sdelay $0x1  }
0x142: {  	v7 =	vadd.f32 $1.000000020e-16, v7;
	_ =	sdelay $0x1  }
0x143: {  	(erf) = vrcp.f32 v7;
	_ =	sdelay $0x1  }
0x144: {  	s24 =	simm.s32 $0x0  }
0x145: {  	s24 =	smul.u32 $0x3000, s24  }
0x146: {  	s25 =	simm.s32 $0xFC00;
	[tilespmem:s23+$0xFC00] =	vst v8;
	s23 =	simm.s32 $0x0  }
0x147: {  	s24 =	sshra.s32 s24, $0x2;
	s29 =	sand.u32 $0x380, s23;
	v7 =	vld [tilespmem:s25+$0x0]  }
0x148: {  	s24 =	sor.u32 s29, s24  }
0x149: {  	v9 =	vld [tilespmem:s24+$0x7070]  }
0x14a: {  	v10 =	vld [tilespmem:s24+$0x6C00]  }
0x14b: {  	v11 =	vld [tilespmem:s24+$0x6C10];
	v18 =	vpop (erf)  }
0x14c: {  	v13 =	vld [tilespmem:s24+$0x6C20];
	v12 =	vmul.f32 v7, v18  }
0x14d: {  	v14 =	vld [tilespmem:s24+$0x6C30]  }
0x14e: {  	v19 =	vld [tilespmem:s24+$0x6C50];
	v8 =	vperm.xlane v12, v6  }
0x14f: {  	v20 =	vimm.f32 $0.0e+00;
	v16 =	vld [tilespmem:s24+$0x6C40];
	v15 =	vperm.xlane v12, v3;
	v26 =	vperm.xlane v12, v4  }
0x150: {  	v24 =	vimm.f32 $0.0e+00;
	v21 =	vperm.xlane v12, v5;
	v7 =	vmul.f32 v9, v8  }
0x151: {  	v25 =	vimm.f32 $0.0e+00;
	v10 =	vmul.f32 v10, v15;
	v11 =	vmul.f32 v11, v15  }
0x152: {  	v23 =	vimm.f32 $0.0e+00;
	v9 =	vld [tilespmem:s24+$0x6C60];
	v13 =	vmul.f32 v13, v15;
	v22 =	vmul.f32 v14, v15  }
0x153: {  	v29 =	vld [tilespmem:s24+$0x6C70];
	v32 =	vmul.f32 v19, v26;
	v19 =	vimm.f32 $0.0e+00;
	v7 =	vadd.f32 v7, v20  }
0x154: {  	v30 =	vld [tilespmem:s24+$0x7000];
	v17 =	vadd.f32 v10, v20;
	v15 =	vadd.f32 v11, v20;
	v10 =	vmul.f32 v16, v26  }
0x155: {  	v31 =	vld [tilespmem:s24+$0x7010];
	v14 =	vadd.f32 v13, v20;
	v12 =	vadd.f32 v22, v20;
	v22 =	vimm.f32 $0.0e+00  }
0x156: {  	v27 =	vld [tilespmem:s24+$0x7020];
	v16 =	vimm.f32 $0.0e+00;
	v11 =	vimm.f32 $0.0e+00;
	v13 =	vadd.f32 v10, v20  }
0x157: {  	s28 =	simm.s32 $0x0;
	s26 =	simm.s32 $0xFC10;
	v28 =	vld [tilespmem:s24+$0x7030];
	s25 =	simm.s32 $0x2;
	v10 =	vimm.f32 $0.0e+00;
	v33 =	vmul.f32 v9, v26;
	v9 =	vimm.f32 $0.0e+00  }
.LBB2_13:
0x158: {  	p0 =	sne.s32 s25, $0x1F;
	v34 =	vld [tilespmem:s26+$0x0];
	s28 =	smul.u32 $0x3000, s28;
	v20 =	vadd.f32 v32, v20;
	v26 =	vmul.f32 v29, v26  }
0x159: {  	s23 =	sadd.s32 $0x80, s23;
	v24 =	vadd.f32 v33, v24;
	v29 =	vmul.f32 v30, v21;
	v30 =	vld [tilespmem:s24+$0x7040]  }
0x15a: {  	s29 =	sand.u32 $0x380, s23;
	s28 =	sshra.s32 s28, $0x2;
	v25 =	vadd.f32 v26, v25;
	v26 =	vmul.f32 v31, v21;
	v31 =	vld [tilespmem:s24+$0x7050]  }
0x15b: {  	v22 =	vadd.f32 v29, v22;
	v27 =	vmul.f32 v27, v21;
	v29 =	vld [tilespmem:s24+$0x7060];
	s24 =	sor.u32 s29, s28  }
0x15c: {  	v32 =	vld [tilespmem:s24+$0x7070];
	v23 =	vadd.f32 v26, v23;
	v21 =	vmul.f32 v28, v21  }
0x15d: {  	v28 =	vmul.f32 v34, v18;
	v33 =	vld [tilespmem:s24+$0x6C00];
	v19 =	vadd.f32 v27, v19  }
0x15e: {  	v27 =	vld [tilespmem:s24+$0x6C10];
	v16 =	vadd.f32 v21, v16;
	v30 =	vmul.f32 v30, v8  }
0x15f: {  	v34 =	vperm.xlane v28, v3;
	v35 =	vld [tilespmem:s24+$0x6C20];
	v36 =	vperm.xlane v28, v6  }
0x160: {  	v26 =	vperm.xlane v28, v4;
	v21 =	vperm.xlane v28, v5;
	v37 =	vld [tilespmem:s24+$0x6C30];
	v11 =	vadd.f32 v30, v11  }
0x161: {  	v31 =	vmul.f32 v31, v8;
	v28 =	vld [tilespmem:s24+$0x6C40];
	v30 =	vmul.f32 v32, v36  }
0x162: {  	v38 =	vmul.f32 v29, v8;
	v8 =	vmov v36;
	v32 =	vmul.f32 v33, v34;
	v33 =	vld [tilespmem:s24+$0x6C50]  }
0x163: {  	v10 =	vadd.f32 v31, v10;
	v27 =	vmul.f32 v27, v34;
	v36 =	vld [tilespmem:s24+$0x6C60];
	v7 =	vadd.f32 v30, v7  }
.Ltmp5:
0x164: {  	v9 =	vadd.f32 v38, v9;
	v17 =	vadd.f32 v32, v17;
	v31 =	vmul.f32 v35, v34;
	v29 =	vld [tilespmem:s24+$0x6C70];
	(pc) =	sbr.rel @p0 .LBB2_13-.Ltmp5, $4  }
0x165: {  	v15 =	vadd.f32 v27, v15;
	v27 =	vmul.f32 v37, v34;
	v30 =	vld [tilespmem:s24+$0x7000]  }
0x166: {  	v14 =	vadd.f32 v31, v14;
	v28 =	vmul.f32 v28, v26;
	v31 =	vld [tilespmem:s24+$0x7010]  }
0x167: {  	v12 =	vadd.f32 v27, v12;
	v32 =	vmul.f32 v33, v26;
	v27 =	vld [tilespmem:s24+$0x7020]  }
0x168: {  	s26 =	sadd.s32 $0x10, s26;
	s28 =	sshrl.u32 s25, $0x3;
	s25 =	sadd.s32 $0x1, s25;
	v13 =	vadd.f32 v28, v13;
	v33 =	vmul.f32 v36, v26;
	v28 =	vld [tilespmem:s24+$0x7030]  }
0x169: {  	v34 =	vld [tilespmem:s26+$0x0];
	s25 =	smul.u32 $0x3000, s28  }
0x16a: {  	v35 =	vld [tilespmem:s24+$0x7040];
	s23 =	sadd.s32 $0x80, s23  }
0x16b: {  	v36 =	vld [tilespmem:s24+$0x7050];
	s23 =	sand.u32 $0x380, s23;
	s25 =	sshra.s32 s25, $0x2  }
0x16c: {  	v37 =	vld [tilespmem:s24+$0x7060];
	s23 =	sor.u32 s23, s25  }
0x16d: {  	v38 =	vld [tilespmem:s23+$0x7070]  }
0x16e: {  	v39 =	vld [tilespmem:s23+$0x6C00]  }
0x16f: {  	v40 =	vld [tilespmem:s23+$0x6C10]  }
0x170: {  	v41 =	vld [tilespmem:s23+$0x6C20]  }
0x171: {  	v42 =	vld [tilespmem:s23+$0x6C30]  }
0x172: {  	v43 =	vld [tilespmem:s23+$0x6C40]  }
0x173: {  	v44 =	vld [tilespmem:s23+$0x6C50]  }
0x174: {  	v45 =	vld [tilespmem:s23+$0x6C60];
	v18 =	vmul.f32 v34, v18  }
0x175: {  	v26 =	vmul.f32 v29, v26;
	v57 =	vld [tilespmem:s23+$0x6C70]  }
0x176: {  	v30 =	vmul.f32 v30, v21;
	v46 =	vld [tilespmem:s23+$0x7000];
	v58 =	vperm.xlane v18, v3  }
0x177: {  	v20 =	vadd.f32 v32, v20;
	v24 =	vadd.f32 v33, v24;
	v31 =	vmul.f32 v31, v21;
	v47 =	vld [tilespmem:s23+$0x7010]  }
0x178: {  	v25 =	vadd.f32 v26, v25;
	v22 =	vadd.f32 v30, v22;
	v32 =	vld [tilespmem:s23+$0x7020];
	v59 =	vmul.f32 v39, v58  }
0x179: {  	v27 =	vmul.f32 v27, v21;
	v33 =	vld [tilespmem:s23+$0x7030];
	v23 =	vadd.f32 v31, v23;
	v60 =	vmul.f32 v40, v58  }
0x17a: {  	v31 =	vld [tilespmem:s23+$0x7040];
	v61 =	vperm.xlane v18, v4;
	v62 =	vmul.f32 v41, v58;
	v17 =	vadd.f32 v59, v17  }
0x17b: {  	v63 =	vld [tilespmem:s23+$0x7050];
	v19 =	vadd.f32 v27, v19;
	v29 =	vmul.f32 v42, v58;
	v15 =	vadd.f32 v60, v15  }
0x17c: {  	v50 =	vperm.xlane v18, v5;
	v41 =	vld [tilespmem:s23+$0x7060];
	v48 =	vmul.f32 v43, v61;
	v14 =	vadd.f32 v62, v14;
	[tilespmem:$0xFF00] =	vst v17  }
0x17d: {  	v53 =	vmul.f32 v35, v8;
	v52 =	vmul.f32 v57, v61;
	v12 =	vadd.f32 v29, v12;
	[tilespmem:$0xFF10] =	vst v15  }
0x17e: {  	v55 =	vperm.xlane v18, v6;
	v54 =	vmul.f32 v46, v50;
	v13 =	vadd.f32 v48, v13;
	[tilespmem:$0xFF20] =	vst v14  }
0x17f: {  	v11 =	vadd.f32 v53, v11;
	v49 =	vmul.f32 v44, v61;
	v56 =	vadd.f32 v52, v25;
	[tilespmem:$0xFF30] =	vst v12  }
0x180: {  	v42 =	vmul.f32 v28, v21;
	v51 =	vmul.f32 v45, v61;
	v58 =	vadd.f32 v54, v22;
	[tilespmem:$0xFF40] =	vst v13  }
0x181: {  	v57 =	vmul.f32 v47, v50;
	v61 =	vmul.f32 v31, v55;
	v15 =	vadd.f32 v49, v20;
	[tilespmem:$0xFF70] =	vst v56  }
0x182: {  	v60 =	vmul.f32 v36, v8;
	v8 =	vmul.f32 v37, v8;
	v17 =	vadd.f32 v51, v24;
	[tilespmem:$0xFF80] =	vst v58  }
0x183: {  	v16 =	vadd.f32 v42, v16;
	v59 =	vmul.f32 v32, v50;
	v20 =	vadd.f32 v57, v23;
	[tilespmem:$0xFF50] =	vst v15  }
0x184: {  	v14 =	vmul.f32 v33, v50;
	v8 =	vadd.f32 v8, v9;
	v9 =	vadd.f32 v61, v11;
	[tilespmem:$0xFF60] =	vst v17  }
0x185: {  	v63 =	vmul.f32 v63, v55;
	v10 =	vadd.f32 v60, v10;
	v15 =	vadd.f32 v59, v19;
	[tilespmem:$0xFF90] =	vst v20  }
0x186: {  	v13 =	vmul.f32 v38, v55;
	v62 =	vadd.f32 v14, v16;
	[tilespmem:$0xFFC0] =	vst v9  }
0x187: {  	v11 =	vmul.f32 v41, v55;
	v10 =	vadd.f32 v63, v10;
	[tilespmem:$0xFFA0] =	vst v15  }
0x188: {  	s24 =	simm.s32 $0x0;
	v7 =	vadd.f32 v13, v7;
	[tilespmem:$0xFFB0] =	vst v62  }
0x189: {  	s23 =	smul.u32 $0x3000, s24;
	v8 =	vadd.f32 v11, v8;
	[tilespmem:$0xFFD0] =	vst v10  }
0x18a: {  	s25 =	simm.s32 $0x0;
	[tilespmem:$0xFFF0] =	vst v7  }
0x18b: {  	s24 =	sand.u32 $0x380, s25;
	s23 =	sshra.s32 s23, $0x2;
	[tilespmem:$0xFFE0] =	vst v8  }
0x18c: {  	s23 =	sor.u32 s24, s23;
	v7 =	vld [tilespmem:s22+$0x2820]  }
0x18d: {  	v8 =	vld [tilespmem:s23+$0xA400];
	_ =	sdelay $0x4  }
0x18e: {  	v8 =	vadd.f32 v8, v7  }
0x18f: {  	s26 =	simm.s32 $0x0  }
0x190: {  	s28 =	smul.u32 $0x3000, s26;
	v9 =	vmul.f32 $2.000000030e-01, v8  }
0x191: {  	s24 =	simm.s32 $0x80;
	vm2 =	vgt.f32 v8, $0.0e+00  }
0x192: {  	s25 =	sshra.s32 s28, $0x2;
	s29 =	sand.u32 $0x380, s24;
	s23 =	simm.s32 $0xFC00;
	v8 =	vsel vm2, v8, v9  }
0x193: {  	s25 =	sor.u32 s29, s25;
	[tilespmem:s23+$0x0] =	vst v8  }
0x194: {  	v9 =	vld [tilespmem:s25+$0xA400];
	_ =	sdelay $0x4  }
0x195: {  	v10 =	vimm.f32 $-3.000000010e+38;
	v9 =	vadd.f32 v9, v7  }
0x196: {  	s26 =	simm.s32 $0x0;
	v8 =	vmax.f32 v10, v8;
	s25 =	simm.s32 $0x3  }
.LBB2_15:
0x197: {  	p0 =	sne.s32 s25, $0x1F;
	s26 =	smul.u32 $0x3000, s26;
	v10 =	vmul.f32 $2.000000030e-01, v9  }
0x198: {  	vm2 =	vgt.f32 v9, $0.0e+00;
	s24 =	sadd.s32 $0x80, s24  }
0x199: {  	s23 =	sadd.s32 $0x10, s23;
	s28 =	sand.u32 $0x380, s24;
	s26 =	sshra.s32 s26, $0x2;
	v9 =	vsel vm2, v9, v10  }
0x19a: {  	s26 =	sor.u32 s28, s26;
	[tilespmem:s23+$0x0] =	vst v9;
	v8 =	vmax.f32 v8, v9  }
0x19b: {  	v9 =	vld [tilespmem:s26+$0xA400];
	_ =	sdelay $0x1  }
.Ltmp6:
0x19c: {  	(pc) =	sbr.rel @p0 .LBB2_15-.Ltmp6, $3  }
0x19d: {  	_ =	sdelay $0x1  }
0x19e: {  	v9 =	vadd.f32 v9, v7  }
0x19f: {  	s26 =	sshrl.u32 s25, $0x3;
	s25 =	sadd.s32 $0x1, s25  }
0x1a0: {  	s25 =	smul.u32 $0x3000, s26;
	v10 =	vmul.f32 $2.000000030e-01, v9  }
0x1a1: {  	vm2 =	vgt.f32 v9, $0.0e+00;
	s24 =	sadd.s32 $0x80, s24  }
0x1a2: {  	s23 =	sadd.s32 $0x10, s23;
	s24 =	sand.u32 $0x380, s24;
	s25 =	sshra.s32 s25, $0x2;
	v9 =	vsel vm2, v9, v10  }
0x1a3: {  	s24 =	sor.u32 s24, s25;
	[tilespmem:s23+$0x0] =	vst v9  }
0x1a4: {  	v10 =	vld [tilespmem:s24+$0xA400];
	_ =	sdelay $0x4  }
0x1a5: {  	v7 =	vadd.f32 v10, v7;
	_ =	sdelay $0x1  }
0x1a6: {  	v10 =	vmul.f32 $2.000000030e-01, v7  }
0x1a7: {  	vm2 =	vgt.f32 v7, $0.0e+00  }
0x1a8: {  	v8 =	vmax.f32 v8, v9;
	s23 =	sadd.s32 $0x10, s23;
	v7 =	vsel vm2, v7, v10  }
0x1a9: {  	s24 =	simm.s32 $0x40;
	[tilespmem:s23+$0x0] =	vst v7;
	v8 =	vmax.f32 v8, v7;
	v7 =	vimm.f32 $0.0e+00;
	s23 =	simm.s32 $0x0  }
.LBB2_17:
0x1aa: {  	p0 =	sne.s32 s24, $0x7C0;
	v9 =	vld [tilespmem:s23+$0xFC00];
	_ =	sdelay $0x4  }
0x1ab: {  	v9 =	vsub.f32 v9, v8;
	_ =	sdelay $0x1  }
0x1ac: {  	v9 =	vmul.f32 $1.442695020e+00, v9;
	_ =	sdelay $0x1  }
0x1ad: {  	(erf) = vpow2.f32 v9;
	_ =	sdelay $0x5  }
.Ltmp7:
0x1ae: {  	(pc) =	sbr.rel @p0 .LBB2_17-.Ltmp7, $3  }
0x1af: {  	_ =	sdelay $0x1  }
0x1b0: {  	v9 =	vpop (erf)  }
0x1b1: {  	[tilespmem:s23+$0xFC00] =	vst v9;
	s23 =	sshra.s32 s24, $0x2;
	s24 =	sadd.s32 $0x40, s24;
	v7 =	vadd.f32 v9, v7  }
0x1b2: {  	v9 =	vld [tilespmem:s23+$0xFC00];
	_ =	sdelay $0x4  }
0x1b3: {  	v8 =	vsub.f32 v9, v8;
	_ =	sdelay $0x1  }
0x1b4: {  	v8 =	vmul.f32 $1.442695020e+00, v8;
	_ =	sdelay $0x1  }
0x1b5: {  	(erf) = vpow2.f32 v8;
	_ =	sdelay $0x8  }
0x1b6: {  	v8 =	vpop (erf)  }
0x1b7: {  	v7 =	vadd.f32 v8, v7;
	_ =	sdelay $0x1  }
0x1b8: {  	v7 =	vadd.f32 $1.000000020e-16, v7;
	_ =	sdelay $0x1  }
0x1b9: {  	(erf) = vrcp.f32 v7;
	_ =	sdelay $0x1  }
0x1ba: {  	s24 =	simm.s32 $0x0  }
0x1bb: {  	s24 =	smul.u32 $0x3000, s24  }
0x1bc: {  	s25 =	simm.s32 $0xFC00;
	[tilespmem:s23+$0xFC00] =	vst v8;
	s23 =	simm.s32 $0x0  }
0x1bd: {  	s24 =	sshra.s32 s24, $0x2;
	s29 =	sand.u32 $0x380, s23;
	v7 =	vld [tilespmem:s25+$0x0]  }
0x1be: {  	s24 =	sor.u32 s29, s24  }
0x1bf: {  	v9 =	vld [tilespmem:s24+$0xA070]  }
0x1c0: {  	v10 =	vld [tilespmem:s24+$0x9C00]  }
0x1c1: {  	v11 =	vld [tilespmem:s24+$0x9C10];
	v18 =	vpop (erf)  }
0x1c2: {  	v13 =	vld [tilespmem:s24+$0x9C20];
	v12 =	vmul.f32 v7, v18  }
0x1c3: {  	v14 =	vld [tilespmem:s24+$0x9C30]  }
0x1c4: {  	v19 =	vld [tilespmem:s24+$0x9C50];
	v8 =	vperm.xlane v12, v6  }
0x1c5: {  	v20 =	vimm.f32 $0.0e+00;
	v16 =	vld [tilespmem:s24+$0x9C40];
	v15 =	vperm.xlane v12, v3;
	v26 =	vperm.xlane v12, v4  }
0x1c6: {  	v24 =	vimm.f32 $0.0e+00;
	v21 =	vperm.xlane v12, v5;
	v7 =	vmul.f32 v9, v8  }
0x1c7: {  	v25 =	vimm.f32 $0.0e+00;
	v10 =	vmul.f32 v10, v15;
	v11 =	vmul.f32 v11, v15  }
0x1c8: {  	v23 =	vimm.f32 $0.0e+00;
	v9 =	vld [tilespmem:s24+$0x9C60];
	v13 =	vmul.f32 v13, v15;
	v22 =	vmul.f32 v14, v15  }
0x1c9: {  	v29 =	vld [tilespmem:s24+$0x9C70];
	v32 =	vmul.f32 v19, v26;
	v19 =	vimm.f32 $0.0e+00;
	v7 =	vadd.f32 v7, v20  }
0x1ca: {  	v30 =	vld [tilespmem:s24+$0xA000];
	v17 =	vadd.f32 v10, v20;
	v15 =	vadd.f32 v11, v20;
	v10 =	vmul.f32 v16, v26  }
0x1cb: {  	v31 =	vld [tilespmem:s24+$0xA010];
	v14 =	vadd.f32 v13, v20;
	v12 =	vadd.f32 v22, v20;
	v22 =	vimm.f32 $0.0e+00  }
0x1cc: {  	v27 =	vld [tilespmem:s24+$0xA020];
	v16 =	vimm.f32 $0.0e+00;
	v11 =	vimm.f32 $0.0e+00;
	v13 =	vadd.f32 v10, v20  }
0x1cd: {  	s28 =	simm.s32 $0x0;
	s26 =	simm.s32 $0xFC10;
	v28 =	vld [tilespmem:s24+$0xA030];
	s25 =	simm.s32 $0x2;
	v10 =	vimm.f32 $0.0e+00;
	v33 =	vmul.f32 v9, v26;
	v9 =	vimm.f32 $0.0e+00  }
.LBB2_19:
0x1ce: {  	p0 =	sne.s32 s25, $0x1F;
	v34 =	vld [tilespmem:s26+$0x0];
	s28 =	smul.u32 $0x3000, s28;
	v20 =	vadd.f32 v32, v20;
	v26 =	vmul.f32 v29, v26  }
0x1cf: {  	s23 =	sadd.s32 $0x80, s23;
	v24 =	vadd.f32 v33, v24;
	v29 =	vmul.f32 v30, v21;
	v30 =	vld [tilespmem:s24+$0xA040]  }
0x1d0: {  	s29 =	sand.u32 $0x380, s23;
	s28 =	sshra.s32 s28, $0x2;
	v25 =	vadd.f32 v26, v25;
	v26 =	vmul.f32 v31, v21;
	v31 =	vld [tilespmem:s24+$0xA050]  }
0x1d1: {  	v22 =	vadd.f32 v29, v22;
	v27 =	vmul.f32 v27, v21;
	v29 =	vld [tilespmem:s24+$0xA060];
	s24 =	sor.u32 s29, s28  }
0x1d2: {  	v32 =	vld [tilespmem:s24+$0xA070];
	v23 =	vadd.f32 v26, v23;
	v21 =	vmul.f32 v28, v21  }
0x1d3: {  	v28 =	vmul.f32 v34, v18;
	v33 =	vld [tilespmem:s24+$0x9C00];
	v19 =	vadd.f32 v27, v19  }
0x1d4: {  	v27 =	vld [tilespmem:s24+$0x9C10];
	v16 =	vadd.f32 v21, v16;
	v30 =	vmul.f32 v30, v8  }
0x1d5: {  	v34 =	vperm.xlane v28, v3;
	v35 =	vld [tilespmem:s24+$0x9C20];
	v36 =	vperm.xlane v28, v6  }
0x1d6: {  	v26 =	vperm.xlane v28, v4;
	v21 =	vperm.xlane v28, v5;
	v37 =	vld [tilespmem:s24+$0x9C30];
	v11 =	vadd.f32 v30, v11  }
0x1d7: {  	v31 =	vmul.f32 v31, v8;
	v28 =	vld [tilespmem:s24+$0x9C40];
	v30 =	vmul.f32 v32, v36  }
0x1d8: {  	v38 =	vmul.f32 v29, v8;
	v8 =	vmov v36;
	v32 =	vmul.f32 v33, v34;
	v33 =	vld [tilespmem:s24+$0x9C50]  }
0x1d9: {  	v10 =	vadd.f32 v31, v10;
	v27 =	vmul.f32 v27, v34;
	v36 =	vld [tilespmem:s24+$0x9C60];
	v7 =	vadd.f32 v30, v7  }
.Ltmp8:
0x1da: {  	v9 =	vadd.f32 v38, v9;
	v17 =	vadd.f32 v32, v17;
	v31 =	vmul.f32 v35, v34;
	v29 =	vld [tilespmem:s24+$0x9C70];
	(pc) =	sbr.rel @p0 .LBB2_19-.Ltmp8, $4  }
0x1db: {  	v15 =	vadd.f32 v27, v15;
	v27 =	vmul.f32 v37, v34;
	v30 =	vld [tilespmem:s24+$0xA000]  }
0x1dc: {  	v14 =	vadd.f32 v31, v14;
	v28 =	vmul.f32 v28, v26;
	v31 =	vld [tilespmem:s24+$0xA010]  }
0x1dd: {  	v12 =	vadd.f32 v27, v12;
	v32 =	vmul.f32 v33, v26;
	v27 =	vld [tilespmem:s24+$0xA020]  }
0x1de: {  	s26 =	sadd.s32 $0x10, s26;
	s28 =	sshrl.u32 s25, $0x3;
	s25 =	sadd.s32 $0x1, s25;
	v13 =	vadd.f32 v28, v13;
	v33 =	vmul.f32 v36, v26;
	v28 =	vld [tilespmem:s24+$0xA030]  }
0x1df: {  	v34 =	vld [tilespmem:s26+$0x0];
	s25 =	smul.u32 $0x3000, s28  }
0x1e0: {  	v35 =	vld [tilespmem:s24+$0xA040];
	s23 =	sadd.s32 $0x80, s23  }
0x1e1: {  	v36 =	vld [tilespmem:s24+$0xA050];
	s23 =	sand.u32 $0x380, s23;
	s25 =	sshra.s32 s25, $0x2  }
0x1e2: {  	v37 =	vld [tilespmem:s24+$0xA060];
	s23 =	sor.u32 s23, s25  }
0x1e3: {  	v38 =	vld [tilespmem:s23+$0xA070]  }
0x1e4: {  	v39 =	vld [tilespmem:s23+$0x9C00]  }
0x1e5: {  	v40 =	vld [tilespmem:s23+$0x9C10]  }
0x1e6: {  	v41 =	vld [tilespmem:s23+$0x9C20]  }
0x1e7: {  	v42 =	vld [tilespmem:s23+$0x9C30]  }
0x1e8: {  	v43 =	vld [tilespmem:s23+$0x9C40]  }
0x1e9: {  	v44 =	vld [tilespmem:s23+$0x9C50]  }
0x1ea: {  	v45 =	vld [tilespmem:s23+$0x9C60];
	v18 =	vmul.f32 v34, v18  }
0x1eb: {  	v26 =	vmul.f32 v29, v26;
	v57 =	vld [tilespmem:s23+$0x9C70]  }
0x1ec: {  	v30 =	vmul.f32 v30, v21;
	v46 =	vld [tilespmem:s23+$0xA000];
	v58 =	vperm.xlane v18, v3  }
0x1ed: {  	v20 =	vadd.f32 v32, v20;
	v24 =	vadd.f32 v33, v24;
	v31 =	vmul.f32 v31, v21;
	v47 =	vld [tilespmem:s23+$0xA010]  }
0x1ee: {  	v25 =	vadd.f32 v26, v25;
	v22 =	vadd.f32 v30, v22;
	v32 =	vld [tilespmem:s23+$0xA020];
	v59 =	vmul.f32 v39, v58  }
0x1ef: {  	v27 =	vmul.f32 v27, v21;
	v33 =	vld [tilespmem:s23+$0xA030];
	v23 =	vadd.f32 v31, v23;
	v60 =	vmul.f32 v40, v58  }
0x1f0: {  	v31 =	vld [tilespmem:s23+$0xA040];
	v61 =	vperm.xlane v18, v4;
	v62 =	vmul.f32 v41, v58;
	v17 =	vadd.f32 v59, v17  }
0x1f1: {  	v63 =	vld [tilespmem:s23+$0xA050];
	v19 =	vadd.f32 v27, v19;
	v29 =	vmul.f32 v42, v58;
	v15 =	vadd.f32 v60, v15  }
0x1f2: {  	v50 =	vperm.xlane v18, v5;
	v41 =	vld [tilespmem:s23+$0xA060];
	v48 =	vmul.f32 v43, v61;
	v14 =	vadd.f32 v62, v14;
	[tilespmem:$0x10000] =	vst v17  }
0x1f3: {  	v53 =	vmul.f32 v35, v8;
	v52 =	vmul.f32 v57, v61;
	v12 =	vadd.f32 v29, v12;
	[tilespmem:$0x10010] =	vst v15  }
0x1f4: {  	v55 =	vperm.xlane v18, v6;
	v54 =	vmul.f32 v46, v50;
	v13 =	vadd.f32 v48, v13;
	[tilespmem:$0x10020] =	vst v14  }
0x1f5: {  	v11 =	vadd.f32 v53, v11;
	v49 =	vmul.f32 v44, v61;
	v56 =	vadd.f32 v52, v25;
	[tilespmem:$0x10030] =	vst v12  }
0x1f6: {  	v42 =	vmul.f32 v28, v21;
	v51 =	vmul.f32 v45, v61;
	v58 =	vadd.f32 v54, v22;
	[tilespmem:$0x10040] =	vst v13  }
0x1f7: {  	v57 =	vmul.f32 v47, v50;
	v61 =	vmul.f32 v31, v55;
	v15 =	vadd.f32 v49, v20;
	[tilespmem:$0x10070] =	vst v56  }
0x1f8: {  	v60 =	vmul.f32 v36, v8;
	v8 =	vmul.f32 v37, v8;
	v17 =	vadd.f32 v51, v24;
	[tilespmem:$0x10080] =	vst v58  }
0x1f9: {  	v16 =	vadd.f32 v42, v16;
	v59 =	vmul.f32 v32, v50;
	v20 =	vadd.f32 v57, v23;
	[tilespmem:$0x10050] =	vst v15  }
0x1fa: {  	v14 =	vmul.f32 v33, v50;
	v8 =	vadd.f32 v8, v9;
	v9 =	vadd.f32 v61, v11;
	[tilespmem:$0x10060] =	vst v17  }
0x1fb: {  	v63 =	vmul.f32 v63, v55;
	v10 =	vadd.f32 v60, v10;
	v15 =	vadd.f32 v59, v19;
	[tilespmem:$0x10090] =	vst v20  }
0x1fc: {  	v13 =	vmul.f32 v38, v55;
	v62 =	vadd.f32 v14, v16;
	[tilespmem:$0x100C0] =	vst v9  }
0x1fd: {  	v11 =	vmul.f32 v41, v55;
	v10 =	vadd.f32 v63, v10;
	[tilespmem:$0x100A0] =	vst v15  }
0x1fe: {  	s28 =	simm.s32 $0x0;
	v7 =	vadd.f32 v13, v7;
	[tilespmem:$0x100B0] =	vst v62  }
0x1ff: {  	s23 =	smul.u32 $0x3000, s28;
	v8 =	vadd.f32 v11, v8;
	[tilespmem:$0x100D0] =	vst v10  }
0x200: {  	s29 =	simm.s32 $0x0;
	[tilespmem:$0x100F0] =	vst v7  }
0x201: {  	s24 =	sand.u32 $0x380, s29;
	s23 =	sshra.s32 s23, $0x2;
	[tilespmem:$0x100E0] =	vst v8  }
0x202: {  	s25 =	sor.u32 s24, s23;
	v7 =	vld [tilespmem:s22+$0x2830]  }
0x203: {  	v8 =	vld [tilespmem:s25+$0xD400];
	_ =	sdelay $0x4  }
0x204: {  	v8 =	vadd.f32 v8, v7  }
0x205: {  	s26 =	simm.s32 $0x0  }
0x206: {  	s28 =	smul.u32 $0x3000, s26;
	v9 =	vmul.f32 $2.000000030e-01, v8  }
0x207: {  	s23 =	simm.s32 $0x80;
	vm2 =	vgt.f32 v8, $0.0e+00  }
0x208: {  	s24 =	sshra.s32 s28, $0x2;
	s29 =	sand.u32 $0x380, s23;
	s22 =	simm.s32 $0xFC00;
	v8 =	vsel vm2, v8, v9  }
0x209: {  	s24 =	sor.u32 s29, s24;
	[tilespmem:s22+$0x0] =	vst v8  }
0x20a: {  	v9 =	vld [tilespmem:s24+$0xD400];
	_ =	sdelay $0x4  }
0x20b: {  	v10 =	vimm.f32 $-3.000000010e+38;
	v9 =	vadd.f32 v9, v7  }
0x20c: {  	s25 =	simm.s32 $0x0;
	v8 =	vmax.f32 v10, v8;
	s24 =	simm.s32 $0x3  }
.LBB2_21:
0x20d: {  	p0 =	sne.s32 s24, $0x1F;
	s25 =	smul.u32 $0x3000, s25;
	v10 =	vmul.f32 $2.000000030e-01, v9  }
0x20e: {  	vm2 =	vgt.f32 v9, $0.0e+00;
	s23 =	sadd.s32 $0x80, s23  }
0x20f: {  	s22 =	sadd.s32 $0x10, s22;
	s26 =	sand.u32 $0x380, s23;
	s25 =	sshra.s32 s25, $0x2;
	v9 =	vsel vm2, v9, v10  }
0x210: {  	s25 =	sor.u32 s26, s25;
	[tilespmem:s22+$0x0] =	vst v9;
	v8 =	vmax.f32 v8, v9  }
0x211: {  	v9 =	vld [tilespmem:s25+$0xD400];
	_ =	sdelay $0x1  }
.Ltmp9:
0x212: {  	(pc) =	sbr.rel @p0 .LBB2_21-.Ltmp9, $3  }
0x213: {  	_ =	sdelay $0x1  }
0x214: {  	v9 =	vadd.f32 v9, v7  }
0x215: {  	s25 =	sshrl.u32 s24, $0x3;
	s24 =	sadd.s32 $0x1, s24  }
0x216: {  	s24 =	smul.u32 $0x3000, s25;
	v10 =	vmul.f32 $2.000000030e-01, v9  }
0x217: {  	vm2 =	vgt.f32 v9, $0.0e+00;
	s23 =	sadd.s32 $0x80, s23  }
0x218: {  	s22 =	sadd.s32 $0x10, s22;
	s23 =	sand.u32 $0x380, s23;
	s24 =	sshra.s32 s24, $0x2;
	v9 =	vsel vm2, v9, v10  }
0x219: {  	s23 =	sor.u32 s23, s24;
	[tilespmem:s22+$0x0] =	vst v9  }
0x21a: {  	v10 =	vld [tilespmem:s23+$0xD400];
	_ =	sdelay $0x4  }
0x21b: {  	v7 =	vadd.f32 v10, v7;
	_ =	sdelay $0x1  }
0x21c: {  	v10 =	vmul.f32 $2.000000030e-01, v7  }
0x21d: {  	vm2 =	vgt.f32 v7, $0.0e+00  }
0x21e: {  	v8 =	vmax.f32 v8, v9;
	s22 =	sadd.s32 $0x10, s22;
	v7 =	vsel vm2, v7, v10  }
0x21f: {  	s23 =	simm.s32 $0x40;
	[tilespmem:s22+$0x0] =	vst v7;
	v8 =	vmax.f32 v8, v7;
	v7 =	vimm.f32 $0.0e+00;
	s22 =	simm.s32 $0x0  }
.LBB2_23:
0x220: {  	p0 =	sne.s32 s23, $0x7C0;
	v9 =	vld [tilespmem:s22+$0xFC00];
	_ =	sdelay $0x4  }
0x221: {  	v9 =	vsub.f32 v9, v8;
	_ =	sdelay $0x1  }
0x222: {  	v9 =	vmul.f32 $1.442695020e+00, v9;
	_ =	sdelay $0x1  }
0x223: {  	(erf) = vpow2.f32 v9;
	_ =	sdelay $0x5  }
.Ltmp10:
0x224: {  	(pc) =	sbr.rel @p0 .LBB2_23-.Ltmp10, $3  }
0x225: {  	_ =	sdelay $0x1  }
0x226: {  	v9 =	vpop (erf)  }
0x227: {  	[tilespmem:s22+$0xFC00] =	vst v9;
	s22 =	sshra.s32 s23, $0x2;
	s23 =	sadd.s32 $0x40, s23;
	v7 =	vadd.f32 v9, v7  }
0x228: {  	v9 =	vld [tilespmem:s22+$0xFC00];
	_ =	sdelay $0x4  }
0x229: {  	v8 =	vsub.f32 v9, v8;
	_ =	sdelay $0x1  }
0x22a: {  	v8 =	vmul.f32 $1.442695020e+00, v8;
	_ =	sdelay $0x1  }
0x22b: {  	(erf) = vpow2.f32 v8;
	_ =	sdelay $0x8  }
0x22c: {  	v8 =	vpop (erf)  }
0x22d: {  	v7 =	vadd.f32 v8, v7;
	_ =	sdelay $0x1  }
0x22e: {  	v7 =	vadd.f32 $1.000000020e-16, v7;
	_ =	sdelay $0x1  }
0x22f: {  	(erf) = vrcp.f32 v7;
	_ =	sdelay $0x1  }
0x230: {  	s23 =	simm.s32 $0x0  }
0x231: {  	s23 =	smul.u32 $0x3000, s23  }
0x232: {  	s24 =	simm.s32 $0xFC00;
	[tilespmem:s22+$0xFC00] =	vst v8;
	s22 =	simm.s32 $0x0  }
0x233: {  	s23 =	sshra.s32 s23, $0x2;
	s29 =	sand.u32 $0x380, s22;
	v7 =	vld [tilespmem:s24+$0x0]  }
0x234: {  	s23 =	sor.u32 s29, s23  }
0x235: {  	v9 =	vld [tilespmem:s23+$0xD070]  }
0x236: {  	v10 =	vld [tilespmem:s23+$0xCC00]  }
0x237: {  	v11 =	vld [tilespmem:s23+$0xCC10];
	v18 =	vpop (erf)  }
0x238: {  	v13 =	vld [tilespmem:s23+$0xCC20];
	v12 =	vmul.f32 v7, v18  }
0x239: {  	v14 =	vld [tilespmem:s23+$0xCC30]  }
0x23a: {  	v19 =	vld [tilespmem:s23+$0xCC50];
	v8 =	vperm.xlane v12, v6  }
0x23b: {  	v20 =	vimm.f32 $0.0e+00;
	v16 =	vld [tilespmem:s23+$0xCC40];
	v15 =	vperm.xlane v12, v3;
	v26 =	vperm.xlane v12, v4  }
0x23c: {  	v24 =	vimm.f32 $0.0e+00;
	v21 =	vperm.xlane v12, v5;
	v7 =	vmul.f32 v9, v8  }
0x23d: {  	v25 =	vimm.f32 $0.0e+00;
	v10 =	vmul.f32 v10, v15;
	v11 =	vmul.f32 v11, v15  }
0x23e: {  	v23 =	vimm.f32 $0.0e+00;
	v9 =	vld [tilespmem:s23+$0xCC60];
	v13 =	vmul.f32 v13, v15;
	v22 =	vmul.f32 v14, v15  }
0x23f: {  	v29 =	vld [tilespmem:s23+$0xCC70];
	v32 =	vmul.f32 v19, v26;
	v19 =	vimm.f32 $0.0e+00;
	v7 =	vadd.f32 v7, v20  }
0x240: {  	v30 =	vld [tilespmem:s23+$0xD000];
	v17 =	vadd.f32 v10, v20;
	v15 =	vadd.f32 v11, v20;
	v10 =	vmul.f32 v16, v26  }
0x241: {  	v31 =	vld [tilespmem:s23+$0xD010];
	v14 =	vadd.f32 v13, v20;
	v12 =	vadd.f32 v22, v20;
	v22 =	vimm.f32 $0.0e+00  }
0x242: {  	v27 =	vld [tilespmem:s23+$0xD020];
	v16 =	vimm.f32 $0.0e+00;
	v11 =	vimm.f32 $0.0e+00;
	v13 =	vadd.f32 v10, v20  }
0x243: {  	s26 =	simm.s32 $0x0;
	s25 =	simm.s32 $0xFC10;
	v28 =	vld [tilespmem:s23+$0xD030];
	s24 =	simm.s32 $0x2;
	v10 =	vimm.f32 $0.0e+00;
	v33 =	vmul.f32 v9, v26;
	v9 =	vimm.f32 $0.0e+00  }
.LBB2_25:
0x244: {  	p0 =	sne.s32 s24, $0x1F;
	v34 =	vld [tilespmem:s25+$0x0];
	s26 =	smul.u32 $0x3000, s26;
	v20 =	vadd.f32 v32, v20;
	v26 =	vmul.f32 v29, v26  }
0x245: {  	s22 =	sadd.s32 $0x80, s22;
	v24 =	vadd.f32 v33, v24;
	v29 =	vmul.f32 v30, v21;
	v30 =	vld [tilespmem:s23+$0xD040]  }
0x246: {  	s28 =	sand.u32 $0x380, s22;
	s26 =	sshra.s32 s26, $0x2;
	v25 =	vadd.f32 v26, v25;
	v26 =	vmul.f32 v31, v21;
	v31 =	vld [tilespmem:s23+$0xD050]  }
0x247: {  	v22 =	vadd.f32 v29, v22;
	v27 =	vmul.f32 v27, v21;
	v29 =	vld [tilespmem:s23+$0xD060];
	s23 =	sor.u32 s28, s26  }
0x248: {  	v32 =	vld [tilespmem:s23+$0xD070];
	v23 =	vadd.f32 v26, v23;
	v21 =	vmul.f32 v28, v21  }
0x249: {  	v28 =	vmul.f32 v34, v18;
	v33 =	vld [tilespmem:s23+$0xCC00];
	v19 =	vadd.f32 v27, v19  }
0x24a: {  	v27 =	vld [tilespmem:s23+$0xCC10];
	v16 =	vadd.f32 v21, v16;
	v30 =	vmul.f32 v30, v8  }
0x24b: {  	v34 =	vperm.xlane v28, v3;
	v35 =	vld [tilespmem:s23+$0xCC20];
	v36 =	vperm.xlane v28, v6  }
0x24c: {  	v26 =	vperm.xlane v28, v4;
	v21 =	vperm.xlane v28, v5;
	v37 =	vld [tilespmem:s23+$0xCC30];
	v11 =	vadd.f32 v30, v11  }
0x24d: {  	v31 =	vmul.f32 v31, v8;
	v28 =	vld [tilespmem:s23+$0xCC40];
	v30 =	vmul.f32 v32, v36  }
0x24e: {  	v38 =	vmul.f32 v29, v8;
	v8 =	vmov v36;
	v32 =	vmul.f32 v33, v34;
	v33 =	vld [tilespmem:s23+$0xCC50]  }
0x24f: {  	v10 =	vadd.f32 v31, v10;
	v27 =	vmul.f32 v27, v34;
	v36 =	vld [tilespmem:s23+$0xCC60];
	v7 =	vadd.f32 v30, v7  }
.Ltmp11:
0x250: {  	v9 =	vadd.f32 v38, v9;
	v17 =	vadd.f32 v32, v17;
	v31 =	vmul.f32 v35, v34;
	v29 =	vld [tilespmem:s23+$0xCC70];
	(pc) =	sbr.rel @p0 .LBB2_25-.Ltmp11, $4  }
0x251: {  	v15 =	vadd.f32 v27, v15;
	v27 =	vmul.f32 v37, v34;
	v30 =	vld [tilespmem:s23+$0xD000]  }
0x252: {  	v14 =	vadd.f32 v31, v14;
	v28 =	vmul.f32 v28, v26;
	v31 =	vld [tilespmem:s23+$0xD010]  }
0x253: {  	v12 =	vadd.f32 v27, v12;
	v32 =	vmul.f32 v33, v26;
	v27 =	vld [tilespmem:s23+$0xD020]  }
0x254: {  	s25 =	sadd.s32 $0x10, s25;
	s26 =	sshrl.u32 s24, $0x3;
	s24 =	sadd.s32 $0x1, s24;
	v13 =	vadd.f32 v28, v13;
	v33 =	vmul.f32 v36, v26;
	v28 =	vld [tilespmem:s23+$0xD030]  }
0x255: {  	v34 =	vld [tilespmem:s25+$0x0];
	s24 =	smul.u32 $0x3000, s26  }
0x256: {  	v35 =	vld [tilespmem:s23+$0xD040];
	s22 =	sadd.s32 $0x80, s22  }
0x257: {  	v36 =	vld [tilespmem:s23+$0xD050];
	s22 =	sand.u32 $0x380, s22;
	s24 =	sshra.s32 s24, $0x2  }
0x258: {  	v37 =	vld [tilespmem:s23+$0xD060];
	s22 =	sor.u32 s22, s24  }
0x259: {  	v38 =	vld [tilespmem:s22+$0xD070]  }
0x25a: {  	v39 =	vld [tilespmem:s22+$0xCC00]  }
0x25b: {  	v40 =	vld [tilespmem:s22+$0xCC10]  }
0x25c: {  	v41 =	vld [tilespmem:s22+$0xCC20]  }
0x25d: {  	v42 =	vld [tilespmem:s22+$0xCC30]  }
0x25e: {  	v43 =	vld [tilespmem:s22+$0xCC40]  }
0x25f: {  	v44 =	vld [tilespmem:s22+$0xCC50]  }
0x260: {  	v45 =	vld [tilespmem:s22+$0xCC60];
	v18 =	vmul.f32 v34, v18  }
0x261: {  	v55 =	vld [tilespmem:s22+$0xCC70]  }
0x262: {  	v26 =	vmul.f32 v29, v26;
	v46 =	vld [tilespmem:s22+$0xD000];
	v56 =	vperm.xlane v18, v3  }
0x263: {  	v20 =	vadd.f32 v32, v20;
	v30 =	vmul.f32 v30, v21;
	v24 =	vadd.f32 v33, v24;
	v47 =	vld [tilespmem:s22+$0xD010]  }
0x264: {  	v31 =	vmul.f32 v31, v21;
	v25 =	vadd.f32 v26, v25;
	v57 =	vld [tilespmem:s22+$0xD020];
	v58 =	vmul.f32 v39, v56  }
0x265: {  	v22 =	vadd.f32 v30, v22;
	v27 =	vmul.f32 v27, v21;
	v33 =	vld [tilespmem:s22+$0xD030];
	v59 =	vmul.f32 v40, v56  }
0x266: {  	v60 =	vld [tilespmem:s22+$0xD040];
	v61 =	vperm.xlane v18, v4;
	v62 =	vmul.f32 v41, v56;
	v17 =	vadd.f32 v58, v17  }
0x267: {  	v23 =	vadd.f32 v31, v23;
	v63 =	vld [tilespmem:s22+$0xD050];
	v29 =	vmul.f32 v42, v56;
	v15 =	vadd.f32 v59, v15  }
0x268: {  	v48 =	vperm.xlane v18, v5;
	v41 =	vld [tilespmem:s22+$0xD060];
	v43 =	vmul.f32 v43, v61;
	v14 =	vadd.f32 v62, v14;
	[tilespmem:$0x10100] =	vst v17  }
0x269: {  	v19 =	vadd.f32 v27, v19;
	v50 =	vmul.f32 v55, v61;
	v12 =	vadd.f32 v29, v12;
	[tilespmem:$0x10110] =	vst v15  }
0x26a: {  	v51 =	vmul.f32 v35, v8;
	v52 =	vmul.f32 v46, v48;
	v13 =	vadd.f32 v43, v13;
	[tilespmem:$0x10120] =	vst v14  }
0x26b: {  	v53 =	vperm.xlane v18, v6;
	v44 =	vmul.f32 v44, v61;
	v54 =	vadd.f32 v50, v25;
	[tilespmem:$0x10130] =	vst v12  }
0x26c: {  	v11 =	vadd.f32 v51, v11;
	v49 =	vmul.f32 v45, v61;
	v56 =	vadd.f32 v52, v22;
	[tilespmem:$0x10140] =	vst v13  }
0x26d: {  	v42 =	vmul.f32 v28, v21;
	v55 =	vmul.f32 v47, v48;
	v15 =	vadd.f32 v44, v20;
	[tilespmem:$0x10170] =	vst v54  }
0x26e: {  	v57 =	vmul.f32 v57, v48;
	v59 =	vmul.f32 v60, v53;
	v17 =	vadd.f32 v49, v24;
	[tilespmem:$0x10180] =	vst v56  }
0x26f: {  	v61 =	vmul.f32 v63, v53;
	v58 =	vmul.f32 v36, v8;
	v20 =	vadd.f32 v55, v23;
	[tilespmem:$0x10150] =	vst v15  }
0x270: {  	v16 =	vadd.f32 v42, v16;
	v14 =	vmul.f32 v33, v48;
	v62 =	vadd.f32 v59, v11;
	[tilespmem:$0x10160] =	vst v17  }
0x271: {  	v8 =	vmul.f32 v37, v8;
	v10 =	vadd.f32 v58, v10;
	v15 =	vadd.f32 v57, v19;
	[tilespmem:$0x10190] =	vst v20  }
0x272: {  	v13 =	vmul.f32 v38, v53;
	v60 =	vadd.f32 v14, v16;
	[tilespmem:$0x101C0] =	vst v62  }
0x273: {  	v8 =	vadd.f32 v8, v9;
	v63 =	vmul.f32 v41, v53;
	v10 =	vadd.f32 v61, v10;
	[tilespmem:$0x101A0] =	vst v15  }
0x274: {  	s29 =	sshll.u32 s21, $0xA;
	v7 =	vadd.f32 v13, v7;
	[tilespmem:$0x101B0] =	vst v60  }
0x275: {  	s21 =	sadd.s32 $0x1, s21;
	s22 =	sadd.s32 s8, s29;
	v8 =	vadd.f32 v63, v8;
	[tilespmem:$0x101D0] =	vst v10  }
0x276: {  	p0 =	sne.s32 s21, $0x50;
	s22 =	sshrl.u32 s22, $0x3;
	[tilespmem:$0x101F0] =	vst v7  }
.Ltmp12:
0x277: {  	s22 =	sadd.s32 s4, s22;
	[tilespmem:$0x101E0] =	vst v8;
	(pc) =	sbr.rel @p0 .LBB2_2-.Ltmp12, $4  }
0x278: {  	[hbm4b:s22+s2] =	stream.linear.scatter [tilespmem:s20], [sflag:$0x2], $0x400, $0x38;
	[tilespmem:$0x10200] =	vst v63  }
0x279: {  	_ =	swait.ge [sflag:s10], $0x400  }
0x27a: {  	[sflag:s10] =	ssyncset.done $0x0  }
0x27b: {  	[sflag:s10] =	ssyncadd.s32 $0xFFFFFC00  }
0x27c: {  	s22 =	rddreg [dreg:$0x5]  }
0x27d: {  	s21 =	rddreg [dreg:$0x4];
	s22 =	sadd.s32 $0x1, s22  }
0x27e: {  	p0 =	sne.s32 s22, s21  }
.Ltmp13:
0x27f: {  	_ = 	snop;
	(pc) =	sbr.rel @p0 .LBB2_1-.Ltmp13, $1  }
0x280: {  	_ =	sdelay $0x3  }
0x281: {  	_ =	sfence.sel $0x180000  }
0x282: {  	[bflag:$0x0] =	sbarrier.arrive $0xFFFF  }
0x283: {  	_ =	strace $0x90000047  }
0x284: {  	s0 =	stileid.u32;
	[bflag:$0x2] =	sbarrier.arrive $0xFFFF  }
0x285: {  	p0 =	sne.s32 s0, $0x0;
	s0 =	rddreg [dreg:$0x1]  }
0x286: {  	s0 =	sadd.s32 @!p0 $0x100000, s0  }
0x287: {  	[sflag:s0] =	ssyncadd.tile.s32 @!p0 $0x1;
	_ =	shalt  }
.Lfunc_end2:
_tile_overlayer_lowered:
.L_overlay_start_2:
0x288: {  	(tag) =	ssettag $0x2  }
0x289: {  	s0 =	rddreg [dreg:$0x0];
	s2 =	stileid.u32  }
0x28a: {  	s1 =	rddreg [dreg:$0x1];
	p0 =	sne.s32 s2, $0x0  }
0x28b: {  	s3 =	rddreg [dreg:$0x2];
	[bflag:$0x3] =	sbarrier.arrive $0xFFFF;
	s2 =	simm.s32 @!p0 $0x1C02  }
0x28c: {  	[timem:s3], [sflag:s2] =	dma.local @!p0 [hbm:s0], s1  }
0x28d: {  	s0 =	simm.s32 @!p0 $0x2  }
0x28e: {  	_ =	swait.ge @!p0 [sflag:s0], s1  }
0x28f: {  	s1 =	ssub.s32 @!p0 $0x0, s1;
	[sflag:s0] =	ssyncset.done @!p0 $0x0  }
0x290: {  	[sflag:s0] =	ssyncadd.s32 @!p0 s1  }
0x291: {  	[bflag:$0x3] =	sbarrier.arrive $0xFFFF  }
0x292: {  	_ =	shalt  }

// kernel: kernel.9.cloned.1.call-start
scs
__scs_entry_jumppad:
0x0: {  	(pc) =	sbr.rel $0x88, $3  }
0x1: {  	(tag) =	ssettag $0x0;
	lr =	simm.s32 $0x1  }
0x2: {  	[smem:$0x3F94] =	sst lr;
	_ =	strace $0xD0000000  }
0x3: {  	_ = 	snop  }
0x4: {  	_ = 	snop  }
0x5: {  	_ = 	snop  }
0x6: {  	_ = 	snop  }
0x7: {  	_ = 	snop  }
__scs_overlays_trampoline_lowered:
0x8: {  	[smem:$0x3FA3] =	sst s0  }
0x9: {  	[smem:$0x3FA4] =	sst s1  }
0xa: {  	[smem:$0x3FA5] =	sst s2  }
0xb: {  	[smem:$0x3FA6] =	sst s3  }
0xc: {  	[smem:$0x3FA7] =	sst s4  }
0xd: {  	[smem:$0x3FA8] =	sst s5  }
0xe: {  	[smem:$0x3FA9] =	sst s6  }
0xf: {  	[smem:$0x3FAA] =	sst s7  }
0x10: {  	[smem:$0x3FAB] =	sst s8  }
0x11: {  	[smem:$0x3FAC] =	sst s9;
	s0 =	simm.s32 @!p0 $0x0  }
0x12: {  	s1 =	sld [smem:$0x3F92];
	s0 =	simm.s32 @p0 $0x1  }
0x13: {  	[smem:$0x3FAD] =	sst s0;
	s0 =	simm.s32 @!p1 $0x0  }
0x14: {  	s2 =	sld [smem:$0x3F91];
	s0 =	simm.s32 @p1 $0x1  }
0x15: {  	[smem:$0x3FAE] =	sst s0;
	s0 =	simm.s32 @!p2 $0x0  }
0x16: {  	s3 =	sld [smem:$0x3FDB];
	s0 =	simm.s32 @p2 $0x1  }
0x17: {  	s4 =	simm.s32 $0x1BF5;
	[smem:$0x3FB0] =	sst s0  }
0x18: {  	s0 =	sld [smem:$0x3F93];
	_ =	swait.ge [sflag:s4], $0x0  }
0x19: {  	s7 =	sld [smem:$0x3F94]  }
0x1a: {  	s8 =	sadd.s32 $0xFFFFE003, lr  }
0x1b: {  	s9 =	sadd.s32 $0xFFFFFEF7, lr;
	s5 =	simm.s32 $0xFFFFFFFF;
	p2 =	slt.u32 s8, $0xFFFFF086  }
0x1c: {  	p1 =	slt.u32 s9, $0xF7A;
	s5 =	simm.s32 @!p2 $0x0  }
0x1d: {  	s5 =	simm.s32 @p1 $0x1;
	p0 =	seq.s32 s7, s2  }
0x1e: {  	s7 =	smul.u32 @!p0 $0xF7A, s2;
	p2 =	seq.s32 @!p0 s5, $0x0  }
0x1f: {  	s9 =	smul.u32 $0xF7A, s1;
	s8 =	simm.s32 @!p0 $0x1BF5;
	p2 =	por !p2, p0  }
0x20: {  	[sflag:s8] =	ssyncset.s32 @!p0 $0xFFFFF086;
	s6 =	sadd.s32 @!p0 s3, s7;
	s7 =	simm.s32 @!p0 $0x108  }
0x21: {  	s3 =	sadd.s32 s3, s9;
	s6 =	sadd.s32 @!p0 $0x88, s6;
	s7 =	simm.s32 @p2 $0x1082  }
0x22: {  	[simem:s7], [sflag:s8] =	dma.local @!p0 [hbm:s6], $0xF7A  }
0x23: {  	s9 =	sor.u32 $0xD0000000, s2;
	s6 =	simm.s32 $0x108;
	_ =	swait.ge @!p0 [sflag:s8], $0x0  }
0x24: {  	s3 =	sadd.s32 $0x88, s3;
	s6 =	simm.s32 @!p1 $0x1082;
	[sflag:s4] =	ssyncset.s32 $0xFFFFF086  }
0x25: {  	[simem:s6], [sflag:s4] =	dma.local [hbm:s3], $0xF7A  }
0x26: {  	[smem:$0x3F94] =	sst s1;
	(tag) =	ssettag s2;
	_ =	strace s9  }
0x27: {  	s1 =	sld [smem:$0x3FA4]  }
0x28: {  	s2 =	sld [smem:$0x3FA5]  }
0x29: {  	s4 =	sld [smem:$0x3FA7]  }
0x2a: {  	p0 =	seq.s32 s5, $0x0;
	s5 =	sld [smem:$0x3FA8]  }
0x2b: {  	s6 =	sld [smem:$0x3FA9]  }
0x2c: {  	s7 =	sld [smem:$0x3FAA]  }
0x2d: {  	s3 =	simm.s32 $0x108;
	s8 =	sld [smem:$0x3FAB]  }
0x2e: {  	s3 =	simm.s32 @!p0 $0x1082;
	s9 =	sld [smem:$0x3FAC]  }
0x2f: {  	lr =	sadd.s32 s0, s3;
	s0 =	sld [smem:$0x3FA3]  }
0x30: {  	s3 =	sld [smem:$0x3FA6]  }
0x31: {  	[smem:$0x3FAF] =	sst s10  }
0x32: {  	s10 =	sld [smem:$0x3FAD];
	_ =	sdelay $0x3  }
0x33: {  	p0 =	seq.s32 s10, $0x1;
	s10 =	sld [smem:$0x3FAF];
	_ =	sdelay $0x3  }
0x34: {  	[smem:$0x3FAF] =	sst s10  }
0x35: {  	s10 =	sld [smem:$0x3FAE];
	_ =	sdelay $0x3  }
0x36: {  	p1 =	seq.s32 s10, $0x1;
	s10 =	sld [smem:$0x3FAF];
	_ =	sdelay $0x3  }
0x37: {  	[smem:$0x3FAF] =	sst s10  }
0x38: {  	s10 =	sld [smem:$0x3FB0]  }
0x39: {  	_ = 	snop;
	(pc) =	sbr.ind lr, $3  }
0x3a: {  	_ = 	snop  }
0x3b: {  	_ = 	snop  }
0x3c: {  	p2 =	seq.s32 s10, $0x1;
	s10 =	sld [smem:$0x3FAF]  }
0x3d: {  	_ =	shalt  }
0x3e: {  	_ =	shalt  }
0x3f: {  	_ =	shalt  }
0x40: {  	_ =	shalt  }
0x41: {  	_ =	shalt  }
0x42: {  	_ =	shalt  }
0x43: {  	_ =	shalt  }
0x44: {  	_ =	shalt  }
0x45: {  	_ =	shalt  }
0x46: {  	_ =	shalt  }
0x47: {  	_ =	shalt  }
0x48: {  	_ =	shalt  }
0x49: {  	_ =	shalt  }
0x4a: {  	_ =	shalt  }
0x4b: {  	_ =	shalt  }
0x4c: {  	_ =	shalt  }
0x4d: {  	_ =	shalt  }
0x4e: {  	_ =	shalt  }
0x4f: {  	_ =	shalt  }
0x50: {  	_ =	shalt  }
0x51: {  	_ =	shalt  }
0x52: {  	_ =	shalt  }
0x53: {  	_ =	shalt  }
0x54: {  	_ =	shalt  }
0x55: {  	_ =	shalt  }
0x56: {  	_ =	shalt  }
0x57: {  	_ =	shalt  }
0x58: {  	_ =	shalt  }
0x59: {  	_ =	shalt  }
0x5a: {  	_ =	shalt  }
0x5b: {  	_ =	shalt  }
0x5c: {  	_ =	shalt  }
0x5d: {  	_ =	shalt  }
0x5e: {  	_ =	shalt  }
0x5f: {  	_ =	shalt  }
0x60: {  	_ =	shalt  }
0x61: {  	_ =	shalt  }
0x62: {  	_ =	shalt  }
0x63: {  	_ =	shalt  }
0x64: {  	_ =	shalt  }
0x65: {  	_ =	shalt  }
0x66: {  	_ =	shalt  }
0x67: {  	_ =	shalt  }
0x68: {  	_ =	shalt  }
0x69: {  	_ =	shalt  }
0x6a: {  	_ =	shalt  }
0x6b: {  	_ =	shalt  }
0x6c: {  	_ =	shalt  }
0x6d: {  	_ =	shalt  }
0x6e: {  	_ =	shalt  }
0x6f: {  	_ =	shalt  }
0x70: {  	_ =	shalt  }
0x71: {  	_ =	shalt  }
0x72: {  	_ =	shalt  }
0x73: {  	_ =	shalt  }
0x74: {  	_ =	shalt  }
0x75: {  	_ =	shalt  }
0x76: {  	_ =	shalt  }
0x77: {  	_ =	shalt  }
0x78: {  	_ =	shalt  }
0x79: {  	_ =	shalt  }
0x7a: {  	_ =	shalt  }
0x7b: {  	_ =	shalt  }
0x7c: {  	_ =	shalt  }
0x7d: {  	_ =	shalt  }
0x7e: {  	_ =	shalt  }
0x7f: {  	_ =	shalt  }
0x80: {  	_ =	shalt  }
0x81: {  	_ =	shalt  }
0x82: {  	_ =	shalt  }
0x83: {  	_ =	shalt  }
0x84: {  	_ =	shalt  }
0x85: {  	_ =	shalt  }
0x86: {  	_ =	shalt  }
0x87: {  	_ =	shalt  }
.Lfunc_end0:
.L_simem_size_0:
called_computation_lowered:
.L_overlay_start_0:
0x88: {  	s2 =	sld [smem:$0x3FD9]  }
0x89: {  	s3 =	sld [smem:$0x3FFE];
	_ =	sdelay $0x1  }
0x8a: {  	s1 =	srdreg.scid  }
0x8b: {  	s0 =	sand.u32 $0x1, s1  }
0x8c: {  	s17 =	sshll.u32 s0, $0xA;
	s2 =	sadd.s32 s3, s2  }
0x8d: {  	s2 =	sadd.s32 s2, s17  }
0x8e: {  	[smem:$0x3FBB] =	sst s2  }
0x8f: {  	_ = 	snop  }
0x90: {  	s18 =	sld [smem:$0x3FD0];
	(tm) =	ssettm $0x1  }
0x91: {  	s19 =	sld [smem:$0x3FFB];
	_ =	sdelay $0x3  }
0x92: {  	_ =	strace s19  }
0x93: {  	s2 =	sld [smem:$0x3FFC];
	_ =	sdelay $0x3  }
0x94: {  	_ =	strace s2  }
0x95: {  	s2 =	sld [smem:$0x3FFD];
	_ =	sdelay $0x3  }
0x96: {  	_ =	strace s2  }
0x97: {  	_ =	strace $0x8FFFFFFF  }
0x98: {  	s20 =	sld [smem:$0x3FDB];
	_ =	sdelay $0x1  }
0x99: {  	s4 =	simm.s32 $_scs_section_size  }
0x9a: {  	s5 =	simm.s32 $_size__tile_overlayer_lowered;
	s6 =	simm.s32 $_tile_overlayer_lowered  }
0x9b: {  	s7 =	simm.s32 $0x1BFF;
	s21 =	sshll.u32 s6, $0x1;
	s4 =	sadd.s32 s4, s20  }
0x9c: {  	s22 =	simm.s32 $0x0;
	s5 =	sshll.u32 s5, $0x1;
	s6 =	sadd.s32 s21, s4  }
0x9d: {  	[timem:s22], [sflag:s7] =	dma.local [hbm:s6], s5  }
0x9e: {  	_ =	swait.ge [sflag:s7], s5  }
0x9f: {  	s5 =	ssub.s32 $0x0, s5;
	[sflag:s7] =	ssyncset.done $0x0  }
0xa0: {  	[sflag:s7] =	ssyncadd.s32 s5;
	_ =	sdelay $0x1  }
0xa1: {  	s23 =	simm.s32 $0x1B8B  }
0xa2: {  	_ =	swait.ge [sflag:s23], $0x1  }
0xa3: {  	[sflag:s23] =	ssyncset.done $0x0  }
0xa4: {  	[sflag:s23] =	ssyncadd.s32 $0xFFFFFFFF  }
0xa5: {  	s5 =	sld [smem:$0x0]  }
0xa6: {  	s6 =	sand.u32 $0xFFFFFFFE, s1  }
0xa7: {  	p0 =	sne.s32 s1, s6  }
0xa8: {  	s6 =	sshll.u32 @p0 s6, $0xE  }
0xa9: {  	s6 =	sadd.s32 @p0 $0x11B8D, s6;
	s7 =	sshll.u32 @p0 s5, $0x11  }
0xaa: {  	s6 =	sor.u32 @p0 s7, s6  }
0xab: {  	[sflag:s6] =	ssyncadd.remote.s32 @p0 $0x1;
	_ =	sdelay $0x1  }
0xac: {  	s6 =	simm.s32 @p0 $0x1B8D  }
0xad: {  	_ =	swait.eq @p0 [sflag:s6], $0x1  }
0xae: {  	[sflag:s6] =	ssyncadd.s32 @p0 $0xFFFFFFFF  }
0xaf: {  	s7 =	sshll.u32 @!p0 s1, $0xE  }
0xb0: {  	s7 =	sor.u32 @!p0 $0x4000, s7;
	s6 =	simm.s32 @!p0 $0x1B8D  }
0xb1: {  	s5 =	sshll.u32 @!p0 s5, $0x11;
	s7 =	sadd.s32 @!p0 $0x11B8D, s7;
	_ =	swait.eq @!p0 [sflag:s6], $0x1  }
0xb2: {  	s5 =	sor.u32 @!p0 s5, s7;
	[sflag:s6] =	ssyncadd.s32 @!p0 $0xFFFFFFFF  }
0xb3: {  	s25 =	simm.s32 $0x1B8E;
	s24 =	sld [smem:$0x3FFE];
	[sflag:s5] =	ssyncadd.remote.s32 @!p0 $0x1  }
0xb4: {  	s26 =	simm.s32 $execute0_lowered;
	[smem:$0x3FD2] =	sst s25  }
0xb5: {  	s6 =	sshll.u32 s26, $0x1;
	_ =	strace $0x80000049;
	[dreg:$0x1] =	wrdreg $0xFFFFFFFF  }
0xb6: {  	s28 =	simm.s32 $_size_execute0_lowered;
	s4 =	sadd.s32 s4, s6;
	[dreg:$0x0] =	wrdreg $0x0  }
0xb7: {  	s6 =	sshll.u32 s28, $0x1;
	[dreg:$0x2] =	wrdreg s4  }
0xb8: {  	[dreg:$0x3] =	wrdreg s6  }
0xb9: {  	[dreg:$0x4] =	wrdreg $0xC0  }
0xba: {  	_ =	task [dreg:s22], $0x5FFFF  }
0xbb: {  	[dreg:$0x1] =	wrdreg $0xFFFFFFFF  }
0xbc: {  	[dreg:$0x0] =	wrdreg $0x60  }
0xbd: {  	[dreg:$0x2] =	wrdreg s24  }
0xbe: {  	[dreg:$0x3] =	wrdreg s18  }
0xbf: {  	[dreg:$0x4] =	wrdreg $0x9  }
0xc0: {  	_ =	task.clear_ibuf [dreg:s22], $0x5FFFF;
	_ =	strace $0x90000049  }
0xc1: {  	s29 =	simm.s32 $0x9;
	_ =	strace $0x8000004B  }
0xc2: {  	_ =	swait.ge [sflag:s29], $0x1  }
0xc3: {  	[sflag:s29] =	ssyncadd.s32 $0xFFFFFFFF  }
0xc4: {  	_ =	strace $0x9000004B  }
0xc5: {  	_ =	sfence  }
0xc6: {  	s30 =	sld [smem:$0x0];
	_ =	sdelay $0x2  }
0xc7: {  	s31 =	sshll.u32 s1, $0xD;
	s1 =	sshrl.u32 s1, $0x2  }
0xc8: {  	s4 =	sand.u32 $0x4000, s31;
	s1 =	sadd.s32 s1, s30  }
0xc9: {  	s0 =	sor.u32 s4, s0;
	s1 =	sshll.u32 s1, $0x11  }
0xca: {  	s0 =	sor.u32 s1, s0  }
0xcb: {  	s0 =	sadd.s32 $0x8F2B, s0  }
0xcc: {  	[sflag:s0] =	ssyncadd.remote.s32 $0x1  }
0xcd: {  	_ =	sfence.sel $0xFFFF  }
0xce: {  	[dreg:$0x0] =	wrdreg $0xFFFFFFFF;
	(pc) =	sbr.abs _section_cstart, $3  }
0xcf: {  	[dreg:$0x1] =	wrdreg $0xFFFFFFFF  }
0xd0: {  	_ =	task.clear_ibuf [dreg:s22], $0x2FFFF;
	_ =	strace $0x9FFFFFFF  }
0xd1: {  	(tm) =	ssettm $0x7FFFFFFF  }
tec
execute0_lowered:
.L_overlay_start_1:
0x0: {  	(tag) =	ssettag $0x1  }
0x1: {  	s0 =	srdreg.scid  }
0x2: {  	s1 =	rddreg [dreg:$0x0];
	s4 =	stileid.u32  }
0x3: {  	s3 =	simm.s32 $0x0;
	s10 =	simm.s32 $0x2;
	s29 =	simm.s32 $0x9C00  }
0x4: {  	s30 =	simm.s32 $0xA400;
	s31 =	simm.s32 $0xA800;
	s11 =	simm.s32 $0xBC00  }
0x5: {  	s9 =	simm.s32 $0xCC00;
	s12 =	simm.s32 $0xD800;
	s13 =	simm.s32 $0xE000  }
0x6: {  	s14 =	simm.s32 $0xE400;
	s15 =	simm.s32 $0xEC00;
	s16 =	simm.s32 $0xF000  }
0x7: {  	s17 =	simm.s32 $0xF800;
	s18 =	simm.s32 $0x1;
	s0 =	sand.u32 $0x1, s0  }
0x8: {  	s19 =	simm.s32 $0xFE00;
	s21 =	simm.s32 $0x0;
	s2 =	sshll.u32 s0, $0x4  }
0x9: {  	[smem:$0x7FF] =	sst s3;
	s0 =	ssub.s32 $0x2, s0;
	s2 =	sor.u32 s4, s2  }
0xa: {  	_ =	strace $0x8000004A;
	s7 =	sshrl.u32 s0, $0x1;
	s5 =	smul.u32 $0x500, s2  }
0xb: {  	s4 =	sadd.s32 $0x78E00, s1;
	s6 =	smul.u32 $0x280, s2;
	s0 =	ssub.s32 s0, s7  }
0xc: {  	s7 =	sadd.s32 $0x78F00, s1;
	s8 =	smul.u32 $0x14000, s2;
	s2 =	simm.s32 $0xD400  }
0xd: {  	v2 =	vlaneseq.u32;
	vm0 =	vmmov $0xffff;
	s0 =	smax.u32 s0, $0x1;
	s5 =	sadd.s32 s5, s1;
	s6 =	sadd.s32 s6, s1  }
0xe: {  	vm1 =	vmmov $0xff;
	v3 =	vimm.s32 $0x0;
	v4 =	vimm.s32 $0x1;
	[dreg:$0x5] =	wrdreg s0;
	s0 =	simm.s32 $0xB000;
	s5 =	sadd.s32 $0x154E00, s5  }
0xf: {  	v5 =	vimm.s32 $0x2;
	v6 =	vimm.s32 $0x3;
	v1 =	vshrl.u32 v2, $0x3;
	s1 =	simm.s32 $0xB400;
	s28 =	sadd.s32 $0x14FE00, s6;
	[dreg:$0x3] =	wrdreg s5  }
0x10: {  	v0 =	vand.u32 $0x7, v2;
	v2 =	vor.u32 $0x8, v2;
	v1 =	vmul.u32 $0x8, v1;
	s6 =	simm.s32 $0xC800;
	[dreg:$0x4] =	wrdreg s28;
	s5 =	simm.s32 $0xC000  }
.LBB2_1:
0x11: {  	[dreg:$0x6] =	wrdreg s21  }
0x12: {  	s20 =	rddreg [dreg:$0x3]  }
0x13: {  	[tilespmem:s3], [sflag:$0x2] =	stream.linear.gather [hbm4b:s20+s3], $0x2800, $0x38;
	[tilespmem:$0x10200] =	vst v63  }
0x14: {  	_ =	swait.ge [sflag:s10], $0x2800  }
0x15: {  	[sflag:s10] =	ssyncset.done $0x0  }
0x16: {  	s28 =	simm.s32 $0x2800;
	s26 =	rddreg [dreg:$0x4];
	[sflag:s10] =	ssyncadd.s32 $0xFFFFD800  }
0x17: {  	[tilespmem:s28], [sflag:$0x2] =	stream.linear.gather [hbm4b:s26+s3], $0x1400, $0x38;
	[tilespmem:$0x10200] =	vst v63  }
0x18: {  	_ =	swait.ge [sflag:s10], $0x1400  }
0x19: {  	[sflag:s10] =	ssyncset.done $0x0  }
0x1a: {  	s20 =	simm.s32 $0x0;
	[sflag:s10] =	ssyncadd.s32 $0xFFFFEC00  }
.LBB2_2:
0x1b: {  	s21 =	sshll.u32 s20, $0x7  }
0x1c: {  	s21 =	sand.u32 $0x3FFFFF80, s21  }
0x1d: {  	v7 =	vld [tilespmem:s21+$0x0];
	_ =	sdelay $0x4  }
0x1e: {  	v8 =	vshrl.u32 v7, $0x3  }
0x1f: {  	v8 =	vmul.u32 $0x18, v8  }
0x20: {  	v7 =	vand.u32 $0x7, v7  }
0x21: {  	v7 =	vor.u32 v7, v8  }
0x22: {  	v8 =	vperm.xlane v7, v0;
	_ =	sdelay $0x1  }
0x23: {  	v8 =	vadd.s32 v1, v8;
	_ =	sdelay $0x1  }
0x24: {  	v7 =	vperm.xlane v7, v2;
	_ =	sdelay $0x1  }
0x25: {  	s22 =	simm.s32 $0x0;
	s23 =	simm.s32 $0x3C00;
	v7 =	vadd.s32 v1, v7  }
0x26: {  	[tilespmem:s23], [sflag:$0x1] =	stream.indirect_vreg.gather [hbm4b:s4+s22], $0x80, v8, vm0, $0xb8;
	[tilespmem:$0x10200] =	vst v63  }
0x27: {  	s25 =	simm.s32 $0x4400  }
0x28: {  	[tilespmem:s25], [sflag:$0x1] =	stream.indirect_vreg.gather [hbm4b:s7+s22], $0x80, v8, vm1, $0xb8;
	[tilespmem:$0x10200] =	vst v63  }
0x29: {  	s26 =	simm.s32 $0x4800  }
0x2a: {  	[tilespmem:s26], [sflag:$0x1] =	stream.indirect_vreg.gather [hbm4b:s4+s22], $0x80, v7, vm0, $0xb8;
	[tilespmem:$0x10200] =	vst v63  }
0x2b: {  	s28 =	simm.s32 $0x5000  }
0x2c: {  	[tilespmem:s28], [sflag:$0x1] =	stream.indirect_vreg.gather [hbm4b:s7+s22], $0x80, v7, vm1, $0xb8;
	[tilespmem:$0x10200] =	vst v63  }
0x2d: {  	v7 =	vld [tilespmem:s21+$0x10];
	_ =	sdelay $0x4  }
0x2e: {  	v8 =	vshrl.u32 v7, $0x3  }
0x2f: {  	v8 =	vmul.u32 $0x18, v8  }
0x30: {  	v7 =	vand.u32 $0x7, v7  }
0x31: {  	v7 =	vor.u32 v7, v8  }
0x32: {  	v8 =	vperm.xlane v7, v0;
	_ =	sdelay $0x1  }
0x33: {  	v8 =	vadd.s32 v1, v8;
	_ =	sdelay $0x1  }
0x34: {  	v7 =	vperm.xlane v7, v2;
	_ =	sdelay $0x1  }
0x35: {  	s24 =	simm.s32 $0x5400;
	v7 =	vadd.s32 v1, v7  }
0x36: {  	[tilespmem:s24], [sflag:$0x1] =	stream.indirect_vreg.gather [hbm4b:s4+s22], $0x80, v8, vm0, $0xb8;
	[tilespmem:$0x10200] =	vst v63  }
0x37: {  	s25 =	simm.s32 $0x5C00  }
0x38: {  	[tilespmem:s25], [sflag:$0x1] =	stream.indirect_vreg.gather [hbm4b:s7+s22], $0x80, v8, vm1, $0xb8;
	[tilespmem:$0x10200] =	vst v63  }
0x39: {  	s26 =	simm.s32 $0x6000  }
0x3a: {  	[tilespmem:s26], [sflag:$0x1] =	stream.indirect_vreg.gather [hbm4b:s4+s22], $0x80, v7, vm0, $0xb8;
	[tilespmem:$0x10200] =	vst v63  }
0x3b: {  	s28 =	simm.s32 $0x6800  }
0x3c: {  	[tilespmem:s28], [sflag:$0x1] =	stream.indirect_vreg.gather [hbm4b:s7+s22], $0x80, v7, vm1, $0xb8;
	[tilespmem:$0x10200] =	vst v63  }
0x3d: {  	v7 =	vld [tilespmem:s21+$0x20];
	_ =	sdelay $0x4  }
0x3e: {  	v8 =	vshrl.u32 v7, $0x3  }
0x3f: {  	v8 =	vmul.u32 $0x18, v8  }
0x40: {  	v7 =	vand.u32 $0x7, v7  }
0x41: {  	v7 =	vor.u32 v7, v8  }
0x42: {  	v8 =	vperm.xlane v7, v0;
	_ =	sdelay $0x1  }
0x43: {  	v8 =	vadd.s32 v1, v8;
	_ =	sdelay $0x1  }
0x44: {  	v7 =	vperm.xlane v7, v2;
	_ =	sdelay $0x1  }
0x45: {  	s24 =	simm.s32 $0x6C00;
	v7 =	vadd.s32 v1, v7  }
0x46: {  	[tilespmem:s24], [sflag:$0x1] =	stream.indirect_vreg.gather [hbm4b:s4+s22], $0x80, v8, vm0, $0xb8;
	[tilespmem:$0x10200] =	vst v63  }
0x47: {  	s25 =	simm.s32 $0x7400  }
0x48: {  	[tilespmem:s25], [sflag:$0x1] =	stream.indirect_vreg.gather [hbm4b:s7+s22], $0x80, v8, vm1, $0xb8;
	[tilespmem:$0x10200] =	vst v63  }
0x49: {  	s26 =	simm.s32 $0x7800  }
0x4a: {  	[tilespmem:s26], [sflag:$0x1] =	stream.indirect_vreg.gather [hbm4b:s4+s22], $0x80, v7, vm0, $0xb8;
	[tilespmem:$0x10200] =	vst v63  }
0x4b: {  	s28 =	simm.s32 $0x8000  }
0x4c: {  	[tilespmem:s28], [sflag:$0x1] =	stream.indirect_vreg.gather [hbm4b:s7+s22], $0x80, v7, vm1, $0xb8;
	[tilespmem:$0x10200] =	vst v63  }
0x4d: {  	v7 =	vld [tilespmem:s21+$0x30];
	_ =	sdelay $0x4  }
0x4e: {  	v8 =	vshrl.u32 v7, $0x3  }
0x4f: {  	v8 =	vmul.u32 $0x18, v8  }
0x50: {  	v7 =	vand.u32 $0x7, v7  }
0x51: {  	v7 =	vor.u32 v7, v8  }
0x52: {  	v8 =	vperm.xlane v7, v0;
	_ =	sdelay $0x1  }
0x53: {  	v8 =	vadd.s32 v1, v8;
	_ =	sdelay $0x1  }
0x54: {  	v7 =	vperm.xlane v7, v2;
	_ =	sdelay $0x1  }
0x55: {  	s24 =	simm.s32 $0x8400;
	v7 =	vadd.s32 v1, v7  }
0x56: {  	[tilespmem:s24], [sflag:$0x1] =	stream.indirect_vreg.gather [hbm4b:s4+s22], $0x80, v8, vm0, $0xb8;
	[tilespmem:$0x10200] =	vst v63  }
0x57: {  	s25 =	simm.s32 $0x8C00  }
0x58: {  	[tilespmem:s25], [sflag:$0x1] =	stream.indirect_vreg.gather [hbm4b:s7+s22], $0x80, v8, vm1, $0xb8;
	[tilespmem:$0x10200] =	vst v63  }
0x59: {  	s26 =	simm.s32 $0x9000  }
0x5a: {  	[tilespmem:s26], [sflag:$0x1] =	stream.indirect_vreg.gather [hbm4b:s4+s22], $0x80, v7, vm0, $0xb8;
	[tilespmem:$0x10200] =	vst v63  }
0x5b: {  	s28 =	simm.s32 $0x9800  }
0x5c: {  	[tilespmem:s28], [sflag:$0x1] =	stream.indirect_vreg.gather [hbm4b:s7+s22], $0x80, v7, vm1, $0xb8;
	[tilespmem:$0x10200] =	vst v63  }
0x5d: {  	v7 =	vld [tilespmem:s21+$0x40];
	_ =	sdelay $0x4  }
0x5e: {  	v8 =	vshrl.u32 v7, $0x3  }
0x5f: {  	v8 =	vmul.u32 $0x18, v8  }
0x60: {  	v7 =	vand.u32 $0x7, v7  }
0x61: {  	v7 =	vor.u32 v7, v8  }
0x62: {  	v8 =	vperm.xlane v7, v0;
	_ =	sdelay $0x1  }
0x63: {  	v8 =	vadd.s32 v1, v8;
	_ =	sdelay $0x1  }
0x64: {  	v7 =	vperm.xlane v7, v2;
	_ =	sdelay $0x1  }
0x65: {  	v7 =	vadd.s32 v1, v7  }
0x66: {  	[tilespmem:s29], [sflag:$0x1] =	stream.indirect_vreg.gather [hbm4b:s4+s22], $0x80, v8, vm0, $0xb8;
	[tilespmem:$0x10200] =	vst v63  }
0x67: {  	_ = 	snop  }
0x68: {  	[tilespmem:s30], [sflag:$0x1] =	stream.indirect_vreg.gather [hbm4b:s7+s22], $0x80, v8, vm1, $0xb8;
	[tilespmem:$0x10200] =	vst v63  }
0x69: {  	_ = 	snop  }
0x6a: {  	[tilespmem:s31], [sflag:$0x1] =	stream.indirect_vreg.gather [hbm4b:s4+s22], $0x80, v7, vm0, $0xb8;
	[tilespmem:$0x10200] =	vst v63  }
0x6b: {  	_ = 	snop  }
0x6c: {  	[tilespmem:s0], [sflag:$0x1] =	stream.indirect_vreg.gather [hbm4b:s7+s22], $0x80, v7, vm1, $0xb8;
	[tilespmem:$0x10200] =	vst v63  }
0x6d: {  	v7 =	vld [tilespmem:s21+$0x50];
	_ =	sdelay $0x4  }
0x6e: {  	v8 =	vshrl.u32 v7, $0x3  }
0x6f: {  	v8 =	vmul.u32 $0x18, v8  }
0x70: {  	v7 =	vand.u32 $0x7, v7  }
0x71: {  	v7 =	vor.u32 v7, v8  }
0x72: {  	v8 =	vperm.xlane v7, v0;
	_ =	sdelay $0x1  }
0x73: {  	v8 =	vadd.s32 v1, v8;
	_ =	sdelay $0x1  }
0x74: {  	v7 =	vperm.xlane v7, v2;
	_ =	sdelay $0x1  }
0x75: {  	v7 =	vadd.s32 v1, v7  }
0x76: {  	[tilespmem:s1], [sflag:$0x1] =	stream.indirect_vreg.gather [hbm4b:s4+s22], $0x80, v8, vm0, $0xb8;
	[tilespmem:$0x10200] =	vst v63  }
0x77: {  	_ = 	snop  }
0x78: {  	[tilespmem:s11], [sflag:$0x1] =	stream.indirect_vreg.gather [hbm4b:s7+s22], $0x80, v8, vm1, $0xb8;
	[tilespmem:$0x10200] =	vst v63  }
0x79: {  	_ = 	snop  }
0x7a: {  	[tilespmem:s5], [sflag:$0x1] =	stream.indirect_vreg.gather [hbm4b:s4+s22], $0x80, v7, vm0, $0xb8;
	[tilespmem:$0x10200] =	vst v63  }
0x7b: {  	_ = 	snop  }
0x7c: {  	[tilespmem:s6], [sflag:$0x1] =	stream.indirect_vreg.gather [hbm4b:s7+s22], $0x80, v7, vm1, $0xb8;
	[tilespmem:$0x10200] =	vst v63  }
0x7d: {  	v7 =	vld [tilespmem:s21+$0x60];
	_ =	sdelay $0x4  }
0x7e: {  	v8 =	vshrl.u32 v7, $0x3  }
0x7f: {  	v8 =	vmul.u32 $0x18, v8  }
0x80: {  	v7 =	vand.u32 $0x7, v7  }
0x81: {  	v7 =	vor.u32 v7, v8  }
0x82: {  	v8 =	vperm.xlane v7, v0;
	_ =	sdelay $0x1  }
0x83: {  	v8 =	vadd.s32 v1, v8;
	_ =	sdelay $0x1  }
0x84: {  	v7 =	vperm.xlane v7, v2;
	_ =	sdelay $0x1  }
0x85: {  	v7 =	vadd.s32 v1, v7  }
0x86: {  	[tilespmem:s9], [sflag:$0x1] =	stream.indirect_vreg.gather [hbm4b:s4+s22], $0x80, v8, vm0, $0xb8;
	[tilespmem:$0x10200] =	vst v63  }
0x87: {  	_ = 	snop  }
0x88: {  	[tilespmem:s2], [sflag:$0x1] =	stream.indirect_vreg.gather [hbm4b:s7+s22], $0x80, v8, vm1, $0xb8;
	[tilespmem:$0x10200] =	vst v63  }
0x89: {  	_ = 	snop  }
0x8a: {  	[tilespmem:s12], [sflag:$0x1] =	stream.indirect_vreg.gather [hbm4b:s4+s22], $0x80, v7, vm0, $0xb8;
	[tilespmem:$0x10200] =	vst v63  }
0x8b: {  	_ = 	snop  }
0x8c: {  	[tilespmem:s13], [sflag:$0x1] =	stream.indirect_vreg.gather [hbm4b:s7+s22], $0x80, v7, vm1, $0xb8;
	[tilespmem:$0x10200] =	vst v63  }
0x8d: {  	v7 =	vld [tilespmem:s21+$0x70];
	_ =	sdelay $0x4  }
0x8e: {  	v8 =	vshrl.u32 v7, $0x3  }
0x8f: {  	v8 =	vmul.u32 $0x18, v8  }
0x90: {  	v7 =	vand.u32 $0x7, v7  }
0x91: {  	v7 =	vor.u32 v7, v8  }
0x92: {  	v8 =	vperm.xlane v7, v0;
	_ =	sdelay $0x1  }
0x93: {  	v8 =	vadd.s32 v1, v8;
	_ =	sdelay $0x1  }
0x94: {  	v7 =	vperm.xlane v7, v2;
	_ =	sdelay $0x1  }
0x95: {  	v7 =	vadd.s32 v1, v7  }
0x96: {  	[tilespmem:s14], [sflag:$0x1] =	stream.indirect_vreg.gather [hbm4b:s4+s22], $0x80, v8, vm0, $0xb8;
	[tilespmem:$0x10200] =	vst v63  }
0x97: {  	_ = 	snop  }
0x98: {  	[tilespmem:s15], [sflag:$0x1] =	stream.indirect_vreg.gather [hbm4b:s7+s22], $0x80, v8, vm1, $0xb8;
	[tilespmem:$0x10200] =	vst v63  }
0x99: {  	s24 =	simm.s32 $0x0  }
0x9a: {  	[tilespmem:s16], [sflag:$0x1] =	stream.indirect_vreg.gather [hbm4b:s4+s22], $0x80, v7, vm0, $0xb8;
	[tilespmem:$0x10200] =	vst v63  }
0x9b: {  	s25 =	smul.u32 $0x3000, s24  }
0x9c: {  	[tilespmem:s17], [sflag:$0x1] =	stream.indirect_vreg.gather [hbm4b:s7+s22], $0x80, v7, vm1, $0xb8;
	[tilespmem:$0x10200] =	vst v63  }
0x9d: {  	_ =	swait.ge [sflag:s18], $0xC000  }
0x9e: {  	s26 =	sshll.u32 s20, $0x6;
	s23 =	sshra.s32 s25, $0x2;
	[sflag:s18] =	ssyncset.done $0x0  }
0x9f: {  	s21 =	sand.u32 $0x3FFFFFC0, s26;
	s22 =	sand.u32 $0x380, s22;
	[sflag:s18] =	ssyncadd.s32 $0xFFFF4000  }
0xa0: {  	s22 =	sor.u32 s22, s23;
	v7 =	vld [tilespmem:s21+$0x2800]  }
0xa1: {  	v8 =	vld [tilespmem:s22+$0x4400];
	_ =	sdelay $0x4  }
0xa2: {  	v8 =	vadd.f32 v8, v7  }
0xa3: {  	s28 =	simm.s32 $0x0  }
0xa4: {  	s24 =	smul.u32 $0x3000, s28;
	v9 =	vmul.f32 $2.000000030e-01, v8  }
0xa5: {  	s23 =	simm.s32 $0x80;
	vm2 =	vgt.f32 v8, $0.0e+00  }
0xa6: {  	s24 =	sshra.s32 s24, $0x2;
	s25 =	sand.u32 $0x380, s23;
	s22 =	simm.s32 $0xFC00;
	v8 =	vsel vm2, v8, v9  }
0xa7: {  	s24 =	sor.u32 s25, s24;
	[tilespmem:s22+$0x0] =	vst v8  }
0xa8: {  	v9 =	vld [tilespmem:s24+$0x4400];
	_ =	sdelay $0x4  }
0xa9: {  	v10 =	vimm.f32 $-3.000000010e+38;
	v9 =	vadd.f32 v9, v7  }
0xaa: {  	s25 =	simm.s32 $0x0;
	v8 =	vmax.f32 v10, v8;
	s24 =	simm.s32 $0x3  }
.LBB2_3:
0xab: {  	p0 =	sne.s32 s24, $0x1F;
	s25 =	smul.u32 $0x3000, s25;
	v10 =	vmul.f32 $2.000000030e-01, v9  }
0xac: {  	vm2 =	vgt.f32 v9, $0.0e+00;
	s23 =	sadd.s32 $0x80, s23  }
0xad: {  	s22 =	sadd.s32 $0x10, s22;
	s26 =	sand.u32 $0x380, s23;
	s25 =	sshra.s32 s25, $0x2;
	v9 =	vsel vm2, v9, v10  }
0xae: {  	s25 =	sor.u32 s26, s25;
	[tilespmem:s22+$0x0] =	vst v9;
	v8 =	vmax.f32 v8, v9  }
0xaf: {  	v9 =	vld [tilespmem:s25+$0x4400];
	_ =	sdelay $0x1  }
.Ltmp0:
0xb0: {  	(pc) =	sbr.rel @p0 .LBB2_3-.Ltmp0, $3  }
0xb1: {  	_ =	sdelay $0x1  }
0xb2: {  	v9 =	vadd.f32 v9, v7  }
0xb3: {  	s25 =	sshrl.u32 s24, $0x3;
	s24 =	sadd.s32 $0x1, s24  }
0xb4: {  	s24 =	smul.u32 $0x3000, s25;
	v10 =	vmul.f32 $2.000000030e-01, v9  }
0xb5: {  	vm2 =	vgt.f32 v9, $0.0e+00;
	s23 =	sadd.s32 $0x80, s23  }
0xb6: {  	s22 =	sadd.s32 $0x10, s22;
	s23 =	sand.u32 $0x380, s23;
	s24 =	sshra.s32 s24, $0x2;
	v9 =	vsel vm2, v9, v10  }
0xb7: {  	s23 =	sor.u32 s23, s24;
	[tilespmem:s22+$0x0] =	vst v9  }
0xb8: {  	v10 =	vld [tilespmem:s23+$0x4400];
	_ =	sdelay $0x4  }
0xb9: {  	v7 =	vadd.f32 v10, v7;
	_ =	sdelay $0x1  }
0xba: {  	v10 =	vmul.f32 $2.000000030e-01, v7  }
0xbb: {  	vm2 =	vgt.f32 v7, $0.0e+00  }
0xbc: {  	v8 =	vmax.f32 v8, v9;
	s22 =	sadd.s32 $0x10, s22;
	v7 =	vsel vm2, v7, v10  }
0xbd: {  	s23 =	simm.s32 $0x40;
	[tilespmem:s22+$0x0] =	vst v7;
	v8 =	vmax.f32 v8, v7;
	v7 =	vimm.f32 $0.0e+00;
	s22 =	simm.s32 $0x0  }
.LBB2_5:
0xbe: {  	p0 =	sne.s32 s23, $0x7C0;
	v9 =	vld [tilespmem:s22+$0xFC00];
	_ =	sdelay $0x4  }
0xbf: {  	v9 =	vsub.f32 v9, v8;
	_ =	sdelay $0x1  }
0xc0: {  	v9 =	vmul.f32 $1.442695020e+00, v9;
	_ =	sdelay $0x1  }
0xc1: {  	(erf) = vpow2.f32 v9;
	_ =	sdelay $0x5  }
.Ltmp1:
0xc2: {  	(pc) =	sbr.rel @p0 .LBB2_5-.Ltmp1, $3  }
0xc3: {  	_ =	sdelay $0x1  }
0xc4: {  	v9 =	vpop (erf)  }
0xc5: {  	[tilespmem:s22+$0xFC00] =	vst v9;
	s22 =	sshra.s32 s23, $0x2;
	s23 =	sadd.s32 $0x40, s23;
	v7 =	vadd.f32 v9, v7  }
0xc6: {  	v9 =	vld [tilespmem:s22+$0xFC00];
	_ =	sdelay $0x4  }
0xc7: {  	v8 =	vsub.f32 v9, v8;
	_ =	sdelay $0x1  }
0xc8: {  	v8 =	vmul.f32 $1.442695020e+00, v8;
	_ =	sdelay $0x1  }
0xc9: {  	(erf) = vpow2.f32 v8;
	_ =	sdelay $0x8  }
0xca: {  	v8 =	vpop (erf)  }
0xcb: {  	v7 =	vadd.f32 v8, v7;
	_ =	sdelay $0x1  }
0xcc: {  	v7 =	vadd.f32 $1.000000020e-16, v7;
	_ =	sdelay $0x1  }
0xcd: {  	(erf) = vrcp.f32 v7;
	_ =	sdelay $0x1  }
0xce: {  	s23 =	simm.s32 $0x0  }
0xcf: {  	s23 =	smul.u32 $0x3000, s23  }
0xd0: {  	s24 =	simm.s32 $0xFC00;
	[tilespmem:s22+$0xFC00] =	vst v8;
	s22 =	simm.s32 $0x0  }
0xd1: {  	s23 =	sshra.s32 s23, $0x2;
	s28 =	sand.u32 $0x380, s22;
	v7 =	vld [tilespmem:s24+$0x0]  }
0xd2: {  	s23 =	sor.u32 s28, s23  }
0xd3: {  	v9 =	vld [tilespmem:s23+$0x4070]  }
0xd4: {  	v10 =	vld [tilespmem:s23+$0x3C00]  }
0xd5: {  	v11 =	vld [tilespmem:s23+$0x3C10];
	v18 =	vpop (erf)  }
0xd6: {  	v13 =	vld [tilespmem:s23+$0x3C20];
	v12 =	vmul.f32 v7, v18  }
0xd7: {  	v14 =	vld [tilespmem:s23+$0x3C30]  }
0xd8: {  	v19 =	vld [tilespmem:s23+$0x3C50];
	v8 =	vperm.xlane v12, v6  }
0xd9: {  	v20 =	vimm.f32 $0.0e+00;
	v16 =	vld [tilespmem:s23+$0x3C40];
	v15 =	vperm.xlane v12, v3;
	v26 =	vperm.xlane v12, v4  }
0xda: {  	v24 =	vimm.f32 $0.0e+00;
	v21 =	vperm.xlane v12, v5;
	v7 =	vmul.f32 v9, v8  }
0xdb: {  	v25 =	vimm.f32 $0.0e+00;
	v10 =	vmul.f32 v10, v15;
	v11 =	vmul.f32 v11, v15  }
0xdc: {  	v23 =	vimm.f32 $0.0e+00;
	v9 =	vld [tilespmem:s23+$0x3C60];
	v13 =	vmul.f32 v13, v15;
	v22 =	vmul.f32 v14, v15  }
0xdd: {  	v29 =	vld [tilespmem:s23+$0x3C70];
	v32 =	vmul.f32 v19, v26;
	v19 =	vimm.f32 $0.0e+00;
	v7 =	vadd.f32 v7, v20  }
0xde: {  	v30 =	vld [tilespmem:s23+$0x4000];
	v17 =	vadd.f32 v10, v20;
	v15 =	vadd.f32 v11, v20;
	v10 =	vmul.f32 v16, v26  }
0xdf: {  	v31 =	vld [tilespmem:s23+$0x4010];
	v14 =	vadd.f32 v13, v20;
	v12 =	vadd.f32 v22, v20;
	v22 =	vimm.f32 $0.0e+00  }
0xe0: {  	v27 =	vld [tilespmem:s23+$0x4020];
	v16 =	vimm.f32 $0.0e+00;
	v11 =	vimm.f32 $0.0e+00;
	v13 =	vadd.f32 v10, v20  }
0xe1: {  	s26 =	simm.s32 $0x0;
	s25 =	simm.s32 $0xFC10;
	v28 =	vld [tilespmem:s23+$0x4030];
	s24 =	simm.s32 $0x2;
	v10 =	vimm.f32 $0.0e+00;
	v33 =	vmul.f32 v9, v26;
	v9 =	vimm.f32 $0.0e+00  }
.LBB2_7:
0xe2: {  	p0 =	sne.s32 s24, $0x1F;
	v34 =	vld [tilespmem:s25+$0x0];
	s26 =	smul.u32 $0x3000, s26;
	v20 =	vadd.f32 v32, v20;
	v26 =	vmul.f32 v29, v26  }
0xe3: {  	s22 =	sadd.s32 $0x80, s22;
	v24 =	vadd.f32 v33, v24;
	v29 =	vmul.f32 v30, v21;
	v30 =	vld [tilespmem:s23+$0x4040]  }
0xe4: {  	s28 =	sand.u32 $0x380, s22;
	s26 =	sshra.s32 s26, $0x2;
	v25 =	vadd.f32 v26, v25;
	v26 =	vmul.f32 v31, v21;
	v31 =	vld [tilespmem:s23+$0x4050]  }
0xe5: {  	v22 =	vadd.f32 v29, v22;
	v27 =	vmul.f32 v27, v21;
	v29 =	vld [tilespmem:s23+$0x4060];
	s23 =	sor.u32 s28, s26  }
0xe6: {  	v32 =	vld [tilespmem:s23+$0x4070];
	v23 =	vadd.f32 v26, v23;
	v21 =	vmul.f32 v28, v21  }
0xe7: {  	v28 =	vmul.f32 v34, v18;
	v33 =	vld [tilespmem:s23+$0x3C00];
	v19 =	vadd.f32 v27, v19  }
0xe8: {  	v27 =	vld [tilespmem:s23+$0x3C10];
	v16 =	vadd.f32 v21, v16;
	v30 =	vmul.f32 v30, v8  }
0xe9: {  	v34 =	vperm.xlane v28, v3;
	v35 =	vld [tilespmem:s23+$0x3C20];
	v36 =	vperm.xlane v28, v6  }
0xea: {  	v26 =	vperm.xlane v28, v4;
	v21 =	vperm.xlane v28, v5;
	v37 =	vld [tilespmem:s23+$0x3C30];
	v11 =	vadd.f32 v30, v11  }
0xeb: {  	v31 =	vmul.f32 v31, v8;
	v28 =	vld [tilespmem:s23+$0x3C40];
	v30 =	vmul.f32 v32, v36  }
0xec: {  	v38 =	vmul.f32 v29, v8;
	v8 =	vmov v36;
	v32 =	vmul.f32 v33, v34;
	v33 =	vld [tilespmem:s23+$0x3C50]  }
0xed: {  	v10 =	vadd.f32 v31, v10;
	v27 =	vmul.f32 v27, v34;
	v36 =	vld [tilespmem:s23+$0x3C60];
	v7 =	vadd.f32 v30, v7  }
.Ltmp2:
0xee: {  	v9 =	vadd.f32 v38, v9;
	v17 =	vadd.f32 v32, v17;
	v31 =	vmul.f32 v35, v34;
	v29 =	vld [tilespmem:s23+$0x3C70];
	(pc) =	sbr.rel @p0 .LBB2_7-.Ltmp2, $4  }
0xef: {  	v15 =	vadd.f32 v27, v15;
	v27 =	vmul.f32 v37, v34;
	v30 =	vld [tilespmem:s23+$0x4000]  }
0xf0: {  	v14 =	vadd.f32 v31, v14;
	v28 =	vmul.f32 v28, v26;
	v31 =	vld [tilespmem:s23+$0x4010]  }
0xf1: {  	v12 =	vadd.f32 v27, v12;
	v32 =	vmul.f32 v33, v26;
	v27 =	vld [tilespmem:s23+$0x4020]  }
0xf2: {  	s25 =	sadd.s32 $0x10, s25;
	s26 =	sshrl.u32 s24, $0x3;
	s24 =	sadd.s32 $0x1, s24;
	v13 =	vadd.f32 v28, v13;
	v33 =	vmul.f32 v36, v26;
	v28 =	vld [tilespmem:s23+$0x4030]  }
0xf3: {  	v34 =	vld [tilespmem:s25+$0x0];
	s24 =	smul.u32 $0x3000, s26  }
0xf4: {  	v35 =	vld [tilespmem:s23+$0x4040];
	s22 =	sadd.s32 $0x80, s22  }
0xf5: {  	v36 =	vld [tilespmem:s23+$0x4050];
	s22 =	sand.u32 $0x380, s22;
	s24 =	sshra.s32 s24, $0x2  }
0xf6: {  	v37 =	vld [tilespmem:s23+$0x4060];
	s22 =	sor.u32 s22, s24  }
0xf7: {  	v38 =	vld [tilespmem:s22+$0x4070]  }
0xf8: {  	v39 =	vld [tilespmem:s22+$0x3C00]  }
0xf9: {  	v40 =	vld [tilespmem:s22+$0x3C10]  }
0xfa: {  	v41 =	vld [tilespmem:s22+$0x3C20]  }
0xfb: {  	v42 =	vld [tilespmem:s22+$0x3C30]  }
0xfc: {  	v43 =	vld [tilespmem:s22+$0x3C40]  }
0xfd: {  	v44 =	vld [tilespmem:s22+$0x3C50]  }
0xfe: {  	v45 =	vld [tilespmem:s22+$0x3C60];
	v18 =	vmul.f32 v34, v18  }
0xff: {  	v26 =	vmul.f32 v29, v26;
	v57 =	vld [tilespmem:s22+$0x3C70]  }
0x100: {  	v30 =	vmul.f32 v30, v21;
	v46 =	vld [tilespmem:s22+$0x4000];
	v58 =	vperm.xlane v18, v3  }
0x101: {  	v20 =	vadd.f32 v32, v20;
	v24 =	vadd.f32 v33, v24;
	v31 =	vmul.f32 v31, v21;
	v47 =	vld [tilespmem:s22+$0x4010]  }
0x102: {  	v25 =	vadd.f32 v26, v25;
	v22 =	vadd.f32 v30, v22;
	v32 =	vld [tilespmem:s22+$0x4020];
	v59 =	vmul.f32 v39, v58  }
0x103: {  	v27 =	vmul.f32 v27, v21;
	v33 =	vld [tilespmem:s22+$0x4030];
	v23 =	vadd.f32 v31, v23;
	v60 =	vmul.f32 v40, v58  }
0x104: {  	v31 =	vld [tilespmem:s22+$0x4040];
	v61 =	vperm.xlane v18, v4;
	v62 =	vmul.f32 v41, v58;
	v17 =	vadd.f32 v59, v17  }
0x105: {  	v63 =	vld [tilespmem:s22+$0x4050];
	v19 =	vadd.f32 v27, v19;
	v29 =	vmul.f32 v42, v58;
	v15 =	vadd.f32 v60, v15  }
0x106: {  	v50 =	vperm.xlane v18, v5;
	v41 =	vld [tilespmem:s22+$0x4060];
	v48 =	vmul.f32 v43, v61;
	v14 =	vadd.f32 v62, v14;
	[tilespmem:$0xFE00] =	vst v17  }
0x107: {  	v53 =	vmul.f32 v35, v8;
	v52 =	vmul.f32 v57, v61;
	v12 =	vadd.f32 v29, v12;
	[tilespmem:$0xFE10] =	vst v15  }
0x108: {  	v55 =	vperm.xlane v18, v6;
	v54 =	vmul.f32 v46, v50;
	v13 =	vadd.f32 v48, v13;
	[tilespmem:$0xFE20] =	vst v14  }
0x109: {  	v11 =	vadd.f32 v53, v11;
	v49 =	vmul.f32 v44, v61;
	v56 =	vadd.f32 v52, v25;
	[tilespmem:$0xFE30] =	vst v12  }
0x10a: {  	v42 =	vmul.f32 v28, v21;
	v51 =	vmul.f32 v45, v61;
	v58 =	vadd.f32 v54, v22;
	[tilespmem:$0xFE40] =	vst v13  }
0x10b: {  	v57 =	vmul.f32 v47, v50;
	v61 =	vmul.f32 v31, v55;
	v15 =	vadd.f32 v49, v20;
	[tilespmem:$0xFE70] =	vst v56  }
0x10c: {  	v60 =	vmul.f32 v36, v8;
	v8 =	vmul.f32 v37, v8;
	v17 =	vadd.f32 v51, v24;
	[tilespmem:$0xFE80] =	vst v58  }
0x10d: {  	v16 =	vadd.f32 v42, v16;
	v59 =	vmul.f32 v32, v50;
	v20 =	vadd.f32 v57, v23;
	[tilespmem:$0xFE50] =	vst v15  }
0x10e: {  	v14 =	vmul.f32 v33, v50;
	v8 =	vadd.f32 v8, v9;
	v9 =	vadd.f32 v61, v11;
	[tilespmem:$0xFE60] =	vst v17  }
0x10f: {  	v63 =	vmul.f32 v63, v55;
	v10 =	vadd.f32 v60, v10;
	v15 =	vadd.f32 v59, v19;
	[tilespmem:$0xFE90] =	vst v20  }
0x110: {  	v13 =	vmul.f32 v38, v55;
	v62 =	vadd.f32 v14, v16;
	[tilespmem:$0xFEC0] =	vst v9  }
0x111: {  	v11 =	vmul.f32 v41, v55;
	v10 =	vadd.f32 v63, v10;
	[tilespmem:$0xFEA0] =	vst v15  }
0x112: {  	s23 =	simm.s32 $0x0;
	v7 =	vadd.f32 v13, v7;
	[tilespmem:$0xFEB0] =	vst v62  }
0x113: {  	s22 =	smul.u32 $0x3000, s23;
	v8 =	vadd.f32 v11, v8;
	[tilespmem:$0xFED0] =	vst v10  }
0x114: {  	s24 =	simm.s32 $0x0;
	[tilespmem:$0xFEF0] =	vst v7  }
0x115: {  	s23 =	sand.u32 $0x380, s24;
	s22 =	sshra.s32 s22, $0x2;
	[tilespmem:$0xFEE0] =	vst v8  }
0x116: {  	s22 =	sor.u32 s23, s22;
	v7 =	vld [tilespmem:s21+$0x2810]  }
0x117: {  	v8 =	vld [tilespmem:s22+$0x7400];
	_ =	sdelay $0x4  }
0x118: {  	v8 =	vadd.f32 v8, v7  }
0x119: {  	s25 =	simm.s32 $0x0  }
0x11a: {  	s26 =	smul.u32 $0x3000, s25;
	v9 =	vmul.f32 $2.000000030e-01, v8  }
0x11b: {  	s23 =	simm.s32 $0x80;
	vm2 =	vgt.f32 v8, $0.0e+00  }
0x11c: {  	s24 =	sshra.s32 s26, $0x2;
	s28 =	sand.u32 $0x380, s23;
	s22 =	simm.s32 $0xFC00;
	v8 =	vsel vm2, v8, v9  }
0x11d: {  	s24 =	sor.u32 s28, s24;
	[tilespmem:s22+$0x0] =	vst v8  }
0x11e: {  	v9 =	vld [tilespmem:s24+$0x7400];
	_ =	sdelay $0x4  }
0x11f: {  	v10 =	vimm.f32 $-3.000000010e+38;
	v9 =	vadd.f32 v9, v7  }
0x120: {  	s25 =	simm.s32 $0x0;
	v8 =	vmax.f32 v10, v8;
	s24 =	simm.s32 $0x3  }
.LBB2_9:
0x121: {  	p0 =	sne.s32 s24, $0x1F;
	s25 =	smul.u32 $0x3000, s25;
	v10 =	vmul.f32 $2.000000030e-01, v9  }
0x122: {  	vm2 =	vgt.f32 v9, $0.0e+00;
	s23 =	sadd.s32 $0x80, s23  }
0x123: {  	s22 =	sadd.s32 $0x10, s22;
	s26 =	sand.u32 $0x380, s23;
	s25 =	sshra.s32 s25, $0x2;
	v9 =	vsel vm2, v9, v10  }
0x124: {  	s25 =	sor.u32 s26, s25;
	[tilespmem:s22+$0x0] =	vst v9;
	v8 =	vmax.f32 v8, v9  }
0x125: {  	v9 =	vld [tilespmem:s25+$0x7400];
	_ =	sdelay $0x1  }
.Ltmp3:
0x126: {  	(pc) =	sbr.rel @p0 .LBB2_9-.Ltmp3, $3  }
0x127: {  	_ =	sdelay $0x1  }
0x128: {  	v9 =	vadd.f32 v9, v7  }
0x129: {  	s25 =	sshrl.u32 s24, $0x3;
	s24 =	sadd.s32 $0x1, s24  }
0x12a: {  	s24 =	smul.u32 $0x3000, s25;
	v10 =	vmul.f32 $2.000000030e-01, v9  }
0x12b: {  	vm2 =	vgt.f32 v9, $0.0e+00;
	s23 =	sadd.s32 $0x80, s23  }
0x12c: {  	s22 =	sadd.s32 $0x10, s22;
	s23 =	sand.u32 $0x380, s23;
	s24 =	sshra.s32 s24, $0x2;
	v9 =	vsel vm2, v9, v10  }
0x12d: {  	s23 =	sor.u32 s23, s24;
	[tilespmem:s22+$0x0] =	vst v9  }
0x12e: {  	v10 =	vld [tilespmem:s23+$0x7400];
	_ =	sdelay $0x4  }
0x12f: {  	v7 =	vadd.f32 v10, v7;
	_ =	sdelay $0x1  }
0x130: {  	v10 =	vmul.f32 $2.000000030e-01, v7  }
0x131: {  	vm2 =	vgt.f32 v7, $0.0e+00  }
0x132: {  	v8 =	vmax.f32 v8, v9;
	s22 =	sadd.s32 $0x10, s22;
	v7 =	vsel vm2, v7, v10  }
0x133: {  	s23 =	simm.s32 $0x40;
	[tilespmem:s22+$0x0] =	vst v7;
	v8 =	vmax.f32 v8, v7;
	v7 =	vimm.f32 $0.0e+00;
	s22 =	simm.s32 $0x0  }
.LBB2_11:
0x134: {  	p0 =	sne.s32 s23, $0x7C0;
	v9 =	vld [tilespmem:s22+$0xFC00];
	_ =	sdelay $0x4  }
0x135: {  	v9 =	vsub.f32 v9, v8;
	_ =	sdelay $0x1  }
0x136: {  	v9 =	vmul.f32 $1.442695020e+00, v9;
	_ =	sdelay $0x1  }
0x137: {  	(erf) = vpow2.f32 v9;
	_ =	sdelay $0x5  }
.Ltmp4:
0x138: {  	(pc) =	sbr.rel @p0 .LBB2_11-.Ltmp4, $3  }
0x139: {  	_ =	sdelay $0x1  }
0x13a: {  	v9 =	vpop (erf)  }
0x13b: {  	[tilespmem:s22+$0xFC00] =	vst v9;
	s22 =	sshra.s32 s23, $0x2;
	s23 =	sadd.s32 $0x40, s23;
	v7 =	vadd.f32 v9, v7  }
0x13c: {  	v9 =	vld [tilespmem:s22+$0xFC00];
	_ =	sdelay $0x4  }
0x13d: {  	v8 =	vsub.f32 v9, v8;
	_ =	sdelay $0x1  }
0x13e: {  	v8 =	vmul.f32 $1.442695020e+00, v8;
	_ =	sdelay $0x1  }
0x13f: {  	(erf) = vpow2.f32 v8;
	_ =	sdelay $0x8  }
0x140: {  	v8 =	vpop (erf)  }
0x141: {  	v7 =	vadd.f32 v8, v7;
	_ =	sdelay $0x1  }
0x142: {  	v7 =	vadd.f32 $1.000000020e-16, v7;
	_ =	sdelay $0x1  }
0x143: {  	(erf) = vrcp.f32 v7;
	_ =	sdelay $0x1  }
0x144: {  	s23 =	simm.s32 $0x0  }
0x145: {  	s23 =	smul.u32 $0x3000, s23  }
0x146: {  	s24 =	simm.s32 $0xFC00;
	[tilespmem:s22+$0xFC00] =	vst v8;
	s22 =	simm.s32 $0x0  }
0x147: {  	s23 =	sshra.s32 s23, $0x2;
	s28 =	sand.u32 $0x380, s22;
	v7 =	vld [tilespmem:s24+$0x0]  }
0x148: {  	s23 =	sor.u32 s28, s23  }
0x149: {  	v9 =	vld [tilespmem:s23+$0x7070]  }
0x14a: {  	v10 =	vld [tilespmem:s23+$0x6C00]  }
0x14b: {  	v11 =	vld [tilespmem:s23+$0x6C10];
	v18 =	vpop (erf)  }
0x14c: {  	v13 =	vld [tilespmem:s23+$0x6C20];
	v12 =	vmul.f32 v7, v18  }
0x14d: {  	v14 =	vld [tilespmem:s23+$0x6C30]  }
0x14e: {  	v19 =	vld [tilespmem:s23+$0x6C50];
	v8 =	vperm.xlane v12, v6  }
0x14f: {  	v20 =	vimm.f32 $0.0e+00;
	v16 =	vld [tilespmem:s23+$0x6C40];
	v15 =	vperm.xlane v12, v3;
	v26 =	vperm.xlane v12, v4  }
0x150: {  	v24 =	vimm.f32 $0.0e+00;
	v21 =	vperm.xlane v12, v5;
	v7 =	vmul.f32 v9, v8  }
0x151: {  	v25 =	vimm.f32 $0.0e+00;
	v10 =	vmul.f32 v10, v15;
	v11 =	vmul.f32 v11, v15  }
0x152: {  	v23 =	vimm.f32 $0.0e+00;
	v9 =	vld [tilespmem:s23+$0x6C60];
	v13 =	vmul.f32 v13, v15;
	v22 =	vmul.f32 v14, v15  }
0x153: {  	v29 =	vld [tilespmem:s23+$0x6C70];
	v32 =	vmul.f32 v19, v26;
	v19 =	vimm.f32 $0.0e+00;
	v7 =	vadd.f32 v7, v20  }
0x154: {  	v30 =	vld [tilespmem:s23+$0x7000];
	v17 =	vadd.f32 v10, v20;
	v15 =	vadd.f32 v11, v20;
	v10 =	vmul.f32 v16, v26  }
0x155: {  	v31 =	vld [tilespmem:s23+$0x7010];
	v14 =	vadd.f32 v13, v20;
	v12 =	vadd.f32 v22, v20;
	v22 =	vimm.f32 $0.0e+00  }
0x156: {  	v27 =	vld [tilespmem:s23+$0x7020];
	v16 =	vimm.f32 $0.0e+00;
	v11 =	vimm.f32 $0.0e+00;
	v13 =	vadd.f32 v10, v20  }
0x157: {  	s26 =	simm.s32 $0x0;
	s25 =	simm.s32 $0xFC10;
	v28 =	vld [tilespmem:s23+$0x7030];
	s24 =	simm.s32 $0x2;
	v10 =	vimm.f32 $0.0e+00;
	v33 =	vmul.f32 v9, v26;
	v9 =	vimm.f32 $0.0e+00  }
.LBB2_13:
0x158: {  	p0 =	sne.s32 s24, $0x1F;
	v34 =	vld [tilespmem:s25+$0x0];
	s26 =	smul.u32 $0x3000, s26;
	v20 =	vadd.f32 v32, v20;
	v26 =	vmul.f32 v29, v26  }
0x159: {  	s22 =	sadd.s32 $0x80, s22;
	v24 =	vadd.f32 v33, v24;
	v29 =	vmul.f32 v30, v21;
	v30 =	vld [tilespmem:s23+$0x7040]  }
0x15a: {  	s28 =	sand.u32 $0x380, s22;
	s26 =	sshra.s32 s26, $0x2;
	v25 =	vadd.f32 v26, v25;
	v26 =	vmul.f32 v31, v21;
	v31 =	vld [tilespmem:s23+$0x7050]  }
0x15b: {  	v22 =	vadd.f32 v29, v22;
	v27 =	vmul.f32 v27, v21;
	v29 =	vld [tilespmem:s23+$0x7060];
	s23 =	sor.u32 s28, s26  }
0x15c: {  	v32 =	vld [tilespmem:s23+$0x7070];
	v23 =	vadd.f32 v26, v23;
	v21 =	vmul.f32 v28, v21  }
0x15d: {  	v28 =	vmul.f32 v34, v18;
	v33 =	vld [tilespmem:s23+$0x6C00];
	v19 =	vadd.f32 v27, v19  }
0x15e: {  	v27 =	vld [tilespmem:s23+$0x6C10];
	v16 =	vadd.f32 v21, v16;
	v30 =	vmul.f32 v30, v8  }
0x15f: {  	v34 =	vperm.xlane v28, v3;
	v35 =	vld [tilespmem:s23+$0x6C20];
	v36 =	vperm.xlane v28, v6  }
0x160: {  	v26 =	vperm.xlane v28, v4;
	v21 =	vperm.xlane v28, v5;
	v37 =	vld [tilespmem:s23+$0x6C30];
	v11 =	vadd.f32 v30, v11  }
0x161: {  	v31 =	vmul.f32 v31, v8;
	v28 =	vld [tilespmem:s23+$0x6C40];
	v30 =	vmul.f32 v32, v36  }
0x162: {  	v38 =	vmul.f32 v29, v8;
	v8 =	vmov v36;
	v32 =	vmul.f32 v33, v34;
	v33 =	vld [tilespmem:s23+$0x6C50]  }
0x163: {  	v10 =	vadd.f32 v31, v10;
	v27 =	vmul.f32 v27, v34;
	v36 =	vld [tilespmem:s23+$0x6C60];
	v7 =	vadd.f32 v30, v7  }
.Ltmp5:
0x164: {  	v9 =	vadd.f32 v38, v9;
	v17 =	vadd.f32 v32, v17;
	v31 =	vmul.f32 v35, v34;
	v29 =	vld [tilespmem:s23+$0x6C70];
	(pc) =	sbr.rel @p0 .LBB2_13-.Ltmp5, $4  }
0x165: {  	v15 =	vadd.f32 v27, v15;
	v27 =	vmul.f32 v37, v34;
	v30 =	vld [tilespmem:s23+$0x7000]  }
0x166: {  	v14 =	vadd.f32 v31, v14;
	v28 =	vmul.f32 v28, v26;
	v31 =	vld [tilespmem:s23+$0x7010]  }
0x167: {  	v12 =	vadd.f32 v27, v12;
	v32 =	vmul.f32 v33, v26;
	v27 =	vld [tilespmem:s23+$0x7020]  }
0x168: {  	s25 =	sadd.s32 $0x10, s25;
	s26 =	sshrl.u32 s24, $0x3;
	s24 =	sadd.s32 $0x1, s24;
	v13 =	vadd.f32 v28, v13;
	v33 =	vmul.f32 v36, v26;
	v28 =	vld [tilespmem:s23+$0x7030]  }
0x169: {  	v34 =	vld [tilespmem:s25+$0x0];
	s24 =	smul.u32 $0x3000, s26  }
0x16a: {  	v35 =	vld [tilespmem:s23+$0x7040];
	s22 =	sadd.s32 $0x80, s22  }
0x16b: {  	v36 =	vld [tilespmem:s23+$0x7050];
	s22 =	sand.u32 $0x380, s22;
	s24 =	sshra.s32 s24, $0x2  }
0x16c: {  	v37 =	vld [tilespmem:s23+$0x7060];
	s22 =	sor.u32 s22, s24  }
0x16d: {  	v38 =	vld [tilespmem:s22+$0x7070]  }
0x16e: {  	v39 =	vld [tilespmem:s22+$0x6C00]  }
0x16f: {  	v40 =	vld [tilespmem:s22+$0x6C10]  }
0x170: {  	v41 =	vld [tilespmem:s22+$0x6C20]  }
0x171: {  	v42 =	vld [tilespmem:s22+$0x6C30]  }
0x172: {  	v43 =	vld [tilespmem:s22+$0x6C40]  }
0x173: {  	v44 =	vld [tilespmem:s22+$0x6C50]  }
0x174: {  	v45 =	vld [tilespmem:s22+$0x6C60];
	v18 =	vmul.f32 v34, v18  }
0x175: {  	v26 =	vmul.f32 v29, v26;
	v57 =	vld [tilespmem:s22+$0x6C70]  }
0x176: {  	v30 =	vmul.f32 v30, v21;
	v46 =	vld [tilespmem:s22+$0x7000];
	v58 =	vperm.xlane v18, v3  }
0x177: {  	v20 =	vadd.f32 v32, v20;
	v24 =	vadd.f32 v33, v24;
	v31 =	vmul.f32 v31, v21;
	v47 =	vld [tilespmem:s22+$0x7010]  }
0x178: {  	v25 =	vadd.f32 v26, v25;
	v22 =	vadd.f32 v30, v22;
	v32 =	vld [tilespmem:s22+$0x7020];
	v59 =	vmul.f32 v39, v58  }
0x179: {  	v27 =	vmul.f32 v27, v21;
	v33 =	vld [tilespmem:s22+$0x7030];
	v23 =	vadd.f32 v31, v23;
	v60 =	vmul.f32 v40, v58  }
0x17a: {  	v31 =	vld [tilespmem:s22+$0x7040];
	v61 =	vperm.xlane v18, v4;
	v62 =	vmul.f32 v41, v58;
	v17 =	vadd.f32 v59, v17  }
0x17b: {  	v63 =	vld [tilespmem:s22+$0x7050];
	v19 =	vadd.f32 v27, v19;
	v29 =	vmul.f32 v42, v58;
	v15 =	vadd.f32 v60, v15  }
0x17c: {  	v50 =	vperm.xlane v18, v5;
	v41 =	vld [tilespmem:s22+$0x7060];
	v48 =	vmul.f32 v43, v61;
	v14 =	vadd.f32 v62, v14;
	[tilespmem:$0xFF00] =	vst v17  }
0x17d: {  	v53 =	vmul.f32 v35, v8;
	v52 =	vmul.f32 v57, v61;
	v12 =	vadd.f32 v29, v12;
	[tilespmem:$0xFF10] =	vst v15  }
0x17e: {  	v55 =	vperm.xlane v18, v6;
	v54 =	vmul.f32 v46, v50;
	v13 =	vadd.f32 v48, v13;
	[tilespmem:$0xFF20] =	vst v14  }
0x17f: {  	v11 =	vadd.f32 v53, v11;
	v49 =	vmul.f32 v44, v61;
	v56 =	vadd.f32 v52, v25;
	[tilespmem:$0xFF30] =	vst v12  }
0x180: {  	v42 =	vmul.f32 v28, v21;
	v51 =	vmul.f32 v45, v61;
	v58 =	vadd.f32 v54, v22;
	[tilespmem:$0xFF40] =	vst v13  }
0x181: {  	v57 =	vmul.f32 v47, v50;
	v61 =	vmul.f32 v31, v55;
	v15 =	vadd.f32 v49, v20;
	[tilespmem:$0xFF70] =	vst v56  }
0x182: {  	v60 =	vmul.f32 v36, v8;
	v8 =	vmul.f32 v37, v8;
	v17 =	vadd.f32 v51, v24;
	[tilespmem:$0xFF80] =	vst v58  }
0x183: {  	v16 =	vadd.f32 v42, v16;
	v59 =	vmul.f32 v32, v50;
	v20 =	vadd.f32 v57, v23;
	[tilespmem:$0xFF50] =	vst v15  }
0x184: {  	v14 =	vmul.f32 v33, v50;
	v8 =	vadd.f32 v8, v9;
	v9 =	vadd.f32 v61, v11;
	[tilespmem:$0xFF60] =	vst v17  }
0x185: {  	v63 =	vmul.f32 v63, v55;
	v10 =	vadd.f32 v60, v10;
	v15 =	vadd.f32 v59, v19;
	[tilespmem:$0xFF90] =	vst v20  }
0x186: {  	v13 =	vmul.f32 v38, v55;
	v62 =	vadd.f32 v14, v16;
	[tilespmem:$0xFFC0] =	vst v9  }
0x187: {  	v11 =	vmul.f32 v41, v55;
	v10 =	vadd.f32 v63, v10;
	[tilespmem:$0xFFA0] =	vst v15  }
0x188: {  	s23 =	simm.s32 $0x0;
	v7 =	vadd.f32 v13, v7;
	[tilespmem:$0xFFB0] =	vst v62  }
0x189: {  	s22 =	smul.u32 $0x3000, s23;
	v8 =	vadd.f32 v11, v8;
	[tilespmem:$0xFFD0] =	vst v10  }
0x18a: {  	s24 =	simm.s32 $0x0;
	[tilespmem:$0xFFF0] =	vst v7  }
0x18b: {  	s23 =	sand.u32 $0x380, s24;
	s22 =	sshra.s32 s22, $0x2;
	[tilespmem:$0xFFE0] =	vst v8  }
0x18c: {  	s22 =	sor.u32 s23, s22;
	v7 =	vld [tilespmem:s21+$0x2820]  }
0x18d: {  	v8 =	vld [tilespmem:s22+$0xA400];
	_ =	sdelay $0x4  }
0x18e: {  	v8 =	vadd.f32 v8, v7  }
0x18f: {  	s25 =	simm.s32 $0x0  }
0x190: {  	s26 =	smul.u32 $0x3000, s25;
	v9 =	vmul.f32 $2.000000030e-01, v8  }
0x191: {  	s23 =	simm.s32 $0x80;
	vm2 =	vgt.f32 v8, $0.0e+00  }
0x192: {  	s24 =	sshra.s32 s26, $0x2;
	s28 =	sand.u32 $0x380, s23;
	s22 =	simm.s32 $0xFC00;
	v8 =	vsel vm2, v8, v9  }
0x193: {  	s24 =	sor.u32 s28, s24;
	[tilespmem:s22+$0x0] =	vst v8  }
0x194: {  	v9 =	vld [tilespmem:s24+$0xA400];
	_ =	sdelay $0x4  }
0x195: {  	v10 =	vimm.f32 $-3.000000010e+38;
	v9 =	vadd.f32 v9, v7  }
0x196: {  	s25 =	simm.s32 $0x0;
	v8 =	vmax.f32 v10, v8;
	s24 =	simm.s32 $0x3  }
.LBB2_15:
0x197: {  	p0 =	sne.s32 s24, $0x1F;
	s25 =	smul.u32 $0x3000, s25;
	v10 =	vmul.f32 $2.000000030e-01, v9  }
0x198: {  	vm2 =	vgt.f32 v9, $0.0e+00;
	s23 =	sadd.s32 $0x80, s23  }
0x199: {  	s22 =	sadd.s32 $0x10, s22;
	s26 =	sand.u32 $0x380, s23;
	s25 =	sshra.s32 s25, $0x2;
	v9 =	vsel vm2, v9, v10  }
0x19a: {  	s25 =	sor.u32 s26, s25;
	[tilespmem:s22+$0x0] =	vst v9;
	v8 =	vmax.f32 v8, v9  }
0x19b: {  	v9 =	vld [tilespmem:s25+$0xA400];
	_ =	sdelay $0x1  }
.Ltmp6:
0x19c: {  	(pc) =	sbr.rel @p0 .LBB2_15-.Ltmp6, $3  }
0x19d: {  	_ =	sdelay $0x1  }
0x19e: {  	v9 =	vadd.f32 v9, v7  }
0x19f: {  	s25 =	sshrl.u32 s24, $0x3;
	s24 =	sadd.s32 $0x1, s24  }
0x1a0: {  	s24 =	smul.u32 $0x3000, s25;
	v10 =	vmul.f32 $2.000000030e-01, v9  }
0x1a1: {  	vm2 =	vgt.f32 v9, $0.0e+00;
	s23 =	sadd.s32 $0x80, s23  }
0x1a2: {  	s22 =	sadd.s32 $0x10, s22;
	s23 =	sand.u32 $0x380, s23;
	s24 =	sshra.s32 s24, $0x2;
	v9 =	vsel vm2, v9, v10  }
0x1a3: {  	s23 =	sor.u32 s23, s24;
	[tilespmem:s22+$0x0] =	vst v9  }
0x1a4: {  	v10 =	vld [tilespmem:s23+$0xA400];
	_ =	sdelay $0x4  }
0x1a5: {  	v7 =	vadd.f32 v10, v7;
	_ =	sdelay $0x1  }
0x1a6: {  	v10 =	vmul.f32 $2.000000030e-01, v7  }
0x1a7: {  	vm2 =	vgt.f32 v7, $0.0e+00  }
0x1a8: {  	v8 =	vmax.f32 v8, v9;
	s22 =	sadd.s32 $0x10, s22;
	v7 =	vsel vm2, v7, v10  }
0x1a9: {  	s23 =	simm.s32 $0x40;
	[tilespmem:s22+$0x0] =	vst v7;
	v8 =	vmax.f32 v8, v7;
	v7 =	vimm.f32 $0.0e+00;
	s22 =	simm.s32 $0x0  }
.LBB2_17:
0x1aa: {  	p0 =	sne.s32 s23, $0x7C0;
	v9 =	vld [tilespmem:s22+$0xFC00];
	_ =	sdelay $0x4  }
0x1ab: {  	v9 =	vsub.f32 v9, v8;
	_ =	sdelay $0x1  }
0x1ac: {  	v9 =	vmul.f32 $1.442695020e+00, v9;
	_ =	sdelay $0x1  }
0x1ad: {  	(erf) = vpow2.f32 v9;
	_ =	sdelay $0x5  }
.Ltmp7:
0x1ae: {  	(pc) =	sbr.rel @p0 .LBB2_17-.Ltmp7, $3  }
0x1af: {  	_ =	sdelay $0x1  }
0x1b0: {  	v9 =	vpop (erf)  }
0x1b1: {  	[tilespmem:s22+$0xFC00] =	vst v9;
	s22 =	sshra.s32 s23, $0x2;
	s23 =	sadd.s32 $0x40, s23;
	v7 =	vadd.f32 v9, v7  }
0x1b2: {  	v9 =	vld [tilespmem:s22+$0xFC00];
	_ =	sdelay $0x4  }
0x1b3: {  	v8 =	vsub.f32 v9, v8;
	_ =	sdelay $0x1  }
0x1b4: {  	v8 =	vmul.f32 $1.442695020e+00, v8;
	_ =	sdelay $0x1  }
0x1b5: {  	(erf) = vpow2.f32 v8;
	_ =	sdelay $0x8  }
0x1b6: {  	v8 =	vpop (erf)  }
0x1b7: {  	v7 =	vadd.f32 v8, v7;
	_ =	sdelay $0x1  }
0x1b8: {  	v7 =	vadd.f32 $1.000000020e-16, v7;
	_ =	sdelay $0x1  }
0x1b9: {  	(erf) = vrcp.f32 v7;
	_ =	sdelay $0x1  }
0x1ba: {  	s23 =	simm.s32 $0x0  }
0x1bb: {  	s23 =	smul.u32 $0x3000, s23  }
0x1bc: {  	s24 =	simm.s32 $0xFC00;
	[tilespmem:s22+$0xFC00] =	vst v8;
	s22 =	simm.s32 $0x0  }
0x1bd: {  	s23 =	sshra.s32 s23, $0x2;
	s28 =	sand.u32 $0x380, s22;
	v7 =	vld [tilespmem:s24+$0x0]  }
0x1be: {  	s23 =	sor.u32 s28, s23  }
0x1bf: {  	v9 =	vld [tilespmem:s23+$0xA070]  }
0x1c0: {  	v10 =	vld [tilespmem:s23+$0x9C00]  }
0x1c1: {  	v11 =	vld [tilespmem:s23+$0x9C10];
	v18 =	vpop (erf)  }
0x1c2: {  	v13 =	vld [tilespmem:s23+$0x9C20];
	v12 =	vmul.f32 v7, v18  }
0x1c3: {  	v14 =	vld [tilespmem:s23+$0x9C30]  }
0x1c4: {  	v19 =	vld [tilespmem:s23+$0x9C50];
	v8 =	vperm.xlane v12, v6  }
0x1c5: {  	v20 =	vimm.f32 $0.0e+00;
	v16 =	vld [tilespmem:s23+$0x9C40];
	v15 =	vperm.xlane v12, v3;
	v26 =	vperm.xlane v12, v4  }
0x1c6: {  	v24 =	vimm.f32 $0.0e+00;
	v21 =	vperm.xlane v12, v5;
	v7 =	vmul.f32 v9, v8  }
0x1c7: {  	v25 =	vimm.f32 $0.0e+00;
	v10 =	vmul.f32 v10, v15;
	v11 =	vmul.f32 v11, v15  }
0x1c8: {  	v23 =	vimm.f32 $0.0e+00;
	v9 =	vld [tilespmem:s23+$0x9C60];
	v13 =	vmul.f32 v13, v15;
	v22 =	vmul.f32 v14, v15  }
0x1c9: {  	v29 =	vld [tilespmem:s23+$0x9C70];
	v32 =	vmul.f32 v19, v26;
	v19 =	vimm.f32 $0.0e+00;
	v7 =	vadd.f32 v7, v20  }
0x1ca: {  	v30 =	vld [tilespmem:s23+$0xA000];
	v17 =	vadd.f32 v10, v20;
	v15 =	vadd.f32 v11, v20;
	v10 =	vmul.f32 v16, v26  }
0x1cb: {  	v31 =	vld [tilespmem:s23+$0xA010];
	v14 =	vadd.f32 v13, v20;
	v12 =	vadd.f32 v22, v20;
	v22 =	vimm.f32 $0.0e+00  }
0x1cc: {  	v27 =	vld [tilespmem:s23+$0xA020];
	v16 =	vimm.f32 $0.0e+00;
	v11 =	vimm.f32 $0.0e+00;
	v13 =	vadd.f32 v10, v20  }
0x1cd: {  	s26 =	simm.s32 $0x0;
	s25 =	simm.s32 $0xFC10;
	v28 =	vld [tilespmem:s23+$0xA030];
	s24 =	simm.s32 $0x2;
	v10 =	vimm.f32 $0.0e+00;
	v33 =	vmul.f32 v9, v26;
	v9 =	vimm.f32 $0.0e+00  }
.LBB2_19:
0x1ce: {  	p0 =	sne.s32 s24, $0x1F;
	v34 =	vld [tilespmem:s25+$0x0];
	s26 =	smul.u32 $0x3000, s26;
	v20 =	vadd.f32 v32, v20;
	v26 =	vmul.f32 v29, v26  }
0x1cf: {  	s22 =	sadd.s32 $0x80, s22;
	v24 =	vadd.f32 v33, v24;
	v29 =	vmul.f32 v30, v21;
	v30 =	vld [tilespmem:s23+$0xA040]  }
0x1d0: {  	s28 =	sand.u32 $0x380, s22;
	s26 =	sshra.s32 s26, $0x2;
	v25 =	vadd.f32 v26, v25;
	v26 =	vmul.f32 v31, v21;
	v31 =	vld [tilespmem:s23+$0xA050]  }
0x1d1: {  	v22 =	vadd.f32 v29, v22;
	v27 =	vmul.f32 v27, v21;
	v29 =	vld [tilespmem:s23+$0xA060];
	s23 =	sor.u32 s28, s26  }
0x1d2: {  	v32 =	vld [tilespmem:s23+$0xA070];
	v23 =	vadd.f32 v26, v23;
	v21 =	vmul.f32 v28, v21  }
0x1d3: {  	v28 =	vmul.f32 v34, v18;
	v33 =	vld [tilespmem:s23+$0x9C00];
	v19 =	vadd.f32 v27, v19  }
0x1d4: {  	v27 =	vld [tilespmem:s23+$0x9C10];
	v16 =	vadd.f32 v21, v16;
	v30 =	vmul.f32 v30, v8  }
0x1d5: {  	v34 =	vperm.xlane v28, v3;
	v35 =	vld [tilespmem:s23+$0x9C20];
	v36 =	vperm.xlane v28, v6  }
0x1d6: {  	v26 =	vperm.xlane v28, v4;
	v21 =	vperm.xlane v28, v5;
	v37 =	vld [tilespmem:s23+$0x9C30];
	v11 =	vadd.f32 v30, v11  }
0x1d7: {  	v31 =	vmul.f32 v31, v8;
	v28 =	vld [tilespmem:s23+$0x9C40];
	v30 =	vmul.f32 v32, v36  }
0x1d8: {  	v38 =	vmul.f32 v29, v8;
	v8 =	vmov v36;
	v32 =	vmul.f32 v33, v34;
	v33 =	vld [tilespmem:s23+$0x9C50]  }
0x1d9: {  	v10 =	vadd.f32 v31, v10;
	v27 =	vmul.f32 v27, v34;
	v36 =	vld [tilespmem:s23+$0x9C60];
	v7 =	vadd.f32 v30, v7  }
.Ltmp8:
0x1da: {  	v9 =	vadd.f32 v38, v9;
	v17 =	vadd.f32 v32, v17;
	v31 =	vmul.f32 v35, v34;
	v29 =	vld [tilespmem:s23+$0x9C70];
	(pc) =	sbr.rel @p0 .LBB2_19-.Ltmp8, $4  }
0x1db: {  	v15 =	vadd.f32 v27, v15;
	v27 =	vmul.f32 v37, v34;
	v30 =	vld [tilespmem:s23+$0xA000]  }
0x1dc: {  	v14 =	vadd.f32 v31, v14;
	v28 =	vmul.f32 v28, v26;
	v31 =	vld [tilespmem:s23+$0xA010]  }
0x1dd: {  	v12 =	vadd.f32 v27, v12;
	v32 =	vmul.f32 v33, v26;
	v27 =	vld [tilespmem:s23+$0xA020]  }
0x1de: {  	s25 =	sadd.s32 $0x10, s25;
	s26 =	sshrl.u32 s24, $0x3;
	s24 =	sadd.s32 $0x1, s24;
	v13 =	vadd.f32 v28, v13;
	v33 =	vmul.f32 v36, v26;
	v28 =	vld [tilespmem:s23+$0xA030]  }
0x1df: {  	v34 =	vld [tilespmem:s25+$0x0];
	s24 =	smul.u32 $0x3000, s26  }
0x1e0: {  	v35 =	vld [tilespmem:s23+$0xA040];
	s22 =	sadd.s32 $0x80, s22  }
0x1e1: {  	v36 =	vld [tilespmem:s23+$0xA050];
	s22 =	sand.u32 $0x380, s22;
	s24 =	sshra.s32 s24, $0x2  }
0x1e2: {  	v37 =	vld [tilespmem:s23+$0xA060];
	s22 =	sor.u32 s22, s24  }
0x1e3: {  	v38 =	vld [tilespmem:s22+$0xA070]  }
0x1e4: {  	v39 =	vld [tilespmem:s22+$0x9C00]  }
0x1e5: {  	v40 =	vld [tilespmem:s22+$0x9C10]  }
0x1e6: {  	v41 =	vld [tilespmem:s22+$0x9C20]  }
0x1e7: {  	v42 =	vld [tilespmem:s22+$0x9C30]  }
0x1e8: {  	v43 =	vld [tilespmem:s22+$0x9C40]  }
0x1e9: {  	v44 =	vld [tilespmem:s22+$0x9C50]  }
0x1ea: {  	v45 =	vld [tilespmem:s22+$0x9C60];
	v18 =	vmul.f32 v34, v18  }
0x1eb: {  	v26 =	vmul.f32 v29, v26;
	v57 =	vld [tilespmem:s22+$0x9C70]  }
0x1ec: {  	v30 =	vmul.f32 v30, v21;
	v46 =	vld [tilespmem:s22+$0xA000];
	v58 =	vperm.xlane v18, v3  }
0x1ed: {  	v20 =	vadd.f32 v32, v20;
	v24 =	vadd.f32 v33, v24;
	v31 =	vmul.f32 v31, v21;
	v47 =	vld [tilespmem:s22+$0xA010]  }
0x1ee: {  	v25 =	vadd.f32 v26, v25;
	v22 =	vadd.f32 v30, v22;
	v32 =	vld [tilespmem:s22+$0xA020];
	v59 =	vmul.f32 v39, v58  }
0x1ef: {  	v27 =	vmul.f32 v27, v21;
	v33 =	vld [tilespmem:s22+$0xA030];
	v23 =	vadd.f32 v31, v23;
	v60 =	vmul.f32 v40, v58  }
0x1f0: {  	v31 =	vld [tilespmem:s22+$0xA040];
	v61 =	vperm.xlane v18, v4;
	v62 =	vmul.f32 v41, v58;
	v17 =	vadd.f32 v59, v17  }
0x1f1: {  	v63 =	vld [tilespmem:s22+$0xA050];
	v19 =	vadd.f32 v27, v19;
	v29 =	vmul.f32 v42, v58;
	v15 =	vadd.f32 v60, v15  }
0x1f2: {  	v50 =	vperm.xlane v18, v5;
	v41 =	vld [tilespmem:s22+$0xA060];
	v48 =	vmul.f32 v43, v61;
	v14 =	vadd.f32 v62, v14;
	[tilespmem:$0x10000] =	vst v17  }
0x1f3: {  	v53 =	vmul.f32 v35, v8;
	v52 =	vmul.f32 v57, v61;
	v12 =	vadd.f32 v29, v12;
	[tilespmem:$0x10010] =	vst v15  }
0x1f4: {  	v55 =	vperm.xlane v18, v6;
	v54 =	vmul.f32 v46, v50;
	v13 =	vadd.f32 v48, v13;
	[tilespmem:$0x10020] =	vst v14  }
0x1f5: {  	v11 =	vadd.f32 v53, v11;
	v49 =	vmul.f32 v44, v61;
	v56 =	vadd.f32 v52, v25;
	[tilespmem:$0x10030] =	vst v12  }
0x1f6: {  	v42 =	vmul.f32 v28, v21;
	v51 =	vmul.f32 v45, v61;
	v58 =	vadd.f32 v54, v22;
	[tilespmem:$0x10040] =	vst v13  }
0x1f7: {  	v57 =	vmul.f32 v47, v50;
	v61 =	vmul.f32 v31, v55;
	v15 =	vadd.f32 v49, v20;
	[tilespmem:$0x10070] =	vst v56  }
0x1f8: {  	v60 =	vmul.f32 v36, v8;
	v8 =	vmul.f32 v37, v8;
	v17 =	vadd.f32 v51, v24;
	[tilespmem:$0x10080] =	vst v58  }
0x1f9: {  	v16 =	vadd.f32 v42, v16;
	v59 =	vmul.f32 v32, v50;
	v20 =	vadd.f32 v57, v23;
	[tilespmem:$0x10050] =	vst v15  }
0x1fa: {  	v14 =	vmul.f32 v33, v50;
	v8 =	vadd.f32 v8, v9;
	v9 =	vadd.f32 v61, v11;
	[tilespmem:$0x10060] =	vst v17  }
0x1fb: {  	v63 =	vmul.f32 v63, v55;
	v10 =	vadd.f32 v60, v10;
	v15 =	vadd.f32 v59, v19;
	[tilespmem:$0x10090] =	vst v20  }
0x1fc: {  	v13 =	vmul.f32 v38, v55;
	v62 =	vadd.f32 v14, v16;
	[tilespmem:$0x100C0] =	vst v9  }
0x1fd: {  	v11 =	vmul.f32 v41, v55;
	v10 =	vadd.f32 v63, v10;
	[tilespmem:$0x100A0] =	vst v15  }
0x1fe: {  	s26 =	simm.s32 $0x0;
	v7 =	vadd.f32 v13, v7;
	[tilespmem:$0x100B0] =	vst v62  }
0x1ff: {  	s22 =	smul.u32 $0x3000, s26;
	v8 =	vadd.f32 v11, v8;
	[tilespmem:$0x100D0] =	vst v10  }
0x200: {  	s28 =	simm.s32 $0x0;
	[tilespmem:$0x100F0] =	vst v7  }
0x201: {  	s23 =	sand.u32 $0x380, s28;
	s22 =	sshra.s32 s22, $0x2;
	[tilespmem:$0x100E0] =	vst v8  }
0x202: {  	s24 =	sor.u32 s23, s22;
	v7 =	vld [tilespmem:s21+$0x2830]  }
0x203: {  	v8 =	vld [tilespmem:s24+$0xD400];
	_ =	sdelay $0x4  }
0x204: {  	v8 =	vadd.f32 v8, v7  }
0x205: {  	s25 =	simm.s32 $0x0  }
0x206: {  	s26 =	smul.u32 $0x3000, s25;
	v9 =	vmul.f32 $2.000000030e-01, v8  }
0x207: {  	s22 =	simm.s32 $0x80;
	vm2 =	vgt.f32 v8, $0.0e+00  }
0x208: {  	s23 =	sshra.s32 s26, $0x2;
	s28 =	sand.u32 $0x380, s22;
	s21 =	simm.s32 $0xFC00;
	v8 =	vsel vm2, v8, v9  }
0x209: {  	s23 =	sor.u32 s28, s23;
	[tilespmem:s21+$0x0] =	vst v8  }
0x20a: {  	v9 =	vld [tilespmem:s23+$0xD400];
	_ =	sdelay $0x4  }
0x20b: {  	v10 =	vimm.f32 $-3.000000010e+38;
	v9 =	vadd.f32 v9, v7  }
0x20c: {  	s24 =	simm.s32 $0x0;
	v8 =	vmax.f32 v10, v8;
	s23 =	simm.s32 $0x3  }
.LBB2_21:
0x20d: {  	p0 =	sne.s32 s23, $0x1F;
	s24 =	smul.u32 $0x3000, s24;
	v10 =	vmul.f32 $2.000000030e-01, v9  }
0x20e: {  	vm2 =	vgt.f32 v9, $0.0e+00;
	s22 =	sadd.s32 $0x80, s22  }
0x20f: {  	s21 =	sadd.s32 $0x10, s21;
	s25 =	sand.u32 $0x380, s22;
	s24 =	sshra.s32 s24, $0x2;
	v9 =	vsel vm2, v9, v10  }
0x210: {  	s24 =	sor.u32 s25, s24;
	[tilespmem:s21+$0x0] =	vst v9;
	v8 =	vmax.f32 v8, v9  }
0x211: {  	v9 =	vld [tilespmem:s24+$0xD400];
	_ =	sdelay $0x1  }
.Ltmp9:
0x212: {  	(pc) =	sbr.rel @p0 .LBB2_21-.Ltmp9, $3  }
0x213: {  	_ =	sdelay $0x1  }
0x214: {  	v9 =	vadd.f32 v9, v7  }
0x215: {  	s24 =	sshrl.u32 s23, $0x3;
	s23 =	sadd.s32 $0x1, s23  }
0x216: {  	s23 =	smul.u32 $0x3000, s24;
	v10 =	vmul.f32 $2.000000030e-01, v9  }
0x217: {  	vm2 =	vgt.f32 v9, $0.0e+00;
	s22 =	sadd.s32 $0x80, s22  }
0x218: {  	s21 =	sadd.s32 $0x10, s21;
	s22 =	sand.u32 $0x380, s22;
	s23 =	sshra.s32 s23, $0x2;
	v9 =	vsel vm2, v9, v10  }
0x219: {  	s22 =	sor.u32 s22, s23;
	[tilespmem:s21+$0x0] =	vst v9  }
0x21a: {  	v10 =	vld [tilespmem:s22+$0xD400];
	_ =	sdelay $0x4  }
0x21b: {  	v7 =	vadd.f32 v10, v7;
	_ =	sdelay $0x1  }
0x21c: {  	v10 =	vmul.f32 $2.000000030e-01, v7  }
0x21d: {  	vm2 =	vgt.f32 v7, $0.0e+00  }
0x21e: {  	v8 =	vmax.f32 v8, v9;
	s21 =	sadd.s32 $0x10, s21;
	v7 =	vsel vm2, v7, v10  }
0x21f: {  	s22 =	simm.s32 $0x40;
	[tilespmem:s21+$0x0] =	vst v7;
	v8 =	vmax.f32 v8, v7;
	v7 =	vimm.f32 $0.0e+00;
	s21 =	simm.s32 $0x0  }
.LBB2_23:
0x220: {  	p0 =	sne.s32 s22, $0x7C0;
	v9 =	vld [tilespmem:s21+$0xFC00];
	_ =	sdelay $0x4  }
0x221: {  	v9 =	vsub.f32 v9, v8;
	_ =	sdelay $0x1  }
0x222: {  	v9 =	vmul.f32 $1.442695020e+00, v9;
	_ =	sdelay $0x1  }
0x223: {  	(erf) = vpow2.f32 v9;
	_ =	sdelay $0x5  }
.Ltmp10:
0x224: {  	(pc) =	sbr.rel @p0 .LBB2_23-.Ltmp10, $3  }
0x225: {  	_ =	sdelay $0x1  }
0x226: {  	v9 =	vpop (erf)  }
0x227: {  	[tilespmem:s21+$0xFC00] =	vst v9;
	s21 =	sshra.s32 s22, $0x2;
	s22 =	sadd.s32 $0x40, s22;
	v7 =	vadd.f32 v9, v7  }
0x228: {  	v9 =	vld [tilespmem:s21+$0xFC00];
	_ =	sdelay $0x4  }
0x229: {  	v8 =	vsub.f32 v9, v8;
	_ =	sdelay $0x1  }
0x22a: {  	v8 =	vmul.f32 $1.442695020e+00, v8;
	_ =	sdelay $0x1  }
0x22b: {  	(erf) = vpow2.f32 v8;
	_ =	sdelay $0x8  }
0x22c: {  	v8 =	vpop (erf)  }
0x22d: {  	v7 =	vadd.f32 v8, v7;
	_ =	sdelay $0x1  }
0x22e: {  	v7 =	vadd.f32 $1.000000020e-16, v7;
	_ =	sdelay $0x1  }
0x22f: {  	(erf) = vrcp.f32 v7;
	_ =	sdelay $0x1  }
0x230: {  	s22 =	simm.s32 $0x0  }
0x231: {  	s22 =	smul.u32 $0x3000, s22  }
0x232: {  	s23 =	simm.s32 $0xFC00;
	[tilespmem:s21+$0xFC00] =	vst v8;
	s21 =	simm.s32 $0x0  }
0x233: {  	s22 =	sshra.s32 s22, $0x2;
	s28 =	sand.u32 $0x380, s21;
	v7 =	vld [tilespmem:s23+$0x0]  }
0x234: {  	s22 =	sor.u32 s28, s22  }
0x235: {  	v9 =	vld [tilespmem:s22+$0xD070]  }
0x236: {  	v10 =	vld [tilespmem:s22+$0xCC00]  }
0x237: {  	v11 =	vld [tilespmem:s22+$0xCC10];
	v18 =	vpop (erf)  }
0x238: {  	v13 =	vld [tilespmem:s22+$0xCC20];
	v12 =	vmul.f32 v7, v18  }
0x239: {  	v14 =	vld [tilespmem:s22+$0xCC30]  }
0x23a: {  	v19 =	vld [tilespmem:s22+$0xCC50];
	v8 =	vperm.xlane v12, v6  }
0x23b: {  	v20 =	vimm.f32 $0.0e+00;
	v16 =	vld [tilespmem:s22+$0xCC40];
	v15 =	vperm.xlane v12, v3;
	v26 =	vperm.xlane v12, v4  }
0x23c: {  	v24 =	vimm.f32 $0.0e+00;
	v21 =	vperm.xlane v12, v5;
	v7 =	vmul.f32 v9, v8  }
0x23d: {  	v25 =	vimm.f32 $0.0e+00;
	v10 =	vmul.f32 v10, v15;
	v11 =	vmul.f32 v11, v15  }
0x23e: {  	v23 =	vimm.f32 $0.0e+00;
	v9 =	vld [tilespmem:s22+$0xCC60];
	v13 =	vmul.f32 v13, v15;
	v22 =	vmul.f32 v14, v15  }
0x23f: {  	v29 =	vld [tilespmem:s22+$0xCC70];
	v32 =	vmul.f32 v19, v26;
	v19 =	vimm.f32 $0.0e+00;
	v7 =	vadd.f32 v7, v20  }
0x240: {  	v30 =	vld [tilespmem:s22+$0xD000];
	v17 =	vadd.f32 v10, v20;
	v15 =	vadd.f32 v11, v20;
	v10 =	vmul.f32 v16, v26  }
0x241: {  	v31 =	vld [tilespmem:s22+$0xD010];
	v14 =	vadd.f32 v13, v20;
	v12 =	vadd.f32 v22, v20;
	v22 =	vimm.f32 $0.0e+00  }
0x242: {  	v27 =	vld [tilespmem:s22+$0xD020];
	v16 =	vimm.f32 $0.0e+00;
	v11 =	vimm.f32 $0.0e+00;
	v13 =	vadd.f32 v10, v20  }
0x243: {  	s25 =	simm.s32 $0x0;
	s24 =	simm.s32 $0xFC10;
	v28 =	vld [tilespmem:s22+$0xD030];
	s23 =	simm.s32 $0x2;
	v10 =	vimm.f32 $0.0e+00;
	v33 =	vmul.f32 v9, v26;
	v9 =	vimm.f32 $0.0e+00  }
.LBB2_25:
0x244: {  	p0 =	sne.s32 s23, $0x1F;
	v34 =	vld [tilespmem:s24+$0x0];
	s25 =	smul.u32 $0x3000, s25;
	v20 =	vadd.f32 v32, v20;
	v26 =	vmul.f32 v29, v26  }
0x245: {  	s21 =	sadd.s32 $0x80, s21;
	v24 =	vadd.f32 v33, v24;
	v29 =	vmul.f32 v30, v21;
	v30 =	vld [tilespmem:s22+$0xD040]  }
0x246: {  	s26 =	sand.u32 $0x380, s21;
	s25 =	sshra.s32 s25, $0x2;
	v25 =	vadd.f32 v26, v25;
	v26 =	vmul.f32 v31, v21;
	v31 =	vld [tilespmem:s22+$0xD050]  }
0x247: {  	v22 =	vadd.f32 v29, v22;
	v27 =	vmul.f32 v27, v21;
	v29 =	vld [tilespmem:s22+$0xD060];
	s22 =	sor.u32 s26, s25  }
0x248: {  	v32 =	vld [tilespmem:s22+$0xD070];
	v23 =	vadd.f32 v26, v23;
	v21 =	vmul.f32 v28, v21  }
0x249: {  	v28 =	vmul.f32 v34, v18;
	v33 =	vld [tilespmem:s22+$0xCC00];
	v19 =	vadd.f32 v27, v19  }
0x24a: {  	v27 =	vld [tilespmem:s22+$0xCC10];
	v16 =	vadd.f32 v21, v16;
	v30 =	vmul.f32 v30, v8  }
0x24b: {  	v34 =	vperm.xlane v28, v3;
	v35 =	vld [tilespmem:s22+$0xCC20];
	v36 =	vperm.xlane v28, v6  }
0x24c: {  	v26 =	vperm.xlane v28, v4;
	v21 =	vperm.xlane v28, v5;
	v37 =	vld [tilespmem:s22+$0xCC30];
	v11 =	vadd.f32 v30, v11  }
0x24d: {  	v31 =	vmul.f32 v31, v8;
	v28 =	vld [tilespmem:s22+$0xCC40];
	v30 =	vmul.f32 v32, v36  }
0x24e: {  	v38 =	vmul.f32 v29, v8;
	v8 =	vmov v36;
	v32 =	vmul.f32 v33, v34;
	v33 =	vld [tilespmem:s22+$0xCC50]  }
0x24f: {  	v10 =	vadd.f32 v31, v10;
	v27 =	vmul.f32 v27, v34;
	v36 =	vld [tilespmem:s22+$0xCC60];
	v7 =	vadd.f32 v30, v7  }
.Ltmp11:
0x250: {  	v9 =	vadd.f32 v38, v9;
	v17 =	vadd.f32 v32, v17;
	v31 =	vmul.f32 v35, v34;
	v29 =	vld [tilespmem:s22+$0xCC70];
	(pc) =	sbr.rel @p0 .LBB2_25-.Ltmp11, $4  }
0x251: {  	v15 =	vadd.f32 v27, v15;
	v27 =	vmul.f32 v37, v34;
	v30 =	vld [tilespmem:s22+$0xD000]  }
0x252: {  	v14 =	vadd.f32 v31, v14;
	v28 =	vmul.f32 v28, v26;
	v31 =	vld [tilespmem:s22+$0xD010]  }
0x253: {  	v12 =	vadd.f32 v27, v12;
	v32 =	vmul.f32 v33, v26;
	v27 =	vld [tilespmem:s22+$0xD020]  }
0x254: {  	s24 =	sadd.s32 $0x10, s24;
	s25 =	sshrl.u32 s23, $0x3;
	s23 =	sadd.s32 $0x1, s23;
	v13 =	vadd.f32 v28, v13;
	v33 =	vmul.f32 v36, v26;
	v28 =	vld [tilespmem:s22+$0xD030]  }
0x255: {  	v34 =	vld [tilespmem:s24+$0x0];
	s23 =	smul.u32 $0x3000, s25  }
0x256: {  	v35 =	vld [tilespmem:s22+$0xD040];
	s21 =	sadd.s32 $0x80, s21  }
0x257: {  	v36 =	vld [tilespmem:s22+$0xD050];
	s21 =	sand.u32 $0x380, s21;
	s23 =	sshra.s32 s23, $0x2  }
0x258: {  	v37 =	vld [tilespmem:s22+$0xD060];
	s21 =	sor.u32 s21, s23  }
0x259: {  	v38 =	vld [tilespmem:s21+$0xD070]  }
0x25a: {  	v39 =	vld [tilespmem:s21+$0xCC00]  }
0x25b: {  	v40 =	vld [tilespmem:s21+$0xCC10]  }
0x25c: {  	v41 =	vld [tilespmem:s21+$0xCC20]  }
0x25d: {  	v42 =	vld [tilespmem:s21+$0xCC30]  }
0x25e: {  	v43 =	vld [tilespmem:s21+$0xCC40]  }
0x25f: {  	v44 =	vld [tilespmem:s21+$0xCC50]  }
0x260: {  	v45 =	vld [tilespmem:s21+$0xCC60];
	v18 =	vmul.f32 v34, v18  }
0x261: {  	v55 =	vld [tilespmem:s21+$0xCC70]  }
0x262: {  	v26 =	vmul.f32 v29, v26;
	v46 =	vld [tilespmem:s21+$0xD000];
	v56 =	vperm.xlane v18, v3  }
0x263: {  	v20 =	vadd.f32 v32, v20;
	v30 =	vmul.f32 v30, v21;
	v24 =	vadd.f32 v33, v24;
	v47 =	vld [tilespmem:s21+$0xD010]  }
0x264: {  	v31 =	vmul.f32 v31, v21;
	v25 =	vadd.f32 v26, v25;
	v57 =	vld [tilespmem:s21+$0xD020];
	v58 =	vmul.f32 v39, v56  }
0x265: {  	v22 =	vadd.f32 v30, v22;
	v27 =	vmul.f32 v27, v21;
	v33 =	vld [tilespmem:s21+$0xD030];
	v59 =	vmul.f32 v40, v56  }
0x266: {  	v60 =	vld [tilespmem:s21+$0xD040];
	v61 =	vperm.xlane v18, v4;
	v62 =	vmul.f32 v41, v56;
	v17 =	vadd.f32 v58, v17  }
0x267: {  	v23 =	vadd.f32 v31, v23;
	v63 =	vld [tilespmem:s21+$0xD050];
	v29 =	vmul.f32 v42, v56;
	v15 =	vadd.f32 v59, v15  }
0x268: {  	v48 =	vperm.xlane v18, v5;
	v41 =	vld [tilespmem:s21+$0xD060];
	v43 =	vmul.f32 v43, v61;
	v14 =	vadd.f32 v62, v14;
	[tilespmem:$0x10100] =	vst v17  }
0x269: {  	v19 =	vadd.f32 v27, v19;
	v50 =	vmul.f32 v55, v61;
	v12 =	vadd.f32 v29, v12;
	[tilespmem:$0x10110] =	vst v15  }
0x26a: {  	v51 =	vmul.f32 v35, v8;
	v52 =	vmul.f32 v46, v48;
	v13 =	vadd.f32 v43, v13;
	[tilespmem:$0x10120] =	vst v14  }
0x26b: {  	v53 =	vperm.xlane v18, v6;
	v44 =	vmul.f32 v44, v61;
	v54 =	vadd.f32 v50, v25;
	[tilespmem:$0x10130] =	vst v12  }
0x26c: {  	v11 =	vadd.f32 v51, v11;
	v49 =	vmul.f32 v45, v61;
	v56 =	vadd.f32 v52, v22;
	[tilespmem:$0x10140] =	vst v13  }
0x26d: {  	v42 =	vmul.f32 v28, v21;
	v55 =	vmul.f32 v47, v48;
	v15 =	vadd.f32 v44, v20;
	[tilespmem:$0x10170] =	vst v54  }
0x26e: {  	v57 =	vmul.f32 v57, v48;
	v59 =	vmul.f32 v60, v53;
	v17 =	vadd.f32 v49, v24;
	[tilespmem:$0x10180] =	vst v56  }
0x26f: {  	v61 =	vmul.f32 v63, v53;
	v58 =	vmul.f32 v36, v8;
	v20 =	vadd.f32 v55, v23;
	[tilespmem:$0x10150] =	vst v15  }
0x270: {  	v16 =	vadd.f32 v42, v16;
	v14 =	vmul.f32 v33, v48;
	v62 =	vadd.f32 v59, v11;
	[tilespmem:$0x10160] =	vst v17  }
0x271: {  	v8 =	vmul.f32 v37, v8;
	v10 =	vadd.f32 v58, v10;
	v15 =	vadd.f32 v57, v19;
	[tilespmem:$0x10190] =	vst v20  }
0x272: {  	v13 =	vmul.f32 v38, v53;
	v60 =	vadd.f32 v14, v16;
	[tilespmem:$0x101C0] =	vst v62  }
0x273: {  	v8 =	vadd.f32 v8, v9;
	v63 =	vmul.f32 v41, v53;
	v10 =	vadd.f32 v61, v10;
	[tilespmem:$0x101A0] =	vst v15  }
0x274: {  	s26 =	sshll.u32 s20, $0xA;
	v7 =	vadd.f32 v13, v7;
	[tilespmem:$0x101B0] =	vst v60  }
0x275: {  	s20 =	sadd.s32 $0x1, s20;
	s21 =	sadd.s32 s8, s26;
	v8 =	vadd.f32 v63, v8;
	[tilespmem:$0x101D0] =	vst v10  }
0x276: {  	s28 =	rddreg [dreg:$0x1];
	p0 =	sne.s32 s20, $0x50;
	s21 =	sshrl.u32 s21, $0x3;
	[tilespmem:$0x101F0] =	vst v7  }
.Ltmp12:
0x277: {  	s21 =	sadd.s32 s28, s21;
	[tilespmem:$0x101E0] =	vst v8;
	(pc) =	sbr.rel @p0 .LBB2_2-.Ltmp12, $4  }
0x278: {  	[hbm4b:s21+s3] =	stream.linear.scatter [tilespmem:s19], [sflag:$0x2], $0x400, $0x38;
	[tilespmem:$0x10200] =	vst v63  }
0x279: {  	_ =	swait.ge [sflag:s10], $0x400  }
0x27a: {  	[sflag:s10] =	ssyncset.done $0x0  }
0x27b: {  	[sflag:s10] =	ssyncadd.s32 $0xFFFFFC00  }
0x27c: {  	s21 =	rddreg [dreg:$0x6]  }
0x27d: {  	s20 =	rddreg [dreg:$0x5];
	s21 =	sadd.s32 $0x1, s21  }
0x27e: {  	p0 =	sne.s32 s21, s20  }
.Ltmp13:
0x27f: {  	_ = 	snop;
	(pc) =	sbr.rel @p0 .LBB2_1-.Ltmp13, $1  }
0x280: {  	_ =	sdelay $0x3  }
0x281: {  	_ =	sfence.sel $0x180000  }
0x282: {  	[bflag:$0x0] =	sbarrier.arrive $0xFFFF  }
0x283: {  	_ =	strace $0x9000004A  }
0x284: {  	s0 =	stileid.u32;
	[bflag:$0x2] =	sbarrier.arrive $0xFFFF  }
0x285: {  	p0 =	sne.s32 s0, $0x0;
	s0 =	rddreg [dreg:$0x2]  }
0x286: {  	s0 =	sadd.s32 @!p0 $0x100000, s0  }
0x287: {  	[sflag:s0] =	ssyncadd.tile.s32 @!p0 $0x1;
	_ =	shalt  }
.Lfunc_end2:
_tile_overlayer_lowered:
.L_overlay_start_2:
0x288: {  	(tag) =	ssettag $0x2  }
0x289: {  	s0 =	rddreg [dreg:$0x0];
	s2 =	stileid.u32  }
0x28a: {  	s1 =	rddreg [dreg:$0x1];
	p0 =	sne.s32 s2, $0x0  }
0x28b: {  	s3 =	rddreg [dreg:$0x2];
	[bflag:$0x3] =	sbarrier.arrive $0xFFFF;
	s2 =	simm.s32 @!p0 $0x1C02  }
0x28c: {  	[timem:s3], [sflag:s2] =	dma.local @!p0 [hbm:s0], s1  }
0x28d: {  	s0 =	simm.s32 @!p0 $0x2  }
0x28e: {  	_ =	swait.ge @!p0 [sflag:s0], s1  }
0x28f: {  	s1 =	ssub.s32 @!p0 $0x0, s1;
	[sflag:s0] =	ssyncset.done @!p0 $0x0  }
0x290: {  	[sflag:s0] =	ssyncadd.s32 @!p0 s1  }
0x291: {  	[bflag:$0x3] =	sbarrier.arrive $0xFFFF  }
0x292: {  	_ =	shalt  }

</sc_bundles>
